<compile_context>
chip_gen: v7x
topology: tpu7x:2x2x1
jax: 0.10.2.dev20260603
libtpu: 0.0.44.dev20260713+nightly
codegen_flags: <defaults>
</compile_context>

<pallas_src>
import functools as _ft

import jax
import jax.numpy as jnp
import numpy as np
from jax import lax
from jax.experimental import pallas as pl
from jax.experimental.pallas import tpu as pltpu
from jax.experimental.pallas import tpu_sc as plsc

N_ATOMS = 50000
N_EDGES = 800000
NWAVE = 8
NANG = 9
NCON = 64
CUTOFF = 4.0
INDEX_L = (0, 1, 1, 1, 2, 2, 2, 2, 2)

NC = 2
NS = 16
LANES = 16
NW = NC * NS

CHUNK = 128
E_PAD = 802816
N_CHUNKS = E_PAD // CHUNK
A_HALF = N_ATOMS // NC
A_ROWS = 25088
TRASH = A_HALF

BA = 2000
BE = 8192
N_ABLK = N_ATOMS // BA
N_EBLK = E_PAD // BE


def _act(x):
    return x * jax.nn.sigmoid(x)


def _layer_norm(x):
    m = jnp.mean(x, axis=-1, keepdims=True)
    v = jnp.var(x, axis=-1, keepdims=True)
    return (x - m) * lax.rsqrt(v + 1e-5)



def _coeff_body(sp_ref, cw0, cb0, cw1, cb1, cwf, cbf, nw0, nb0, nw1, nb1, nwf,
                nbf, lc_ref, emb_ref):
    x = sp_ref[...]

    def mlp(w0, b0, w1, b1, wf, bf):
        h = _act(_layer_norm(x * w0[...] + b0[...]))
        h = h + _act(_layer_norm(
            jnp.dot(h, w1[...], preferred_element_type=jnp.float32) + b1[...]))
        return jnp.dot(h, wf[...], preferred_element_type=jnp.float32) + bf[...]

    lc_ref[...] = mlp(cw0, cb0, cw1, cb1, cwf, cbf)
    nb = mlp(nw0, nb0, nw1, nb1, nwf, nbf)
    emb_ref[...] = jnp.concatenate(
        [nb, jnp.zeros((nb.shape[0], 8), jnp.float32)], axis=1)



def _edge_orbital(dv, emb):
    x = dv[:, 0:1]
    y = dv[:, 1:2]
    z = dv[:, 2:3]
    r2 = x * x + y * y + z * z
    r = jnp.sqrt(r2)
    a = emb[:, 0:NWAVE]
    b = emb[:, NWAVE:2 * NWAVE]
    c0 = emb[:, 2 * NWAVE:3 * NWAVE]
    cut = jnp.square(0.5 * jnp.cos(r * (np.pi / CUTOFF)) + 0.5)
    radial = jnp.exp(-jnp.square(b * (r - c0)))
    rad8 = cut * radial * a
    sph = [
        0.28209479177387814 * jnp.ones_like(x),
        0.4886025119029199 * y,
        0.4886025119029199 * z,
        0.4886025119029199 * x,
        1.0925484305920792 * x * y,
        1.0925484305920792 * y * z,
        0.31539156525252005 * (3.0 * z * z - r2),
        1.0925484305920792 * x * z,
        0.5462742152960396 * (x * x - y * y),
    ]
    return jnp.concatenate([s * rad8 for s in sph], axis=1)


def _edge_orbital_t(dvt, embt):
    x = dvt[0:1, :]
    y = dvt[1:2, :]
    z = dvt[2:3, :]
    r2 = x * x + y * y + z * z
    r = jnp.sqrt(r2)
    a = embt[0:NWAVE, :]
    b = embt[NWAVE:2 * NWAVE, :]
    c0 = embt[2 * NWAVE:3 * NWAVE, :]
    cut = jnp.square(0.5 * jnp.cos(r * (np.pi / CUTOFF)) + 0.5)
    radial = jnp.exp(-jnp.square(b * (r - c0)))
    rad8 = cut * radial * a
    sph = [
        0.28209479177387814 * jnp.ones_like(x),
        0.4886025119029199 * y,
        0.4886025119029199 * z,
        0.4886025119029199 * x,
        1.0925484305920792 * x * y,
        1.0925484305920792 * y * z,
        0.31539156525252005 * (3.0 * z * z - r2),
        1.0925484305920792 * x * z,
        0.5462742152960396 * (x * x - y * y),
    ]
    return jnp.concatenate([s * rad8 for s in sph], axis=0)


def _edge_fwd_body(dvt_ref, embt_ref, orb_ref):
    orbt = _edge_orbital_t(dvt_ref[0:3, :], embt_ref[...])
    orb_ref[...] = jnp.transpose(orbt, (1, 0))


def _edge_bwd_body(dvt_ref, embt_ref, gorbt_ref, sn_ref, sc_ref):
    embt = embt_ref[...]
    _, vjp_fn = jax.vjp(lambda d: _edge_orbital_t(d, embt), dvt_ref[0:3, :])
    (g_dv,) = vjp_fn(gorbt_ref[...])
    pad = jnp.zeros((13, g_dv.shape[1]), jnp.float32)
    sn_ref[...] = jnp.transpose(jnp.concatenate([-g_dv, pad], axis=0), (1, 0))
    sc_ref[...] = jnp.transpose(jnp.concatenate([g_dv, pad], axis=0), (1, 0))



def _atom_body(co_ref, lc_ref, cc_ref, w0, b0, w1, b1, wf, bf,
               out_ref, gco_ref, en_ref):
    lc = lc_ref[...]
    cc = cc_ref[...]

    def f(co72):
        s = jnp.zeros((co72.shape[0], NCON), jnp.float32)
        for k in range(NANG):
            ck = jnp.dot(co72[:, 8 * k:8 * k + 8], cc[8 * k:8 * k + 8, :],
                         preferred_element_type=jnp.float32)
            s = s + ck * ck
        dens = s * lc
        h = _act(_layer_norm(
            jnp.dot(dens, w0[...], preferred_element_type=jnp.float32) + b0[...]))
        h = h + _act(_layer_norm(
            jnp.dot(h, w1[...], preferred_element_type=jnp.float32) + b1[...]))
        outp = jnp.dot(h, wf[...], preferred_element_type=jnp.float32) + bf[...]
        return jnp.sum(outp), outp

    (e_part, outp), vjp_fn = jax.vjp(f, co_ref[...])
    (g_co,) = vjp_fn((jnp.float32(1.0), jnp.zeros_like(outp)))
    out_ref[...] = outp
    gco_ref[...] = g_co

    @pl.when(pl.program_id(0) == 0)
    def _():
        en_ref[...] = jnp.zeros((1, 1), jnp.float32)

    en_ref[...] = en_ref[...] + jnp.reshape(e_part, (1, 1))



@_ft.cache
def _mesh():
    return plsc.VectorSubcoreMesh(core_axis_name="c", subcore_axis_name="s")


_SC_PARAMS = pltpu.CompilerParams(use_tc_tiling_on_sc=False)


def _sc_gather_dv(cart_hbm, coeff_hbm, ci_hbm, ni_hbm, si_hbm,
                  outdv_hbm, oute_hbm,
                  ic_v, in_v, is_v, bc_v, bn_v, be_v, sem0, sem1, sem2):
    wid = lax.axis_index("s") * NC + lax.axis_index("c")

    @pl.loop(wid, N_CHUNKS, step=NW)
    def _(t):
        base = t * CHUNK
        pltpu.sync_copy(ci_hbm.at[pl.ds(base, CHUNK)], ic_v)
        pltpu.sync_copy(ni_hbm.at[pl.ds(base, CHUNK)], in_v)
        pltpu.sync_copy(si_hbm.at[pl.ds(base, CHUNK)], is_v)
        d0 = pltpu.async_copy(cart_hbm.at[ic_v], bc_v, sem0)
        d1 = pltpu.async_copy(cart_hbm.at[in_v], bn_v, sem1)
        d2 = pltpu.async_copy(coeff_hbm.at[is_v], be_v, sem2)
        d0.wait()
        d1.wait()

        @pl.loop(0, CHUNK)
        def _(r):
            a = bn_v[pl.ds(r, 1), pl.ds(0, LANES)]
            b = bc_v[pl.ds(r, 1), pl.ds(0, LANES)]
            bn_v[pl.ds(r, 1), pl.ds(0, LANES)] = a - b

        d2.wait()
        pltpu.sync_copy(bn_v, outdv_hbm.at[pl.ds(base, CHUNK)])
        pltpu.sync_copy(be_v, oute_hbm.at[pl.ds(base, CHUNK)])


def _sc_gather1(tab_hbm, ci_hbm, out_hbm, i_v, b_v, sem0):
    wid = lax.axis_index("s") * NC + lax.axis_index("c")

    @pl.loop(wid, N_CHUNKS, step=NW)
    def _(t):
        base = t * CHUNK
        pltpu.sync_copy(ci_hbm.at[pl.ds(base, CHUNK)], i_v)
        pltpu.async_copy(tab_hbm.at[i_v], b_v, sem0).wait()
        pltpu.sync_copy(b_v, out_hbm.at[pl.ds(base, CHUNK)])


def _zero_vmem(zv, width):
    zrow = jnp.zeros((1, LANES), jnp.float32)

    @pl.loop(0, zv.shape[0])
    def _(r):
        for c in range(width // LANES):
            zv[pl.ds(r, 1), pl.ds(c * LANES, LANES)] = zrow


def _compute_local_idx(idx_v, li_v, core, chunk=CHUNK):
    base = core * A_HALF
    for i in range(chunk // LANES):
        v = idx_v[pl.ds(i * LANES, LANES)]
        li = v - base
        ok = (li >= 0) & (li < A_HALF)
        li_v[pl.ds(i * LANES, LANES)] = jnp.where(ok, li, TRASH)


def _make_sc_scatter(width, n_rows, sch):
    n_chunks = n_rows // sch

    n_j = n_chunks // NS

    def body(st_hbm, si_hbm, out_hbm, acc_sh,
             idx_v0, idx_v1, li_v0, li_v1, buf_v0, buf_v1,
             s_i0, s_i1, s_d0, s_d1, s_w0, s_w1):
        core = lax.axis_index("c")
        sid = lax.axis_index("s")
        _zero_vmem(buf_v0, width)

        @pl.loop(sid, A_ROWS // sch, step=NS)
        def _(c):
            pltpu.sync_copy(buf_v0, acc_sh.at[pl.ds(c * sch, sch)])

        plsc.subcore_barrier()

        def chunk_base(j):
            return (sid + j * NS) * sch

        @pl.loop(0, n_j // 2)
        def _(m):
            j0 = 2 * m
            j1 = 2 * m + 1
            d_i0 = pltpu.async_copy(
                si_hbm.at[pl.ds(chunk_base(j0), sch)], idx_v0, s_i0)
            d_d0 = pltpu.async_copy(
                st_hbm.at[pl.ds(chunk_base(j0), sch)], buf_v0, s_d0)
            d_i1 = pltpu.async_copy(
                si_hbm.at[pl.ds(chunk_base(j1), sch)], idx_v1, s_i1)
            d_d1 = pltpu.async_copy(
                st_hbm.at[pl.ds(chunk_base(j1), sch)], buf_v1, s_d1)
            d_i0.wait()
            d_d0.wait()
            _compute_local_idx(idx_v0, li_v0, core, sch)
            pltpu.sync_copy(buf_v0, acc_sh.at[li_v0], add=True)
            d_i1.wait()
            d_d1.wait()
            _compute_local_idx(idx_v1, li_v1, core, sch)
            pltpu.sync_copy(buf_v1, acc_sh.at[li_v1], add=True)

        plsc.subcore_barrier()

        @pl.loop(sid, 125, step=NS)
        def _(c):
            r0 = c * 200
            pltpu.sync_copy(acc_sh.at[pl.ds(r0, 200)],
                            out_hbm.at[pl.ds(core * A_HALF + r0, 200)])

    def call(stream, sidx):
        f = pl.kernel(
            body,
            out_type=jax.ShapeDtypeStruct((N_ATOMS, width), jnp.float32),
            mesh=_mesh(),
            compiler_params=_SC_PARAMS,
            scratch_types=[pltpu.VMEM_SHARED((A_ROWS, width), jnp.float32),
                           pltpu.VMEM((sch,), jnp.int32),
                           pltpu.VMEM((sch,), jnp.int32),
                           pltpu.VMEM((sch,), jnp.int32),
                           pltpu.VMEM((sch,), jnp.int32),
                           pltpu.VMEM((sch, width), jnp.float32),
                           pltpu.VMEM((sch, width), jnp.float32),
                           pltpu.SemaphoreType.DMA,
                           pltpu.SemaphoreType.DMA,
                           pltpu.SemaphoreType.DMA,
                           pltpu.SemaphoreType.DMA,
                           pltpu.SemaphoreType.DMA,
                           pltpu.SemaphoreType.DMA],
        )
        return f(stream, sidx)

    return call


_scatter_orb_call = _make_sc_scatter(72, E_PAD, 64)
_scatter_force_call = _make_sc_scatter(16, 2 * E_PAD, CHUNK)



def _full(shape):
    return pl.BlockSpec(shape, lambda i: (0,) * len(shape))


def _coeff_call(species, p):
    specs = [pl.BlockSpec((BA, 1), lambda i: (i, 0))]
    args = [species]
    for pre, wfw in (("center", NCON), ("neigh", 3 * NWAVE)):
        for nm, shp in (("W0", (1, 8)), ("b0", (1, 8)), ("W1", (8, 8)),
                        ("b1", (1, 8)), ("Wf", (8, wfw)), ("bf", (1, wfw))):
            a = p[pre + "_" + nm].reshape(shp)
            specs.append(_full(shp))
            args.append(a)
    return pl.pallas_call(
        _coeff_body,
        grid=(N_ABLK,),
        in_specs=specs,
        out_specs=[pl.BlockSpec((BA, NCON), lambda i: (i, 0)),
                   pl.BlockSpec((BA, 32), lambda i: (i, 0))],
        out_shape=[jax.ShapeDtypeStruct((N_ATOMS, NCON), jnp.float32),
                   jax.ShapeDtypeStruct((N_ATOMS, 32), jnp.float32)],
    )(*args)


def _edge_fwd_call(dvt, embt):
    return pl.pallas_call(
        _edge_fwd_body,
        grid=(N_EBLK,),
        in_specs=[pl.BlockSpec((16, BE), lambda i: (0, i)),
                  pl.BlockSpec((32, BE), lambda i: (0, i))],
        out_specs=pl.BlockSpec((BE, 72), lambda i: (i, 0)),
        out_shape=jax.ShapeDtypeStruct((E_PAD, 72), jnp.float32),
    )(dvt, embt)


def _edge_bwd_call(dvt, embt, gorbt):
    return pl.pallas_call(
        _edge_bwd_body,
        grid=(N_EBLK,),
        in_specs=[pl.BlockSpec((16, BE), lambda i: (0, i)),
                  pl.BlockSpec((32, BE), lambda i: (0, i)),
                  pl.BlockSpec((72, BE), lambda i: (0, i))],
        out_specs=[pl.BlockSpec((BE, 16), lambda i: (i, 0)),
                   pl.BlockSpec((BE, 16), lambda i: (i, 0))],
        out_shape=[jax.ShapeDtypeStruct((E_PAD, 16), jnp.float32),
                   jax.ShapeDtypeStruct((E_PAD, 16), jnp.float32)],
    )(dvt, embt, gorbt)


def _atom_call(center_orbital, local_coeff, cc, p):
    args = [center_orbital, local_coeff, cc]
    specs = [pl.BlockSpec((BA, 72), lambda i: (i, 0)),
             pl.BlockSpec((BA, NCON), lambda i: (i, 0)),
             _full((72, NCON))]
    for nm, shp in (("W0", (NCON, 64)), ("b0", (1, 64)), ("W1", (64, 64)),
                    ("b1", (1, 64)), ("Wf", (64, 1)), ("bf", (1, 1))):
        args.append(p["out_" + nm].reshape(shp))
        specs.append(_full(shp))
    return pl.pallas_call(
        _atom_body,
        grid=(N_ABLK,),
        in_specs=specs,
        out_specs=[pl.BlockSpec((BA, 1), lambda i: (i, 0)),
                   pl.BlockSpec((BA, 72), lambda i: (i, 0)),
                   pl.BlockSpec((1, 1), lambda i: (0, 0))],
        out_shape=[jax.ShapeDtypeStruct((N_ATOMS, 1), jnp.float32),
                   jax.ShapeDtypeStruct((N_ATOMS, 72), jnp.float32),
                   jax.ShapeDtypeStruct((1, 1), jnp.float32)],
    )(*args)


def _gather_dv_call(cart_pad, coeff_pad, ci, ni, si):
    f = pl.kernel(
        _sc_gather_dv,
        out_type=[jax.ShapeDtypeStruct((E_PAD, 16), jnp.float32),
                  jax.ShapeDtypeStruct((E_PAD, 32), jnp.float32)],
        mesh=_mesh(),
        compiler_params=_SC_PARAMS,
        scratch_types=[pltpu.VMEM((CHUNK,), jnp.int32),
                       pltpu.VMEM((CHUNK,), jnp.int32),
                       pltpu.VMEM((CHUNK,), jnp.int32),
                       pltpu.VMEM((CHUNK, 16), jnp.float32),
                       pltpu.VMEM((CHUNK, 16), jnp.float32),
                       pltpu.VMEM((CHUNK, 32), jnp.float32),
                       pltpu.SemaphoreType.DMA,
                       pltpu.SemaphoreType.DMA,
                       pltpu.SemaphoreType.DMA],
    )
    return f(cart_pad, coeff_pad, ci, ni, si)


def _gather1_call(table, ci):
    f = pl.kernel(
        _sc_gather1,
        out_type=jax.ShapeDtypeStruct((E_PAD, 72), jnp.float32),
        mesh=_mesh(),
        compiler_params=_SC_PARAMS,
        scratch_types=[pltpu.VMEM((CHUNK,), jnp.int32),
                       pltpu.VMEM((CHUNK, 72), jnp.float32),
                       pltpu.SemaphoreType.DMA],
    )
    return f(table, ci)



def kernel(cart, centerlist, neighlist, local_species, neigh_species, nlocal,
           atom_species, params):
    pad_e = E_PAD - N_EDGES
    cart_pad = jnp.concatenate(
        [cart, jnp.zeros((N_ATOMS, 13), jnp.float32)], axis=1)

    def pad_idx(a, fill):
        return jnp.concatenate(
            [a.astype(jnp.int32), jnp.full((pad_e,), fill, jnp.int32)])

    ci_g = pad_idx(centerlist, 0)
    ni_g = pad_idx(neighlist, 0)
    si_g = pad_idx(local_species, 0)
    ci_s = pad_idx(centerlist, N_ATOMS)
    ni_s = pad_idx(neighlist, N_ATOMS)

    cc = params["contracted_coeff"][0][jnp.array(INDEX_L)].reshape(72, NCON)

    local_coeff, neigh_emb = _coeff_call(atom_species, params)
    dv, emb = _gather_dv_call(cart_pad, neigh_emb, ci_g, ni_g, si_g)
    dvt = jnp.transpose(dv, (1, 0))
    embt = jnp.transpose(emb, (1, 0))
    orb = _edge_fwd_call(dvt, embt)
    center_orbital = _scatter_orb_call(orb, ci_s)
    output, g_co, energy = _atom_call(center_orbital, local_coeff, cc, params)
    g_orb = _gather1_call(g_co, ci_g)
    sn, sc_ = _edge_bwd_call(dvt, embt, jnp.transpose(g_orb, (1, 0)))
    force_stream = jnp.concatenate([sn, sc_], axis=0)
    force_idx = jnp.concatenate([ni_s, ci_s], axis=0)
    neg_grad = _scatter_force_call(force_stream, force_idx)

    force = neg_grad[:, 0:3].reshape(-1)
    return (energy.reshape(()), force, output)

# --- scband reference (transcript-rebuilt; emitter-appended) ---
"""Pipeline reference for scband-mpnn-60198261621121 (READ-ONLY COPY).

The authoritative reference and input builder live on the scoring server;
editing this copy changes nothing except your own understanding.
"""

import jax, jax.numpy as jnp
import numpy as np

N_ATOMS = 50000
N_EDGES = 800000
NWAVE = 8
NANG = 9
NCON = 64
CUTOFF = 4.0
INDEX_L = jnp.array([0, 1, 1, 1, 2, 2, 2, 2, 2])


def _layer_norm(x):
    m = jnp.mean(x, axis=-1, keepdims=True)
    v = jnp.var(x, axis=-1, keepdims=True)
    return (x - m) * jax.lax.rsqrt(v + 1e-5)


def _act(x):
    return x * jax.nn.sigmoid(x)


def _nnmod(x, p, pre):
    h = _act(_layer_norm(x @ p[pre + '_W0'] + p[pre + '_b0']))
    h = h + _act(_layer_norm(h @ p[pre + '_W1'] + p[pre + '_b1']))
    return h @ p[pre + '_Wf'] + p[pre + '_bf']


def _sph(v):
    x, y, z = v[0], v[1], v[2]
    r2 = x * x + y * y + z * z
    return jnp.stack([
        0.28209479177387814 * jnp.ones_like(x),
        0.4886025119029199 * y,
        0.4886025119029199 * z,
        0.4886025119029199 * x,
        1.0925484305920792 * x * y,
        1.0925484305920792 * y * z,
        0.31539156525252005 * (3.0 * z * z - r2),
        1.0925484305920792 * x * z,
        0.5462742152960396 * (x * x - y * y)])


def setup_inputs(seed: int = 0):
    key = jax.random.key(seed)
    ks = [jax.random.fold_in(key, i) for i in range(30)]
    params = {
        'contracted_coeff': jax.random.normal(ks[10], (4, 3, NWAVE, NCON), jnp.float32) * 0.3,
        'neigh_W0': jax.random.normal(ks[11], (1, 8), jnp.float32) * 0.5,
        'neigh_b0': jnp.zeros(8, jnp.float32),
        'neigh_W1': jax.random.normal(ks[12], (8, 8), jnp.float32) * 0.35,
        'neigh_b1': jnp.zeros(8, jnp.float32),
        'neigh_Wf': jax.random.normal(ks[13], (8, 3 * NWAVE), jnp.float32) * 0.35,
        'neigh_bf': jnp.concatenate([jax.random.normal(ks[14], (NWAVE,), jnp.float32),
                                     jnp.ones(NWAVE, jnp.float32),
                                     jax.random.uniform(ks[15], (NWAVE,), jnp.float32) * np.sqrt(CUTOFF)]),
        'center_W0': jax.random.normal(ks[16], (1, 8), jnp.float32) * 0.5,
        'center_b0': jnp.zeros(8, jnp.float32),
        'center_W1': jax.random.normal(ks[17], (8, 8), jnp.float32) * 0.35,
        'center_b1': jnp.zeros(8, jnp.float32),
        'center_Wf': jax.random.normal(ks[18], (8, NCON), jnp.float32) * 0.35,
        'center_bf': jax.random.normal(ks[19], (NCON,), jnp.float32),
        'out_W0': jax.random.normal(ks[20], (NCON, 64), jnp.float32) * 0.125,
        'out_b0': jnp.zeros(64, jnp.float32),
        'out_W1': jax.random.normal(ks[21], (64, 64), jnp.float32) * 0.125,
        'out_b1': jnp.zeros(64, jnp.float32),
        'out_Wf': jax.random.normal(ks[22], (64, 1), jnp.float32) * 0.125,
        'out_bf': jnp.zeros(1, jnp.float32),
    }
    return {
        'cart': jax.random.normal(ks[0], (N_ATOMS, 3), jnp.float32) * 3.0,
        'centerlist': jax.random.randint(ks[1], (N_EDGES,), 0, N_ATOMS),
        'neighlist': jax.random.randint(ks[2], (N_EDGES,), 0, N_ATOMS),
        'local_species': jax.random.randint(ks[3], (N_EDGES,), 0, N_ATOMS),
        'neigh_species': jax.random.randint(ks[4], (N_EDGES,), 0, N_ATOMS),
        'nlocal': jnp.arange(N_ATOMS),
        'atom_species': jax.random.randint(ks[5], (N_ATOMS, 1), 1, 10).astype(jnp.float32),
        'params': params,
    }


def reference(cart, centerlist, neighlist, local_species, neigh_species, nlocal, atom_species, params):
    def energy_fn(c):
        distvec = c[neighlist] - c[centerlist]
        distances = jnp.linalg.norm(distvec, axis=1)
        local_coeff = _nnmod(atom_species, params, 'center')
        neigh_coeff = _nnmod(atom_species, params, 'neigh')
        neigh_emb = neigh_coeff[local_species].T
        cut = jnp.square(0.5 * jnp.cos(distances * (np.pi / CUTOFF)) + 0.5)
        radial = jnp.exp(-jnp.square(neigh_emb[NWAVE:2 * NWAVE] * (distances - neigh_emb[2 * NWAVE:])))
        cc = params['contracted_coeff'][:, INDEX_L]
        sph = _sph(distvec.T)
        orbital = jnp.einsum('i,ji,ji,ki->ikj', cut, radial, neigh_emb[:NWAVE], sph)
        center_orbital = jnp.zeros((nlocal.shape[0], NANG, NWAVE), c.dtype).at[centerlist].add(orbital)
        contracted = jnp.einsum('ikj,kjm->ikm', center_orbital, cc[0])
        density = jnp.einsum('ikm,ikm,im->im', contracted, contracted, local_coeff)
        output = _nnmod(density, params, 'out')
        return jnp.sum(output), output
    (energy, output), force = jax.value_and_grad(energy_fn, has_aux=True)(cart)
    return (energy, -force.reshape(-1), output)

if __name__ == "__main__":
    import jax
    _d = setup_inputs()
    print(jax.jit(kernel)(*tuple(_d.values())))

</pallas_src>

<mosaic_0001>
#map = affine_map<(d0, d1) -> (0, 0)>
#map1 = affine_map<(d0, d1) -> (0)>
module attributes {stable_mosaic.version = 14 : i64} {
  func.func @_sc_gather_dv(%arg0: i32, %arg1: i32, %arg2: memref<50000x16xf32, #tpu.memory_space<hbm>>, %arg3: memref<50000x32xf32, #tpu.memory_space<hbm>>, %arg4: memref<802816xi32, #tpu.memory_space<hbm>>, %arg5: memref<802816xi32, #tpu.memory_space<hbm>>, %arg6: memref<802816xi32, #tpu.memory_space<hbm>>, %arg7: memref<802816x16xf32, #tpu.memory_space<hbm>>, %arg8: memref<802816x32xf32, #tpu.memory_space<hbm>>, %arg9: memref<128xi32, #tpu.memory_space<vmem>>, %arg10: memref<128xi32, #tpu.memory_space<vmem>>, %arg11: memref<128xi32, #tpu.memory_space<vmem>>, %arg12: memref<128x16xf32, #tpu.memory_space<vmem>>, %arg13: memref<128x16xf32, #tpu.memory_space<vmem>>, %arg14: memref<128x32xf32, #tpu.memory_space<vmem>>, %arg15: memref<!tpu.dma_semaphore, #tpu.memory_space<semaphore_mem>>, %arg16: memref<!tpu.dma_semaphore, #tpu.memory_space<semaphore_mem>>, %arg17: memref<!tpu.dma_semaphore, #tpu.memory_space<semaphore_mem>>) attributes {dimension_semantics = [#tpu.dimension_semantics<core_parallel>, #tpu.dimension_semantics<subcore_parallel>], iteration_bounds = array<i64: 2, 16>, scalar_prefetch = 0 : i64, scratch_operands = 9 : i64, tpu.core_type = #tpu.core_type<sc_vector_subcore>, window_params = [{transform_indices = #map}, {transform_indices = #map}, {transform_indices = #map1}, {transform_indices = #map1}, {transform_indices = #map1}, {transform_indices = #map}, {transform_indices = #map}]} {
    %mul3A = arith.constant 2 : i32
    %mul3A_0 = arith.muli %arg1, %mul3A : i32
    %add3A = arith.addi %mul3A_0, %arg0 : i32
    %sub3A = arith.constant 6272 : i32
    %sub3A_1 = arith.subi %sub3A, %add3A : i32
    %sub3A_2 = arith.constant 32 : i32
    %sub3A_3 = arith.constant 1 : i32
    %sub3A_4 = arith.subi %sub3A_2, %sub3A_3 : i32
    %add3A_5 = arith.addi %sub3A_1, %sub3A_4 : i32
    %div3A = arith.constant 32 : i32
    %div3A_6 = arith.divsi %add3A_5, %div3A : i32
    %while3A = arith.constant 32 : i32
    %while3A_7 = arith.constant 0 : i32
    %while3A_8 = arith.subi %div3A_6, %while3A_7 : i32
    %while3A_9 = arith.addi %while3A_7, %while3A_8 : i32
    %while3A_10 = arith.constant 1 : i32
    %while3A_11 = arith.divsi %while3A_8, %while3A_10 : i32
    %while3A_12 = arith.muli %while3A_11, %while3A_10 : i32
    %while3A_13 = arith.addi %while3A_7, %while3A_12 : i32
    %while3A_14 = arith.constant 1 : i32
    scf.for %while3A_16 = %while3A_7 to %while3A_13 step %while3A_14  : i32 {
      %mul3A_17 = arith.muli %while3A_16, %while3A : i32
      %add3A_18 = arith.addi %add3A, %mul3A_17 : i32
      %mul3A_19 = arith.constant 128 : i32
      %mul3A_20 = arith.muli %add3A_18, %mul3A_19 : i32
      "tpu.region"() ({
        %run_scoped3A = tpu.sem_alloc : memref<!tpu.dma_semaphore, #tpu.memory_space<semaphore_mem>>
        %dma_start3A_41 = tpu.memref_slice %arg4[%mul3A_20] : memref<802816xi32, #tpu.memory_space<hbm>> -> memref<128xi32, #tpu.memory_space<hbm>>
        %dma_start3A_42 = tpu.memref_slice %arg4[%mul3A_20] : memref<802816xi32, #tpu.memory_space<hbm>> -> memref<128xi32, #tpu.memory_space<hbm>>
        tpu.enqueue_dma source(%dma_start3A_42 : memref<128xi32, #tpu.memory_space<hbm>>) target(%arg9 : memref<128xi32, #tpu.memory_space<vmem>>) target_semaphore(%run_scoped3A : memref<!tpu.dma_semaphore, #tpu.memory_space<semaphore_mem>>)
        %dma_wait3A_43 = tpu.memref_slice %arg4[%mul3A_20] : memref<802816xi32, #tpu.memory_space<hbm>> -> memref<128xi32, #tpu.memory_space<hbm>>
        %dma_wait3A_44 = tpu.memref_slice %arg4[%mul3A_20] : memref<802816xi32, #tpu.memory_space<hbm>> -> memref<128xi32, #tpu.memory_space<hbm>>
        tpu.wait_dma2 semaphore(%run_scoped3A : memref<!tpu.dma_semaphore, #tpu.memory_space<semaphore_mem>>) src(%dma_wait3A_44 : memref<128xi32, #tpu.memory_space<hbm>>) dst(%arg9 : memref<128xi32, #tpu.memory_space<vmem>>)
        tpu.yield
      }) : () -> ()
      "tpu.region"() ({
        %run_scoped3A = tpu.sem_alloc : memref<!tpu.dma_semaphore, #tpu.memory_space<semaphore_mem>>
        %dma_start3A_41 = tpu.memref_slice %arg5[%mul3A_20] : memref<802816xi32, #tpu.memory_space<hbm>> -> memref<128xi32, #tpu.memory_space<hbm>>
        %dma_start3A_42 = tpu.memref_slice %arg5[%mul3A_20] : memref<802816xi32, #tpu.memory_space<hbm>> -> memref<128xi32, #tpu.memory_space<hbm>>
        tpu.enqueue_dma source(%dma_start3A_42 : memref<128xi32, #tpu.memory_space<hbm>>) target(%arg10 : memref<128xi32, #tpu.memory_space<vmem>>) target_semaphore(%run_scoped3A : memref<!tpu.dma_semaphore, #tpu.memory_space<semaphore_mem>>)
        %dma_wait3A_43 = tpu.memref_slice %arg5[%mul3A_20] : memref<802816xi32, #tpu.memory_space<hbm>> -> memref<128xi32, #tpu.memory_space<hbm>>
        %dma_wait3A_44 = tpu.memref_slice %arg5[%mul3A_20] : memref<802816xi32, #tpu.memory_space<hbm>> -> memref<128xi32, #tpu.memory_space<hbm>>
        tpu.wait_dma2 semaphore(%run_scoped3A : memref<!tpu.dma_semaphore, #tpu.memory_space<semaphore_mem>>) src(%dma_wait3A_44 : memref<128xi32, #tpu.memory_space<hbm>>) dst(%arg10 : memref<128xi32, #tpu.memory_space<vmem>>)
        tpu.yield
      }) : () -> ()
      "tpu.region"() ({
        %run_scoped3A = tpu.sem_alloc : memref<!tpu.dma_semaphore, #tpu.memory_space<semaphore_mem>>
        %dma_start3A_41 = tpu.memref_slice %arg6[%mul3A_20] : memref<802816xi32, #tpu.memory_space<hbm>> -> memref<128xi32, #tpu.memory_space<hbm>>
        %dma_start3A_42 = tpu.memref_slice %arg6[%mul3A_20] : memref<802816xi32, #tpu.memory_space<hbm>> -> memref<128xi32, #tpu.memory_space<hbm>>
        tpu.enqueue_dma source(%dma_start3A_42 : memref<128xi32, #tpu.memory_space<hbm>>) target(%arg11 : memref<128xi32, #tpu.memory_space<vmem>>) target_semaphore(%run_scoped3A : memref<!tpu.dma_semaphore, #tpu.memory_space<semaphore_mem>>)
        %dma_wait3A_43 = tpu.memref_slice %arg6[%mul3A_20] : memref<802816xi32, #tpu.memory_space<hbm>> -> memref<128xi32, #tpu.memory_space<hbm>>
        %dma_wait3A_44 = tpu.memref_slice %arg6[%mul3A_20] : memref<802816xi32, #tpu.memory_space<hbm>> -> memref<128xi32, #tpu.memory_space<hbm>>
        tpu.wait_dma2 semaphore(%run_scoped3A : memref<!tpu.dma_semaphore, #tpu.memory_space<semaphore_mem>>) src(%dma_wait3A_44 : memref<128xi32, #tpu.memory_space<hbm>>) dst(%arg11 : memref<128xi32, #tpu.memory_space<vmem>>)
        tpu.yield
      }) : () -> ()
      %dma_start3A = arith.constant 0 : i32
      %dma_start3A_21 = arith.constant 0 : i32
      %dma_start3A_22 = tpu.memref_slice %arg2[%dma_start3A, %dma_start3A_21] : memref<50000x16xf32, #tpu.memory_space<hbm>> -> memref<50000x16xf32, #tpu.memory_space<hbm>>
      tpu.enqueue_indirect_dma source(%dma_start3A_22 : memref<50000x16xf32, #tpu.memory_space<hbm>>) target(%arg12 : memref<128x16xf32, #tpu.memory_space<vmem>>) offsets(%arg9 : memref<128xi32, #tpu.memory_space<vmem>>) semaphore(%arg15 : memref<!tpu.dma_semaphore, #tpu.memory_space<semaphore_mem>>)
      %dma_start3A_23 = arith.constant 0 : i32
      %dma_start3A_24 = arith.constant 0 : i32
      %dma_start3A_25 = tpu.memref_slice %arg2[%dma_start3A_23, %dma_start3A_24] : memref<50000x16xf32, #tpu.memory_space<hbm>> -> memref<50000x16xf32, #tpu.memory_space<hbm>>
      tpu.enqueue_indirect_dma source(%dma_start3A_25 : memref<50000x16xf32, #tpu.memory_space<hbm>>) target(%arg13 : memref<128x16xf32, #tpu.memory_space<vmem>>) offsets(%arg10 : memref<128xi32, #tpu.memory_space<vmem>>) semaphore(%arg16 : memref<!tpu.dma_semaphore, #tpu.memory_space<semaphore_mem>>)
      %dma_start3A_26 = arith.constant 0 : i32
      %dma_start3A_27 = arith.constant 0 : i32
      %dma_start3A_28 = tpu.memref_slice %arg3[%dma_start3A_26, %dma_start3A_27] : memref<50000x32xf32, #tpu.memory_space<hbm>> -> memref<50000x32xf32, #tpu.memory_space<hbm>>
      tpu.enqueue_indirect_dma source(%dma_start3A_28 : memref<50000x32xf32, #tpu.memory_space<hbm>>) target(%arg14 : memref<128x32xf32, #tpu.memory_space<vmem>>) offsets(%arg11 : memref<128xi32, #tpu.memory_space<vmem>>) semaphore(%arg17 : memref<!tpu.dma_semaphore, #tpu.memory_space<semaphore_mem>>)
      %dma_wait3A = arith.constant 0 : i32
      %dma_wait3A_29 = arith.constant 0 : i32
      %dma_wait3A_30 = tpu.memref_slice %arg2[%dma_wait3A, %dma_wait3A_29] : memref<50000x16xf32, #tpu.memory_space<hbm>> -> memref<50000x16xf32, #tpu.memory_space<hbm>>
      tpu.wait_indirect_dma semaphore(%arg15 : memref<!tpu.dma_semaphore, #tpu.memory_space<semaphore_mem>>) src(%dma_wait3A_30 : memref<50000x16xf32, #tpu.memory_space<hbm>>) dst(%arg12 : memref<128x16xf32, #tpu.memory_space<vmem>>)
      %dma_wait3A_31 = arith.constant 0 : i32
      %dma_wait3A_32 = arith.constant 0 : i32
      %dma_wait3A_33 = tpu.memref_slice %arg2[%dma_wait3A_31, %dma_wait3A_32] : memref<50000x16xf32, #tpu.memory_space<hbm>> -> memref<50000x16xf32, #tpu.memory_space<hbm>>
      tpu.wait_indirect_dma semaphore(%arg16 : memref<!tpu.dma_semaphore, #tpu.memory_space<semaphore_mem>>) src(%dma_wait3A_33 : memref<50000x16xf32, #tpu.memory_space<hbm>>) dst(%arg13 : memref<128x16xf32, #tpu.memory_space<vmem>>)
      %scan3A = arith.constant 0 : i32
      %scan3A_34 = arith.constant 128 : i32
      %scan3A_35 = arith.addi %scan3A, %scan3A_34 : i32
      %scan3A_36 = arith.constant 1 : i32
      scf.for %scan3A_41 = %scan3A to %scan3A_35 step %scan3A_36  : i32 {
        %mul3A_42 = arith.constant 1 : i32
        %mul3A_43 = arith.muli %scan3A_41, %mul3A_42 : i32
        %add3A_44 = arith.constant 0 : i32
        %add3A_45 = arith.addi %add3A_44, %mul3A_43 : i32
        %get3A = arith.index_cast %add3A_45 : i32 to index
        %get3A_46 = arith.constant 0 : index
        %get3A_47 = tpu.vector_load %arg13[%get3A, %get3A_46] {strides = array<i32>} : memref<128x16xf32, #tpu.memory_space<vmem>>, vector<1x16xf32>,
        %get3A_48 = vector.shape_cast %get3A_47 : vector<1x16xf32> to vector<1x16xf32>
        %get3A_49 = arith.index_cast %add3A_45 : i32 to index
        %get3A_50 = arith.constant 0 : index
        %get3A_51 = tpu.vector_load %arg12[%get3A_49, %get3A_50] {strides = array<i32>} : memref<128x16xf32, #tpu.memory_space<vmem>>, vector<1x16xf32>,
        %get3A_52 = vector.shape_cast %get3A_51 : vector<1x16xf32> to vector<1x16xf32>
        %sub3A_53 = arith.subf %get3A_48, %get3A_52 : vector<1x16xf32>
        %swap3A = arith.index_cast %add3A_45 : i32 to index
        %swap3A_54 = arith.constant 0 : index
        %swap3A_55 = tpu.vector_load %arg13[%swap3A, %swap3A_54] {strides = array<i32>} : memref<128x16xf32, #tpu.memory_space<vmem>>, vector<1x16xf32>,
        %swap3A_56 = vector.shape_cast %swap3A_55 : vector<1x16xf32> to vector<1x16xf32>
        %swap3A_57 = vector.shape_cast %sub3A_53 : vector<1x16xf32> to vector<1x16xf32>
        tpu.vector_store %arg13[%swap3A, %swap3A_54], %swap3A_57 {strides = array<i32>} : memref<128x16xf32, #tpu.memory_space<vmem>>, vector<1x16xf32>,
      }
      %scan3A_37 = arith.constant 128 : i32
      %dma_wait3A_38 = arith.constant 0 : i32
      %dma_wait3A_39 = arith.constant 0 : i32
      %dma_wait3A_40 = tpu.memref_slice %arg3[%dma_wait3A_38, %dma_wait3A_39] : memref<50000x32xf32, #tpu.memory_space<hbm>> -> memref<50000x32xf32, #tpu.memory_space<hbm>>
      tpu.wait_indirect_dma semaphore(%arg17 : memref<!tpu.dma_semaphore, #tpu.memory_space<semaphore_mem>>) src(%dma_wait3A_40 : memref<50000x32xf32, #tpu.memory_space<hbm>>) dst(%arg14 : memref<128x32xf32, #tpu.memory_space<vmem>>)
      "tpu.region"() ({
        %run_scoped3A = tpu.sem_alloc : memref<!tpu.dma_semaphore, #tpu.memory_space<semaphore_mem>>
        %dma_start3A_41 = arith.constant 0 : i32
        %dma_start3A_42 = tpu.memref_slice %arg7[%mul3A_20, %dma_start3A_41] : memref<802816x16xf32, #tpu.memory_space<hbm>> -> memref<128x16xf32, #tpu.memory_space<hbm>>
        %dma_start3A_43 = arith.constant 0 : i32
        %dma_start3A_44 = tpu.memref_slice %arg7[%mul3A_20, %dma_start3A_43] : memref<802816x16xf32, #tpu.memory_space<hbm>> -> memref<128x16xf32, #tpu.memory_space<hbm>>
        tpu.enqueue_dma source(%arg13 : memref<128x16xf32, #tpu.memory_space<vmem>>) target(%dma_start3A_44 : memref<128x16xf32, #tpu.memory_space<hbm>>) target_semaphore(%run_scoped3A : memref<!tpu.dma_semaphore, #tpu.memory_space<semaphore_mem>>)
        %dma_wait3A_45 = arith.constant 0 : i32
        %dma_wait3A_46 = tpu.memref_slice %arg7[%mul3A_20, %dma_wait3A_45] : memref<802816x16xf32, #tpu.memory_space<hbm>> -> memref<128x16xf32, #tpu.memory_space<hbm>>
        %dma_wait3A_47 = arith.constant 0 : i32
        %dma_wait3A_48 = tpu.memref_slice %arg7[%mul3A_20, %dma_wait3A_47] : memref<802816x16xf32, #tpu.memory_space<hbm>> -> memref<128x16xf32, #tpu.memory_space<hbm>>
        tpu.wait_dma2 semaphore(%run_scoped3A : memref<!tpu.dma_semaphore, #tpu.memory_space<semaphore_mem>>) src(%arg13 : memref<128x16xf32, #tpu.memory_space<vmem>>) dst(%dma_wait3A_48 : memref<128x16xf32, #tpu.memory_space<hbm>>)
        tpu.yield
      }) : () -> ()
      "tpu.region"() ({
        %run_scoped3A = tpu.sem_alloc : memref<!tpu.dma_semaphore, #tpu.memory_space<semaphore_mem>>
        %dma_start3A_41 = arith.constant 0 : i32
        %dma_start3A_42 = tpu.memref_slice %arg8[%mul3A_20, %dma_start3A_41] : memref<802816x32xf32, #tpu.memory_space<hbm>> -> memref<128x32xf32, #tpu.memory_space<hbm>>
        %dma_start3A_43 = arith.constant 0 : i32
        %dma_start3A_44 = tpu.memref_slice %arg8[%mul3A_20, %dma_start3A_43] : memref<802816x32xf32, #tpu.memory_space<hbm>> -> memref<128x32xf32, #tpu.memory_space<hbm>>
        tpu.enqueue_dma source(%arg14 : memref<128x32xf32, #tpu.memory_space<vmem>>) target(%dma_start3A_44 : memref<128x32xf32, #tpu.memory_space<hbm>>) target_semaphore(%run_scoped3A : memref<!tpu.dma_semaphore, #tpu.memory_space<semaphore_mem>>)
        %dma_wait3A_45 = arith.constant 0 : i32
        %dma_wait3A_46 = tpu.memref_slice %arg8[%mul3A_20, %dma_wait3A_45] : memref<802816x32xf32, #tpu.memory_space<hbm>> -> memref<128x32xf32, #tpu.memory_space<hbm>>
        %dma_wait3A_47 = arith.constant 0 : i32
        %dma_wait3A_48 = tpu.memref_slice %arg8[%mul3A_20, %dma_wait3A_47] : memref<802816x32xf32, #tpu.memory_space<hbm>> -> memref<128x32xf32, #tpu.memory_space<hbm>>
        tpu.wait_dma2 semaphore(%run_scoped3A : memref<!tpu.dma_semaphore, #tpu.memory_space<semaphore_mem>>) src(%arg14 : memref<128x32xf32, #tpu.memory_space<vmem>>) dst(%dma_wait3A_48 : memref<128x32xf32, #tpu.memory_space<hbm>>)
        tpu.yield
      }) : () -> ()
    }
    %while3A_15 = arith.constant 1 : i32
    scf.for %while3A_16 = %while3A_13 to %while3A_9 step %while3A_15  : i32 {
      %mul3A_17 = arith.muli %while3A_16, %while3A : i32
      %add3A_18 = arith.addi %add3A, %mul3A_17 : i32
      %mul3A_19 = arith.constant 128 : i32
      %mul3A_20 = arith.muli %add3A_18, %mul3A_19 : i32
      "tpu.region"() ({
        %run_scoped3A = tpu.sem_alloc : memref<!tpu.dma_semaphore, #tpu.memory_space<semaphore_mem>>
        %dma_start3A_41 = tpu.memref_slice %arg4[%mul3A_20] : memref<802816xi32, #tpu.memory_space<hbm>> -> memref<128xi32, #tpu.memory_space<hbm>>
        %dma_start3A_42 = tpu.memref_slice %arg4[%mul3A_20] : memref<802816xi32, #tpu.memory_space<hbm>> -> memref<128xi32, #tpu.memory_space<hbm>>
        tpu.enqueue_dma source(%dma_start3A_42 : memref<128xi32, #tpu.memory_space<hbm>>) target(%arg9 : memref<128xi32, #tpu.memory_space<vmem>>) target_semaphore(%run_scoped3A : memref<!tpu.dma_semaphore, #tpu.memory_space<semaphore_mem>>)
        %dma_wait3A_43 = tpu.memref_slice %arg4[%mul3A_20] : memref<802816xi32, #tpu.memory_space<hbm>> -> memref<128xi32, #tpu.memory_space<hbm>>
        %dma_wait3A_44 = tpu.memref_slice %arg4[%mul3A_20] : memref<802816xi32, #tpu.memory_space<hbm>> -> memref<128xi32, #tpu.memory_space<hbm>>
        tpu.wait_dma2 semaphore(%run_scoped3A : memref<!tpu.dma_semaphore, #tpu.memory_space<semaphore_mem>>) src(%dma_wait3A_44 : memref<128xi32, #tpu.memory_space<hbm>>) dst(%arg9 : memref<128xi32, #tpu.memory_space<vmem>>)
        tpu.yield
      }) : () -> ()
      "tpu.region"() ({
        %run_scoped3A = tpu.sem_alloc : memref<!tpu.dma_semaphore, #tpu.memory_space<semaphore_mem>>
        %dma_start3A_41 = tpu.memref_slice %arg5[%mul3A_20] : memref<802816xi32, #tpu.memory_space<hbm>> -> memref<128xi32, #tpu.memory_space<hbm>>
        %dma_start3A_42 = tpu.memref_slice %arg5[%mul3A_20] : memref<802816xi32, #tpu.memory_space<hbm>> -> memref<128xi32, #tpu.memory_space<hbm>>
        tpu.enqueue_dma source(%dma_start3A_42 : memref<128xi32, #tpu.memory_space<hbm>>) target(%arg10 : memref<128xi32, #tpu.memory_space<vmem>>) target_semaphore(%run_scoped3A : memref<!tpu.dma_semaphore, #tpu.memory_space<semaphore_mem>>)
        %dma_wait3A_43 = tpu.memref_slice %arg5[%mul3A_20] : memref<802816xi32, #tpu.memory_space<hbm>> -> memref<128xi32, #tpu.memory_space<hbm>>
        %dma_wait3A_44 = tpu.memref_slice %arg5[%mul3A_20] : memref<802816xi32, #tpu.memory_space<hbm>> -> memref<128xi32, #tpu.memory_space<hbm>>
        tpu.wait_dma2 semaphore(%run_scoped3A : memref<!tpu.dma_semaphore, #tpu.memory_space<semaphore_mem>>) src(%dma_wait3A_44 : memref<128xi32, #tpu.memory_space<hbm>>) dst(%arg10 : memref<128xi32, #tpu.memory_space<vmem>>)
        tpu.yield
      }) : () -> ()
      "tpu.region"() ({
        %run_scoped3A = tpu.sem_alloc : memref<!tpu.dma_semaphore, #tpu.memory_space<semaphore_mem>>
        %dma_start3A_41 = tpu.memref_slice %arg6[%mul3A_20] : memref<802816xi32, #tpu.memory_space<hbm>> -> memref<128xi32, #tpu.memory_space<hbm>>
        %dma_start3A_42 = tpu.memref_slice %arg6[%mul3A_20] : memref<802816xi32, #tpu.memory_space<hbm>> -> memref<128xi32, #tpu.memory_space<hbm>>
        tpu.enqueue_dma source(%dma_start3A_42 : memref<128xi32, #tpu.memory_space<hbm>>) target(%arg11 : memref<128xi32, #tpu.memory_space<vmem>>) target_semaphore(%run_scoped3A : memref<!tpu.dma_semaphore, #tpu.memory_space<semaphore_mem>>)
        %dma_wait3A_43 = tpu.memref_slice %arg6[%mul3A_20] : memref<802816xi32, #tpu.memory_space<hbm>> -> memref<128xi32, #tpu.memory_space<hbm>>
        %dma_wait3A_44 = tpu.memref_slice %arg6[%mul3A_20] : memref<802816xi32, #tpu.memory_space<hbm>> -> memref<128xi32, #tpu.memory_space<hbm>>
        tpu.wait_dma2 semaphore(%run_scoped3A : memref<!tpu.dma_semaphore, #tpu.memory_space<semaphore_mem>>) src(%dma_wait3A_44 : memref<128xi32, #tpu.memory_space<hbm>>) dst(%arg11 : memref<128xi32, #tpu.memory_space<vmem>>)
        tpu.yield
      }) : () -> ()
      %dma_start3A = arith.constant 0 : i32
      %dma_start3A_21 = arith.constant 0 : i32
      %dma_start3A_22 = tpu.memref_slice %arg2[%dma_start3A, %dma_start3A_21] : memref<50000x16xf32, #tpu.memory_space<hbm>> -> memref<50000x16xf32, #tpu.memory_space<hbm>>
      tpu.enqueue_indirect_dma source(%dma_start3A_22 : memref<50000x16xf32, #tpu.memory_space<hbm>>) target(%arg12 : memref<128x16xf32, #tpu.memory_space<vmem>>) offsets(%arg9 : memref<128xi32, #tpu.memory_space<vmem>>) semaphore(%arg15 : memref<!tpu.dma_semaphore, #tpu.memory_space<semaphore_mem>>)
      %dma_start3A_23 = arith.constant 0 : i32
      %dma_start3A_24 = arith.constant 0 : i32
      %dma_start3A_25 = tpu.memref_slice %arg2[%dma_start3A_23, %dma_start3A_24] : memref<50000x16xf32, #tpu.memory_space<hbm>> -> memref<50000x16xf32, #tpu.memory_space<hbm>>
      tpu.enqueue_indirect_dma source(%dma_start3A_25 : memref<50000x16xf32, #tpu.memory_space<hbm>>) target(%arg13 : memref<128x16xf32, #tpu.memory_space<vmem>>) offsets(%arg10 : memref<128xi32, #tpu.memory_space<vmem>>) semaphore(%arg16 : memref<!tpu.dma_semaphore, #tpu.memory_space<semaphore_mem>>)
      %dma_start3A_26 = arith.constant 0 : i32
      %dma_start3A_27 = arith.constant 0 : i32
      %dma_start3A_28 = tpu.memref_slice %arg3[%dma_start3A_26, %dma_start3A_27] : memref<50000x32xf32, #tpu.memory_space<hbm>> -> memref<50000x32xf32, #tpu.memory_space<hbm>>
      tpu.enqueue_indirect_dma source(%dma_start3A_28 : memref<50000x32xf32, #tpu.memory_space<hbm>>) target(%arg14 : memref<128x32xf32, #tpu.memory_space<vmem>>) offsets(%arg11 : memref<128xi32, #tpu.memory_space<vmem>>) semaphore(%arg17 : memref<!tpu.dma_semaphore, #tpu.memory_space<semaphore_mem>>)
      %dma_wait3A = arith.constant 0 : i32
      %dma_wait3A_29 = arith.constant 0 : i32
      %dma_wait3A_30 = tpu.memref_slice %arg2[%dma_wait3A, %dma_wait3A_29] : memref<50000x16xf32, #tpu.memory_space<hbm>> -> memref<50000x16xf32, #tpu.memory_space<hbm>>
      tpu.wait_indirect_dma semaphore(%arg15 : memref<!tpu.dma_semaphore, #tpu.memory_space<semaphore_mem>>) src(%dma_wait3A_30 : memref<50000x16xf32, #tpu.memory_space<hbm>>) dst(%arg12 : memref<128x16xf32, #tpu.memory_space<vmem>>)
      %dma_wait3A_31 = arith.constant 0 : i32
      %dma_wait3A_32 = arith.constant 0 : i32
      %dma_wait3A_33 = tpu.memref_slice %arg2[%dma_wait3A_31, %dma_wait3A_32] : memref<50000x16xf32, #tpu.memory_space<hbm>> -> memref<50000x16xf32, #tpu.memory_space<hbm>>
      tpu.wait_indirect_dma semaphore(%arg16 : memref<!tpu.dma_semaphore, #tpu.memory_space<semaphore_mem>>) src(%dma_wait3A_33 : memref<50000x16xf32, #tpu.memory_space<hbm>>) dst(%arg13 : memref<128x16xf32, #tpu.memory_space<vmem>>)
      %scan3A = arith.constant 0 : i32
      %scan3A_34 = arith.constant 128 : i32
      %scan3A_35 = arith.addi %scan3A, %scan3A_34 : i32
      %scan3A_36 = arith.constant 1 : i32
      scf.for %scan3A_41 = %scan3A to %scan3A_35 step %scan3A_36  : i32 {
        %mul3A_42 = arith.constant 1 : i32
        %mul3A_43 = arith.muli %scan3A_41, %mul3A_42 : i32
        %add3A_44 = arith.constant 0 : i32
        %add3A_45 = arith.addi %add3A_44, %mul3A_43 : i32
        %get3A = arith.index_cast %add3A_45 : i32 to index
        %get3A_46 = arith.constant 0 : index
        %get3A_47 = tpu.vector_load %arg13[%get3A, %get3A_46] {strides = array<i32>} : memref<128x16xf32, #tpu.memory_space<vmem>>, vector<1x16xf32>,
        %get3A_48 = vector.shape_cast %get3A_47 : vector<1x16xf32> to vector<1x16xf32>
        %get3A_49 = arith.index_cast %add3A_45 : i32 to index
        %get3A_50 = arith.constant 0 : index
        %get3A_51 = tpu.vector_load %arg12[%get3A_49, %get3A_50] {strides = array<i32>} : memref<128x16xf32, #tpu.memory_space<vmem>>, vector<1x16xf32>,
        %get3A_52 = vector.shape_cast %get3A_51 : vector<1x16xf32> to vector<1x16xf32>
        %sub3A_53 = arith.subf %get3A_48, %get3A_52 : vector<1x16xf32>
        %swap3A = arith.index_cast %add3A_45 : i32 to index
        %swap3A_54 = arith.constant 0 : index
        %swap3A_55 = tpu.vector_load %arg13[%swap3A, %swap3A_54] {strides = array<i32>} : memref<128x16xf32, #tpu.memory_space<vmem>>, vector<1x16xf32>,
        %swap3A_56 = vector.shape_cast %swap3A_55 : vector<1x16xf32> to vector<1x16xf32>
        %swap3A_57 = vector.shape_cast %sub3A_53 : vector<1x16xf32> to vector<1x16xf32>
        tpu.vector_store %arg13[%swap3A, %swap3A_54], %swap3A_57 {strides = array<i32>} : memref<128x16xf32, #tpu.memory_space<vmem>>, vector<1x16xf32>,
      }
      %scan3A_37 = arith.constant 128 : i32
      %dma_wait3A_38 = arith.constant 0 : i32
      %dma_wait3A_39 = arith.constant 0 : i32
      %dma_wait3A_40 = tpu.memref_slice %arg3[%dma_wait3A_38, %dma_wait3A_39] : memref<50000x32xf32, #tpu.memory_space<hbm>> -> memref<50000x32xf32, #tpu.memory_space<hbm>>
      tpu.wait_indirect_dma semaphore(%arg17 : memref<!tpu.dma_semaphore, #tpu.memory_space<semaphore_mem>>) src(%dma_wait3A_40 : memref<50000x32xf32, #tpu.memory_space<hbm>>) dst(%arg14 : memref<128x32xf32, #tpu.memory_space<vmem>>)
      "tpu.region"() ({
        %run_scoped3A = tpu.sem_alloc : memref<!tpu.dma_semaphore, #tpu.memory_space<semaphore_mem>>
        %dma_start3A_41 = arith.constant 0 : i32
        %dma_start3A_42 = tpu.memref_slice %arg7[%mul3A_20, %dma_start3A_41] : memref<802816x16xf32, #tpu.memory_space<hbm>> -> memref<128x16xf32, #tpu.memory_space<hbm>>
        %dma_start3A_43 = arith.constant 0 : i32
        %dma_start3A_44 = tpu.memref_slice %arg7[%mul3A_20, %dma_start3A_43] : memref<802816x16xf32, #tpu.memory_space<hbm>> -> memref<128x16xf32, #tpu.memory_space<hbm>>
        tpu.enqueue_dma source(%arg13 : memref<128x16xf32, #tpu.memory_space<vmem>>) target(%dma_start3A_44 : memref<128x16xf32, #tpu.memory_space<hbm>>) target_semaphore(%run_scoped3A : memref<!tpu.dma_semaphore, #tpu.memory_space<semaphore_mem>>)
        %dma_wait3A_45 = arith.constant 0 : i32
        %dma_wait3A_46 = tpu.memref_slice %arg7[%mul3A_20, %dma_wait3A_45] : memref<802816x16xf32, #tpu.memory_space<hbm>> -> memref<128x16xf32, #tpu.memory_space<hbm>>
        %dma_wait3A_47 = arith.constant 0 : i32
        %dma_wait3A_48 = tpu.memref_slice %arg7[%mul3A_20, %dma_wait3A_47] : memref<802816x16xf32, #tpu.memory_space<hbm>> -> memref<128x16xf32, #tpu.memory_space<hbm>>
        tpu.wait_dma2 semaphore(%run_scoped3A : memref<!tpu.dma_semaphore, #tpu.memory_space<semaphore_mem>>) src(%arg13 : memref<128x16xf32, #tpu.memory_space<vmem>>) dst(%dma_wait3A_48 : memref<128x16xf32, #tpu.memory_space<hbm>>)
        tpu.yield
      }) : () -> ()
      "tpu.region"() ({
        %run_scoped3A = tpu.sem_alloc : memref<!tpu.dma_semaphore, #tpu.memory_space<semaphore_mem>>
        %dma_start3A_41 = arith.constant 0 : i32
        %dma_start3A_42 = tpu.memref_slice %arg8[%mul3A_20, %dma_start3A_41] : memref<802816x32xf32, #tpu.memory_space<hbm>> -> memref<128x32xf32, #tpu.memory_space<hbm>>
        %dma_start3A_43 = arith.constant 0 : i32
        %dma_start3A_44 = tpu.memref_slice %arg8[%mul3A_20, %dma_start3A_43] : memref<802816x32xf32, #tpu.memory_space<hbm>> -> memref<128x32xf32, #tpu.memory_space<hbm>>
        tpu.enqueue_dma source(%arg14 : memref<128x32xf32, #tpu.memory_space<vmem>>) target(%dma_start3A_44 : memref<128x32xf32, #tpu.memory_space<hbm>>) target_semaphore(%run_scoped3A : memref<!tpu.dma_semaphore, #tpu.memory_space<semaphore_mem>>)
        %dma_wait3A_45 = arith.constant 0 : i32
        %dma_wait3A_46 = tpu.memref_slice %arg8[%mul3A_20, %dma_wait3A_45] : memref<802816x32xf32, #tpu.memory_space<hbm>> -> memref<128x32xf32, #tpu.memory_space<hbm>>
        %dma_wait3A_47 = arith.constant 0 : i32
        %dma_wait3A_48 = tpu.memref_slice %arg8[%mul3A_20, %dma_wait3A_47] : memref<802816x32xf32, #tpu.memory_space<hbm>> -> memref<128x32xf32, #tpu.memory_space<hbm>>
        tpu.wait_dma2 semaphore(%run_scoped3A : memref<!tpu.dma_semaphore, #tpu.memory_space<semaphore_mem>>) src(%arg14 : memref<128x32xf32, #tpu.memory_space<vmem>>) dst(%dma_wait3A_48 : memref<128x32xf32, #tpu.memory_space<hbm>>)
        tpu.yield
      }) : () -> ()
    }
    return
  }
}

#map = affine_map<(d0, d1) -> (0, 0)>
#map1 = affine_map<(d0, d1) -> (0)>
module attributes {stable_mosaic.version = 14 : i64} {
  func.func @body(%arg0: i32, %arg1: i32, %arg2: memref<802816x72xf32, #tpu.memory_space<hbm>>, %arg3: memref<802816xi32, #tpu.memory_space<hbm>>, %arg4: memref<50000x72xf32, #tpu.memory_space<hbm>>, %arg5: memref<25088x72xf32, #tpu.memory_space<vmem_shared>>, %arg6: memref<64xi32, #tpu.memory_space<vmem>>, %arg7: memref<64xi32, #tpu.memory_space<vmem>>, %arg8: memref<64xi32, #tpu.memory_space<vmem>>, %arg9: memref<64xi32, #tpu.memory_space<vmem>>, %arg10: memref<64x72xf32, #tpu.memory_space<vmem>>, %arg11: memref<64x72xf32, #tpu.memory_space<vmem>>, %arg12: memref<!tpu.dma_semaphore, #tpu.memory_space<semaphore_mem>>, %arg13: memref<!tpu.dma_semaphore, #tpu.memory_space<semaphore_mem>>, %arg14: memref<!tpu.dma_semaphore, #tpu.memory_space<semaphore_mem>>, %arg15: memref<!tpu.dma_semaphore, #tpu.memory_space<semaphore_mem>>, %arg16: memref<!tpu.dma_semaphore, #tpu.memory_space<semaphore_mem>>, %arg17: memref<!tpu.dma_semaphore, #tpu.memory_space<semaphore_mem>>) attributes {dimension_semantics = [#tpu.dimension_semantics<core_parallel>, #tpu.dimension_semantics<subcore_parallel>], iteration_bounds = array<i64: 2, 16>, scalar_prefetch = 0 : i64, scratch_operands = 13 : i64, tpu.core_type = #tpu.core_type<sc_vector_subcore>, window_params = [{transform_indices = #map}, {transform_indices = #map1}, {transform_indices = #map}]} {
    %broadcast_in_dim3A = arith.constant 0.000000e+00 : f32
    %broadcast_in_dim3A_0 = vector.broadcast %broadcast_in_dim3A : f32 to vector<1x16xf32>
    %scan3A = arith.constant 0 : i32
    %scan3A_1 = arith.constant 64 : i32
    %scan3A_2 = arith.addi %scan3A, %scan3A_1 : i32
    %scan3A_3 = arith.constant 1 : i32
    scf.for %scan3A_43 = %scan3A to %scan3A_2 step %scan3A_3  : i32 {
      %mul3A = arith.constant 1 : i32
      %mul3A_44 = arith.muli %scan3A_43, %mul3A : i32
      %add3A_45 = arith.constant 0 : i32
      %add3A_46 = arith.addi %add3A_45, %mul3A_44 : i32
      %swap3A = arith.index_cast %add3A_46 : i32 to index
      %swap3A_47 = arith.constant 0 : index
      %swap3A_48 = tpu.vector_load %arg10[%swap3A, %swap3A_47] {strides = array<i32>} : memref<64x72xf32, #tpu.memory_space<vmem>>, vector<1x16xf32>,
      %swap3A_49 = vector.shape_cast %swap3A_48 : vector<1x16xf32> to vector<1x16xf32>
      %swap3A_50 = vector.shape_cast %broadcast_in_dim3A_0 : vector<1x16xf32> to vector<1x16xf32>
      tpu.vector_store %arg10[%swap3A, %swap3A_47], %swap3A_50 {strides = array<i32>} : memref<64x72xf32, #tpu.memory_space<vmem>>, vector<1x16xf32>,
      %swap3A_51 = arith.index_cast %add3A_46 : i32 to index
      %swap3A_52 = arith.constant 16 : index
      %swap3A_53 = tpu.vector_load %arg10[%swap3A_51, %swap3A_52] {strides = array<i32>} : memref<64x72xf32, #tpu.memory_space<vmem>>, vector<1x16xf32>,
      %swap3A_54 = vector.shape_cast %swap3A_53 : vector<1x16xf32> to vector<1x16xf32>
      %swap3A_55 = vector.shape_cast %broadcast_in_dim3A_0 : vector<1x16xf32> to vector<1x16xf32>
      tpu.vector_store %arg10[%swap3A_51, %swap3A_52], %swap3A_55 {strides = array<i32>} : memref<64x72xf32, #tpu.memory_space<vmem>>, vector<1x16xf32>,
      %swap3A_56 = arith.index_cast %add3A_46 : i32 to index
      %swap3A_57 = arith.constant 32 : index
      %swap3A_58 = tpu.vector_load %arg10[%swap3A_56, %swap3A_57] {strides = array<i32>} : memref<64x72xf32, #tpu.memory_space<vmem>>, vector<1x16xf32>,
      %swap3A_59 = vector.shape_cast %swap3A_58 : vector<1x16xf32> to vector<1x16xf32>
      %swap3A_60 = vector.shape_cast %broadcast_in_dim3A_0 : vector<1x16xf32> to vector<1x16xf32>
      tpu.vector_store %arg10[%swap3A_56, %swap3A_57], %swap3A_60 {strides = array<i32>} : memref<64x72xf32, #tpu.memory_space<vmem>>, vector<1x16xf32>,
      %swap3A_61 = arith.index_cast %add3A_46 : i32 to index
      %swap3A_62 = arith.constant 48 : index
      %swap3A_63 = tpu.vector_load %arg10[%swap3A_61, %swap3A_62] {strides = array<i32>} : memref<64x72xf32, #tpu.memory_space<vmem>>, vector<1x16xf32>,
      %swap3A_64 = vector.shape_cast %swap3A_63 : vector<1x16xf32> to vector<1x16xf32>
      %swap3A_65 = vector.shape_cast %broadcast_in_dim3A_0 : vector<1x16xf32> to vector<1x16xf32>
      tpu.vector_store %arg10[%swap3A_61, %swap3A_62], %swap3A_65 {strides = array<i32>} : memref<64x72xf32, #tpu.memory_space<vmem>>, vector<1x16xf32>,
    }
    %scan3A_4 = arith.constant 64 : i32
    %sub3A = arith.constant 392 : i32
    %sub3A_5 = arith.subi %sub3A, %arg1 : i32
    %sub3A_6 = arith.constant 16 : i32
    %sub3A_7 = arith.constant 1 : i32
    %sub3A_8 = arith.subi %sub3A_6, %sub3A_7 : i32
    %add3A = arith.addi %sub3A_5, %sub3A_8 : i32
    %div3A = arith.constant 16 : i32
    %div3A_9 = arith.divsi %add3A, %div3A : i32
    %while3A = arith.constant 16 : i32
    %while3A_10 = arith.constant 0 : i32
    %while3A_11 = arith.subi %div3A_9, %while3A_10 : i32
    %while3A_12 = arith.addi %while3A_10, %while3A_11 : i32
    %while3A_13 = arith.constant 1 : i32
    %while3A_14 = arith.divsi %while3A_11, %while3A_13 : i32
    %while3A_15 = arith.muli %while3A_14, %while3A_13 : i32
    %while3A_16 = arith.addi %while3A_10, %while3A_15 : i32
    %while3A_17 = arith.constant 1 : i32
    scf.for %while3A_43 = %while3A_10 to %while3A_16 step %while3A_17  : i32 {
      %mul3A = arith.muli %while3A_43, %while3A : i32
      %add3A_44 = arith.addi %arg1, %mul3A : i32
      %mul3A_45 = arith.constant 64 : i32
      %mul3A_46 = arith.muli %add3A_44, %mul3A_45 : i32
      "tpu.region"() ({
        %run_scoped3A = tpu.sem_alloc : memref<!tpu.dma_semaphore, #tpu.memory_space<semaphore_mem>>
        %dma_start3A = arith.constant 0 : i32
        %dma_start3A_47 = tpu.memref_slice %arg5[%mul3A_46, %dma_start3A] : memref<25088x72xf32, #tpu.memory_space<vmem_shared>> -> memref<64x72xf32, #tpu.memory_space<vmem_shared>>
        %dma_start3A_48 = arith.constant 0 : i32
        %dma_start3A_49 = tpu.memref_slice %arg5[%mul3A_46, %dma_start3A_48] : memref<25088x72xf32, #tpu.memory_space<vmem_shared>> -> memref<64x72xf32, #tpu.memory_space<vmem_shared>>
        tpu.enqueue_dma source(%arg10 : memref<64x72xf32, #tpu.memory_space<vmem>>) target(%dma_start3A_49 : memref<64x72xf32, #tpu.memory_space<vmem_shared>>) target_semaphore(%run_scoped3A : memref<!tpu.dma_semaphore, #tpu.memory_space<semaphore_mem>>)
        %dma_wait3A = arith.constant 0 : i32
        %dma_wait3A_50 = tpu.memref_slice %arg5[%mul3A_46, %dma_wait3A] : memref<25088x72xf32, #tpu.memory_space<vmem_shared>> -> memref<64x72xf32, #tpu.memory_space<vmem_shared>>
        %dma_wait3A_51 = arith.constant 0 : i32
        %dma_wait3A_52 = tpu.memref_slice %arg5[%mul3A_46, %dma_wait3A_51] : memref<25088x72xf32, #tpu.memory_space<vmem_shared>> -> memref<64x72xf32, #tpu.memory_space<vmem_shared>>
        tpu.wait_dma2 semaphore(%run_scoped3A : memref<!tpu.dma_semaphore, #tpu.memory_space<semaphore_mem>>) src(%arg10 : memref<64x72xf32, #tpu.memory_space<vmem>>) dst(%dma_wait3A_52 : memref<64x72xf32, #tpu.memory_space<vmem_shared>>)
        tpu.yield
      }) : () -> ()
    }
    %while3A_18 = arith.constant 1 : i32
    scf.for %while3A_43 = %while3A_16 to %while3A_12 step %while3A_18  : i32 {
      %mul3A = arith.muli %while3A_43, %while3A : i32
      %add3A_44 = arith.addi %arg1, %mul3A : i32
      %mul3A_45 = arith.constant 64 : i32
      %mul3A_46 = arith.muli %add3A_44, %mul3A_45 : i32
      "tpu.region"() ({
        %run_scoped3A = tpu.sem_alloc : memref<!tpu.dma_semaphore, #tpu.memory_space<semaphore_mem>>
        %dma_start3A = arith.constant 0 : i32
        %dma_start3A_47 = tpu.memref_slice %arg5[%mul3A_46, %dma_start3A] : memref<25088x72xf32, #tpu.memory_space<vmem_shared>> -> memref<64x72xf32, #tpu.memory_space<vmem_shared>>
        %dma_start3A_48 = arith.constant 0 : i32
        %dma_start3A_49 = tpu.memref_slice %arg5[%mul3A_46, %dma_start3A_48] : memref<25088x72xf32, #tpu.memory_space<vmem_shared>> -> memref<64x72xf32, #tpu.memory_space<vmem_shared>>
        tpu.enqueue_dma source(%arg10 : memref<64x72xf32, #tpu.memory_space<vmem>>) target(%dma_start3A_49 : memref<64x72xf32, #tpu.memory_space<vmem_shared>>) target_semaphore(%run_scoped3A : memref<!tpu.dma_semaphore, #tpu.memory_space<semaphore_mem>>)
        %dma_wait3A = arith.constant 0 : i32
        %dma_wait3A_50 = tpu.memref_slice %arg5[%mul3A_46, %dma_wait3A] : memref<25088x72xf32, #tpu.memory_space<vmem_shared>> -> memref<64x72xf32, #tpu.memory_space<vmem_shared>>
        %dma_wait3A_51 = arith.constant 0 : i32
        %dma_wait3A_52 = tpu.memref_slice %arg5[%mul3A_46, %dma_wait3A_51] : memref<25088x72xf32, #tpu.memory_space<vmem_shared>> -> memref<64x72xf32, #tpu.memory_space<vmem_shared>>
        tpu.wait_dma2 semaphore(%run_scoped3A : memref<!tpu.dma_semaphore, #tpu.memory_space<semaphore_mem>>) src(%arg10 : memref<64x72xf32, #tpu.memory_space<vmem>>) dst(%dma_wait3A_52 : memref<64x72xf32, #tpu.memory_space<vmem_shared>>)
        tpu.yield
      }) : () -> ()
    }
    %barrier3A = arith.constant 0 : index
    tpu.barrier barrier_id(%barrier3A)
    %scan3A_19 = arith.constant 0 : i32
    %scan3A_20 = arith.constant 392 : i32
    %scan3A_21 = arith.addi %scan3A_19, %scan3A_20 : i32
    %scan3A_22 = arith.constant 1 : i32
    scf.for %scan3A_43 = %scan3A_19 to %scan3A_21 step %scan3A_22  : i32 {
      %mul3A = arith.constant 1 : i32
      %mul3A_44 = arith.muli %scan3A_43, %mul3A : i32
      %add3A_45 = arith.constant 0 : i32
      %add3A_46 = arith.addi %add3A_45, %mul3A_44 : i32
      %mul3A_47 = arith.constant 2 : i32
      %mul3A_48 = arith.muli %mul3A_47, %add3A_46 : i32
      %mul3A_49 = arith.constant 2 : i32
      %mul3A_50 = arith.muli %mul3A_49, %add3A_46 : i32
      %add3A_51 = arith.constant 1 : i32
      %add3A_52 = arith.addi %mul3A_50, %add3A_51 : i32
      %mul3A_53 = arith.constant 16 : i32
      %mul3A_54 = arith.muli %mul3A_48, %mul3A_53 : i32
      %add3A_55 = arith.addi %arg1, %mul3A_54 : i32
      %mul3A_56 = arith.constant 64 : i32
      %mul3A_57 = arith.muli %add3A_55, %mul3A_56 : i32
      %dma_start3A = tpu.memref_slice %arg3[%mul3A_57] : memref<802816xi32, #tpu.memory_space<hbm>> -> memref<64xi32, #tpu.memory_space<hbm>>
      %dma_start3A_58 = tpu.memref_slice %arg3[%mul3A_57] : memref<802816xi32, #tpu.memory_space<hbm>> -> memref<64xi32, #tpu.memory_space<hbm>>
      tpu.enqueue_dma source(%dma_start3A_58 : memref<64xi32, #tpu.memory_space<hbm>>) target(%arg6 : memref<64xi32, #tpu.memory_space<vmem>>) target_semaphore(%arg12 : memref<!tpu.dma_semaphore, #tpu.memory_space<semaphore_mem>>)
      %mul3A_59 = arith.constant 16 : i32
      %mul3A_60 = arith.muli %mul3A_48, %mul3A_59 : i32
      %add3A_61 = arith.addi %arg1, %mul3A_60 : i32
      %mul3A_62 = arith.constant 64 : i32
      %mul3A_63 = arith.muli %add3A_61, %mul3A_62 : i32
      %dma_start3A_64 = arith.constant 0 : i32
      %dma_start3A_65 = tpu.memref_slice %arg2[%mul3A_63, %dma_start3A_64] : memref<802816x72xf32, #tpu.memory_space<hbm>> -> memref<64x72xf32, #tpu.memory_space<hbm>>
      %dma_start3A_66 = arith.constant 0 : i32
      %dma_start3A_67 = tpu.memref_slice %arg2[%mul3A_63, %dma_start3A_66] : memref<802816x72xf32, #tpu.memory_space<hbm>> -> memref<64x72xf32, #tpu.memory_space<hbm>>
      tpu.enqueue_dma source(%dma_start3A_67 : memref<64x72xf32, #tpu.memory_space<hbm>>) target(%arg10 : memref<64x72xf32, #tpu.memory_space<vmem>>) target_semaphore(%arg14 : memref<!tpu.dma_semaphore, #tpu.memory_space<semaphore_mem>>)
      %mul3A_68 = arith.constant 16 : i32
      %mul3A_69 = arith.muli %add3A_52, %mul3A_68 : i32
      %add3A_70 = arith.addi %arg1, %mul3A_69 : i32
      %mul3A_71 = arith.constant 64 : i32
      %mul3A_72 = arith.muli %add3A_70, %mul3A_71 : i32
      %dma_start3A_73 = tpu.memref_slice %arg3[%mul3A_72] : memref<802816xi32, #tpu.memory_space<hbm>> -> memref<64xi32, #tpu.memory_space<hbm>>
      %dma_start3A_74 = tpu.memref_slice %arg3[%mul3A_72] : memref<802816xi32, #tpu.memory_space<hbm>> -> memref<64xi32, #tpu.memory_space<hbm>>
      tpu.enqueue_dma source(%dma_start3A_74 : memref<64xi32, #tpu.memory_space<hbm>>) target(%arg7 : memref<64xi32, #tpu.memory_space<vmem>>) target_semaphore(%arg13 : memref<!tpu.dma_semaphore, #tpu.memory_space<semaphore_mem>>)
      %mul3A_75 = arith.constant 16 : i32
      %mul3A_76 = arith.muli %add3A_52, %mul3A_75 : i32
      %add3A_77 = arith.addi %arg1, %mul3A_76 : i32
      %mul3A_78 = arith.constant 64 : i32
      %mul3A_79 = arith.muli %add3A_77, %mul3A_78 : i32
      %dma_start3A_80 = arith.constant 0 : i32
      %dma_start3A_81 = tpu.memref_slice %arg2[%mul3A_79, %dma_start3A_80] : memref<802816x72xf32, #tpu.memory_space<hbm>> -> memref<64x72xf32, #tpu.memory_space<hbm>>
      %dma_start3A_82 = arith.constant 0 : i32
      %dma_start3A_83 = tpu.memref_slice %arg2[%mul3A_79, %dma_start3A_82] : memref<802816x72xf32, #tpu.memory_space<hbm>> -> memref<64x72xf32, #tpu.memory_space<hbm>>
      tpu.enqueue_dma source(%dma_start3A_83 : memref<64x72xf32, #tpu.memory_space<hbm>>) target(%arg11 : memref<64x72xf32, #tpu.memory_space<vmem>>) target_semaphore(%arg15 : memref<!tpu.dma_semaphore, #tpu.memory_space<semaphore_mem>>)
      %dma_wait3A = tpu.memref_slice %arg3[%mul3A_57] : memref<802816xi32, #tpu.memory_space<hbm>> -> memref<64xi32, #tpu.memory_space<hbm>>
      %dma_wait3A_84 = tpu.memref_slice %arg3[%mul3A_57] : memref<802816xi32, #tpu.memory_space<hbm>> -> memref<64xi32, #tpu.memory_space<hbm>>
      tpu.wait_dma2 semaphore(%arg12 : memref<!tpu.dma_semaphore, #tpu.memory_space<semaphore_mem>>) src(%dma_wait3A_84 : memref<64xi32, #tpu.memory_space<hbm>>) dst(%arg6 : memref<64xi32, #tpu.memory_space<vmem>>)
      %dma_wait3A_85 = arith.constant 0 : i32
      %dma_wait3A_86 = tpu.memref_slice %arg2[%mul3A_63, %dma_wait3A_85] : memref<802816x72xf32, #tpu.memory_space<hbm>> -> memref<64x72xf32, #tpu.memory_space<hbm>>
      %dma_wait3A_87 = arith.constant 0 : i32
      %dma_wait3A_88 = tpu.memref_slice %arg2[%mul3A_63, %dma_wait3A_87] : memref<802816x72xf32, #tpu.memory_space<hbm>> -> memref<64x72xf32, #tpu.memory_space<hbm>>
      tpu.wait_dma2 semaphore(%arg14 : memref<!tpu.dma_semaphore, #tpu.memory_space<semaphore_mem>>) src(%dma_wait3A_88 : memref<64x72xf32, #tpu.memory_space<hbm>>) dst(%arg10 : memref<64x72xf32, #tpu.memory_space<vmem>>)
      %mul3A_89 = arith.constant 25000 : i32
      %mul3A_90 = arith.muli %arg0, %mul3A_89 : i32
      %get3A = arith.constant 0 : index
      %get3A_91 = tpu.vector_load %arg6[%get3A] {strides = array<i32>} : memref<64xi32, #tpu.memory_space<vmem>>, vector<16xi32>,
      %get3A_92 = vector.shape_cast %get3A_91 : vector<16xi32> to vector<16xi32>
      %sub3A_93 = vector.broadcast %mul3A_90 : i32 to vector<16xi32>
      %sub3A_94 = arith.subi %get3A_92, %sub3A_93 : vector<16xi32>
      %ge3A = arith.constant 0 : i32
      %ge3A_95 = vector.broadcast %ge3A : i32 to vector<16xi32>
      %ge3A_96 = arith.cmpi sge, %sub3A_94, %ge3A_95 : vector<16xi32>
      %lt3A = arith.constant 25000 : i32
      %lt3A_97 = vector.broadcast %lt3A : i32 to vector<16xi32>
      %lt3A_98 = arith.cmpi slt, %sub3A_94, %lt3A_97 : vector<16xi32>
      %and3A = arith.andi %ge3A_96, %lt3A_98 : vector<16xi1>
      %jit3A = arith.constant 25000 : i32
      %broadcast_in_dim3A_99 = vector.broadcast %jit3A : i32 to vector<16xi32>
      %select_n3A = arith.select %and3A, %sub3A_94, %broadcast_in_dim3A_99 : vector<16xi1>, vector<16xi32>
      %swap3A = arith.constant 0 : index
      %swap3A_100 = tpu.vector_load %arg8[%swap3A] {strides = array<i32>} : memref<64xi32, #tpu.memory_space<vmem>>, vector<16xi32>,
      %swap3A_101 = vector.shape_cast %swap3A_100 : vector<16xi32> to vector<16xi32>
      %swap3A_102 = vector.shape_cast %select_n3A : vector<16xi32> to vector<16xi32>
      tpu.vector_store %arg8[%swap3A], %swap3A_102 {strides = array<i32>} : memref<64xi32, #tpu.memory_space<vmem>>, vector<16xi32>,
      %get3A_103 = arith.constant 16 : index
      %get3A_104 = tpu.vector_load %arg6[%get3A_103] {strides = array<i32>} : memref<64xi32, #tpu.memory_space<vmem>>, vector<16xi32>,
      %get3A_105 = vector.shape_cast %get3A_104 : vector<16xi32> to vector<16xi32>
      %sub3A_106 = vector.broadcast %mul3A_90 : i32 to vector<16xi32>
      %sub3A_107 = arith.subi %get3A_105, %sub3A_106 : vector<16xi32>
      %ge3A_108 = arith.constant 0 : i32
      %ge3A_109 = vector.broadcast %ge3A_108 : i32 to vector<16xi32>
      %ge3A_110 = arith.cmpi sge, %sub3A_107, %ge3A_109 : vector<16xi32>
      %lt3A_111 = arith.constant 25000 : i32
      %lt3A_112 = vector.broadcast %lt3A_111 : i32 to vector<16xi32>
      %lt3A_113 = arith.cmpi slt, %sub3A_107, %lt3A_112 : vector<16xi32>
      %and3A_114 = arith.andi %ge3A_110, %lt3A_113 : vector<16xi1>
      %jit3A_115 = arith.constant 25000 : i32
      %broadcast_in_dim3A_116 = vector.broadcast %jit3A_115 : i32 to vector<16xi32>
      %select_n3A_117 = arith.select %and3A_114, %sub3A_107, %broadcast_in_dim3A_116 : vector<16xi1>, vector<16xi32>
      %swap3A_118 = arith.constant 16 : index
      %swap3A_119 = tpu.vector_load %arg8[%swap3A_118] {strides = array<i32>} : memref<64xi32, #tpu.memory_space<vmem>>, vector<16xi32>,
      %swap3A_120 = vector.shape_cast %swap3A_119 : vector<16xi32> to vector<16xi32>
      %swap3A_121 = vector.shape_cast %select_n3A_117 : vector<16xi32> to vector<16xi32>
      tpu.vector_store %arg8[%swap3A_118], %swap3A_121 {strides = array<i32>} : memref<64xi32, #tpu.memory_space<vmem>>, vector<16xi32>,
      %get3A_122 = arith.constant 32 : index
      %get3A_123 = tpu.vector_load %arg6[%get3A_122] {strides = array<i32>} : memref<64xi32, #tpu.memory_space<vmem>>, vector<16xi32>,
      %get3A_124 = vector.shape_cast %get3A_123 : vector<16xi32> to vector<16xi32>
      %sub3A_125 = vector.broadcast %mul3A_90 : i32 to vector<16xi32>
      %sub3A_126 = arith.subi %get3A_124, %sub3A_125 : vector<16xi32>
      %ge3A_127 = arith.constant 0 : i32
      %ge3A_128 = vector.broadcast %ge3A_127 : i32 to vector<16xi32>
      %ge3A_129 = arith.cmpi sge, %sub3A_126, %ge3A_128 : vector<16xi32>
      %lt3A_130 = arith.constant 25000 : i32
      %lt3A_131 = vector.broadcast %lt3A_130 : i32 to vector<16xi32>
      %lt3A_132 = arith.cmpi slt, %sub3A_126, %lt3A_131 : vector<16xi32>
      %and3A_133 = arith.andi %ge3A_129, %lt3A_132 : vector<16xi1>
      %jit3A_134 = arith.constant 25000 : i32
      %broadcast_in_dim3A_135 = vector.broadcast %jit3A_134 : i32 to vector<16xi32>
      %select_n3A_136 = arith.select %and3A_133, %sub3A_126, %broadcast_in_dim3A_135 : vector<16xi1>, vector<16xi32>
      %swap3A_137 = arith.constant 32 : index
      %swap3A_138 = tpu.vector_load %arg8[%swap3A_137] {strides = array<i32>} : memref<64xi32, #tpu.memory_space<vmem>>, vector<16xi32>,
      %swap3A_139 = vector.shape_cast %swap3A_138 : vector<16xi32> to vector<16xi32>
      %swap3A_140 = vector.shape_cast %select_n3A_136 : vector<16xi32> to vector<16xi32>
      tpu.vector_store %arg8[%swap3A_137], %swap3A_140 {strides = array<i32>} : memref<64xi32, #tpu.memory_space<vmem>>, vector<16xi32>,
      %get3A_141 = arith.constant 48 : index
      %get3A_142 = tpu.vector_load %arg6[%get3A_141] {strides = array<i32>} : memref<64xi32, #tpu.memory_space<vmem>>, vector<16xi32>,
      %get3A_143 = vector.shape_cast %get3A_142 : vector<16xi32> to vector<16xi32>
      %sub3A_144 = vector.broadcast %mul3A_90 : i32 to vector<16xi32>
      %sub3A_145 = arith.subi %get3A_143, %sub3A_144 : vector<16xi32>
      %ge3A_146 = arith.constant 0 : i32
      %ge3A_147 = vector.broadcast %ge3A_146 : i32 to vector<16xi32>
      %ge3A_148 = arith.cmpi sge, %sub3A_145, %ge3A_147 : vector<16xi32>
      %lt3A_149 = arith.constant 25000 : i32
      %lt3A_150 = vector.broadcast %lt3A_149 : i32 to vector<16xi32>
      %lt3A_151 = arith.cmpi slt, %sub3A_145, %lt3A_150 : vector<16xi32>
      %and3A_152 = arith.andi %ge3A_148, %lt3A_151 : vector<16xi1>
      %jit3A_153 = arith.constant 25000 : i32
      %broadcast_in_dim3A_154 = vector.broadcast %jit3A_153 : i32 to vector<16xi32>
      %select_n3A_155 = arith.select %and3A_152, %sub3A_145, %broadcast_in_dim3A_154 : vector<16xi1>, vector<16xi32>
      %swap3A_156 = arith.constant 48 : index
      %swap3A_157 = tpu.vector_load %arg8[%swap3A_156] {strides = array<i32>} : memref<64xi32, #tpu.memory_space<vmem>>, vector<16xi32>,
      %swap3A_158 = vector.shape_cast %swap3A_157 : vector<16xi32> to vector<16xi32>
      %swap3A_159 = vector.shape_cast %select_n3A_155 : vector<16xi32> to vector<16xi32>
      tpu.vector_store %arg8[%swap3A_156], %swap3A_159 {strides = array<i32>} : memref<64xi32, #tpu.memory_space<vmem>>, vector<16xi32>,
      "tpu.region"() ({
        %run_scoped3A = tpu.sem_alloc : memref<!tpu.dma_semaphore, #tpu.memory_space<semaphore_mem>>
        %dma_start3A_244 = arith.constant 0 : i32
        %dma_start3A_245 = arith.constant 0 : i32
        %dma_start3A_246 = tpu.memref_slice %arg5[%dma_start3A_244, %dma_start3A_245] : memref<25088x72xf32, #tpu.memory_space<vmem_shared>> -> memref<25088x72xf32, #tpu.memory_space<vmem_shared>>
        tpu.enqueue_indirect_dma source(%arg10 : memref<64x72xf32, #tpu.memory_space<vmem>>) target(%dma_start3A_246 : memref<25088x72xf32, #tpu.memory_space<vmem_shared>>) offsets(%arg8 : memref<64xi32, #tpu.memory_space<vmem>>) semaphore(%run_scoped3A : memref<!tpu.dma_semaphore, #tpu.memory_space<semaphore_mem>>) {add = true}
        %dma_wait3A_247 = arith.constant 0 : i32
        %dma_wait3A_248 = arith.constant 0 : i32
        %dma_wait3A_249 = tpu.memref_slice %arg5[%dma_wait3A_247, %dma_wait3A_248] : memref<25088x72xf32, #tpu.memory_space<vmem_shared>> -> memref<25088x72xf32, #tpu.memory_space<vmem_shared>>
        tpu.wait_indirect_dma semaphore(%run_scoped3A : memref<!tpu.dma_semaphore, #tpu.memory_space<semaphore_mem>>) src(%arg10 : memref<64x72xf32, #tpu.memory_space<vmem>>) dst(%dma_wait3A_249 : memref<25088x72xf32, #tpu.memory_space<vmem_shared>>)
        tpu.yield
      }) : () -> ()
      %dma_wait3A_160 = tpu.memref_slice %arg3[%mul3A_72] : memref<802816xi32, #tpu.memory_space<hbm>> -> memref<64xi32, #tpu.memory_space<hbm>>
      %dma_wait3A_161 = tpu.memref_slice %arg3[%mul3A_72] : memref<802816xi32, #tpu.memory_space<hbm>> -> memref<64xi32, #tpu.memory_space<hbm>>
      tpu.wait_dma2 semaphore(%arg13 : memref<!tpu.dma_semaphore, #tpu.memory_space<semaphore_mem>>) src(%dma_wait3A_161 : memref<64xi32, #tpu.memory_space<hbm>>) dst(%arg7 : memref<64xi32, #tpu.memory_space<vmem>>)
      %dma_wait3A_162 = arith.constant 0 : i32
      %dma_wait3A_163 = tpu.memref_slice %arg2[%mul3A_79, %dma_wait3A_162] : memref<802816x72xf32, #tpu.memory_space<hbm>> -> memref<64x72xf32, #tpu.memory_space<hbm>>
      %dma_wait3A_164 = arith.constant 0 : i32
      %dma_wait3A_165 = tpu.memref_slice %arg2[%mul3A_79, %dma_wait3A_164] : memref<802816x72xf32, #tpu.memory_space<hbm>> -> memref<64x72xf32, #tpu.memory_space<hbm>>
      tpu.wait_dma2 semaphore(%arg15 : memref<!tpu.dma_semaphore, #tpu.memory_space<semaphore_mem>>) src(%dma_wait3A_165 : memref<64x72xf32, #tpu.memory_space<hbm>>) dst(%arg11 : memref<64x72xf32, #tpu.memory_space<vmem>>)
      %mul3A_166 = arith.constant 25000 : i32
      %mul3A_167 = arith.muli %arg0, %mul3A_166 : i32
      %get3A_168 = arith.constant 0 : index
      %get3A_169 = tpu.vector_load %arg7[%get3A_168] {strides = array<i32>} : memref<64xi32, #tpu.memory_space<vmem>>, vector<16xi32>,
      %get3A_170 = vector.shape_cast %get3A_169 : vector<16xi32> to vector<16xi32>
      %sub3A_171 = vector.broadcast %mul3A_167 : i32 to vector<16xi32>
      %sub3A_172 = arith.subi %get3A_170, %sub3A_171 : vector<16xi32>
      %ge3A_173 = arith.constant 0 : i32
      %ge3A_174 = vector.broadcast %ge3A_173 : i32 to vector<16xi32>
      %ge3A_175 = arith.cmpi sge, %sub3A_172, %ge3A_174 : vector<16xi32>
      %lt3A_176 = arith.constant 25000 : i32
      %lt3A_177 = vector.broadcast %lt3A_176 : i32 to vector<16xi32>
      %lt3A_178 = arith.cmpi slt, %sub3A_172, %lt3A_177 : vector<16xi32>
      %and3A_179 = arith.andi %ge3A_175, %lt3A_178 : vector<16xi1>
      %jit3A_180 = arith.constant 25000 : i32
      %broadcast_in_dim3A_181 = vector.broadcast %jit3A_180 : i32 to vector<16xi32>
      %select_n3A_182 = arith.select %and3A_179, %sub3A_172, %broadcast_in_dim3A_181 : vector<16xi1>, vector<16xi32>
      %swap3A_183 = arith.constant 0 : index
      %swap3A_184 = tpu.vector_load %arg9[%swap3A_183] {strides = array<i32>} : memref<64xi32, #tpu.memory_space<vmem>>, vector<16xi32>,
      %swap3A_185 = vector.shape_cast %swap3A_184 : vector<16xi32> to vector<16xi32>
      %swap3A_186 = vector.shape_cast %select_n3A_182 : vector<16xi32> to vector<16xi32>
      tpu.vector_store %arg9[%swap3A_183], %swap3A_186 {strides = array<i32>} : memref<64xi32, #tpu.memory_space<vmem>>, vector<16xi32>,
      %get3A_187 = arith.constant 16 : index
      %get3A_188 = tpu.vector_load %arg7[%get3A_187] {strides = array<i32>} : memref<64xi32, #tpu.memory_space<vmem>>, vector<16xi32>,
      %get3A_189 = vector.shape_cast %get3A_188 : vector<16xi32> to vector<16xi32>
      %sub3A_190 = vector.broadcast %mul3A_167 : i32 to vector<16xi32>
      %sub3A_191 = arith.subi %get3A_189, %sub3A_190 : vector<16xi32>
      %ge3A_192 = arith.constant 0 : i32
      %ge3A_193 = vector.broadcast %ge3A_192 : i32 to vector<16xi32>
      %ge3A_194 = arith.cmpi sge, %sub3A_191, %ge3A_193 : vector<16xi32>
      %lt3A_195 = arith.constant 25000 : i32
      %lt3A_196 = vector.broadcast %lt3A_195 : i32 to vector<16xi32>
      %lt3A_197 = arith.cmpi slt, %sub3A_191, %lt3A_196 : vector<16xi32>
      %and3A_198 = arith.andi %ge3A_194, %lt3A_197 : vector<16xi1>
      %jit3A_199 = arith.constant 25000 : i32
      %broadcast_in_dim3A_200 = vector.broadcast %jit3A_199 : i32 to vector<16xi32>
      %select_n3A_201 = arith.select %and3A_198, %sub3A_191, %broadcast_in_dim3A_200 : vector<16xi1>, vector<16xi32>
      %swap3A_202 = arith.constant 16 : index
      %swap3A_203 = tpu.vector_load %arg9[%swap3A_202] {strides = array<i32>} : memref<64xi32, #tpu.memory_space<vmem>>, vector<16xi32>,
      %swap3A_204 = vector.shape_cast %swap3A_203 : vector<16xi32> to vector<16xi32>
      %swap3A_205 = vector.shape_cast %select_n3A_201 : vector<16xi32> to vector<16xi32>
      tpu.vector_store %arg9[%swap3A_202], %swap3A_205 {strides = array<i32>} : memref<64xi32, #tpu.memory_space<vmem>>, vector<16xi32>,
      %get3A_206 = arith.constant 32 : index
      %get3A_207 = tpu.vector_load %arg7[%get3A_206] {strides = array<i32>} : memref<64xi32, #tpu.memory_space<vmem>>, vector<16xi32>,
      %get3A_208 = vector.shape_cast %get3A_207 : vector<16xi32> to vector<16xi32>
      %sub3A_209 = vector.broadcast %mul3A_167 : i32 to vector<16xi32>
      %sub3A_210 = arith.subi %get3A_208, %sub3A_209 : vector<16xi32>
      %ge3A_211 = arith.constant 0 : i32
      %ge3A_212 = vector.broadcast %ge3A_211 : i32 to vector<16xi32>
      %ge3A_213 = arith.cmpi sge, %sub3A_210, %ge3A_212 : vector<16xi32>
      %lt3A_214 = arith.constant 25000 : i32
      %lt3A_215 = vector.broadcast %lt3A_214 : i32 to vector<16xi32>
      %lt3A_216 = arith.cmpi slt, %sub3A_210, %lt3A_215 : vector<16xi32>
      %and3A_217 = arith.andi %ge3A_213, %lt3A_216 : vector<16xi1>
      %jit3A_218 = arith.constant 25000 : i32
      %broadcast_in_dim3A_219 = vector.broadcast %jit3A_218 : i32 to vector<16xi32>
      %select_n3A_220 = arith.select %and3A_217, %sub3A_210, %broadcast_in_dim3A_219 : vector<16xi1>, vector<16xi32>
      %swap3A_221 = arith.constant 32 : index
      %swap3A_222 = tpu.vector_load %arg9[%swap3A_221] {strides = array<i32>} : memref<64xi32, #tpu.memory_space<vmem>>, vector<16xi32>,
      %swap3A_223 = vector.shape_cast %swap3A_222 : vector<16xi32> to vector<16xi32>
      %swap3A_224 = vector.shape_cast %select_n3A_220 : vector<16xi32> to vector<16xi32>
      tpu.vector_store %arg9[%swap3A_221], %swap3A_224 {strides = array<i32>} : memref<64xi32, #tpu.memory_space<vmem>>, vector<16xi32>,
      %get3A_225 = arith.constant 48 : index
      %get3A_226 = tpu.vector_load %arg7[%get3A_225] {strides = array<i32>} : memref<64xi32, #tpu.memory_space<vmem>>, vector<16xi32>,
      %get3A_227 = vector.shape_cast %get3A_226 : vector<16xi32> to vector<16xi32>
      %sub3A_228 = vector.broadcast %mul3A_167 : i32 to vector<16xi32>
      %sub3A_229 = arith.subi %get3A_227, %sub3A_228 : vector<16xi32>
      %ge3A_230 = arith.constant 0 : i32
      %ge3A_231 = vector.broadcast %ge3A_230 : i32 to vector<16xi32>
      %ge3A_232 = arith.cmpi sge, %sub3A_229, %ge3A_231 : vector<16xi32>
      %lt3A_233 = arith.constant 25000 : i32
      %lt3A_234 = vector.broadcast %lt3A_233 : i32 to vector<16xi32>
      %lt3A_235 = arith.cmpi slt, %sub3A_229, %lt3A_234 : vector<16xi32>
      %and3A_236 = arith.andi %ge3A_232, %lt3A_235 : vector<16xi1>
      %jit3A_237 = arith.constant 25000 : i32
      %broadcast_in_dim3A_238 = vector.broadcast %jit3A_237 : i32 to vector<16xi32>
      %select_n3A_239 = arith.select %and3A_236, %sub3A_229, %broadcast_in_dim3A_238 : vector<16xi1>, vector<16xi32>
      %swap3A_240 = arith.constant 48 : index
      %swap3A_241 = tpu.vector_load %arg9[%swap3A_240] {strides = array<i32>} : memref<64xi32, #tpu.memory_space<vmem>>, vector<16xi32>,
      %swap3A_242 = vector.shape_cast %swap3A_241 : vector<16xi32> to vector<16xi32>
      %swap3A_243 = vector.shape_cast %select_n3A_239 : vector<16xi32> to vector<16xi32>
      tpu.vector_store %arg9[%swap3A_240], %swap3A_243 {strides = array<i32>} : memref<64xi32, #tpu.memory_space<vmem>>, vector<16xi32>,
      "tpu.region"() ({
        %run_scoped3A = tpu.sem_alloc : memref<!tpu.dma_semaphore, #tpu.memory_space<semaphore_mem>>
        %dma_start3A_244 = arith.constant 0 : i32
        %dma_start3A_245 = arith.constant 0 : i32
        %dma_start3A_246 = tpu.memref_slice %arg5[%dma_start3A_244, %dma_start3A_245] : memref<25088x72xf32, #tpu.memory_space<vmem_shared>> -> memref<25088x72xf32, #tpu.memory_space<vmem_shared>>
        tpu.enqueue_indirect_dma source(%arg11 : memref<64x72xf32, #tpu.memory_space<vmem>>) target(%dma_start3A_246 : memref<25088x72xf32, #tpu.memory_space<vmem_shared>>) offsets(%arg9 : memref<64xi32, #tpu.memory_space<vmem>>) semaphore(%run_scoped3A : memref<!tpu.dma_semaphore, #tpu.memory_space<semaphore_mem>>) {add = true}
        %dma_wait3A_247 = arith.constant 0 : i32
        %dma_wait3A_248 = arith.constant 0 : i32
        %dma_wait3A_249 = tpu.memref_slice %arg5[%dma_wait3A_247, %dma_wait3A_248] : memref<25088x72xf32, #tpu.memory_space<vmem_shared>> -> memref<25088x72xf32, #tpu.memory_space<vmem_shared>>
        tpu.wait_indirect_dma semaphore(%run_scoped3A : memref<!tpu.dma_semaphore, #tpu.memory_space<semaphore_mem>>) src(%arg11 : memref<64x72xf32, #tpu.memory_space<vmem>>) dst(%dma_wait3A_249 : memref<25088x72xf32, #tpu.memory_space<vmem_shared>>)
        tpu.yield
      }) : () -> ()
    }
    %scan3A_23 = arith.constant 392 : i32
    %barrier3A_24 = arith.constant 0 : index
    tpu.barrier barrier_id(%barrier3A_24)
    %sub3A_25 = arith.constant 125 : i32
    %sub3A_26 = arith.subi %sub3A_25, %arg1 : i32
    %sub3A_27 = arith.constant 16 : i32
    %sub3A_28 = arith.constant 1 : i32
    %sub3A_29 = arith.subi %sub3A_27, %sub3A_28 : i32
    %add3A_30 = arith.addi %sub3A_26, %sub3A_29 : i32
    %div3A_31 = arith.constant 16 : i32
    %div3A_32 = arith.divsi %add3A_30, %div3A_31 : i32
    %while3A_33 = arith.constant 16 : i32
    %while3A_34 = arith.constant 0 : i32
    %while3A_35 = arith.subi %div3A_32, %while3A_34 : i32
    %while3A_36 = arith.addi %while3A_34, %while3A_35 : i32
    %while3A_37 = arith.constant 1 : i32
    %while3A_38 = arith.divsi %while3A_35, %while3A_37 : i32
    %while3A_39 = arith.muli %while3A_38, %while3A_37 : i32
    %while3A_40 = arith.addi %while3A_34, %while3A_39 : i32
    %while3A_41 = arith.constant 1 : i32
    scf.for %while3A_43 = %while3A_34 to %while3A_40 step %while3A_41  : i32 {
      %mul3A = arith.muli %while3A_43, %while3A_33 : i32
      %add3A_44 = arith.addi %arg1, %mul3A : i32
      %mul3A_45 = arith.constant 200 : i32
      %mul3A_46 = arith.muli %add3A_44, %mul3A_45 : i32
      %mul3A_47 = arith.constant 25000 : i32
      %mul3A_48 = arith.muli %arg0, %mul3A_47 : i32
      %add3A_49 = arith.addi %mul3A_48, %mul3A_46 : i32
      "tpu.region"() ({
        %run_scoped3A = tpu.sem_alloc : memref<!tpu.dma_semaphore, #tpu.memory_space<semaphore_mem>>
        %dma_start3A = arith.constant 0 : i32
        %dma_start3A_50 = tpu.memref_slice %arg4[%add3A_49, %dma_start3A] : memref<50000x72xf32, #tpu.memory_space<hbm>> -> memref<200x72xf32, #tpu.memory_space<hbm>>
        %dma_start3A_51 = arith.constant 0 : i32
        %dma_start3A_52 = tpu.memref_slice %arg5[%mul3A_46, %dma_start3A_51] : memref<25088x72xf32, #tpu.memory_space<vmem_shared>> -> memref<200x72xf32, #tpu.memory_space<vmem_shared>>
        tpu.enqueue_dma source(%dma_start3A_52 : memref<200x72xf32, #tpu.memory_space<vmem_shared>>) target(%dma_start3A_50 : memref<200x72xf32, #tpu.memory_space<hbm>>) target_semaphore(%run_scoped3A : memref<!tpu.dma_semaphore, #tpu.memory_space<semaphore_mem>>)
        %dma_wait3A = arith.constant 0 : i32
        %dma_wait3A_53 = tpu.memref_slice %arg4[%add3A_49, %dma_wait3A] : memref<50000x72xf32, #tpu.memory_space<hbm>> -> memref<200x72xf32, #tpu.memory_space<hbm>>
        %dma_wait3A_54 = arith.constant 0 : i32
        %dma_wait3A_55 = tpu.memref_slice %arg5[%mul3A_46, %dma_wait3A_54] : memref<25088x72xf32, #tpu.memory_space<vmem_shared>> -> memref<200x72xf32, #tpu.memory_space<vmem_shared>>
        tpu.wait_dma2 semaphore(%run_scoped3A : memref<!tpu.dma_semaphore, #tpu.memory_space<semaphore_mem>>) src(%dma_wait3A_55 : memref<200x72xf32, #tpu.memory_space<vmem_shared>>) dst(%dma_wait3A_53 : memref<200x72xf32, #tpu.memory_space<hbm>>)
        tpu.yield
      }) : () -> ()
    }
    %while3A_42 = arith.constant 1 : i32
    scf.for %while3A_43 = %while3A_40 to %while3A_36 step %while3A_42  : i32 {
      %mul3A = arith.muli %while3A_43, %while3A_33 : i32
      %add3A_44 = arith.addi %arg1, %mul3A : i32
      %mul3A_45 = arith.constant 200 : i32
      %mul3A_46 = arith.muli %add3A_44, %mul3A_45 : i32
      %mul3A_47 = arith.constant 25000 : i32
      %mul3A_48 = arith.muli %arg0, %mul3A_47 : i32
      %add3A_49 = arith.addi %mul3A_48, %mul3A_46 : i32
      "tpu.region"() ({
        %run_scoped3A = tpu.sem_alloc : memref<!tpu.dma_semaphore, #tpu.memory_space<semaphore_mem>>
        %dma_start3A = arith.constant 0 : i32
        %dma_start3A_50 = tpu.memref_slice %arg4[%add3A_49, %dma_start3A] : memref<50000x72xf32, #tpu.memory_space<hbm>> -> memref<200x72xf32, #tpu.memory_space<hbm>>
        %dma_start3A_51 = arith.constant 0 : i32
        %dma_start3A_52 = tpu.memref_slice %arg5[%mul3A_46, %dma_start3A_51] : memref<25088x72xf32, #tpu.memory_space<vmem_shared>> -> memref<200x72xf32, #tpu.memory_space<vmem_shared>>
        tpu.enqueue_dma source(%dma_start3A_52 : memref<200x72xf32, #tpu.memory_space<vmem_shared>>) target(%dma_start3A_50 : memref<200x72xf32, #tpu.memory_space<hbm>>) target_semaphore(%run_scoped3A : memref<!tpu.dma_semaphore, #tpu.memory_space<semaphore_mem>>)
        %dma_wait3A = arith.constant 0 : i32
        %dma_wait3A_53 = tpu.memref_slice %arg4[%add3A_49, %dma_wait3A] : memref<50000x72xf32, #tpu.memory_space<hbm>> -> memref<200x72xf32, #tpu.memory_space<hbm>>
        %dma_wait3A_54 = arith.constant 0 : i32
        %dma_wait3A_55 = tpu.memref_slice %arg5[%mul3A_46, %dma_wait3A_54] : memref<25088x72xf32, #tpu.memory_space<vmem_shared>> -> memref<200x72xf32, #tpu.memory_space<vmem_shared>>
        tpu.wait_dma2 semaphore(%run_scoped3A : memref<!tpu.dma_semaphore, #tpu.memory_space<semaphore_mem>>) src(%dma_wait3A_55 : memref<200x72xf32, #tpu.memory_space<vmem_shared>>) dst(%dma_wait3A_53 : memref<200x72xf32, #tpu.memory_space<hbm>>)
        tpu.yield
      }) : () -> ()
    }
    return
  }
}

#map = affine_map<(d0, d1) -> (0, 0)>
#map1 = affine_map<(d0, d1) -> (0)>
module attributes {stable_mosaic.version = 14 : i64} {
  func.func @_sc_gather1(%arg0: i32, %arg1: i32, %arg2: memref<50000x72xf32, #tpu.memory_space<hbm>>, %arg3: memref<802816xi32, #tpu.memory_space<hbm>>, %arg4: memref<802816x72xf32, #tpu.memory_space<hbm>>, %arg5: memref<128xi32, #tpu.memory_space<vmem>>, %arg6: memref<128x72xf32, #tpu.memory_space<vmem>>, %arg7: memref<!tpu.dma_semaphore, #tpu.memory_space<semaphore_mem>>) attributes {dimension_semantics = [#tpu.dimension_semantics<core_parallel>, #tpu.dimension_semantics<subcore_parallel>], iteration_bounds = array<i64: 2, 16>, scalar_prefetch = 0 : i64, scratch_operands = 3 : i64, tpu.core_type = #tpu.core_type<sc_vector_subcore>, window_params = [{transform_indices = #map}, {transform_indices = #map1}, {transform_indices = #map}]} {
    %mul3A = arith.constant 2 : i32
    %mul3A_0 = arith.muli %arg1, %mul3A : i32
    %add3A = arith.addi %mul3A_0, %arg0 : i32
    %sub3A = arith.constant 6272 : i32
    %sub3A_1 = arith.subi %sub3A, %add3A : i32
    %sub3A_2 = arith.constant 32 : i32
    %sub3A_3 = arith.constant 1 : i32
    %sub3A_4 = arith.subi %sub3A_2, %sub3A_3 : i32
    %add3A_5 = arith.addi %sub3A_1, %sub3A_4 : i32
    %div3A = arith.constant 32 : i32
    %div3A_6 = arith.divsi %add3A_5, %div3A : i32
    %while3A = arith.constant 32 : i32
    %while3A_7 = arith.constant 0 : i32
    %while3A_8 = arith.subi %div3A_6, %while3A_7 : i32
    %while3A_9 = arith.addi %while3A_7, %while3A_8 : i32
    %while3A_10 = arith.constant 1 : i32
    %while3A_11 = arith.divsi %while3A_8, %while3A_10 : i32
    %while3A_12 = arith.muli %while3A_11, %while3A_10 : i32
    %while3A_13 = arith.addi %while3A_7, %while3A_12 : i32
    %while3A_14 = arith.constant 1 : i32
    scf.for %while3A_16 = %while3A_7 to %while3A_13 step %while3A_14  : i32 {
      %mul3A_17 = arith.muli %while3A_16, %while3A : i32
      %add3A_18 = arith.addi %add3A, %mul3A_17 : i32
      %mul3A_19 = arith.constant 128 : i32
      %mul3A_20 = arith.muli %add3A_18, %mul3A_19 : i32
      "tpu.region"() ({
        %run_scoped3A = tpu.sem_alloc : memref<!tpu.dma_semaphore, #tpu.memory_space<semaphore_mem>>
        %dma_start3A_25 = tpu.memref_slice %arg3[%mul3A_20] : memref<802816xi32, #tpu.memory_space<hbm>> -> memref<128xi32, #tpu.memory_space<hbm>>
        %dma_start3A_26 = tpu.memref_slice %arg3[%mul3A_20] : memref<802816xi32, #tpu.memory_space<hbm>> -> memref<128xi32, #tpu.memory_space<hbm>>
        tpu.enqueue_dma source(%dma_start3A_26 : memref<128xi32, #tpu.memory_space<hbm>>) target(%arg5 : memref<128xi32, #tpu.memory_space<vmem>>) target_semaphore(%run_scoped3A : memref<!tpu.dma_semaphore, #tpu.memory_space<semaphore_mem>>)
        %dma_wait3A_27 = tpu.memref_slice %arg3[%mul3A_20] : memref<802816xi32, #tpu.memory_space<hbm>> -> memref<128xi32, #tpu.memory_space<hbm>>
        %dma_wait3A_28 = tpu.memref_slice %arg3[%mul3A_20] : memref<802816xi32, #tpu.memory_space<hbm>> -> memref<128xi32, #tpu.memory_space<hbm>>
        tpu.wait_dma2 semaphore(%run_scoped3A : memref<!tpu.dma_semaphore, #tpu.memory_space<semaphore_mem>>) src(%dma_wait3A_28 : memref<128xi32, #tpu.memory_space<hbm>>) dst(%arg5 : memref<128xi32, #tpu.memory_space<vmem>>)
        tpu.yield
      }) : () -> ()
      %dma_start3A = arith.constant 0 : i32
      %dma_start3A_21 = arith.constant 0 : i32
      %dma_start3A_22 = tpu.memref_slice %arg2[%dma_start3A, %dma_start3A_21] : memref<50000x72xf32, #tpu.memory_space<hbm>> -> memref<50000x72xf32, #tpu.memory_space<hbm>>
      tpu.enqueue_indirect_dma source(%dma_start3A_22 : memref<50000x72xf32, #tpu.memory_space<hbm>>) target(%arg6 : memref<128x72xf32, #tpu.memory_space<vmem>>) offsets(%arg5 : memref<128xi32, #tpu.memory_space<vmem>>) semaphore(%arg7 : memref<!tpu.dma_semaphore, #tpu.memory_space<semaphore_mem>>)
      %dma_wait3A = arith.constant 0 : i32
      %dma_wait3A_23 = arith.constant 0 : i32
      %dma_wait3A_24 = tpu.memref_slice %arg2[%dma_wait3A, %dma_wait3A_23] : memref<50000x72xf32, #tpu.memory_space<hbm>> -> memref<50000x72xf32, #tpu.memory_space<hbm>>
      tpu.wait_indirect_dma semaphore(%arg7 : memref<!tpu.dma_semaphore, #tpu.memory_space<semaphore_mem>>) src(%dma_wait3A_24 : memref<50000x72xf32, #tpu.memory_space<hbm>>) dst(%arg6 : memref<128x72xf32, #tpu.memory_space<vmem>>)
      "tpu.region"() ({
        %run_scoped3A = tpu.sem_alloc : memref<!tpu.dma_semaphore, #tpu.memory_space<semaphore_mem>>
        %dma_start3A_25 = arith.constant 0 : i32
        %dma_start3A_26 = tpu.memref_slice %arg4[%mul3A_20, %dma_start3A_25] : memref<802816x72xf32, #tpu.memory_space<hbm>> -> memref<128x72xf32, #tpu.memory_space<hbm>>
        %dma_start3A_27 = arith.constant 0 : i32
        %dma_start3A_28 = tpu.memref_slice %arg4[%mul3A_20, %dma_start3A_27] : memref<802816x72xf32, #tpu.memory_space<hbm>> -> memref<128x72xf32, #tpu.memory_space<hbm>>
        tpu.enqueue_dma source(%arg6 : memref<128x72xf32, #tpu.memory_space<vmem>>) target(%dma_start3A_28 : memref<128x72xf32, #tpu.memory_space<hbm>>) target_semaphore(%run_scoped3A : memref<!tpu.dma_semaphore, #tpu.memory_space<semaphore_mem>>)
        %dma_wait3A_29 = arith.constant 0 : i32
        %dma_wait3A_30 = tpu.memref_slice %arg4[%mul3A_20, %dma_wait3A_29] : memref<802816x72xf32, #tpu.memory_space<hbm>> -> memref<128x72xf32, #tpu.memory_space<hbm>>
        %dma_wait3A_31 = arith.constant 0 : i32
        %dma_wait3A_32 = tpu.memref_slice %arg4[%mul3A_20, %dma_wait3A_31] : memref<802816x72xf32, #tpu.memory_space<hbm>> -> memref<128x72xf32, #tpu.memory_space<hbm>>
        tpu.wait_dma2 semaphore(%run_scoped3A : memref<!tpu.dma_semaphore, #tpu.memory_space<semaphore_mem>>) src(%arg6 : memref<128x72xf32, #tpu.memory_space<vmem>>) dst(%dma_wait3A_32 : memref<128x72xf32, #tpu.memory_space<hbm>>)
        tpu.yield
      }) : () -> ()
    }
    %while3A_15 = arith.constant 1 : i32
    scf.for %while3A_16 = %while3A_13 to %while3A_9 step %while3A_15  : i32 {
      %mul3A_17 = arith.muli %while3A_16, %while3A : i32
      %add3A_18 = arith.addi %add3A, %mul3A_17 : i32
      %mul3A_19 = arith.constant 128 : i32
      %mul3A_20 = arith.muli %add3A_18, %mul3A_19 : i32
      "tpu.region"() ({
        %run_scoped3A = tpu.sem_alloc : memref<!tpu.dma_semaphore, #tpu.memory_space<semaphore_mem>>
        %dma_start3A_25 = tpu.memref_slice %arg3[%mul3A_20] : memref<802816xi32, #tpu.memory_space<hbm>> -> memref<128xi32, #tpu.memory_space<hbm>>
        %dma_start3A_26 = tpu.memref_slice %arg3[%mul3A_20] : memref<802816xi32, #tpu.memory_space<hbm>> -> memref<128xi32, #tpu.memory_space<hbm>>
        tpu.enqueue_dma source(%dma_start3A_26 : memref<128xi32, #tpu.memory_space<hbm>>) target(%arg5 : memref<128xi32, #tpu.memory_space<vmem>>) target_semaphore(%run_scoped3A : memref<!tpu.dma_semaphore, #tpu.memory_space<semaphore_mem>>)
        %dma_wait3A_27 = tpu.memref_slice %arg3[%mul3A_20] : memref<802816xi32, #tpu.memory_space<hbm>> -> memref<128xi32, #tpu.memory_space<hbm>>
        %dma_wait3A_28 = tpu.memref_slice %arg3[%mul3A_20] : memref<802816xi32, #tpu.memory_space<hbm>> -> memref<128xi32, #tpu.memory_space<hbm>>
        tpu.wait_dma2 semaphore(%run_scoped3A : memref<!tpu.dma_semaphore, #tpu.memory_space<semaphore_mem>>) src(%dma_wait3A_28 : memref<128xi32, #tpu.memory_space<hbm>>) dst(%arg5 : memref<128xi32, #tpu.memory_space<vmem>>)
        tpu.yield
      }) : () -> ()
      %dma_start3A = arith.constant 0 : i32
      %dma_start3A_21 = arith.constant 0 : i32
      %dma_start3A_22 = tpu.memref_slice %arg2[%dma_start3A, %dma_start3A_21] : memref<50000x72xf32, #tpu.memory_space<hbm>> -> memref<50000x72xf32, #tpu.memory_space<hbm>>
      tpu.enqueue_indirect_dma source(%dma_start3A_22 : memref<50000x72xf32, #tpu.memory_space<hbm>>) target(%arg6 : memref<128x72xf32, #tpu.memory_space<vmem>>) offsets(%arg5 : memref<128xi32, #tpu.memory_space<vmem>>) semaphore(%arg7 : memref<!tpu.dma_semaphore, #tpu.memory_space<semaphore_mem>>)
      %dma_wait3A = arith.constant 0 : i32
      %dma_wait3A_23 = arith.constant 0 : i32
      %dma_wait3A_24 = tpu.memref_slice %arg2[%dma_wait3A, %dma_wait3A_23] : memref<50000x72xf32, #tpu.memory_space<hbm>> -> memref<50000x72xf32, #tpu.memory_space<hbm>>
      tpu.wait_indirect_dma semaphore(%arg7 : memref<!tpu.dma_semaphore, #tpu.memory_space<semaphore_mem>>) src(%dma_wait3A_24 : memref<50000x72xf32, #tpu.memory_space<hbm>>) dst(%arg6 : memref<128x72xf32, #tpu.memory_space<vmem>>)
      "tpu.region"() ({
        %run_scoped3A = tpu.sem_alloc : memref<!tpu.dma_semaphore, #tpu.memory_space<semaphore_mem>>
        %dma_start3A_25 = arith.constant 0 : i32
        %dma_start3A_26 = tpu.memref_slice %arg4[%mul3A_20, %dma_start3A_25] : memref<802816x72xf32, #tpu.memory_space<hbm>> -> memref<128x72xf32, #tpu.memory_space<hbm>>
        %dma_start3A_27 = arith.constant 0 : i32
        %dma_start3A_28 = tpu.memref_slice %arg4[%mul3A_20, %dma_start3A_27] : memref<802816x72xf32, #tpu.memory_space<hbm>> -> memref<128x72xf32, #tpu.memory_space<hbm>>
        tpu.enqueue_dma source(%arg6 : memref<128x72xf32, #tpu.memory_space<vmem>>) target(%dma_start3A_28 : memref<128x72xf32, #tpu.memory_space<hbm>>) target_semaphore(%run_scoped3A : memref<!tpu.dma_semaphore, #tpu.memory_space<semaphore_mem>>)
        %dma_wait3A_29 = arith.constant 0 : i32
        %dma_wait3A_30 = tpu.memref_slice %arg4[%mul3A_20, %dma_wait3A_29] : memref<802816x72xf32, #tpu.memory_space<hbm>> -> memref<128x72xf32, #tpu.memory_space<hbm>>
        %dma_wait3A_31 = arith.constant 0 : i32
        %dma_wait3A_32 = tpu.memref_slice %arg4[%mul3A_20, %dma_wait3A_31] : memref<802816x72xf32, #tpu.memory_space<hbm>> -> memref<128x72xf32, #tpu.memory_space<hbm>>
        tpu.wait_dma2 semaphore(%run_scoped3A : memref<!tpu.dma_semaphore, #tpu.memory_space<semaphore_mem>>) src(%arg6 : memref<128x72xf32, #tpu.memory_space<vmem>>) dst(%dma_wait3A_32 : memref<128x72xf32, #tpu.memory_space<hbm>>)
        tpu.yield
      }) : () -> ()
    }
    return
  }
}

#map = affine_map<(d0, d1) -> (0, 0)>
#map1 = affine_map<(d0, d1) -> (0)>
module attributes {stable_mosaic.version = 14 : i64} {
  func.func @body(%arg0: i32, %arg1: i32, %arg2: memref<1605632x16xf32, #tpu.memory_space<hbm>>, %arg3: memref<1605632xi32, #tpu.memory_space<hbm>>, %arg4: memref<50000x16xf32, #tpu.memory_space<hbm>>, %arg5: memref<25088x16xf32, #tpu.memory_space<vmem_shared>>, %arg6: memref<128xi32, #tpu.memory_space<vmem>>, %arg7: memref<128xi32, #tpu.memory_space<vmem>>, %arg8: memref<128xi32, #tpu.memory_space<vmem>>, %arg9: memref<128xi32, #tpu.memory_space<vmem>>, %arg10: memref<128x16xf32, #tpu.memory_space<vmem>>, %arg11: memref<128x16xf32, #tpu.memory_space<vmem>>, %arg12: memref<!tpu.dma_semaphore, #tpu.memory_space<semaphore_mem>>, %arg13: memref<!tpu.dma_semaphore, #tpu.memory_space<semaphore_mem>>, %arg14: memref<!tpu.dma_semaphore, #tpu.memory_space<semaphore_mem>>, %arg15: memref<!tpu.dma_semaphore, #tpu.memory_space<semaphore_mem>>, %arg16: memref<!tpu.dma_semaphore, #tpu.memory_space<semaphore_mem>>, %arg17: memref<!tpu.dma_semaphore, #tpu.memory_space<semaphore_mem>>) attributes {dimension_semantics = [#tpu.dimension_semantics<core_parallel>, #tpu.dimension_semantics<subcore_parallel>], iteration_bounds = array<i64: 2, 16>, scalar_prefetch = 0 : i64, scratch_operands = 13 : i64, tpu.core_type = #tpu.core_type<sc_vector_subcore>, window_params = [{transform_indices = #map}, {transform_indices = #map1}, {transform_indices = #map}]} {
    %broadcast_in_dim3A = arith.constant 0.000000e+00 : f32
    %broadcast_in_dim3A_0 = vector.broadcast %broadcast_in_dim3A : f32 to vector<1x16xf32>
    %scan3A = arith.constant 0 : i32
    %scan3A_1 = arith.constant 128 : i32
    %scan3A_2 = arith.addi %scan3A, %scan3A_1 : i32
    %scan3A_3 = arith.constant 1 : i32
    scf.for %scan3A_43 = %scan3A to %scan3A_2 step %scan3A_3  : i32 {
      %mul3A = arith.constant 1 : i32
      %mul3A_44 = arith.muli %scan3A_43, %mul3A : i32
      %add3A_45 = arith.constant 0 : i32
      %add3A_46 = arith.addi %add3A_45, %mul3A_44 : i32
      %swap3A = arith.index_cast %add3A_46 : i32 to index
      %swap3A_47 = arith.constant 0 : index
      %swap3A_48 = tpu.vector_load %arg10[%swap3A, %swap3A_47] {strides = array<i32>} : memref<128x16xf32, #tpu.memory_space<vmem>>, vector<1x16xf32>,
      %swap3A_49 = vector.shape_cast %swap3A_48 : vector<1x16xf32> to vector<1x16xf32>
      %swap3A_50 = vector.shape_cast %broadcast_in_dim3A_0 : vector<1x16xf32> to vector<1x16xf32>
      tpu.vector_store %arg10[%swap3A, %swap3A_47], %swap3A_50 {strides = array<i32>} : memref<128x16xf32, #tpu.memory_space<vmem>>, vector<1x16xf32>,
    }
    %scan3A_4 = arith.constant 128 : i32
    %sub3A = arith.constant 196 : i32
    %sub3A_5 = arith.subi %sub3A, %arg1 : i32
    %sub3A_6 = arith.constant 16 : i32
    %sub3A_7 = arith.constant 1 : i32
    %sub3A_8 = arith.subi %sub3A_6, %sub3A_7 : i32
    %add3A = arith.addi %sub3A_5, %sub3A_8 : i32
    %div3A = arith.constant 16 : i32
    %div3A_9 = arith.divsi %add3A, %div3A : i32
    %while3A = arith.constant 16 : i32
    %while3A_10 = arith.constant 0 : i32
    %while3A_11 = arith.subi %div3A_9, %while3A_10 : i32
    %while3A_12 = arith.addi %while3A_10, %while3A_11 : i32
    %while3A_13 = arith.constant 1 : i32
    %while3A_14 = arith.divsi %while3A_11, %while3A_13 : i32
    %while3A_15 = arith.muli %while3A_14, %while3A_13 : i32
    %while3A_16 = arith.addi %while3A_10, %while3A_15 : i32
    %while3A_17 = arith.constant 1 : i32
    scf.for %while3A_43 = %while3A_10 to %while3A_16 step %while3A_17  : i32 {
      %mul3A = arith.muli %while3A_43, %while3A : i32
      %add3A_44 = arith.addi %arg1, %mul3A : i32
      %mul3A_45 = arith.constant 128 : i32
      %mul3A_46 = arith.muli %add3A_44, %mul3A_45 : i32
      "tpu.region"() ({
        %run_scoped3A = tpu.sem_alloc : memref<!tpu.dma_semaphore, #tpu.memory_space<semaphore_mem>>
        %dma_start3A = arith.constant 0 : i32
        %dma_start3A_47 = tpu.memref_slice %arg5[%mul3A_46, %dma_start3A] : memref<25088x16xf32, #tpu.memory_space<vmem_shared>> -> memref<128x16xf32, #tpu.memory_space<vmem_shared>>
        %dma_start3A_48 = arith.constant 0 : i32
        %dma_start3A_49 = tpu.memref_slice %arg5[%mul3A_46, %dma_start3A_48] : memref<25088x16xf32, #tpu.memory_space<vmem_shared>> -> memref<128x16xf32, #tpu.memory_space<vmem_shared>>
        tpu.enqueue_dma source(%arg10 : memref<128x16xf32, #tpu.memory_space<vmem>>) target(%dma_start3A_49 : memref<128x16xf32, #tpu.memory_space<vmem_shared>>) target_semaphore(%run_scoped3A : memref<!tpu.dma_semaphore, #tpu.memory_space<semaphore_mem>>)
        %dma_wait3A = arith.constant 0 : i32
        %dma_wait3A_50 = tpu.memref_slice %arg5[%mul3A_46, %dma_wait3A] : memref<25088x16xf32, #tpu.memory_space<vmem_shared>> -> memref<128x16xf32, #tpu.memory_space<vmem_shared>>
        %dma_wait3A_51 = arith.constant 0 : i32
        %dma_wait3A_52 = tpu.memref_slice %arg5[%mul3A_46, %dma_wait3A_51] : memref<25088x16xf32, #tpu.memory_space<vmem_shared>> -> memref<128x16xf32, #tpu.memory_space<vmem_shared>>
        tpu.wait_dma2 semaphore(%run_scoped3A : memref<!tpu.dma_semaphore, #tpu.memory_space<semaphore_mem>>) src(%arg10 : memref<128x16xf32, #tpu.memory_space<vmem>>) dst(%dma_wait3A_52 : memref<128x16xf32, #tpu.memory_space<vmem_shared>>)
        tpu.yield
      }) : () -> ()
    }
    %while3A_18 = arith.constant 1 : i32
    scf.for %while3A_43 = %while3A_16 to %while3A_12 step %while3A_18  : i32 {
      %mul3A = arith.muli %while3A_43, %while3A : i32
      %add3A_44 = arith.addi %arg1, %mul3A : i32
      %mul3A_45 = arith.constant 128 : i32
      %mul3A_46 = arith.muli %add3A_44, %mul3A_45 : i32
      "tpu.region"() ({
        %run_scoped3A = tpu.sem_alloc : memref<!tpu.dma_semaphore, #tpu.memory_space<semaphore_mem>>
        %dma_start3A = arith.constant 0 : i32
        %dma_start3A_47 = tpu.memref_slice %arg5[%mul3A_46, %dma_start3A] : memref<25088x16xf32, #tpu.memory_space<vmem_shared>> -> memref<128x16xf32, #tpu.memory_space<vmem_shared>>
        %dma_start3A_48 = arith.constant 0 : i32
        %dma_start3A_49 = tpu.memref_slice %arg5[%mul3A_46, %dma_start3A_48] : memref<25088x16xf32, #tpu.memory_space<vmem_shared>> -> memref<128x16xf32, #tpu.memory_space<vmem_shared>>
        tpu.enqueue_dma source(%arg10 : memref<128x16xf32, #tpu.memory_space<vmem>>) target(%dma_start3A_49 : memref<128x16xf32, #tpu.memory_space<vmem_shared>>) target_semaphore(%run_scoped3A : memref<!tpu.dma_semaphore, #tpu.memory_space<semaphore_mem>>)
        %dma_wait3A = arith.constant 0 : i32
        %dma_wait3A_50 = tpu.memref_slice %arg5[%mul3A_46, %dma_wait3A] : memref<25088x16xf32, #tpu.memory_space<vmem_shared>> -> memref<128x16xf32, #tpu.memory_space<vmem_shared>>
        %dma_wait3A_51 = arith.constant 0 : i32
        %dma_wait3A_52 = tpu.memref_slice %arg5[%mul3A_46, %dma_wait3A_51] : memref<25088x16xf32, #tpu.memory_space<vmem_shared>> -> memref<128x16xf32, #tpu.memory_space<vmem_shared>>
        tpu.wait_dma2 semaphore(%run_scoped3A : memref<!tpu.dma_semaphore, #tpu.memory_space<semaphore_mem>>) src(%arg10 : memref<128x16xf32, #tpu.memory_space<vmem>>) dst(%dma_wait3A_52 : memref<128x16xf32, #tpu.memory_space<vmem_shared>>)
        tpu.yield
      }) : () -> ()
    }
    %barrier3A = arith.constant 0 : index
    tpu.barrier barrier_id(%barrier3A)
    %scan3A_19 = arith.constant 0 : i32
    %scan3A_20 = arith.constant 392 : i32
    %scan3A_21 = arith.addi %scan3A_19, %scan3A_20 : i32
    %scan3A_22 = arith.constant 1 : i32
    scf.for %scan3A_43 = %scan3A_19 to %scan3A_21 step %scan3A_22  : i32 {
      %mul3A = arith.constant 1 : i32
      %mul3A_44 = arith.muli %scan3A_43, %mul3A : i32
      %add3A_45 = arith.constant 0 : i32
      %add3A_46 = arith.addi %add3A_45, %mul3A_44 : i32
      %mul3A_47 = arith.constant 2 : i32
      %mul3A_48 = arith.muli %mul3A_47, %add3A_46 : i32
      %mul3A_49 = arith.constant 2 : i32
      %mul3A_50 = arith.muli %mul3A_49, %add3A_46 : i32
      %add3A_51 = arith.constant 1 : i32
      %add3A_52 = arith.addi %mul3A_50, %add3A_51 : i32
      %mul3A_53 = arith.constant 16 : i32
      %mul3A_54 = arith.muli %mul3A_48, %mul3A_53 : i32
      %add3A_55 = arith.addi %arg1, %mul3A_54 : i32
      %mul3A_56 = arith.constant 128 : i32
      %mul3A_57 = arith.muli %add3A_55, %mul3A_56 : i32
      %dma_start3A = tpu.memref_slice %arg3[%mul3A_57] : memref<1605632xi32, #tpu.memory_space<hbm>> -> memref<128xi32, #tpu.memory_space<hbm>>
      %dma_start3A_58 = tpu.memref_slice %arg3[%mul3A_57] : memref<1605632xi32, #tpu.memory_space<hbm>> -> memref<128xi32, #tpu.memory_space<hbm>>
      tpu.enqueue_dma source(%dma_start3A_58 : memref<128xi32, #tpu.memory_space<hbm>>) target(%arg6 : memref<128xi32, #tpu.memory_space<vmem>>) target_semaphore(%arg12 : memref<!tpu.dma_semaphore, #tpu.memory_space<semaphore_mem>>)
      %mul3A_59 = arith.constant 16 : i32
      %mul3A_60 = arith.muli %mul3A_48, %mul3A_59 : i32
      %add3A_61 = arith.addi %arg1, %mul3A_60 : i32
      %mul3A_62 = arith.constant 128 : i32
      %mul3A_63 = arith.muli %add3A_61, %mul3A_62 : i32
      %dma_start3A_64 = arith.constant 0 : i32
      %dma_start3A_65 = tpu.memref_slice %arg2[%mul3A_63, %dma_start3A_64] : memref<1605632x16xf32, #tpu.memory_space<hbm>> -> memref<128x16xf32, #tpu.memory_space<hbm>>
      %dma_start3A_66 = arith.constant 0 : i32
      %dma_start3A_67 = tpu.memref_slice %arg2[%mul3A_63, %dma_start3A_66] : memref<1605632x16xf32, #tpu.memory_space<hbm>> -> memref<128x16xf32, #tpu.memory_space<hbm>>
      tpu.enqueue_dma source(%dma_start3A_67 : memref<128x16xf32, #tpu.memory_space<hbm>>) target(%arg10 : memref<128x16xf32, #tpu.memory_space<vmem>>) target_semaphore(%arg14 : memref<!tpu.dma_semaphore, #tpu.memory_space<semaphore_mem>>)
      %mul3A_68 = arith.constant 16 : i32
      %mul3A_69 = arith.muli %add3A_52, %mul3A_68 : i32
      %add3A_70 = arith.addi %arg1, %mul3A_69 : i32
      %mul3A_71 = arith.constant 128 : i32
      %mul3A_72 = arith.muli %add3A_70, %mul3A_71 : i32
      %dma_start3A_73 = tpu.memref_slice %arg3[%mul3A_72] : memref<1605632xi32, #tpu.memory_space<hbm>> -> memref<128xi32, #tpu.memory_space<hbm>>
      %dma_start3A_74 = tpu.memref_slice %arg3[%mul3A_72] : memref<1605632xi32, #tpu.memory_space<hbm>> -> memref<128xi32, #tpu.memory_space<hbm>>
      tpu.enqueue_dma source(%dma_start3A_74 : memref<128xi32, #tpu.memory_space<hbm>>) target(%arg7 : memref<128xi32, #tpu.memory_space<vmem>>) target_semaphore(%arg13 : memref<!tpu.dma_semaphore, #tpu.memory_space<semaphore_mem>>)
      %mul3A_75 = arith.constant 16 : i32
      %mul3A_76 = arith.muli %add3A_52, %mul3A_75 : i32
      %add3A_77 = arith.addi %arg1, %mul3A_76 : i32
      %mul3A_78 = arith.constant 128 : i32
      %mul3A_79 = arith.muli %add3A_77, %mul3A_78 : i32
      %dma_start3A_80 = arith.constant 0 : i32
      %dma_start3A_81 = tpu.memref_slice %arg2[%mul3A_79, %dma_start3A_80] : memref<1605632x16xf32, #tpu.memory_space<hbm>> -> memref<128x16xf32, #tpu.memory_space<hbm>>
      %dma_start3A_82 = arith.constant 0 : i32
      %dma_start3A_83 = tpu.memref_slice %arg2[%mul3A_79, %dma_start3A_82] : memref<1605632x16xf32, #tpu.memory_space<hbm>> -> memref<128x16xf32, #tpu.memory_space<hbm>>
      tpu.enqueue_dma source(%dma_start3A_83 : memref<128x16xf32, #tpu.memory_space<hbm>>) target(%arg11 : memref<128x16xf32, #tpu.memory_space<vmem>>) target_semaphore(%arg15 : memref<!tpu.dma_semaphore, #tpu.memory_space<semaphore_mem>>)
      %dma_wait3A = tpu.memref_slice %arg3[%mul3A_57] : memref<1605632xi32, #tpu.memory_space<hbm>> -> memref<128xi32, #tpu.memory_space<hbm>>
      %dma_wait3A_84 = tpu.memref_slice %arg3[%mul3A_57] : memref<1605632xi32, #tpu.memory_space<hbm>> -> memref<128xi32, #tpu.memory_space<hbm>>
      tpu.wait_dma2 semaphore(%arg12 : memref<!tpu.dma_semaphore, #tpu.memory_space<semaphore_mem>>) src(%dma_wait3A_84 : memref<128xi32, #tpu.memory_space<hbm>>) dst(%arg6 : memref<128xi32, #tpu.memory_space<vmem>>)
      %dma_wait3A_85 = arith.constant 0 : i32
      %dma_wait3A_86 = tpu.memref_slice %arg2[%mul3A_63, %dma_wait3A_85] : memref<1605632x16xf32, #tpu.memory_space<hbm>> -> memref<128x16xf32, #tpu.memory_space<hbm>>
      %dma_wait3A_87 = arith.constant 0 : i32
      %dma_wait3A_88 = tpu.memref_slice %arg2[%mul3A_63, %dma_wait3A_87] : memref<1605632x16xf32, #tpu.memory_space<hbm>> -> memref<128x16xf32, #tpu.memory_space<hbm>>
      tpu.wait_dma2 semaphore(%arg14 : memref<!tpu.dma_semaphore, #tpu.memory_space<semaphore_mem>>) src(%dma_wait3A_88 : memref<128x16xf32, #tpu.memory_space<hbm>>) dst(%arg10 : memref<128x16xf32, #tpu.memory_space<vmem>>)
      %mul3A_89 = arith.constant 25000 : i32
      %mul3A_90 = arith.muli %arg0, %mul3A_89 : i32
      %get3A = arith.constant 0 : index
      %get3A_91 = tpu.vector_load %arg6[%get3A] {strides = array<i32>} : memref<128xi32, #tpu.memory_space<vmem>>, vector<16xi32>,
      %get3A_92 = vector.shape_cast %get3A_91 : vector<16xi32> to vector<16xi32>
      %sub3A_93 = vector.broadcast %mul3A_90 : i32 to vector<16xi32>
      %sub3A_94 = arith.subi %get3A_92, %sub3A_93 : vector<16xi32>
      %ge3A = arith.constant 0 : i32
      %ge3A_95 = vector.broadcast %ge3A : i32 to vector<16xi32>
      %ge3A_96 = arith.cmpi sge, %sub3A_94, %ge3A_95 : vector<16xi32>
      %lt3A = arith.constant 25000 : i32
      %lt3A_97 = vector.broadcast %lt3A : i32 to vector<16xi32>
      %lt3A_98 = arith.cmpi slt, %sub3A_94, %lt3A_97 : vector<16xi32>
      %and3A = arith.andi %ge3A_96, %lt3A_98 : vector<16xi1>
      %jit3A = arith.constant 25000 : i32
      %broadcast_in_dim3A_99 = vector.broadcast %jit3A : i32 to vector<16xi32>
      %select_n3A = arith.select %and3A, %sub3A_94, %broadcast_in_dim3A_99 : vector<16xi1>, vector<16xi32>
      %swap3A = arith.constant 0 : index
      %swap3A_100 = tpu.vector_load %arg8[%swap3A] {strides = array<i32>} : memref<128xi32, #tpu.memory_space<vmem>>, vector<16xi32>,
      %swap3A_101 = vector.shape_cast %swap3A_100 : vector<16xi32> to vector<16xi32>
      %swap3A_102 = vector.shape_cast %select_n3A : vector<16xi32> to vector<16xi32>
      tpu.vector_store %arg8[%swap3A], %swap3A_102 {strides = array<i32>} : memref<128xi32, #tpu.memory_space<vmem>>, vector<16xi32>,
      %get3A_103 = arith.constant 16 : index
      %get3A_104 = tpu.vector_load %arg6[%get3A_103] {strides = array<i32>} : memref<128xi32, #tpu.memory_space<vmem>>, vector<16xi32>,
      %get3A_105 = vector.shape_cast %get3A_104 : vector<16xi32> to vector<16xi32>
      %sub3A_106 = vector.broadcast %mul3A_90 : i32 to vector<16xi32>
      %sub3A_107 = arith.subi %get3A_105, %sub3A_106 : vector<16xi32>
      %ge3A_108 = arith.constant 0 : i32
      %ge3A_109 = vector.broadcast %ge3A_108 : i32 to vector<16xi32>
      %ge3A_110 = arith.cmpi sge, %sub3A_107, %ge3A_109 : vector<16xi32>
      %lt3A_111 = arith.constant 25000 : i32
      %lt3A_112 = vector.broadcast %lt3A_111 : i32 to vector<16xi32>
      %lt3A_113 = arith.cmpi slt, %sub3A_107, %lt3A_112 : vector<16xi32>
      %and3A_114 = arith.andi %ge3A_110, %lt3A_113 : vector<16xi1>
      %jit3A_115 = arith.constant 25000 : i32
      %broadcast_in_dim3A_116 = vector.broadcast %jit3A_115 : i32 to vector<16xi32>
      %select_n3A_117 = arith.select %and3A_114, %sub3A_107, %broadcast_in_dim3A_116 : vector<16xi1>, vector<16xi32>
      %swap3A_118 = arith.constant 16 : index
      %swap3A_119 = tpu.vector_load %arg8[%swap3A_118] {strides = array<i32>} : memref<128xi32, #tpu.memory_space<vmem>>, vector<16xi32>,
      %swap3A_120 = vector.shape_cast %swap3A_119 : vector<16xi32> to vector<16xi32>
      %swap3A_121 = vector.shape_cast %select_n3A_117 : vector<16xi32> to vector<16xi32>
      tpu.vector_store %arg8[%swap3A_118], %swap3A_121 {strides = array<i32>} : memref<128xi32, #tpu.memory_space<vmem>>, vector<16xi32>,
      %get3A_122 = arith.constant 32 : index
      %get3A_123 = tpu.vector_load %arg6[%get3A_122] {strides = array<i32>} : memref<128xi32, #tpu.memory_space<vmem>>, vector<16xi32>,
      %get3A_124 = vector.shape_cast %get3A_123 : vector<16xi32> to vector<16xi32>
      %sub3A_125 = vector.broadcast %mul3A_90 : i32 to vector<16xi32>
      %sub3A_126 = arith.subi %get3A_124, %sub3A_125 : vector<16xi32>
      %ge3A_127 = arith.constant 0 : i32
      %ge3A_128 = vector.broadcast %ge3A_127 : i32 to vector<16xi32>
      %ge3A_129 = arith.cmpi sge, %sub3A_126, %ge3A_128 : vector<16xi32>
      %lt3A_130 = arith.constant 25000 : i32
      %lt3A_131 = vector.broadcast %lt3A_130 : i32 to vector<16xi32>
      %lt3A_132 = arith.cmpi slt, %sub3A_126, %lt3A_131 : vector<16xi32>
      %and3A_133 = arith.andi %ge3A_129, %lt3A_132 : vector<16xi1>
      %jit3A_134 = arith.constant 25000 : i32
      %broadcast_in_dim3A_135 = vector.broadcast %jit3A_134 : i32 to vector<16xi32>
      %select_n3A_136 = arith.select %and3A_133, %sub3A_126, %broadcast_in_dim3A_135 : vector<16xi1>, vector<16xi32>
      %swap3A_137 = arith.constant 32 : index
      %swap3A_138 = tpu.vector_load %arg8[%swap3A_137] {strides = array<i32>} : memref<128xi32, #tpu.memory_space<vmem>>, vector<16xi32>,
      %swap3A_139 = vector.shape_cast %swap3A_138 : vector<16xi32> to vector<16xi32>
      %swap3A_140 = vector.shape_cast %select_n3A_136 : vector<16xi32> to vector<16xi32>
      tpu.vector_store %arg8[%swap3A_137], %swap3A_140 {strides = array<i32>} : memref<128xi32, #tpu.memory_space<vmem>>, vector<16xi32>,
      %get3A_141 = arith.constant 48 : index
      %get3A_142 = tpu.vector_load %arg6[%get3A_141] {strides = array<i32>} : memref<128xi32, #tpu.memory_space<vmem>>, vector<16xi32>,
      %get3A_143 = vector.shape_cast %get3A_142 : vector<16xi32> to vector<16xi32>
      %sub3A_144 = vector.broadcast %mul3A_90 : i32 to vector<16xi32>
      %sub3A_145 = arith.subi %get3A_143, %sub3A_144 : vector<16xi32>
      %ge3A_146 = arith.constant 0 : i32
      %ge3A_147 = vector.broadcast %ge3A_146 : i32 to vector<16xi32>
      %ge3A_148 = arith.cmpi sge, %sub3A_145, %ge3A_147 : vector<16xi32>
      %lt3A_149 = arith.constant 25000 : i32
      %lt3A_150 = vector.broadcast %lt3A_149 : i32 to vector<16xi32>
      %lt3A_151 = arith.cmpi slt, %sub3A_145, %lt3A_150 : vector<16xi32>
      %and3A_152 = arith.andi %ge3A_148, %lt3A_151 : vector<16xi1>
      %jit3A_153 = arith.constant 25000 : i32
      %broadcast_in_dim3A_154 = vector.broadcast %jit3A_153 : i32 to vector<16xi32>
      %select_n3A_155 = arith.select %and3A_152, %sub3A_145, %broadcast_in_dim3A_154 : vector<16xi1>, vector<16xi32>
      %swap3A_156 = arith.constant 48 : index
      %swap3A_157 = tpu.vector_load %arg8[%swap3A_156] {strides = array<i32>} : memref<128xi32, #tpu.memory_space<vmem>>, vector<16xi32>,
      %swap3A_158 = vector.shape_cast %swap3A_157 : vector<16xi32> to vector<16xi32>
      %swap3A_159 = vector.shape_cast %select_n3A_155 : vector<16xi32> to vector<16xi32>
      tpu.vector_store %arg8[%swap3A_156], %swap3A_159 {strides = array<i32>} : memref<128xi32, #tpu.memory_space<vmem>>, vector<16xi32>,
      %get3A_160 = arith.constant 64 : index
      %get3A_161 = tpu.vector_load %arg6[%get3A_160] {strides = array<i32>} : memref<128xi32, #tpu.memory_space<vmem>>, vector<16xi32>,
      %get3A_162 = vector.shape_cast %get3A_161 : vector<16xi32> to vector<16xi32>
      %sub3A_163 = vector.broadcast %mul3A_90 : i32 to vector<16xi32>
      %sub3A_164 = arith.subi %get3A_162, %sub3A_163 : vector<16xi32>
      %ge3A_165 = arith.constant 0 : i32
      %ge3A_166 = vector.broadcast %ge3A_165 : i32 to vector<16xi32>
      %ge3A_167 = arith.cmpi sge, %sub3A_164, %ge3A_166 : vector<16xi32>
      %lt3A_168 = arith.constant 25000 : i32
      %lt3A_169 = vector.broadcast %lt3A_168 : i32 to vector<16xi32>
      %lt3A_170 = arith.cmpi slt, %sub3A_164, %lt3A_169 : vector<16xi32>
      %and3A_171 = arith.andi %ge3A_167, %lt3A_170 : vector<16xi1>
      %jit3A_172 = arith.constant 25000 : i32
      %broadcast_in_dim3A_173 = vector.broadcast %jit3A_172 : i32 to vector<16xi32>
      %select_n3A_174 = arith.select %and3A_171, %sub3A_164, %broadcast_in_dim3A_173 : vector<16xi1>, vector<16xi32>
      %swap3A_175 = arith.constant 64 : index
      %swap3A_176 = tpu.vector_load %arg8[%swap3A_175] {strides = array<i32>} : memref<128xi32, #tpu.memory_space<vmem>>, vector<16xi32>,
      %swap3A_177 = vector.shape_cast %swap3A_176 : vector<16xi32> to vector<16xi32>
      %swap3A_178 = vector.shape_cast %select_n3A_174 : vector<16xi32> to vector<16xi32>
      tpu.vector_store %arg8[%swap3A_175], %swap3A_178 {strides = array<i32>} : memref<128xi32, #tpu.memory_space<vmem>>, vector<16xi32>,
      %get3A_179 = arith.constant 80 : index
      %get3A_180 = tpu.vector_load %arg6[%get3A_179] {strides = array<i32>} : memref<128xi32, #tpu.memory_space<vmem>>, vector<16xi32>,
      %get3A_181 = vector.shape_cast %get3A_180 : vector<16xi32> to vector<16xi32>
      %sub3A_182 = vector.broadcast %mul3A_90 : i32 to vector<16xi32>
      %sub3A_183 = arith.subi %get3A_181, %sub3A_182 : vector<16xi32>
      %ge3A_184 = arith.constant 0 : i32
      %ge3A_185 = vector.broadcast %ge3A_184 : i32 to vector<16xi32>
      %ge3A_186 = arith.cmpi sge, %sub3A_183, %ge3A_185 : vector<16xi32>
      %lt3A_187 = arith.constant 25000 : i32
      %lt3A_188 = vector.broadcast %lt3A_187 : i32 to vector<16xi32>
      %lt3A_189 = arith.cmpi slt, %sub3A_183, %lt3A_188 : vector<16xi32>
      %and3A_190 = arith.andi %ge3A_186, %lt3A_189 : vector<16xi1>
      %jit3A_191 = arith.constant 25000 : i32
      %broadcast_in_dim3A_192 = vector.broadcast %jit3A_191 : i32 to vector<16xi32>
      %select_n3A_193 = arith.select %and3A_190, %sub3A_183, %broadcast_in_dim3A_192 : vector<16xi1>, vector<16xi32>
      %swap3A_194 = arith.constant 80 : index
      %swap3A_195 = tpu.vector_load %arg8[%swap3A_194] {strides = array<i32>} : memref<128xi32, #tpu.memory_space<vmem>>, vector<16xi32>,
      %swap3A_196 = vector.shape_cast %swap3A_195 : vector<16xi32> to vector<16xi32>
      %swap3A_197 = vector.shape_cast %select_n3A_193 : vector<16xi32> to vector<16xi32>
      tpu.vector_store %arg8[%swap3A_194], %swap3A_197 {strides = array<i32>} : memref<128xi32, #tpu.memory_space<vmem>>, vector<16xi32>,
      %get3A_198 = arith.constant 96 : index
      %get3A_199 = tpu.vector_load %arg6[%get3A_198] {strides = array<i32>} : memref<128xi32, #tpu.memory_space<vmem>>, vector<16xi32>,
      %get3A_200 = vector.shape_cast %get3A_199 : vector<16xi32> to vector<16xi32>
      %sub3A_201 = vector.broadcast %mul3A_90 : i32 to vector<16xi32>
      %sub3A_202 = arith.subi %get3A_200, %sub3A_201 : vector<16xi32>
      %ge3A_203 = arith.constant 0 : i32
      %ge3A_204 = vector.broadcast %ge3A_203 : i32 to vector<16xi32>
      %ge3A_205 = arith.cmpi sge, %sub3A_202, %ge3A_204 : vector<16xi32>
      %lt3A_206 = arith.constant 25000 : i32
      %lt3A_207 = vector.broadcast %lt3A_206 : i32 to vector<16xi32>
      %lt3A_208 = arith.cmpi slt, %sub3A_202, %lt3A_207 : vector<16xi32>
      %and3A_209 = arith.andi %ge3A_205, %lt3A_208 : vector<16xi1>
      %jit3A_210 = arith.constant 25000 : i32
      %broadcast_in_dim3A_211 = vector.broadcast %jit3A_210 : i32 to vector<16xi32>
      %select_n3A_212 = arith.select %and3A_209, %sub3A_202, %broadcast_in_dim3A_211 : vector<16xi1>, vector<16xi32>
      %swap3A_213 = arith.constant 96 : index
      %swap3A_214 = tpu.vector_load %arg8[%swap3A_213] {strides = array<i32>} : memref<128xi32, #tpu.memory_space<vmem>>, vector<16xi32>,
      %swap3A_215 = vector.shape_cast %swap3A_214 : vector<16xi32> to vector<16xi32>
      %swap3A_216 = vector.shape_cast %select_n3A_212 : vector<16xi32> to vector<16xi32>
      tpu.vector_store %arg8[%swap3A_213], %swap3A_216 {strides = array<i32>} : memref<128xi32, #tpu.memory_space<vmem>>, vector<16xi32>,
      %get3A_217 = arith.constant 112 : index
      %get3A_218 = tpu.vector_load %arg6[%get3A_217] {strides = array<i32>} : memref<128xi32, #tpu.memory_space<vmem>>, vector<16xi32>,
      %get3A_219 = vector.shape_cast %get3A_218 : vector<16xi32> to vector<16xi32>
      %sub3A_220 = vector.broadcast %mul3A_90 : i32 to vector<16xi32>
      %sub3A_221 = arith.subi %get3A_219, %sub3A_220 : vector<16xi32>
      %ge3A_222 = arith.constant 0 : i32
      %ge3A_223 = vector.broadcast %ge3A_222 : i32 to vector<16xi32>
      %ge3A_224 = arith.cmpi sge, %sub3A_221, %ge3A_223 : vector<16xi32>
      %lt3A_225 = arith.constant 25000 : i32
      %lt3A_226 = vector.broadcast %lt3A_225 : i32 to vector<16xi32>
      %lt3A_227 = arith.cmpi slt, %sub3A_221, %lt3A_226 : vector<16xi32>
      %and3A_228 = arith.andi %ge3A_224, %lt3A_227 : vector<16xi1>
      %jit3A_229 = arith.constant 25000 : i32
      %broadcast_in_dim3A_230 = vector.broadcast %jit3A_229 : i32 to vector<16xi32>
      %select_n3A_231 = arith.select %and3A_228, %sub3A_221, %broadcast_in_dim3A_230 : vector<16xi1>, vector<16xi32>
      %swap3A_232 = arith.constant 112 : index
      %swap3A_233 = tpu.vector_load %arg8[%swap3A_232] {strides = array<i32>} : memref<128xi32, #tpu.memory_space<vmem>>, vector<16xi32>,
      %swap3A_234 = vector.shape_cast %swap3A_233 : vector<16xi32> to vector<16xi32>
      %swap3A_235 = vector.shape_cast %select_n3A_231 : vector<16xi32> to vector<16xi32>
      tpu.vector_store %arg8[%swap3A_232], %swap3A_235 {strides = array<i32>} : memref<128xi32, #tpu.memory_space<vmem>>, vector<16xi32>,
      "tpu.region"() ({
        %run_scoped3A = tpu.sem_alloc : memref<!tpu.dma_semaphore, #tpu.memory_space<semaphore_mem>>
        %dma_start3A_396 = arith.constant 0 : i32
        %dma_start3A_397 = arith.constant 0 : i32
        %dma_start3A_398 = tpu.memref_slice %arg5[%dma_start3A_396, %dma_start3A_397] : memref<25088x16xf32, #tpu.memory_space<vmem_shared>> -> memref<25088x16xf32, #tpu.memory_space<vmem_shared>>
        tpu.enqueue_indirect_dma source(%arg10 : memref<128x16xf32, #tpu.memory_space<vmem>>) target(%dma_start3A_398 : memref<25088x16xf32, #tpu.memory_space<vmem_shared>>) offsets(%arg8 : memref<128xi32, #tpu.memory_space<vmem>>) semaphore(%run_scoped3A : memref<!tpu.dma_semaphore, #tpu.memory_space<semaphore_mem>>) {add = true}
        %dma_wait3A_399 = arith.constant 0 : i32
        %dma_wait3A_400 = arith.constant 0 : i32
        %dma_wait3A_401 = tpu.memref_slice %arg5[%dma_wait3A_399, %dma_wait3A_400] : memref<25088x16xf32, #tpu.memory_space<vmem_shared>> -> memref<25088x16xf32, #tpu.memory_space<vmem_shared>>
        tpu.wait_indirect_dma semaphore(%run_scoped3A : memref<!tpu.dma_semaphore, #tpu.memory_space<semaphore_mem>>) src(%arg10 : memref<128x16xf32, #tpu.memory_space<vmem>>) dst(%dma_wait3A_401 : memref<25088x16xf32, #tpu.memory_space<vmem_shared>>)
        tpu.yield
      }) : () -> ()
      %dma_wait3A_236 = tpu.memref_slice %arg3[%mul3A_72] : memref<1605632xi32, #tpu.memory_space<hbm>> -> memref<128xi32, #tpu.memory_space<hbm>>
      %dma_wait3A_237 = tpu.memref_slice %arg3[%mul3A_72] : memref<1605632xi32, #tpu.memory_space<hbm>> -> memref<128xi32, #tpu.memory_space<hbm>>
      tpu.wait_dma2 semaphore(%arg13 : memref<!tpu.dma_semaphore, #tpu.memory_space<semaphore_mem>>) src(%dma_wait3A_237 : memref<128xi32, #tpu.memory_space<hbm>>) dst(%arg7 : memref<128xi32, #tpu.memory_space<vmem>>)
      %dma_wait3A_238 = arith.constant 0 : i32
      %dma_wait3A_239 = tpu.memref_slice %arg2[%mul3A_79, %dma_wait3A_238] : memref<1605632x16xf32, #tpu.memory_space<hbm>> -> memref<128x16xf32, #tpu.memory_space<hbm>>
      %dma_wait3A_240 = arith.constant 0 : i32
      %dma_wait3A_241 = tpu.memref_slice %arg2[%mul3A_79, %dma_wait3A_240] : memref<1605632x16xf32, #tpu.memory_space<hbm>> -> memref<128x16xf32, #tpu.memory_space<hbm>>
      tpu.wait_dma2 semaphore(%arg15 : memref<!tpu.dma_semaphore, #tpu.memory_space<semaphore_mem>>) src(%dma_wait3A_241 : memref<128x16xf32, #tpu.memory_space<hbm>>) dst(%arg11 : memref<128x16xf32, #tpu.memory_space<vmem>>)
      %mul3A_242 = arith.constant 25000 : i32
      %mul3A_243 = arith.muli %arg0, %mul3A_242 : i32
      %get3A_244 = arith.constant 0 : index
      %get3A_245 = tpu.vector_load %arg7[%get3A_244] {strides = array<i32>} : memref<128xi32, #tpu.memory_space<vmem>>, vector<16xi32>,
      %get3A_246 = vector.shape_cast %get3A_245 : vector<16xi32> to vector<16xi32>
      %sub3A_247 = vector.broadcast %mul3A_243 : i32 to vector<16xi32>
      %sub3A_248 = arith.subi %get3A_246, %sub3A_247 : vector<16xi32>
      %ge3A_249 = arith.constant 0 : i32
      %ge3A_250 = vector.broadcast %ge3A_249 : i32 to vector<16xi32>
      %ge3A_251 = arith.cmpi sge, %sub3A_248, %ge3A_250 : vector<16xi32>
      %lt3A_252 = arith.constant 25000 : i32
      %lt3A_253 = vector.broadcast %lt3A_252 : i32 to vector<16xi32>
      %lt3A_254 = arith.cmpi slt, %sub3A_248, %lt3A_253 : vector<16xi32>
      %and3A_255 = arith.andi %ge3A_251, %lt3A_254 : vector<16xi1>
      %jit3A_256 = arith.constant 25000 : i32
      %broadcast_in_dim3A_257 = vector.broadcast %jit3A_256 : i32 to vector<16xi32>
      %select_n3A_258 = arith.select %and3A_255, %sub3A_248, %broadcast_in_dim3A_257 : vector<16xi1>, vector<16xi32>
      %swap3A_259 = arith.constant 0 : index
      %swap3A_260 = tpu.vector_load %arg9[%swap3A_259] {strides = array<i32>} : memref<128xi32, #tpu.memory_space<vmem>>, vector<16xi32>,
      %swap3A_261 = vector.shape_cast %swap3A_260 : vector<16xi32> to vector<16xi32>
      %swap3A_262 = vector.shape_cast %select_n3A_258 : vector<16xi32> to vector<16xi32>
      tpu.vector_store %arg9[%swap3A_259], %swap3A_262 {strides = array<i32>} : memref<128xi32, #tpu.memory_space<vmem>>, vector<16xi32>,
      %get3A_263 = arith.constant 16 : index
      %get3A_264 = tpu.vector_load %arg7[%get3A_263] {strides = array<i32>} : memref<128xi32, #tpu.memory_space<vmem>>, vector<16xi32>,
      %get3A_265 = vector.shape_cast %get3A_264 : vector<16xi32> to vector<16xi32>
      %sub3A_266 = vector.broadcast %mul3A_243 : i32 to vector<16xi32>
      %sub3A_267 = arith.subi %get3A_265, %sub3A_266 : vector<16xi32>
      %ge3A_268 = arith.constant 0 : i32
      %ge3A_269 = vector.broadcast %ge3A_268 : i32 to vector<16xi32>
      %ge3A_270 = arith.cmpi sge, %sub3A_267, %ge3A_269 : vector<16xi32>
      %lt3A_271 = arith.constant 25000 : i32
      %lt3A_272 = vector.broadcast %lt3A_271 : i32 to vector<16xi32>
      %lt3A_273 = arith.cmpi slt, %sub3A_267, %lt3A_272 : vector<16xi32>
      %and3A_274 = arith.andi %ge3A_270, %lt3A_273 : vector<16xi1>
      %jit3A_275 = arith.constant 25000 : i32
      %broadcast_in_dim3A_276 = vector.broadcast %jit3A_275 : i32 to vector<16xi32>
      %select_n3A_277 = arith.select %and3A_274, %sub3A_267, %broadcast_in_dim3A_276 : vector<16xi1>, vector<16xi32>
      %swap3A_278 = arith.constant 16 : index
      %swap3A_279 = tpu.vector_load %arg9[%swap3A_278] {strides = array<i32>} : memref<128xi32, #tpu.memory_space<vmem>>, vector<16xi32>,
      %swap3A_280 = vector.shape_cast %swap3A_279 : vector<16xi32> to vector<16xi32>
      %swap3A_281 = vector.shape_cast %select_n3A_277 : vector<16xi32> to vector<16xi32>
      tpu.vector_store %arg9[%swap3A_278], %swap3A_281 {strides = array<i32>} : memref<128xi32, #tpu.memory_space<vmem>>, vector<16xi32>,
      %get3A_282 = arith.constant 32 : index
      %get3A_283 = tpu.vector_load %arg7[%get3A_282] {strides = array<i32>} : memref<128xi32, #tpu.memory_space<vmem>>, vector<16xi32>,
      %get3A_284 = vector.shape_cast %get3A_283 : vector<16xi32> to vector<16xi32>
      %sub3A_285 = vector.broadcast %mul3A_243 : i32 to vector<16xi32>
      %sub3A_286 = arith.subi %get3A_284, %sub3A_285 : vector<16xi32>
      %ge3A_287 = arith.constant 0 : i32
      %ge3A_288 = vector.broadcast %ge3A_287 : i32 to vector<16xi32>
      %ge3A_289 = arith.cmpi sge, %sub3A_286, %ge3A_288 : vector<16xi32>
      %lt3A_290 = arith.constant 25000 : i32
      %lt3A_291 = vector.broadcast %lt3A_290 : i32 to vector<16xi32>
      %lt3A_292 = arith.cmpi slt, %sub3A_286, %lt3A_291 : vector<16xi32>
      %and3A_293 = arith.andi %ge3A_289, %lt3A_292 : vector<16xi1>
      %jit3A_294 = arith.constant 25000 : i32
      %broadcast_in_dim3A_295 = vector.broadcast %jit3A_294 : i32 to vector<16xi32>
      %select_n3A_296 = arith.select %and3A_293, %sub3A_286, %broadcast_in_dim3A_295 : vector<16xi1>, vector<16xi32>
      %swap3A_297 = arith.constant 32 : index
      %swap3A_298 = tpu.vector_load %arg9[%swap3A_297] {strides = array<i32>} : memref<128xi32, #tpu.memory_space<vmem>>, vector<16xi32>,
      %swap3A_299 = vector.shape_cast %swap3A_298 : vector<16xi32> to vector<16xi32>
      %swap3A_300 = vector.shape_cast %select_n3A_296 : vector<16xi32> to vector<16xi32>
      tpu.vector_store %arg9[%swap3A_297], %swap3A_300 {strides = array<i32>} : memref<128xi32, #tpu.memory_space<vmem>>, vector<16xi32>,
      %get3A_301 = arith.constant 48 : index
      %get3A_302 = tpu.vector_load %arg7[%get3A_301] {strides = array<i32>} : memref<128xi32, #tpu.memory_space<vmem>>, vector<16xi32>,
      %get3A_303 = vector.shape_cast %get3A_302 : vector<16xi32> to vector<16xi32>
      %sub3A_304 = vector.broadcast %mul3A_243 : i32 to vector<16xi32>
      %sub3A_305 = arith.subi %get3A_303, %sub3A_304 : vector<16xi32>
      %ge3A_306 = arith.constant 0 : i32
      %ge3A_307 = vector.broadcast %ge3A_306 : i32 to vector<16xi32>
      %ge3A_308 = arith.cmpi sge, %sub3A_305, %ge3A_307 : vector<16xi32>
      %lt3A_309 = arith.constant 25000 : i32
      %lt3A_310 = vector.broadcast %lt3A_309 : i32 to vector<16xi32>
      %lt3A_311 = arith.cmpi slt, %sub3A_305, %lt3A_310 : vector<16xi32>
      %and3A_312 = arith.andi %ge3A_308, %lt3A_311 : vector<16xi1>
      %jit3A_313 = arith.constant 25000 : i32
      %broadcast_in_dim3A_314 = vector.broadcast %jit3A_313 : i32 to vector<16xi32>
      %select_n3A_315 = arith.select %and3A_312, %sub3A_305, %broadcast_in_dim3A_314 : vector<16xi1>, vector<16xi32>
      %swap3A_316 = arith.constant 48 : index
      %swap3A_317 = tpu.vector_load %arg9[%swap3A_316] {strides = array<i32>} : memref<128xi32, #tpu.memory_space<vmem>>, vector<16xi32>,
      %swap3A_318 = vector.shape_cast %swap3A_317 : vector<16xi32> to vector<16xi32>
      %swap3A_319 = vector.shape_cast %select_n3A_315 : vector<16xi32> to vector<16xi32>
      tpu.vector_store %arg9[%swap3A_316], %swap3A_319 {strides = array<i32>} : memref<128xi32, #tpu.memory_space<vmem>>, vector<16xi32>,
      %get3A_320 = arith.constant 64 : index
      %get3A_321 = tpu.vector_load %arg7[%get3A_320] {strides = array<i32>} : memref<128xi32, #tpu.memory_space<vmem>>, vector<16xi32>,
      %get3A_322 = vector.shape_cast %get3A_321 : vector<16xi32> to vector<16xi32>
      %sub3A_323 = vector.broadcast %mul3A_243 : i32 to vector<16xi32>
      %sub3A_324 = arith.subi %get3A_322, %sub3A_323 : vector<16xi32>
      %ge3A_325 = arith.constant 0 : i32
      %ge3A_326 = vector.broadcast %ge3A_325 : i32 to vector<16xi32>
      %ge3A_327 = arith.cmpi sge, %sub3A_324, %ge3A_326 : vector<16xi32>
      %lt3A_328 = arith.constant 25000 : i32
      %lt3A_329 = vector.broadcast %lt3A_328 : i32 to vector<16xi32>
      %lt3A_330 = arith.cmpi slt, %sub3A_324, %lt3A_329 : vector<16xi32>
      %and3A_331 = arith.andi %ge3A_327, %lt3A_330 : vector<16xi1>
      %jit3A_332 = arith.constant 25000 : i32
      %broadcast_in_dim3A_333 = vector.broadcast %jit3A_332 : i32 to vector<16xi32>
      %select_n3A_334 = arith.select %and3A_331, %sub3A_324, %broadcast_in_dim3A_333 : vector<16xi1>, vector<16xi32>
      %swap3A_335 = arith.constant 64 : index
      %swap3A_336 = tpu.vector_load %arg9[%swap3A_335] {strides = array<i32>} : memref<128xi32, #tpu.memory_space<vmem>>, vector<16xi32>,
      %swap3A_337 = vector.shape_cast %swap3A_336 : vector<16xi32> to vector<16xi32>
      %swap3A_338 = vector.shape_cast %select_n3A_334 : vector<16xi32> to vector<16xi32>
      tpu.vector_store %arg9[%swap3A_335], %swap3A_338 {strides = array<i32>} : memref<128xi32, #tpu.memory_space<vmem>>, vector<16xi32>,
      %get3A_339 = arith.constant 80 : index
      %get3A_340 = tpu.vector_load %arg7[%get3A_339] {strides = array<i32>} : memref<128xi32, #tpu.memory_space<vmem>>, vector<16xi32>,
      %get3A_341 = vector.shape_cast %get3A_340 : vector<16xi32> to vector<16xi32>
      %sub3A_342 = vector.broadcast %mul3A_243 : i32 to vector<16xi32>
      %sub3A_343 = arith.subi %get3A_341, %sub3A_342 : vector<16xi32>
      %ge3A_344 = arith.constant 0 : i32
      %ge3A_345 = vector.broadcast %ge3A_344 : i32 to vector<16xi32>
      %ge3A_346 = arith.cmpi sge, %sub3A_343, %ge3A_345 : vector<16xi32>
      %lt3A_347 = arith.constant 25000 : i32
      %lt3A_348 = vector.broadcast %lt3A_347 : i32 to vector<16xi32>
      %lt3A_349 = arith.cmpi slt, %sub3A_343, %lt3A_348 : vector<16xi32>
      %and3A_350 = arith.andi %ge3A_346, %lt3A_349 : vector<16xi1>
      %jit3A_351 = arith.constant 25000 : i32
      %broadcast_in_dim3A_352 = vector.broadcast %jit3A_351 : i32 to vector<16xi32>
      %select_n3A_353 = arith.select %and3A_350, %sub3A_343, %broadcast_in_dim3A_352 : vector<16xi1>, vector<16xi32>
      %swap3A_354 = arith.constant 80 : index
      %swap3A_355 = tpu.vector_load %arg9[%swap3A_354] {strides = array<i32>} : memref<128xi32, #tpu.memory_space<vmem>>, vector<16xi32>,
      %swap3A_356 = vector.shape_cast %swap3A_355 : vector<16xi32> to vector<16xi32>
      %swap3A_357 = vector.shape_cast %select_n3A_353 : vector<16xi32> to vector<16xi32>
      tpu.vector_store %arg9[%swap3A_354], %swap3A_357 {strides = array<i32>} : memref<128xi32, #tpu.memory_space<vmem>>, vector<16xi32>,
      %get3A_358 = arith.constant 96 : index
      %get3A_359 = tpu.vector_load %arg7[%get3A_358] {strides = array<i32>} : memref<128xi32, #tpu.memory_space<vmem>>, vector<16xi32>,
      %get3A_360 = vector.shape_cast %get3A_359 : vector<16xi32> to vector<16xi32>
      %sub3A_361 = vector.broadcast %mul3A_243 : i32 to vector<16xi32>
      %sub3A_362 = arith.subi %get3A_360, %sub3A_361 : vector<16xi32>
      %ge3A_363 = arith.constant 0 : i32
      %ge3A_364 = vector.broadcast %ge3A_363 : i32 to vector<16xi32>
      %ge3A_365 = arith.cmpi sge, %sub3A_362, %ge3A_364 : vector<16xi32>
      %lt3A_366 = arith.constant 25000 : i32
      %lt3A_367 = vector.broadcast %lt3A_366 : i32 to vector<16xi32>
      %lt3A_368 = arith.cmpi slt, %sub3A_362, %lt3A_367 : vector<16xi32>
      %and3A_369 = arith.andi %ge3A_365, %lt3A_368 : vector<16xi1>
      %jit3A_370 = arith.constant 25000 : i32
      %broadcast_in_dim3A_371 = vector.broadcast %jit3A_370 : i32 to vector<16xi32>
      %select_n3A_372 = arith.select %and3A_369, %sub3A_362, %broadcast_in_dim3A_371 : vector<16xi1>, vector<16xi32>
      %swap3A_373 = arith.constant 96 : index
      %swap3A_374 = tpu.vector_load %arg9[%swap3A_373] {strides = array<i32>} : memref<128xi32, #tpu.memory_space<vmem>>, vector<16xi32>,
      %swap3A_375 = vector.shape_cast %swap3A_374 : vector<16xi32> to vector<16xi32>
      %swap3A_376 = vector.shape_cast %select_n3A_372 : vector<16xi32> to vector<16xi32>
      tpu.vector_store %arg9[%swap3A_373], %swap3A_376 {strides = array<i32>} : memref<128xi32, #tpu.memory_space<vmem>>, vector<16xi32>,
      %get3A_377 = arith.constant 112 : index
      %get3A_378 = tpu.vector_load %arg7[%get3A_377] {strides = array<i32>} : memref<128xi32, #tpu.memory_space<vmem>>, vector<16xi32>,
      %get3A_379 = vector.shape_cast %get3A_378 : vector<16xi32> to vector<16xi32>
      %sub3A_380 = vector.broadcast %mul3A_243 : i32 to vector<16xi32>
      %sub3A_381 = arith.subi %get3A_379, %sub3A_380 : vector<16xi32>
      %ge3A_382 = arith.constant 0 : i32
      %ge3A_383 = vector.broadcast %ge3A_382 : i32 to vector<16xi32>
      %ge3A_384 = arith.cmpi sge, %sub3A_381, %ge3A_383 : vector<16xi32>
      %lt3A_385 = arith.constant 25000 : i32
      %lt3A_386 = vector.broadcast %lt3A_385 : i32 to vector<16xi32>
      %lt3A_387 = arith.cmpi slt, %sub3A_381, %lt3A_386 : vector<16xi32>
      %and3A_388 = arith.andi %ge3A_384, %lt3A_387 : vector<16xi1>
      %jit3A_389 = arith.constant 25000 : i32
      %broadcast_in_dim3A_390 = vector.broadcast %jit3A_389 : i32 to vector<16xi32>
      %select_n3A_391 = arith.select %and3A_388, %sub3A_381, %broadcast_in_dim3A_390 : vector<16xi1>, vector<16xi32>
      %swap3A_392 = arith.constant 112 : index
      %swap3A_393 = tpu.vector_load %arg9[%swap3A_392] {strides = array<i32>} : memref<128xi32, #tpu.memory_space<vmem>>, vector<16xi32>,
      %swap3A_394 = vector.shape_cast %swap3A_393 : vector<16xi32> to vector<16xi32>
      %swap3A_395 = vector.shape_cast %select_n3A_391 : vector<16xi32> to vector<16xi32>
      tpu.vector_store %arg9[%swap3A_392], %swap3A_395 {strides = array<i32>} : memref<128xi32, #tpu.memory_space<vmem>>, vector<16xi32>,
      "tpu.region"() ({
        %run_scoped3A = tpu.sem_alloc : memref<!tpu.dma_semaphore, #tpu.memory_space<semaphore_mem>>
        %dma_start3A_396 = arith.constant 0 : i32
        %dma_start3A_397 = arith.constant 0 : i32
        %dma_start3A_398 = tpu.memref_slice %arg5[%dma_start3A_396, %dma_start3A_397] : memref<25088x16xf32, #tpu.memory_space<vmem_shared>> -> memref<25088x16xf32, #tpu.memory_space<vmem_shared>>
        tpu.enqueue_indirect_dma source(%arg11 : memref<128x16xf32, #tpu.memory_space<vmem>>) target(%dma_start3A_398 : memref<25088x16xf32, #tpu.memory_space<vmem_shared>>) offsets(%arg9 : memref<128xi32, #tpu.memory_space<vmem>>) semaphore(%run_scoped3A : memref<!tpu.dma_semaphore, #tpu.memory_space<semaphore_mem>>) {add = true}
        %dma_wait3A_399 = arith.constant 0 : i32
        %dma_wait3A_400 = arith.constant 0 : i32
        %dma_wait3A_401 = tpu.memref_slice %arg5[%dma_wait3A_399, %dma_wait3A_400] : memref<25088x16xf32, #tpu.memory_space<vmem_shared>> -> memref<25088x16xf32, #tpu.memory_space<vmem_shared>>
        tpu.wait_indirect_dma semaphore(%run_scoped3A : memref<!tpu.dma_semaphore, #tpu.memory_space<semaphore_mem>>) src(%arg11 : memref<128x16xf32, #tpu.memory_space<vmem>>) dst(%dma_wait3A_401 : memref<25088x16xf32, #tpu.memory_space<vmem_shared>>)
        tpu.yield
      }) : () -> ()
    }
    %scan3A_23 = arith.constant 392 : i32
    %barrier3A_24 = arith.constant 0 : index
    tpu.barrier barrier_id(%barrier3A_24)
    %sub3A_25 = arith.constant 125 : i32
    %sub3A_26 = arith.subi %sub3A_25, %arg1 : i32
    %sub3A_27 = arith.constant 16 : i32
    %sub3A_28 = arith.constant 1 : i32
    %sub3A_29 = arith.subi %sub3A_27, %sub3A_28 : i32
    %add3A_30 = arith.addi %sub3A_26, %sub3A_29 : i32
    %div3A_31 = arith.constant 16 : i32
    %div3A_32 = arith.divsi %add3A_30, %div3A_31 : i32
    %while3A_33 = arith.constant 16 : i32
    %while3A_34 = arith.constant 0 : i32
    %while3A_35 = arith.subi %div3A_32, %while3A_34 : i32
    %while3A_36 = arith.addi %while3A_34, %while3A_35 : i32
    %while3A_37 = arith.constant 1 : i32
    %while3A_38 = arith.divsi %while3A_35, %while3A_37 : i32
    %while3A_39 = arith.muli %while3A_38, %while3A_37 : i32
    %while3A_40 = arith.addi %while3A_34, %while3A_39 : i32
    %while3A_41 = arith.constant 1 : i32
    scf.for %while3A_43 = %while3A_34 to %while3A_40 step %while3A_41  : i32 {
      %mul3A = arith.muli %while3A_43, %while3A_33 : i32
      %add3A_44 = arith.addi %arg1, %mul3A : i32
      %mul3A_45 = arith.constant 200 : i32
      %mul3A_46 = arith.muli %add3A_44, %mul3A_45 : i32
      %mul3A_47 = arith.constant 25000 : i32
      %mul3A_48 = arith.muli %arg0, %mul3A_47 : i32
      %add3A_49 = arith.addi %mul3A_48, %mul3A_46 : i32
      "tpu.region"() ({
        %run_scoped3A = tpu.sem_alloc : memref<!tpu.dma_semaphore, #tpu.memory_space<semaphore_mem>>
        %dma_start3A = arith.constant 0 : i32
        %dma_start3A_50 = tpu.memref_slice %arg4[%add3A_49, %dma_start3A] : memref<50000x16xf32, #tpu.memory_space<hbm>> -> memref<200x16xf32, #tpu.memory_space<hbm>>
        %dma_start3A_51 = arith.constant 0 : i32
        %dma_start3A_52 = tpu.memref_slice %arg5[%mul3A_46, %dma_start3A_51] : memref<25088x16xf32, #tpu.memory_space<vmem_shared>> -> memref<200x16xf32, #tpu.memory_space<vmem_shared>>
        tpu.enqueue_dma source(%dma_start3A_52 : memref<200x16xf32, #tpu.memory_space<vmem_shared>>) target(%dma_start3A_50 : memref<200x16xf32, #tpu.memory_space<hbm>>) target_semaphore(%run_scoped3A : memref<!tpu.dma_semaphore, #tpu.memory_space<semaphore_mem>>)
        %dma_wait3A = arith.constant 0 : i32
        %dma_wait3A_53 = tpu.memref_slice %arg4[%add3A_49, %dma_wait3A] : memref<50000x16xf32, #tpu.memory_space<hbm>> -> memref<200x16xf32, #tpu.memory_space<hbm>>
        %dma_wait3A_54 = arith.constant 0 : i32
        %dma_wait3A_55 = tpu.memref_slice %arg5[%mul3A_46, %dma_wait3A_54] : memref<25088x16xf32, #tpu.memory_space<vmem_shared>> -> memref<200x16xf32, #tpu.memory_space<vmem_shared>>
        tpu.wait_dma2 semaphore(%run_scoped3A : memref<!tpu.dma_semaphore, #tpu.memory_space<semaphore_mem>>) src(%dma_wait3A_55 : memref<200x16xf32, #tpu.memory_space<vmem_shared>>) dst(%dma_wait3A_53 : memref<200x16xf32, #tpu.memory_space<hbm>>)
        tpu.yield
      }) : () -> ()
    }
    %while3A_42 = arith.constant 1 : i32
    scf.for %while3A_43 = %while3A_40 to %while3A_36 step %while3A_42  : i32 {
      %mul3A = arith.muli %while3A_43, %while3A_33 : i32
      %add3A_44 = arith.addi %arg1, %mul3A : i32
      %mul3A_45 = arith.constant 200 : i32
      %mul3A_46 = arith.muli %add3A_44, %mul3A_45 : i32
      %mul3A_47 = arith.constant 25000 : i32
      %mul3A_48 = arith.muli %arg0, %mul3A_47 : i32
      %add3A_49 = arith.addi %mul3A_48, %mul3A_46 : i32
      "tpu.region"() ({
        %run_scoped3A = tpu.sem_alloc : memref<!tpu.dma_semaphore, #tpu.memory_space<semaphore_mem>>
        %dma_start3A = arith.constant 0 : i32
        %dma_start3A_50 = tpu.memref_slice %arg4[%add3A_49, %dma_start3A] : memref<50000x16xf32, #tpu.memory_space<hbm>> -> memref<200x16xf32, #tpu.memory_space<hbm>>
        %dma_start3A_51 = arith.constant 0 : i32
        %dma_start3A_52 = tpu.memref_slice %arg5[%mul3A_46, %dma_start3A_51] : memref<25088x16xf32, #tpu.memory_space<vmem_shared>> -> memref<200x16xf32, #tpu.memory_space<vmem_shared>>
        tpu.enqueue_dma source(%dma_start3A_52 : memref<200x16xf32, #tpu.memory_space<vmem_shared>>) target(%dma_start3A_50 : memref<200x16xf32, #tpu.memory_space<hbm>>) target_semaphore(%run_scoped3A : memref<!tpu.dma_semaphore, #tpu.memory_space<semaphore_mem>>)
        %dma_wait3A = arith.constant 0 : i32
        %dma_wait3A_53 = tpu.memref_slice %arg4[%add3A_49, %dma_wait3A] : memref<50000x16xf32, #tpu.memory_space<hbm>> -> memref<200x16xf32, #tpu.memory_space<hbm>>
        %dma_wait3A_54 = arith.constant 0 : i32
        %dma_wait3A_55 = tpu.memref_slice %arg5[%mul3A_46, %dma_wait3A_54] : memref<25088x16xf32, #tpu.memory_space<vmem_shared>> -> memref<200x16xf32, #tpu.memory_space<vmem_shared>>
        tpu.wait_dma2 semaphore(%run_scoped3A : memref<!tpu.dma_semaphore, #tpu.memory_space<semaphore_mem>>) src(%dma_wait3A_55 : memref<200x16xf32, #tpu.memory_space<vmem_shared>>) dst(%dma_wait3A_53 : memref<200x16xf32, #tpu.memory_space<hbm>>)
        tpu.yield
      }) : () -> ()
    }
    return
  }
}

module attributes {stable_mosaic.version = 14 : i64} {
  func.func @_coeff_body(%arg0: i32, %arg1: memref<2000x1xf32, #tpu.memory_space<vmem>>, %arg2: memref<1x8xf32, #tpu.memory_space<vmem>>, %arg3: memref<1x8xf32, #tpu.memory_space<vmem>>, %arg4: memref<8x8xf32, #tpu.memory_space<vmem>>, %arg5: memref<1x8xf32, #tpu.memory_space<vmem>>, %arg6: memref<8x64xf32, #tpu.memory_space<vmem>>, %arg7: memref<1x64xf32, #tpu.memory_space<vmem>>, %arg8: memref<1x8xf32, #tpu.memory_space<vmem>>, %arg9: memref<1x8xf32, #tpu.memory_space<vmem>>, %arg10: memref<8x8xf32, #tpu.memory_space<vmem>>, %arg11: memref<1x8xf32, #tpu.memory_space<vmem>>, %arg12: memref<8x24xf32, #tpu.memory_space<vmem>>, %arg13: memref<1x24xf32, #tpu.memory_space<vmem>>, %arg14: memref<2000x64xf32, #tpu.memory_space<vmem>>, %arg15: memref<2000x32xf32, #tpu.memory_space<vmem>>) attributes {dimension_semantics = [#tpu.dimension_semantics<arbitrary>], iteration_bounds = array<i64: 25>, scalar_prefetch = 0 : i64, scratch_operands = 0 : i64, tpu.core_type = #tpu.core_type<tc>, window_params = [{transform_indices = @transform_0, window_bounds = array<i64: 2000, 1>}, {pipeline_mode = #tpu.pipeline_mode<synchronous>, transform_indices = @transform_1, window_bounds = array<i64: 1, 8>}, {pipeline_mode = #tpu.pipeline_mode<synchronous>, transform_indices = @transform_2, window_bounds = array<i64: 1, 8>}, {pipeline_mode = #tpu.pipeline_mode<synchronous>, transform_indices = @transform_3, window_bounds = array<i64: 8, 8>}, {pipeline_mode = #tpu.pipeline_mode<synchronous>, transform_indices = @transform_4, window_bounds = array<i64: 1, 8>}, {pipeline_mode = #tpu.pipeline_mode<synchronous>, transform_indices = @transform_5, window_bounds = array<i64: 8, 64>}, {pipeline_mode = #tpu.pipeline_mode<synchronous>, transform_indices = @transform_6, window_bounds = array<i64: 1, 64>}, {pipeline_mode = #tpu.pipeline_mode<synchronous>, transform_indices = @transform_7, window_bounds = array<i64: 1, 8>}, {pipeline_mode = #tpu.pipeline_mode<synchronous>, transform_indices = @transform_8, window_bounds = array<i64: 1, 8>}, {pipeline_mode = #tpu.pipeline_mode<synchronous>, transform_indices = @transform_9, window_bounds = array<i64: 8, 8>}, {pipeline_mode = #tpu.pipeline_mode<synchronous>, transform_indices = @transform_10, window_bounds = array<i64: 1, 8>}, {pipeline_mode = #tpu.pipeline_mode<synchronous>, transform_indices = @transform_11, window_bounds = array<i64: 8, 24>}, {pipeline_mode = #tpu.pipeline_mode<synchronous>, transform_indices = @transform_12, window_bounds = array<i64: 1, 24>}, {transform_indices = @transform_13, window_bounds = array<i64: 2000, 64>}, {transform_indices = @transform_14, window_bounds = array<i64: 2000, 32>}]} {
    %get3A = arith.constant 0 : index
    %get3A_0 = arith.constant 0 : index
    %get3A_1 = vector.load %arg1[%get3A, %get3A_0] : memref<2000x1xf32, #tpu.memory_space<vmem>>, vector<2000x1xf32>
    %get3A_2 = arith.constant 0 : index
    %get3A_3 = arith.constant 0 : index
    %get3A_4 = vector.load %arg2[%get3A_2, %get3A_3] : memref<1x8xf32, #tpu.memory_space<vmem>>, vector<1x8xf32>
    %mul3A = vector.broadcast %get3A_1 : vector<2000x1xf32> to vector<2000x8xf32>
    %mul3A_5 = vector.broadcast %get3A_4 : vector<1x8xf32> to vector<2000x8xf32>
    %mul3A_6 = arith.mulf %mul3A, %mul3A_5 : vector<2000x8xf32>
    %get3A_7 = arith.constant 0 : index
    %get3A_8 = arith.constant 0 : index
    %get3A_9 = vector.load %arg3[%get3A_7, %get3A_8] : memref<1x8xf32, #tpu.memory_space<vmem>>, vector<1x8xf32>
    %add3A = vector.broadcast %get3A_9 : vector<1x8xf32> to vector<2000x8xf32>
    %add3A_10 = arith.addf %mul3A_6, %add3A : vector<2000x8xf32>
    %reduce_sum3A = arith.constant dense<0.000000e+00> : vector<2000xf32>
    %reduce_sum3A_11 = vector.multi_reduction <add>, %add3A_10, %reduce_sum3A [1] : vector<2000x8xf32> to vector<2000xf32>
    %broadcast_in_dim3A = vector.shape_cast %reduce_sum3A_11 : vector<2000xf32> to vector<2000x1xf32>
    %div3A = arith.constant 8.000000e+00 : f32
    %div3A_12 = vector.broadcast %div3A : f32 to vector<2000x1xf32>
    %div3A_13 = arith.divf %broadcast_in_dim3A, %div3A_12 : vector<2000x1xf32>
    %jit3A = arith.constant 0 : i32
    %reduce_sum3A_14 = arith.constant dense<0.000000e+00> : vector<2000xf32>
    %reduce_sum3A_15 = vector.multi_reduction <add>, %add3A_10, %reduce_sum3A_14 [1] : vector<2000x8xf32> to vector<2000xf32>
    %broadcast_in_dim3A_16 = vector.shape_cast %reduce_sum3A_15 : vector<2000xf32> to vector<2000x1xf32>
    %div3A_17 = arith.constant 8.000000e+00 : f32
    %div3A_18 = vector.broadcast %div3A_17 : f32 to vector<2000x1xf32>
    %div3A_19 = arith.divf %broadcast_in_dim3A_16, %div3A_18 : vector<2000x1xf32>
    %sub3A = vector.broadcast %div3A_19 : vector<2000x1xf32> to vector<2000x8xf32>
    %sub3A_20 = arith.subf %add3A_10, %sub3A : vector<2000x8xf32>
    %square3A = arith.mulf %sub3A_20, %sub3A_20 : vector<2000x8xf32>
    %convert_element_type3A = arith.sitofp %jit3A : i32 to f32
    %sub3A_21 = arith.constant 8.000000e+00 : f32
    %sub3A_22 = arith.subf %sub3A_21, %convert_element_type3A : f32
    %reduce_sum3A_23 = arith.constant dense<0.000000e+00> : vector<2000xf32>
    %reduce_sum3A_24 = vector.multi_reduction <add>, %square3A, %reduce_sum3A_23 [1] : vector<2000x8xf32> to vector<2000xf32>
    %broadcast_in_dim3A_25 = vector.shape_cast %reduce_sum3A_24 : vector<2000xf32> to vector<2000x1xf32>
    %div3A_26 = vector.broadcast %sub3A_22 : f32 to vector<2000x1xf32>
    %div3A_27 = arith.divf %broadcast_in_dim3A_25, %div3A_26 : vector<2000x1xf32>
    %gt3A = arith.constant 0.000000e+00 : f32
    %gt3A_28 = arith.cmpf ogt, %sub3A_22, %gt3A : f32
    %jit3A_29 = arith.constant 0x7FC00000 : f32
    %broadcast_in_dim3A_30 = vector.broadcast %jit3A_29 : f32 to vector<2000x1xf32>
    %select_n3A = arith.select %gt3A_28, %div3A_27, %broadcast_in_dim3A_30 : vector<2000x1xf32>
    %sub3A_31 = vector.broadcast %div3A_13 : vector<2000x1xf32> to vector<2000x8xf32>
    %sub3A_32 = arith.subf %add3A_10, %sub3A_31 : vector<2000x8xf32>
    %add3A_33 = arith.constant 9.99999974E-6 : f32
    %add3A_34 = vector.broadcast %add3A_33 : f32 to vector<2000x1xf32>
    %add3A_35 = arith.addf %select_n3A, %add3A_34 : vector<2000x1xf32>
    %rsqrt3A = math.rsqrt %add3A_35 : vector<2000x1xf32>
    %mul3A_36 = vector.broadcast %rsqrt3A : vector<2000x1xf32> to vector<2000x8xf32>
    %mul3A_37 = arith.mulf %sub3A_32, %mul3A_36 : vector<2000x8xf32>
    %logistic3A = arith.negf %mul3A_37 : vector<2000x8xf32>
    %logistic3A_38 = math.exp %logistic3A : vector<2000x8xf32>
    %logistic3A_39 = arith.constant 1.000000e+00 : f32
    %logistic3A_40 = vector.broadcast %logistic3A_39 : f32 to vector<2000x8xf32>
    %logistic3A_41 = arith.addf %logistic3A_40, %logistic3A_38 : vector<2000x8xf32>
    %logistic3A_42 = arith.divf %logistic3A_40, %logistic3A_41 : vector<2000x8xf32>
    %mul3A_43 = arith.mulf %mul3A_37, %logistic3A_42 : vector<2000x8xf32>
    %get3A_44 = arith.constant 0 : index
    %get3A_45 = arith.constant 0 : index
    %get3A_46 = vector.load %arg4[%get3A_44, %get3A_45] : memref<8x8xf32, #tpu.memory_space<vmem>>, vector<8x8xf32>
    %dot_general3A = arith.constant dense<0.000000e+00> : vector<2000x8xf32>
    %dot_general3A_47 = tpu.matmul %mul3A_43, %get3A_46, %dot_general3A {dimension_numbers = #tpu.dot_dimension_numbers<[1], [0], [0], [1], [0, 0, 1, 1], [], []>, transpose_lhs_hint = false} : vector<2000x8xf32>, vector<8x8xf32>, vector<2000x8xf32> -> vector<2000x8xf32>
    %get3A_48 = arith.constant 0 : index
    %get3A_49 = arith.constant 0 : index
    %get3A_50 = vector.load %arg5[%get3A_48, %get3A_49] : memref<1x8xf32, #tpu.memory_space<vmem>>, vector<1x8xf32>
    %add3A_51 = vector.broadcast %get3A_50 : vector<1x8xf32> to vector<2000x8xf32>
    %add3A_52 = arith.addf %dot_general3A_47, %add3A_51 : vector<2000x8xf32>
    %reduce_sum3A_53 = arith.constant dense<0.000000e+00> : vector<2000xf32>
    %reduce_sum3A_54 = vector.multi_reduction <add>, %add3A_52, %reduce_sum3A_53 [1] : vector<2000x8xf32> to vector<2000xf32>
    %broadcast_in_dim3A_55 = vector.shape_cast %reduce_sum3A_54 : vector<2000xf32> to vector<2000x1xf32>
    %div3A_56 = arith.constant 8.000000e+00 : f32
    %div3A_57 = vector.broadcast %div3A_56 : f32 to vector<2000x1xf32>
    %div3A_58 = arith.divf %broadcast_in_dim3A_55, %div3A_57 : vector<2000x1xf32>
    %jit3A_59 = arith.constant 0 : i32
    %reduce_sum3A_60 = arith.constant dense<0.000000e+00> : vector<2000xf32>
    %reduce_sum3A_61 = vector.multi_reduction <add>, %add3A_52, %reduce_sum3A_60 [1] : vector<2000x8xf32> to vector<2000xf32>
    %broadcast_in_dim3A_62 = vector.shape_cast %reduce_sum3A_61 : vector<2000xf32> to vector<2000x1xf32>
    %div3A_63 = arith.constant 8.000000e+00 : f32
    %div3A_64 = vector.broadcast %div3A_63 : f32 to vector<2000x1xf32>
    %div3A_65 = arith.divf %broadcast_in_dim3A_62, %div3A_64 : vector<2000x1xf32>
    %sub3A_66 = vector.broadcast %div3A_65 : vector<2000x1xf32> to vector<2000x8xf32>
    %sub3A_67 = arith.subf %add3A_52, %sub3A_66 : vector<2000x8xf32>
    %square3A_68 = arith.mulf %sub3A_67, %sub3A_67 : vector<2000x8xf32>
    %convert_element_type3A_69 = arith.sitofp %jit3A_59 : i32 to f32
    %sub3A_70 = arith.constant 8.000000e+00 : f32
    %sub3A_71 = arith.subf %sub3A_70, %convert_element_type3A_69 : f32
    %reduce_sum3A_72 = arith.constant dense<0.000000e+00> : vector<2000xf32>
    %reduce_sum3A_73 = vector.multi_reduction <add>, %square3A_68, %reduce_sum3A_72 [1] : vector<2000x8xf32> to vector<2000xf32>
    %broadcast_in_dim3A_74 = vector.shape_cast %reduce_sum3A_73 : vector<2000xf32> to vector<2000x1xf32>
    %div3A_75 = vector.broadcast %sub3A_71 : f32 to vector<2000x1xf32>
    %div3A_76 = arith.divf %broadcast_in_dim3A_74, %div3A_75 : vector<2000x1xf32>
    %gt3A_77 = arith.constant 0.000000e+00 : f32
    %gt3A_78 = arith.cmpf ogt, %sub3A_71, %gt3A_77 : f32
    %jit3A_79 = arith.constant 0x7FC00000 : f32
    %broadcast_in_dim3A_80 = vector.broadcast %jit3A_79 : f32 to vector<2000x1xf32>
    %select_n3A_81 = arith.select %gt3A_78, %div3A_76, %broadcast_in_dim3A_80 : vector<2000x1xf32>
    %sub3A_82 = vector.broadcast %div3A_58 : vector<2000x1xf32> to vector<2000x8xf32>
    %sub3A_83 = arith.subf %add3A_52, %sub3A_82 : vector<2000x8xf32>
    %add3A_84 = arith.constant 9.99999974E-6 : f32
    %add3A_85 = vector.broadcast %add3A_84 : f32 to vector<2000x1xf32>
    %add3A_86 = arith.addf %select_n3A_81, %add3A_85 : vector<2000x1xf32>
    %rsqrt3A_87 = math.rsqrt %add3A_86 : vector<2000x1xf32>
    %mul3A_88 = vector.broadcast %rsqrt3A_87 : vector<2000x1xf32> to vector<2000x8xf32>
    %mul3A_89 = arith.mulf %sub3A_83, %mul3A_88 : vector<2000x8xf32>
    %logistic3A_90 = arith.negf %mul3A_89 : vector<2000x8xf32>
    %logistic3A_91 = math.exp %logistic3A_90 : vector<2000x8xf32>
    %logistic3A_92 = arith.constant 1.000000e+00 : f32
    %logistic3A_93 = vector.broadcast %logistic3A_92 : f32 to vector<2000x8xf32>
    %logistic3A_94 = arith.addf %logistic3A_93, %logistic3A_91 : vector<2000x8xf32>
    %logistic3A_95 = arith.divf %logistic3A_93, %logistic3A_94 : vector<2000x8xf32>
    %mul3A_96 = arith.mulf %mul3A_89, %logistic3A_95 : vector<2000x8xf32>
    %add3A_97 = arith.addf %mul3A_43, %mul3A_96 : vector<2000x8xf32>
    %get3A_98 = arith.constant 0 : index
    %get3A_99 = arith.constant 0 : index
    %get3A_100 = vector.load %arg6[%get3A_98, %get3A_99] : memref<8x64xf32, #tpu.memory_space<vmem>>, vector<8x64xf32>
    %dot_general3A_101 = arith.constant dense<0.000000e+00> : vector<2000x64xf32>
    %dot_general3A_102 = tpu.matmul %add3A_97, %get3A_100, %dot_general3A_101 {dimension_numbers = #tpu.dot_dimension_numbers<[1], [0], [0], [1], [0, 0, 1, 1], [], []>, transpose_lhs_hint = false} : vector<2000x8xf32>, vector<8x64xf32>, vector<2000x64xf32> -> vector<2000x64xf32>
    %get3A_103 = arith.constant 0 : index
    %get3A_104 = arith.constant 0 : index
    %get3A_105 = vector.load %arg7[%get3A_103, %get3A_104] : memref<1x64xf32, #tpu.memory_space<vmem>>, vector<1x64xf32>
    %add3A_106 = vector.broadcast %get3A_105 : vector<1x64xf32> to vector<2000x64xf32>
    %add3A_107 = arith.addf %dot_general3A_102, %add3A_106 : vector<2000x64xf32>
    %swap3A = arith.constant 0 : index
    %swap3A_108 = arith.constant 0 : index
    %swap3A_109 = vector.load %arg14[%swap3A, %swap3A_108] : memref<2000x64xf32, #tpu.memory_space<vmem>>, vector<2000x64xf32>
    tpu.vector_store %arg14[%swap3A, %swap3A_108], %add3A_107 {strides = array<i32>} : memref<2000x64xf32, #tpu.memory_space<vmem>>, vector<2000x64xf32>,
    %get3A_110 = arith.constant 0 : index
    %get3A_111 = arith.constant 0 : index
    %get3A_112 = vector.load %arg8[%get3A_110, %get3A_111] : memref<1x8xf32, #tpu.memory_space<vmem>>, vector<1x8xf32>
    %mul3A_113 = vector.broadcast %get3A_1 : vector<2000x1xf32> to vector<2000x8xf32>
    %mul3A_114 = vector.broadcast %get3A_112 : vector<1x8xf32> to vector<2000x8xf32>
    %mul3A_115 = arith.mulf %mul3A_113, %mul3A_114 : vector<2000x8xf32>
    %get3A_116 = arith.constant 0 : index
    %get3A_117 = arith.constant 0 : index
    %get3A_118 = vector.load %arg9[%get3A_116, %get3A_117] : memref<1x8xf32, #tpu.memory_space<vmem>>, vector<1x8xf32>
    %add3A_119 = vector.broadcast %get3A_118 : vector<1x8xf32> to vector<2000x8xf32>
    %add3A_120 = arith.addf %mul3A_115, %add3A_119 : vector<2000x8xf32>
    %reduce_sum3A_121 = arith.constant dense<0.000000e+00> : vector<2000xf32>
    %reduce_sum3A_122 = vector.multi_reduction <add>, %add3A_120, %reduce_sum3A_121 [1] : vector<2000x8xf32> to vector<2000xf32>
    %broadcast_in_dim3A_123 = vector.shape_cast %reduce_sum3A_122 : vector<2000xf32> to vector<2000x1xf32>
    %div3A_124 = arith.constant 8.000000e+00 : f32
    %div3A_125 = vector.broadcast %div3A_124 : f32 to vector<2000x1xf32>
    %div3A_126 = arith.divf %broadcast_in_dim3A_123, %div3A_125 : vector<2000x1xf32>
    %jit3A_127 = arith.constant 0 : i32
    %reduce_sum3A_128 = arith.constant dense<0.000000e+00> : vector<2000xf32>
    %reduce_sum3A_129 = vector.multi_reduction <add>, %add3A_120, %reduce_sum3A_128 [1] : vector<2000x8xf32> to vector<2000xf32>
    %broadcast_in_dim3A_130 = vector.shape_cast %reduce_sum3A_129 : vector<2000xf32> to vector<2000x1xf32>
    %div3A_131 = arith.constant 8.000000e+00 : f32
    %div3A_132 = vector.broadcast %div3A_131 : f32 to vector<2000x1xf32>
    %div3A_133 = arith.divf %broadcast_in_dim3A_130, %div3A_132 : vector<2000x1xf32>
    %sub3A_134 = vector.broadcast %div3A_133 : vector<2000x1xf32> to vector<2000x8xf32>
    %sub3A_135 = arith.subf %add3A_120, %sub3A_134 : vector<2000x8xf32>
    %square3A_136 = arith.mulf %sub3A_135, %sub3A_135 : vector<2000x8xf32>
    %convert_element_type3A_137 = arith.sitofp %jit3A_127 : i32 to f32
    %sub3A_138 = arith.constant 8.000000e+00 : f32
    %sub3A_139 = arith.subf %sub3A_138, %convert_element_type3A_137 : f32
    %reduce_sum3A_140 = arith.constant dense<0.000000e+00> : vector<2000xf32>
    %reduce_sum3A_141 = vector.multi_reduction <add>, %square3A_136, %reduce_sum3A_140 [1] : vector<2000x8xf32> to vector<2000xf32>
    %broadcast_in_dim3A_142 = vector.shape_cast %reduce_sum3A_141 : vector<2000xf32> to vector<2000x1xf32>
    %div3A_143 = vector.broadcast %sub3A_139 : f32 to vector<2000x1xf32>
    %div3A_144 = arith.divf %broadcast_in_dim3A_142, %div3A_143 : vector<2000x1xf32>
    %gt3A_145 = arith.constant 0.000000e+00 : f32
    %gt3A_146 = arith.cmpf ogt, %sub3A_139, %gt3A_145 : f32
    %jit3A_147 = arith.constant 0x7FC00000 : f32
    %broadcast_in_dim3A_148 = vector.broadcast %jit3A_147 : f32 to vector<2000x1xf32>
    %select_n3A_149 = arith.select %gt3A_146, %div3A_144, %broadcast_in_dim3A_148 : vector<2000x1xf32>
    %sub3A_150 = vector.broadcast %div3A_126 : vector<2000x1xf32> to vector<2000x8xf32>
    %sub3A_151 = arith.subf %add3A_120, %sub3A_150 : vector<2000x8xf32>
    %add3A_152 = arith.constant 9.99999974E-6 : f32
    %add3A_153 = vector.broadcast %add3A_152 : f32 to vector<2000x1xf32>
    %add3A_154 = arith.addf %select_n3A_149, %add3A_153 : vector<2000x1xf32>
    %rsqrt3A_155 = math.rsqrt %add3A_154 : vector<2000x1xf32>
    %mul3A_156 = vector.broadcast %rsqrt3A_155 : vector<2000x1xf32> to vector<2000x8xf32>
    %mul3A_157 = arith.mulf %sub3A_151, %mul3A_156 : vector<2000x8xf32>
    %logistic3A_158 = arith.negf %mul3A_157 : vector<2000x8xf32>
    %logistic3A_159 = math.exp %logistic3A_158 : vector<2000x8xf32>
    %logistic3A_160 = arith.constant 1.000000e+00 : f32
    %logistic3A_161 = vector.broadcast %logistic3A_160 : f32 to vector<2000x8xf32>
    %logistic3A_162 = arith.addf %logistic3A_161, %logistic3A_159 : vector<2000x8xf32>
    %logistic3A_163 = arith.divf %logistic3A_161, %logistic3A_162 : vector<2000x8xf32>
    %mul3A_164 = arith.mulf %mul3A_157, %logistic3A_163 : vector<2000x8xf32>
    %get3A_165 = arith.constant 0 : index
    %get3A_166 = arith.constant 0 : index
    %get3A_167 = vector.load %arg10[%get3A_165, %get3A_166] : memref<8x8xf32, #tpu.memory_space<vmem>>, vector<8x8xf32>
    %dot_general3A_168 = arith.constant dense<0.000000e+00> : vector<2000x8xf32>
    %dot_general3A_169 = tpu.matmul %mul3A_164, %get3A_167, %dot_general3A_168 {dimension_numbers = #tpu.dot_dimension_numbers<[1], [0], [0], [1], [0, 0, 1, 1], [], []>, transpose_lhs_hint = false} : vector<2000x8xf32>, vector<8x8xf32>, vector<2000x8xf32> -> vector<2000x8xf32>
    %get3A_170 = arith.constant 0 : index
    %get3A_171 = arith.constant 0 : index
    %get3A_172 = vector.load %arg11[%get3A_170, %get3A_171] : memref<1x8xf32, #tpu.memory_space<vmem>>, vector<1x8xf32>
    %add3A_173 = vector.broadcast %get3A_172 : vector<1x8xf32> to vector<2000x8xf32>
    %add3A_174 = arith.addf %dot_general3A_169, %add3A_173 : vector<2000x8xf32>
    %reduce_sum3A_175 = arith.constant dense<0.000000e+00> : vector<2000xf32>
    %reduce_sum3A_176 = vector.multi_reduction <add>, %add3A_174, %reduce_sum3A_175 [1] : vector<2000x8xf32> to vector<2000xf32>
    %broadcast_in_dim3A_177 = vector.shape_cast %reduce_sum3A_176 : vector<2000xf32> to vector<2000x1xf32>
    %div3A_178 = arith.constant 8.000000e+00 : f32
    %div3A_179 = vector.broadcast %div3A_178 : f32 to vector<2000x1xf32>
    %div3A_180 = arith.divf %broadcast_in_dim3A_177, %div3A_179 : vector<2000x1xf32>
    %jit3A_181 = arith.constant 0 : i32
    %reduce_sum3A_182 = arith.constant dense<0.000000e+00> : vector<2000xf32>
    %reduce_sum3A_183 = vector.multi_reduction <add>, %add3A_174, %reduce_sum3A_182 [1] : vector<2000x8xf32> to vector<2000xf32>
    %broadcast_in_dim3A_184 = vector.shape_cast %reduce_sum3A_183 : vector<2000xf32> to vector<2000x1xf32>
    %div3A_185 = arith.constant 8.000000e+00 : f32
    %div3A_186 = vector.broadcast %div3A_185 : f32 to vector<2000x1xf32>
    %div3A_187 = arith.divf %broadcast_in_dim3A_184, %div3A_186 : vector<2000x1xf32>
    %sub3A_188 = vector.broadcast %div3A_187 : vector<2000x1xf32> to vector<2000x8xf32>
    %sub3A_189 = arith.subf %add3A_174, %sub3A_188 : vector<2000x8xf32>
    %square3A_190 = arith.mulf %sub3A_189, %sub3A_189 : vector<2000x8xf32>
    %convert_element_type3A_191 = arith.sitofp %jit3A_181 : i32 to f32
    %sub3A_192 = arith.constant 8.000000e+00 : f32
    %sub3A_193 = arith.subf %sub3A_192, %convert_element_type3A_191 : f32
    %reduce_sum3A_194 = arith.constant dense<0.000000e+00> : vector<2000xf32>
    %reduce_sum3A_195 = vector.multi_reduction <add>, %square3A_190, %reduce_sum3A_194 [1] : vector<2000x8xf32> to vector<2000xf32>
    %broadcast_in_dim3A_196 = vector.shape_cast %reduce_sum3A_195 : vector<2000xf32> to vector<2000x1xf32>
    %div3A_197 = vector.broadcast %sub3A_193 : f32 to vector<2000x1xf32>
    %div3A_198 = arith.divf %broadcast_in_dim3A_196, %div3A_197 : vector<2000x1xf32>
    %gt3A_199 = arith.constant 0.000000e+00 : f32
    %gt3A_200 = arith.cmpf ogt, %sub3A_193, %gt3A_199 : f32
    %jit3A_201 = arith.constant 0x7FC00000 : f32
    %broadcast_in_dim3A_202 = vector.broadcast %jit3A_201 : f32 to vector<2000x1xf32>
    %select_n3A_203 = arith.select %gt3A_200, %div3A_198, %broadcast_in_dim3A_202 : vector<2000x1xf32>
    %sub3A_204 = vector.broadcast %div3A_180 : vector<2000x1xf32> to vector<2000x8xf32>
    %sub3A_205 = arith.subf %add3A_174, %sub3A_204 : vector<2000x8xf32>
    %add3A_206 = arith.constant 9.99999974E-6 : f32
    %add3A_207 = vector.broadcast %add3A_206 : f32 to vector<2000x1xf32>
    %add3A_208 = arith.addf %select_n3A_203, %add3A_207 : vector<2000x1xf32>
    %rsqrt3A_209 = math.rsqrt %add3A_208 : vector<2000x1xf32>
    %mul3A_210 = vector.broadcast %rsqrt3A_209 : vector<2000x1xf32> to vector<2000x8xf32>
    %mul3A_211 = arith.mulf %sub3A_205, %mul3A_210 : vector<2000x8xf32>
    %logistic3A_212 = arith.negf %mul3A_211 : vector<2000x8xf32>
    %logistic3A_213 = math.exp %logistic3A_212 : vector<2000x8xf32>
    %logistic3A_214 = arith.constant 1.000000e+00 : f32
    %logistic3A_215 = vector.broadcast %logistic3A_214 : f32 to vector<2000x8xf32>
    %logistic3A_216 = arith.addf %logistic3A_215, %logistic3A_213 : vector<2000x8xf32>
    %logistic3A_217 = arith.divf %logistic3A_215, %logistic3A_216 : vector<2000x8xf32>
    %mul3A_218 = arith.mulf %mul3A_211, %logistic3A_217 : vector<2000x8xf32>
    %add3A_219 = arith.addf %mul3A_164, %mul3A_218 : vector<2000x8xf32>
    %get3A_220 = arith.constant 0 : index
    %get3A_221 = arith.constant 0 : index
    %get3A_222 = vector.load %arg12[%get3A_220, %get3A_221] : memref<8x24xf32, #tpu.memory_space<vmem>>, vector<8x24xf32>
    %dot_general3A_223 = arith.constant dense<0.000000e+00> : vector<2000x24xf32>
    %dot_general3A_224 = tpu.matmul %add3A_219, %get3A_222, %dot_general3A_223 {dimension_numbers = #tpu.dot_dimension_numbers<[1], [0], [0], [1], [0, 0, 1, 1], [], []>, transpose_lhs_hint = false} : vector<2000x8xf32>, vector<8x24xf32>, vector<2000x24xf32> -> vector<2000x24xf32>
    %get3A_225 = arith.constant 0 : index
    %get3A_226 = arith.constant 0 : index
    %get3A_227 = vector.load %arg13[%get3A_225, %get3A_226] : memref<1x24xf32, #tpu.memory_space<vmem>>, vector<1x24xf32>
    %add3A_228 = vector.broadcast %get3A_227 : vector<1x24xf32> to vector<2000x24xf32>
    %add3A_229 = arith.addf %dot_general3A_224, %add3A_228 : vector<2000x24xf32>
    %broadcast_in_dim3A_230 = arith.constant 0.000000e+00 : f32
    %broadcast_in_dim3A_231 = vector.broadcast %broadcast_in_dim3A_230 : f32 to vector<2000x8xf32>
    %concatenate3A = tpu.concatenate %add3A_229, %broadcast_in_dim3A_231 in 1 : vector<2000x24xf32>, vector<2000x8xf32> -> vector<2000x32xf32>
    %swap3A_232 = arith.constant 0 : index
    %swap3A_233 = arith.constant 0 : index
    %swap3A_234 = vector.load %arg15[%swap3A_232, %swap3A_233] : memref<2000x32xf32, #tpu.memory_space<vmem>>, vector<2000x32xf32>
    tpu.vector_store %arg15[%swap3A_232, %swap3A_233], %concatenate3A {strides = array<i32>} : memref<2000x32xf32, #tpu.memory_space<vmem>>, vector<2000x32xf32>,
    return
  }
  func.func @transform_0(%arg0: i32) -> (i32, i32) {
    %c0_i32 = arith.constant 0 : i32
    %c0_i32_0 = arith.constant 0 : i32
    return %arg0, %c0_i32 : i32, i32
  }
  func.func @transform_1(%arg0: i32) -> (i32, i32) {
    %c0_i32 = arith.constant 0 : i32
    %c0_i32_0 = arith.constant 0 : i32
    %c0_i32_1 = arith.constant 0 : i32
    return %c0_i32, %c0_i32_0 : i32, i32
  }
  func.func @transform_2(%arg0: i32) -> (i32, i32) {
    %c0_i32 = arith.constant 0 : i32
    %c0_i32_0 = arith.constant 0 : i32
    %c0_i32_1 = arith.constant 0 : i32
    return %c0_i32, %c0_i32_0 : i32, i32
  }
  func.func @transform_3(%arg0: i32) -> (i32, i32) {
    %c0_i32 = arith.constant 0 : i32
    %c0_i32_0 = arith.constant 0 : i32
    %c0_i32_1 = arith.constant 0 : i32
    return %c0_i32, %c0_i32_0 : i32, i32
  }
  func.func @transform_4(%arg0: i32) -> (i32, i32) {
    %c0_i32 = arith.constant 0 : i32
    %c0_i32_0 = arith.constant 0 : i32
    %c0_i32_1 = arith.constant 0 : i32
    return %c0_i32, %c0_i32_0 : i32, i32
  }
  func.func @transform_5(%arg0: i32) -> (i32, i32) {
    %c0_i32 = arith.constant 0 : i32
    %c0_i32_0 = arith.constant 0 : i32
    %c0_i32_1 = arith.constant 0 : i32
    return %c0_i32, %c0_i32_0 : i32, i32
  }
  func.func @transform_6(%arg0: i32) -> (i32, i32) {
    %c0_i32 = arith.constant 0 : i32
    %c0_i32_0 = arith.constant 0 : i32
    %c0_i32_1 = arith.constant 0 : i32
    return %c0_i32, %c0_i32_0 : i32, i32
  }
  func.func @transform_7(%arg0: i32) -> (i32, i32) {
    %c0_i32 = arith.constant 0 : i32
    %c0_i32_0 = arith.constant 0 : i32
    %c0_i32_1 = arith.constant 0 : i32
    return %c0_i32, %c0_i32_0 : i32, i32
  }
  func.func @transform_8(%arg0: i32) -> (i32, i32) {
    %c0_i32 = arith.constant 0 : i32
    %c0_i32_0 = arith.constant 0 : i32
    %c0_i32_1 = arith.constant 0 : i32
    return %c0_i32, %c0_i32_0 : i32, i32
  }
  func.func @transform_9(%arg0: i32) -> (i32, i32) {
    %c0_i32 = arith.constant 0 : i32
    %c0_i32_0 = arith.constant 0 : i32
    %c0_i32_1 = arith.constant 0 : i32
    return %c0_i32, %c0_i32_0 : i32, i32
  }
  func.func @transform_10(%arg0: i32) -> (i32, i32) {
    %c0_i32 = arith.constant 0 : i32
    %c0_i32_0 = arith.constant 0 : i32
    %c0_i32_1 = arith.constant 0 : i32
    return %c0_i32, %c0_i32_0 : i32, i32
  }
  func.func @transform_11(%arg0: i32) -> (i32, i32) {
    %c0_i32 = arith.constant 0 : i32
    %c0_i32_0 = arith.constant 0 : i32
    %c0_i32_1 = arith.constant 0 : i32
    return %c0_i32, %c0_i32_0 : i32, i32
  }
  func.func @transform_12(%arg0: i32) -> (i32, i32) {
    %c0_i32 = arith.constant 0 : i32
    %c0_i32_0 = arith.constant 0 : i32
    %c0_i32_1 = arith.constant 0 : i32
    return %c0_i32, %c0_i32_0 : i32, i32
  }
  func.func @transform_13(%arg0: i32) -> (i32, i32) {
    %c0_i32 = arith.constant 0 : i32
    %c0_i32_0 = arith.constant 0 : i32
    return %arg0, %c0_i32 : i32, i32
  }
  func.func @transform_14(%arg0: i32) -> (i32, i32) {
    %c0_i32 = arith.constant 0 : i32
    %c0_i32_0 = arith.constant 0 : i32
    return %arg0, %c0_i32 : i32, i32
  }
}

module attributes {stable_mosaic.version = 14 : i64} {
  func.func @_edge_fwd_body(%arg0: i32, %arg1: memref<16x8192xf32, #tpu.memory_space<vmem>>, %arg2: memref<32x8192xf32, #tpu.memory_space<vmem>>, %arg3: memref<8192x72xf32, #tpu.memory_space<vmem>>) attributes {dimension_semantics = [#tpu.dimension_semantics<arbitrary>], iteration_bounds = array<i64: 98>, scalar_prefetch = 0 : i64, scratch_operands = 0 : i64, tpu.core_type = #tpu.core_type<tc>, window_params = [{transform_indices = @transform_0, window_bounds = array<i64: 16, 8192>}, {transform_indices = @transform_1, window_bounds = array<i64: 32, 8192>}, {transform_indices = @transform_2, window_bounds = array<i64: 8192, 72>}]} {
    %get3A = arith.constant 0 : index
    %get3A_0 = arith.constant 0 : index
    %get3A_1 = vector.load %arg1[%get3A, %get3A_0] : memref<16x8192xf32, #tpu.memory_space<vmem>>, vector<3x8192xf32>
    %get3A_2 = arith.constant 0 : index
    %get3A_3 = arith.constant 0 : index
    %get3A_4 = vector.load %arg2[%get3A_2, %get3A_3] : memref<32x8192xf32, #tpu.memory_space<vmem>>, vector<32x8192xf32>
    %slice3A = vector.extract_strided_slice %get3A_1 {offsets = [0, 0], sizes = [1, 8192], strides = [1, 1]} : vector<3x8192xf32> to vector<1x8192xf32>
    %slice3A_5 = vector.extract_strided_slice %get3A_1 {offsets = [1, 0], sizes = [1, 8192], strides = [1, 1]} : vector<3x8192xf32> to vector<1x8192xf32>
    %slice3A_6 = vector.extract_strided_slice %get3A_1 {offsets = [2, 0], sizes = [1, 8192], strides = [1, 1]} : vector<3x8192xf32> to vector<1x8192xf32>
    %mul3A = arith.mulf %slice3A, %slice3A : vector<1x8192xf32>
    %mul3A_7 = arith.mulf %slice3A_5, %slice3A_5 : vector<1x8192xf32>
    %add3A = arith.addf %mul3A, %mul3A_7 : vector<1x8192xf32>
    %mul3A_8 = arith.mulf %slice3A_6, %slice3A_6 : vector<1x8192xf32>
    %add3A_9 = arith.addf %add3A, %mul3A_8 : vector<1x8192xf32>
    %sqrt3A = math.sqrt %add3A_9 : vector<1x8192xf32>
    %slice3A_10 = vector.extract_strided_slice %get3A_4 {offsets = [0, 0], sizes = [8, 8192], strides = [1, 1]} : vector<32x8192xf32> to vector<8x8192xf32>
    %slice3A_11 = vector.extract_strided_slice %get3A_4 {offsets = [8, 0], sizes = [8, 8192], strides = [1, 1]} : vector<32x8192xf32> to vector<8x8192xf32>
    %slice3A_12 = vector.extract_strided_slice %get3A_4 {offsets = [16, 0], sizes = [8, 8192], strides = [1, 1]} : vector<32x8192xf32> to vector<8x8192xf32>
    %mul3A_13 = arith.constant 0.785398185 : f32
    %mul3A_14 = vector.broadcast %mul3A_13 : f32 to vector<1x8192xf32>
    %mul3A_15 = arith.mulf %sqrt3A, %mul3A_14 : vector<1x8192xf32>
    %cos3A = math.cos %mul3A_15 : vector<1x8192xf32>
    %mul3A_16 = arith.constant 5.000000e-01 : f32
    %mul3A_17 = vector.broadcast %mul3A_16 : f32 to vector<1x8192xf32>
    %mul3A_18 = arith.mulf %mul3A_17, %cos3A : vector<1x8192xf32>
    %add3A_19 = arith.constant 5.000000e-01 : f32
    %add3A_20 = vector.broadcast %add3A_19 : f32 to vector<1x8192xf32>
    %add3A_21 = arith.addf %mul3A_18, %add3A_20 : vector<1x8192xf32>
    %square3A = arith.mulf %add3A_21, %add3A_21 : vector<1x8192xf32>
    %sub3A = vector.broadcast %sqrt3A : vector<1x8192xf32> to vector<8x8192xf32>
    %sub3A_22 = arith.subf %sub3A, %slice3A_12 : vector<8x8192xf32>
    %mul3A_23 = arith.mulf %slice3A_11, %sub3A_22 : vector<8x8192xf32>
    %square3A_24 = arith.mulf %mul3A_23, %mul3A_23 : vector<8x8192xf32>
    %neg3A = arith.constant 0.000000e+00 : f32
    %neg3A_25 = vector.broadcast %neg3A : f32 to vector<8x8192xf32>
    %neg3A_26 = arith.subf %neg3A_25, %square3A_24 : vector<8x8192xf32>
    %exp3A = math.exp %neg3A_26 : vector<8x8192xf32>
    %mul3A_27 = vector.broadcast %square3A : vector<1x8192xf32> to vector<8x8192xf32>
    %mul3A_28 = arith.mulf %mul3A_27, %exp3A : vector<8x8192xf32>
    %mul3A_29 = arith.mulf %mul3A_28, %slice3A_10 : vector<8x8192xf32>
    %broadcast_in_dim3A = arith.constant 1.000000e+00 : f32
    %broadcast_in_dim3A_30 = vector.broadcast %broadcast_in_dim3A : f32 to vector<1x8192xf32>
    %mul3A_31 = arith.constant 0.282094806 : f32
    %mul3A_32 = vector.broadcast %mul3A_31 : f32 to vector<1x8192xf32>
    %mul3A_33 = arith.mulf %mul3A_32, %broadcast_in_dim3A_30 : vector<1x8192xf32>
    %mul3A_34 = arith.constant 0.488602519 : f32
    %mul3A_35 = vector.broadcast %mul3A_34 : f32 to vector<1x8192xf32>
    %mul3A_36 = arith.mulf %mul3A_35, %slice3A_5 : vector<1x8192xf32>
    %mul3A_37 = arith.constant 0.488602519 : f32
    %mul3A_38 = vector.broadcast %mul3A_37 : f32 to vector<1x8192xf32>
    %mul3A_39 = arith.mulf %mul3A_38, %slice3A_6 : vector<1x8192xf32>
    %mul3A_40 = arith.constant 0.488602519 : f32
    %mul3A_41 = vector.broadcast %mul3A_40 : f32 to vector<1x8192xf32>
    %mul3A_42 = arith.mulf %mul3A_41, %slice3A : vector<1x8192xf32>
    %mul3A_43 = arith.constant 1.09254849 : f32
    %mul3A_44 = vector.broadcast %mul3A_43 : f32 to vector<1x8192xf32>
    %mul3A_45 = arith.mulf %mul3A_44, %slice3A : vector<1x8192xf32>
    %mul3A_46 = arith.mulf %mul3A_45, %slice3A_5 : vector<1x8192xf32>
    %mul3A_47 = arith.constant 1.09254849 : f32
    %mul3A_48 = vector.broadcast %mul3A_47 : f32 to vector<1x8192xf32>
    %mul3A_49 = arith.mulf %mul3A_48, %slice3A_5 : vector<1x8192xf32>
    %mul3A_50 = arith.mulf %mul3A_49, %slice3A_6 : vector<1x8192xf32>
    %mul3A_51 = arith.constant 3.000000e+00 : f32
    %mul3A_52 = vector.broadcast %mul3A_51 : f32 to vector<1x8192xf32>
    %mul3A_53 = arith.mulf %mul3A_52, %slice3A_6 : vector<1x8192xf32>
    %mul3A_54 = arith.mulf %mul3A_53, %slice3A_6 : vector<1x8192xf32>
    %sub3A_55 = arith.subf %mul3A_54, %add3A_9 : vector<1x8192xf32>
    %mul3A_56 = arith.constant 0.31539157 : f32
    %mul3A_57 = vector.broadcast %mul3A_56 : f32 to vector<1x8192xf32>
    %mul3A_58 = arith.mulf %mul3A_57, %sub3A_55 : vector<1x8192xf32>
    %mul3A_59 = arith.constant 1.09254849 : f32
    %mul3A_60 = vector.broadcast %mul3A_59 : f32 to vector<1x8192xf32>
    %mul3A_61 = arith.mulf %mul3A_60, %slice3A : vector<1x8192xf32>
    %mul3A_62 = arith.mulf %mul3A_61, %slice3A_6 : vector<1x8192xf32>
    %mul3A_63 = arith.mulf %slice3A, %slice3A : vector<1x8192xf32>
    %mul3A_64 = arith.mulf %slice3A_5, %slice3A_5 : vector<1x8192xf32>
    %sub3A_65 = arith.subf %mul3A_63, %mul3A_64 : vector<1x8192xf32>
    %mul3A_66 = arith.constant 0.546274245 : f32
    %mul3A_67 = vector.broadcast %mul3A_66 : f32 to vector<1x8192xf32>
    %mul3A_68 = arith.mulf %mul3A_67, %sub3A_65 : vector<1x8192xf32>
    %mul3A_69 = vector.broadcast %mul3A_33 : vector<1x8192xf32> to vector<8x8192xf32>
    %mul3A_70 = arith.mulf %mul3A_69, %mul3A_29 : vector<8x8192xf32>
    %mul3A_71 = vector.broadcast %mul3A_36 : vector<1x8192xf32> to vector<8x8192xf32>
    %mul3A_72 = arith.mulf %mul3A_71, %mul3A_29 : vector<8x8192xf32>
    %mul3A_73 = vector.broadcast %mul3A_39 : vector<1x8192xf32> to vector<8x8192xf32>
    %mul3A_74 = arith.mulf %mul3A_73, %mul3A_29 : vector<8x8192xf32>
    %mul3A_75 = vector.broadcast %mul3A_42 : vector<1x8192xf32> to vector<8x8192xf32>
    %mul3A_76 = arith.mulf %mul3A_75, %mul3A_29 : vector<8x8192xf32>
    %mul3A_77 = vector.broadcast %mul3A_46 : vector<1x8192xf32> to vector<8x8192xf32>
    %mul3A_78 = arith.mulf %mul3A_77, %mul3A_29 : vector<8x8192xf32>
    %mul3A_79 = vector.broadcast %mul3A_50 : vector<1x8192xf32> to vector<8x8192xf32>
    %mul3A_80 = arith.mulf %mul3A_79, %mul3A_29 : vector<8x8192xf32>
    %mul3A_81 = vector.broadcast %mul3A_58 : vector<1x8192xf32> to vector<8x8192xf32>
    %mul3A_82 = arith.mulf %mul3A_81, %mul3A_29 : vector<8x8192xf32>
    %mul3A_83 = vector.broadcast %mul3A_62 : vector<1x8192xf32> to vector<8x8192xf32>
    %mul3A_84 = arith.mulf %mul3A_83, %mul3A_29 : vector<8x8192xf32>
    %mul3A_85 = vector.broadcast %mul3A_68 : vector<1x8192xf32> to vector<8x8192xf32>
    %mul3A_86 = arith.mulf %mul3A_85, %mul3A_29 : vector<8x8192xf32>
    %concatenate3A = tpu.concatenate %mul3A_70, %mul3A_72, %mul3A_74, %mul3A_76, %mul3A_78, %mul3A_80, %mul3A_82, %mul3A_84, %mul3A_86 in 0 : vector<8x8192xf32>, vector<8x8192xf32>, vector<8x8192xf32>, vector<8x8192xf32>, vector<8x8192xf32>, vector<8x8192xf32>, vector<8x8192xf32>, vector<8x8192xf32>, vector<8x8192xf32> -> vector<72x8192xf32>
    %transpose3A = tpu.transpose %concatenate3A, [1, 0] : vector<72x8192xf32> -> vector<8192x72xf32>
    %swap3A = arith.constant 0 : index
    %swap3A_87 = arith.constant 0 : index
    %swap3A_88 = vector.load %arg3[%swap3A, %swap3A_87] : memref<8192x72xf32, #tpu.memory_space<vmem>>, vector<8192x72xf32>
    tpu.vector_store %arg3[%swap3A, %swap3A_87], %transpose3A {strides = array<i32>} : memref<8192x72xf32, #tpu.memory_space<vmem>>, vector<8192x72xf32>,
    return
  }
  func.func @transform_0(%arg0: i32) -> (i32, i32) {
    %c0_i32 = arith.constant 0 : i32
    %c0_i32_0 = arith.constant 0 : i32
    return %c0_i32, %arg0 : i32, i32
  }
  func.func @transform_1(%arg0: i32) -> (i32, i32) {
    %c0_i32 = arith.constant 0 : i32
    %c0_i32_0 = arith.constant 0 : i32
    return %c0_i32, %arg0 : i32, i32
  }
  func.func @transform_2(%arg0: i32) -> (i32, i32) {
    %c0_i32 = arith.constant 0 : i32
    %c0_i32_0 = arith.constant 0 : i32
    return %arg0, %c0_i32 : i32, i32
  }
}

module attributes {stable_mosaic.version = 14 : i64} {
  func.func @_atom_body(%arg0: i32, %arg1: memref<2000x72xf32, #tpu.memory_space<vmem>>, %arg2: memref<2000x64xf32, #tpu.memory_space<vmem>>, %arg3: memref<72x64xf32, #tpu.memory_space<vmem>>, %arg4: memref<64x64xf32, #tpu.memory_space<vmem>>, %arg5: memref<1x64xf32, #tpu.memory_space<vmem>>, %arg6: memref<64x64xf32, #tpu.memory_space<vmem>>, %arg7: memref<1x64xf32, #tpu.memory_space<vmem>>, %arg8: memref<64x1xf32, #tpu.memory_space<vmem>>, %arg9: memref<1x1xf32, #tpu.memory_space<vmem>>, %arg10: memref<2000x1xf32, #tpu.memory_space<vmem>>, %arg11: memref<2000x72xf32, #tpu.memory_space<vmem>>, %arg12: memref<1x1xf32, #tpu.memory_space<vmem>>) attributes {dimension_semantics = [#tpu.dimension_semantics<arbitrary>], iteration_bounds = array<i64: 25>, scalar_prefetch = 0 : i64, scratch_operands = 0 : i64, tpu.core_type = #tpu.core_type<tc>, window_params = [{transform_indices = @transform_0, window_bounds = array<i64: 2000, 72>}, {transform_indices = @transform_1, window_bounds = array<i64: 2000, 64>}, {pipeline_mode = #tpu.pipeline_mode<synchronous>, transform_indices = @transform_2, window_bounds = array<i64: 72, 64>}, {pipeline_mode = #tpu.pipeline_mode<synchronous>, transform_indices = @transform_3, window_bounds = array<i64: 64, 64>}, {pipeline_mode = #tpu.pipeline_mode<synchronous>, transform_indices = @transform_4, window_bounds = array<i64: 1, 64>}, {pipeline_mode = #tpu.pipeline_mode<synchronous>, transform_indices = @transform_5, window_bounds = array<i64: 64, 64>}, {pipeline_mode = #tpu.pipeline_mode<synchronous>, transform_indices = @transform_6, window_bounds = array<i64: 1, 64>}, {pipeline_mode = #tpu.pipeline_mode<synchronous>, transform_indices = @transform_7, window_bounds = array<i64: 64, 1>}, {pipeline_mode = #tpu.pipeline_mode<synchronous>, transform_indices = @transform_8, window_bounds = array<i64: 1, 1>}, {transform_indices = @transform_9, window_bounds = array<i64: 2000, 1>}, {transform_indices = @transform_10, window_bounds = array<i64: 2000, 72>}, {pipeline_mode = #tpu.pipeline_mode<synchronous>, transform_indices = @transform_11, window_bounds = array<i64: 1, 1>}]} {
    %get3A = arith.constant 0 : index
    %get3A_0 = arith.constant 0 : index
    %get3A_1 = vector.load %arg2[%get3A, %get3A_0] : memref<2000x64xf32, #tpu.memory_space<vmem>>, vector<2000x64xf32>
    %get3A_2 = arith.constant 0 : index
    %get3A_3 = arith.constant 0 : index
    %get3A_4 = vector.load %arg3[%get3A_2, %get3A_3] : memref<72x64xf32, #tpu.memory_space<vmem>>, vector<72x64xf32>
    %get3A_5 = arith.constant 0 : index
    %get3A_6 = arith.constant 0 : index
    %get3A_7 = vector.load %arg1[%get3A_5, %get3A_6] : memref<2000x72xf32, #tpu.memory_space<vmem>>, vector<2000x72xf32>
    %broadcast_in_dim3A = arith.constant 0.000000e+00 : f32
    "tpu.trace_start"() <{level = 10 : i32, message = "jvp"}> : () -> ()
    %broadcast_in_dim3A_8 = vector.broadcast %broadcast_in_dim3A : f32 to vector<2000x64xf32>
    %slice3A = vector.extract_strided_slice %get3A_7 {offsets = [0, 0], sizes = [2000, 8], strides = [1, 1]} : vector<2000x72xf32> to vector<2000x8xf32>
    %slice3A_9 = vector.extract_strided_slice %get3A_4 {offsets = [0, 0], sizes = [8, 64], strides = [1, 1]} : vector<72x64xf32> to vector<8x64xf32>
    %dot_general3A = arith.constant dense<0.000000e+00> : vector<2000x64xf32>
    %dot_general3A_10 = tpu.matmul %slice3A, %slice3A_9, %dot_general3A {dimension_numbers = #tpu.dot_dimension_numbers<[1], [0], [0], [1], [0, 0, 1, 1], [], []>, transpose_lhs_hint = false} : vector<2000x8xf32>, vector<8x64xf32>, vector<2000x64xf32> -> vector<2000x64xf32>
    %mul3A = arith.mulf %dot_general3A_10, %dot_general3A_10 : vector<2000x64xf32>
    %add3A = arith.addf %broadcast_in_dim3A_8, %mul3A : vector<2000x64xf32>
    %slice3A_11 = vector.extract_strided_slice %get3A_7 {offsets = [0, 8], sizes = [2000, 8], strides = [1, 1]} : vector<2000x72xf32> to vector<2000x8xf32>
    %slice3A_12 = vector.extract_strided_slice %get3A_4 {offsets = [8, 0], sizes = [8, 64], strides = [1, 1]} : vector<72x64xf32> to vector<8x64xf32>
    %dot_general3A_13 = arith.constant dense<0.000000e+00> : vector<2000x64xf32>
    %dot_general3A_14 = tpu.matmul %slice3A_11, %slice3A_12, %dot_general3A_13 {dimension_numbers = #tpu.dot_dimension_numbers<[1], [0], [0], [1], [0, 0, 1, 1], [], []>, transpose_lhs_hint = false} : vector<2000x8xf32>, vector<8x64xf32>, vector<2000x64xf32> -> vector<2000x64xf32>
    %mul3A_15 = arith.mulf %dot_general3A_14, %dot_general3A_14 : vector<2000x64xf32>
    %add3A_16 = arith.addf %add3A, %mul3A_15 : vector<2000x64xf32>
    %slice3A_17 = vector.extract_strided_slice %get3A_7 {offsets = [0, 16], sizes = [2000, 8], strides = [1, 1]} : vector<2000x72xf32> to vector<2000x8xf32>
    %slice3A_18 = vector.extract_strided_slice %get3A_4 {offsets = [16, 0], sizes = [8, 64], strides = [1, 1]} : vector<72x64xf32> to vector<8x64xf32>
    %dot_general3A_19 = arith.constant dense<0.000000e+00> : vector<2000x64xf32>
    %dot_general3A_20 = tpu.matmul %slice3A_17, %slice3A_18, %dot_general3A_19 {dimension_numbers = #tpu.dot_dimension_numbers<[1], [0], [0], [1], [0, 0, 1, 1], [], []>, transpose_lhs_hint = false} : vector<2000x8xf32>, vector<8x64xf32>, vector<2000x64xf32> -> vector<2000x64xf32>
    %mul3A_21 = arith.mulf %dot_general3A_20, %dot_general3A_20 : vector<2000x64xf32>
    %add3A_22 = arith.addf %add3A_16, %mul3A_21 : vector<2000x64xf32>
    %slice3A_23 = vector.extract_strided_slice %get3A_7 {offsets = [0, 24], sizes = [2000, 8], strides = [1, 1]} : vector<2000x72xf32> to vector<2000x8xf32>
    %slice3A_24 = vector.extract_strided_slice %get3A_4 {offsets = [24, 0], sizes = [8, 64], strides = [1, 1]} : vector<72x64xf32> to vector<8x64xf32>
    %dot_general3A_25 = arith.constant dense<0.000000e+00> : vector<2000x64xf32>
    %dot_general3A_26 = tpu.matmul %slice3A_23, %slice3A_24, %dot_general3A_25 {dimension_numbers = #tpu.dot_dimension_numbers<[1], [0], [0], [1], [0, 0, 1, 1], [], []>, transpose_lhs_hint = false} : vector<2000x8xf32>, vector<8x64xf32>, vector<2000x64xf32> -> vector<2000x64xf32>
    %mul3A_27 = arith.mulf %dot_general3A_26, %dot_general3A_26 : vector<2000x64xf32>
    %add3A_28 = arith.addf %add3A_22, %mul3A_27 : vector<2000x64xf32>
    %slice3A_29 = vector.extract_strided_slice %get3A_7 {offsets = [0, 32], sizes = [2000, 8], strides = [1, 1]} : vector<2000x72xf32> to vector<2000x8xf32>
    %slice3A_30 = vector.extract_strided_slice %get3A_4 {offsets = [32, 0], sizes = [8, 64], strides = [1, 1]} : vector<72x64xf32> to vector<8x64xf32>
    %dot_general3A_31 = arith.constant dense<0.000000e+00> : vector<2000x64xf32>
    %dot_general3A_32 = tpu.matmul %slice3A_29, %slice3A_30, %dot_general3A_31 {dimension_numbers = #tpu.dot_dimension_numbers<[1], [0], [0], [1], [0, 0, 1, 1], [], []>, transpose_lhs_hint = false} : vector<2000x8xf32>, vector<8x64xf32>, vector<2000x64xf32> -> vector<2000x64xf32>
    %mul3A_33 = arith.mulf %dot_general3A_32, %dot_general3A_32 : vector<2000x64xf32>
    %add3A_34 = arith.addf %add3A_28, %mul3A_33 : vector<2000x64xf32>
    %slice3A_35 = vector.extract_strided_slice %get3A_7 {offsets = [0, 40], sizes = [2000, 8], strides = [1, 1]} : vector<2000x72xf32> to vector<2000x8xf32>
    %slice3A_36 = vector.extract_strided_slice %get3A_4 {offsets = [40, 0], sizes = [8, 64], strides = [1, 1]} : vector<72x64xf32> to vector<8x64xf32>
    %dot_general3A_37 = arith.constant dense<0.000000e+00> : vector<2000x64xf32>
    %dot_general3A_38 = tpu.matmul %slice3A_35, %slice3A_36, %dot_general3A_37 {dimension_numbers = #tpu.dot_dimension_numbers<[1], [0], [0], [1], [0, 0, 1, 1], [], []>, transpose_lhs_hint = false} : vector<2000x8xf32>, vector<8x64xf32>, vector<2000x64xf32> -> vector<2000x64xf32>
    %mul3A_39 = arith.mulf %dot_general3A_38, %dot_general3A_38 : vector<2000x64xf32>
    %add3A_40 = arith.addf %add3A_34, %mul3A_39 : vector<2000x64xf32>
    %slice3A_41 = vector.extract_strided_slice %get3A_7 {offsets = [0, 48], sizes = [2000, 8], strides = [1, 1]} : vector<2000x72xf32> to vector<2000x8xf32>
    %slice3A_42 = vector.extract_strided_slice %get3A_4 {offsets = [48, 0], sizes = [8, 64], strides = [1, 1]} : vector<72x64xf32> to vector<8x64xf32>
    %dot_general3A_43 = arith.constant dense<0.000000e+00> : vector<2000x64xf32>
    %dot_general3A_44 = tpu.matmul %slice3A_41, %slice3A_42, %dot_general3A_43 {dimension_numbers = #tpu.dot_dimension_numbers<[1], [0], [0], [1], [0, 0, 1, 1], [], []>, transpose_lhs_hint = false} : vector<2000x8xf32>, vector<8x64xf32>, vector<2000x64xf32> -> vector<2000x64xf32>
    %mul3A_45 = arith.mulf %dot_general3A_44, %dot_general3A_44 : vector<2000x64xf32>
    %add3A_46 = arith.addf %add3A_40, %mul3A_45 : vector<2000x64xf32>
    %slice3A_47 = vector.extract_strided_slice %get3A_7 {offsets = [0, 56], sizes = [2000, 8], strides = [1, 1]} : vector<2000x72xf32> to vector<2000x8xf32>
    %slice3A_48 = vector.extract_strided_slice %get3A_4 {offsets = [56, 0], sizes = [8, 64], strides = [1, 1]} : vector<72x64xf32> to vector<8x64xf32>
    %dot_general3A_49 = arith.constant dense<0.000000e+00> : vector<2000x64xf32>
    %dot_general3A_50 = tpu.matmul %slice3A_47, %slice3A_48, %dot_general3A_49 {dimension_numbers = #tpu.dot_dimension_numbers<[1], [0], [0], [1], [0, 0, 1, 1], [], []>, transpose_lhs_hint = false} : vector<2000x8xf32>, vector<8x64xf32>, vector<2000x64xf32> -> vector<2000x64xf32>
    %mul3A_51 = arith.mulf %dot_general3A_50, %dot_general3A_50 : vector<2000x64xf32>
    %add3A_52 = arith.addf %add3A_46, %mul3A_51 : vector<2000x64xf32>
    %slice3A_53 = vector.extract_strided_slice %get3A_7 {offsets = [0, 64], sizes = [2000, 8], strides = [1, 1]} : vector<2000x72xf32> to vector<2000x8xf32>
    %slice3A_54 = vector.extract_strided_slice %get3A_4 {offsets = [64, 0], sizes = [8, 64], strides = [1, 1]} : vector<72x64xf32> to vector<8x64xf32>
    %dot_general3A_55 = arith.constant dense<0.000000e+00> : vector<2000x64xf32>
    %dot_general3A_56 = tpu.matmul %slice3A_53, %slice3A_54, %dot_general3A_55 {dimension_numbers = #tpu.dot_dimension_numbers<[1], [0], [0], [1], [0, 0, 1, 1], [], []>, transpose_lhs_hint = false} : vector<2000x8xf32>, vector<8x64xf32>, vector<2000x64xf32> -> vector<2000x64xf32>
    %mul3A_57 = arith.mulf %dot_general3A_56, %dot_general3A_56 : vector<2000x64xf32>
    %add3A_58 = arith.addf %add3A_52, %mul3A_57 : vector<2000x64xf32>
    %mul3A_59 = arith.mulf %add3A_58, %get3A_1 : vector<2000x64xf32>
    %get3A_60 = arith.constant 0 : index
    %get3A_61 = arith.constant 0 : index
    %get3A_62 = vector.load %arg4[%get3A_60, %get3A_61] : memref<64x64xf32, #tpu.memory_space<vmem>>, vector<64x64xf32>
    %dot_general3A_63 = arith.constant dense<0.000000e+00> : vector<2000x64xf32>
    %dot_general3A_64 = tpu.matmul %mul3A_59, %get3A_62, %dot_general3A_63 {dimension_numbers = #tpu.dot_dimension_numbers<[1], [0], [0], [1], [0, 0, 1, 1], [], []>, transpose_lhs_hint = false} : vector<2000x64xf32>, vector<64x64xf32>, vector<2000x64xf32> -> vector<2000x64xf32>
    %get3A_65 = arith.constant 0 : index
    %get3A_66 = arith.constant 0 : index
    %get3A_67 = vector.load %arg5[%get3A_65, %get3A_66] : memref<1x64xf32, #tpu.memory_space<vmem>>, vector<1x64xf32>
    %add3A_68 = vector.broadcast %get3A_67 : vector<1x64xf32> to vector<2000x64xf32>
    %add3A_69 = arith.addf %dot_general3A_64, %add3A_68 : vector<2000x64xf32>
    %reduce_sum3A = arith.constant dense<0.000000e+00> : vector<2000xf32>
    %reduce_sum3A_70 = vector.multi_reduction <add>, %add3A_69, %reduce_sum3A [1] : vector<2000x64xf32> to vector<2000xf32>
    %broadcast_in_dim3A_71 = vector.shape_cast %reduce_sum3A_70 : vector<2000xf32> to vector<2000x1xf32>
    %div3A = arith.constant 6.400000e+01 : f32
    %div3A_72 = vector.broadcast %div3A : f32 to vector<2000x1xf32>
    %div3A_73 = arith.divf %broadcast_in_dim3A_71, %div3A_72 : vector<2000x1xf32>
    %jit3A = arith.constant 0 : i32
    %reduce_sum3A_74 = arith.constant dense<0.000000e+00> : vector<2000xf32>
    %reduce_sum3A_75 = vector.multi_reduction <add>, %add3A_69, %reduce_sum3A_74 [1] : vector<2000x64xf32> to vector<2000xf32>
    %broadcast_in_dim3A_76 = vector.shape_cast %reduce_sum3A_75 : vector<2000xf32> to vector<2000x1xf32>
    %div3A_77 = arith.constant 6.400000e+01 : f32
    %div3A_78 = vector.broadcast %div3A_77 : f32 to vector<2000x1xf32>
    %div3A_79 = arith.divf %broadcast_in_dim3A_76, %div3A_78 : vector<2000x1xf32>
    %sub3A = vector.broadcast %div3A_79 : vector<2000x1xf32> to vector<2000x64xf32>
    %sub3A_80 = arith.subf %add3A_69, %sub3A : vector<2000x64xf32>
    %square3A = arith.mulf %sub3A_80, %sub3A_80 : vector<2000x64xf32>
    %mul3A_81 = arith.constant 2.000000e+00 : f32
    %mul3A_82 = vector.broadcast %mul3A_81 : f32 to vector<2000x64xf32>
    %mul3A_83 = arith.mulf %mul3A_82, %sub3A_80 : vector<2000x64xf32>
    %convert_element_type3A = arith.sitofp %jit3A : i32 to f32
    %sub3A_84 = arith.constant 6.400000e+01 : f32
    %sub3A_85 = arith.subf %sub3A_84, %convert_element_type3A : f32
    %reduce_sum3A_86 = arith.constant dense<0.000000e+00> : vector<2000xf32>
    %reduce_sum3A_87 = vector.multi_reduction <add>, %square3A, %reduce_sum3A_86 [1] : vector<2000x64xf32> to vector<2000xf32>
    %broadcast_in_dim3A_88 = vector.shape_cast %reduce_sum3A_87 : vector<2000xf32> to vector<2000x1xf32>
    %div3A_89 = vector.broadcast %sub3A_85 : f32 to vector<2000x1xf32>
    %div3A_90 = arith.divf %broadcast_in_dim3A_88, %div3A_89 : vector<2000x1xf32>
    %gt3A = arith.constant 0.000000e+00 : f32
    %gt3A_91 = arith.cmpf ogt, %sub3A_85, %gt3A : f32
    %jit3A_92 = arith.constant 0x7FC00000 : f32
    %broadcast_in_dim3A_93 = vector.broadcast %jit3A_92 : f32 to vector<2000x1xf32>
    %select_n3A = arith.select %gt3A_91, %div3A_90, %broadcast_in_dim3A_93 : vector<2000x1xf32>
    %sub3A_94 = vector.broadcast %div3A_73 : vector<2000x1xf32> to vector<2000x64xf32>
    %sub3A_95 = arith.subf %add3A_69, %sub3A_94 : vector<2000x64xf32>
    %add3A_96 = arith.constant 9.99999974E-6 : f32
    %add3A_97 = vector.broadcast %add3A_96 : f32 to vector<2000x1xf32>
    %add3A_98 = arith.addf %select_n3A, %add3A_97 : vector<2000x1xf32>
    %rsqrt3A = math.rsqrt %add3A_98 : vector<2000x1xf32>
    %div3A_99 = arith.divf %rsqrt3A, %add3A_98 : vector<2000x1xf32>
    %mul3A_100 = arith.constant -5.000000e-01 : f32
    %mul3A_101 = vector.broadcast %mul3A_100 : f32 to vector<2000x1xf32>
    %mul3A_102 = arith.mulf %mul3A_101, %div3A_99 : vector<2000x1xf32>
    %mul3A_103 = vector.broadcast %rsqrt3A : vector<2000x1xf32> to vector<2000x64xf32>
    %mul3A_104 = arith.mulf %sub3A_95, %mul3A_103 : vector<2000x64xf32>
    %logistic3A = arith.negf %mul3A_104 : vector<2000x64xf32>
    %logistic3A_105 = math.exp %logistic3A : vector<2000x64xf32>
    %logistic3A_106 = arith.constant 1.000000e+00 : f32
    %logistic3A_107 = vector.broadcast %logistic3A_106 : f32 to vector<2000x64xf32>
    %logistic3A_108 = arith.addf %logistic3A_107, %logistic3A_105 : vector<2000x64xf32>
    %logistic3A_109 = arith.divf %logistic3A_107, %logistic3A_108 : vector<2000x64xf32>
    %sub3A_110 = arith.constant 1.000000e+00 : f32
    %sub3A_111 = vector.broadcast %sub3A_110 : f32 to vector<2000x64xf32>
    %sub3A_112 = arith.subf %sub3A_111, %logistic3A_109 : vector<2000x64xf32>
    %mul3A_113 = arith.mulf %logistic3A_109, %sub3A_112 : vector<2000x64xf32>
    %mul3A_114 = arith.mulf %mul3A_104, %logistic3A_109 : vector<2000x64xf32>
    %get3A_115 = arith.constant 0 : index
    %get3A_116 = arith.constant 0 : index
    %get3A_117 = vector.load %arg6[%get3A_115, %get3A_116] : memref<64x64xf32, #tpu.memory_space<vmem>>, vector<64x64xf32>
    %dot_general3A_118 = arith.constant dense<0.000000e+00> : vector<2000x64xf32>
    %dot_general3A_119 = tpu.matmul %mul3A_114, %get3A_117, %dot_general3A_118 {dimension_numbers = #tpu.dot_dimension_numbers<[1], [0], [0], [1], [0, 0, 1, 1], [], []>, transpose_lhs_hint = false} : vector<2000x64xf32>, vector<64x64xf32>, vector<2000x64xf32> -> vector<2000x64xf32>
    %get3A_120 = arith.constant 0 : index
    %get3A_121 = arith.constant 0 : index
    %get3A_122 = vector.load %arg7[%get3A_120, %get3A_121] : memref<1x64xf32, #tpu.memory_space<vmem>>, vector<1x64xf32>
    %add3A_123 = vector.broadcast %get3A_122 : vector<1x64xf32> to vector<2000x64xf32>
    %add3A_124 = arith.addf %dot_general3A_119, %add3A_123 : vector<2000x64xf32>
    %reduce_sum3A_125 = arith.constant dense<0.000000e+00> : vector<2000xf32>
    %reduce_sum3A_126 = vector.multi_reduction <add>, %add3A_124, %reduce_sum3A_125 [1] : vector<2000x64xf32> to vector<2000xf32>
    %broadcast_in_dim3A_127 = vector.shape_cast %reduce_sum3A_126 : vector<2000xf32> to vector<2000x1xf32>
    %div3A_128 = arith.constant 6.400000e+01 : f32
    %div3A_129 = vector.broadcast %div3A_128 : f32 to vector<2000x1xf32>
    %div3A_130 = arith.divf %broadcast_in_dim3A_127, %div3A_129 : vector<2000x1xf32>
    %jit3A_131 = arith.constant 0 : i32
    %reduce_sum3A_132 = arith.constant dense<0.000000e+00> : vector<2000xf32>
    %reduce_sum3A_133 = vector.multi_reduction <add>, %add3A_124, %reduce_sum3A_132 [1] : vector<2000x64xf32> to vector<2000xf32>
    %broadcast_in_dim3A_134 = vector.shape_cast %reduce_sum3A_133 : vector<2000xf32> to vector<2000x1xf32>
    %div3A_135 = arith.constant 6.400000e+01 : f32
    %div3A_136 = vector.broadcast %div3A_135 : f32 to vector<2000x1xf32>
    %div3A_137 = arith.divf %broadcast_in_dim3A_134, %div3A_136 : vector<2000x1xf32>
    %sub3A_138 = vector.broadcast %div3A_137 : vector<2000x1xf32> to vector<2000x64xf32>
    %sub3A_139 = arith.subf %add3A_124, %sub3A_138 : vector<2000x64xf32>
    %square3A_140 = arith.mulf %sub3A_139, %sub3A_139 : vector<2000x64xf32>
    %mul3A_141 = arith.constant 2.000000e+00 : f32
    %mul3A_142 = vector.broadcast %mul3A_141 : f32 to vector<2000x64xf32>
    %mul3A_143 = arith.mulf %mul3A_142, %sub3A_139 : vector<2000x64xf32>
    %convert_element_type3A_144 = arith.sitofp %jit3A_131 : i32 to f32
    %sub3A_145 = arith.constant 6.400000e+01 : f32
    %sub3A_146 = arith.subf %sub3A_145, %convert_element_type3A_144 : f32
    %reduce_sum3A_147 = arith.constant dense<0.000000e+00> : vector<2000xf32>
    %reduce_sum3A_148 = vector.multi_reduction <add>, %square3A_140, %reduce_sum3A_147 [1] : vector<2000x64xf32> to vector<2000xf32>
    %broadcast_in_dim3A_149 = vector.shape_cast %reduce_sum3A_148 : vector<2000xf32> to vector<2000x1xf32>
    %div3A_150 = vector.broadcast %sub3A_146 : f32 to vector<2000x1xf32>
    %div3A_151 = arith.divf %broadcast_in_dim3A_149, %div3A_150 : vector<2000x1xf32>
    %gt3A_152 = arith.constant 0.000000e+00 : f32
    %gt3A_153 = arith.cmpf ogt, %sub3A_146, %gt3A_152 : f32
    %jit3A_154 = arith.constant 0x7FC00000 : f32
    %broadcast_in_dim3A_155 = vector.broadcast %jit3A_154 : f32 to vector<2000x1xf32>
    %select_n3A_156 = arith.select %gt3A_153, %div3A_151, %broadcast_in_dim3A_155 : vector<2000x1xf32>
    %sub3A_157 = vector.broadcast %div3A_130 : vector<2000x1xf32> to vector<2000x64xf32>
    %sub3A_158 = arith.subf %add3A_124, %sub3A_157 : vector<2000x64xf32>
    %add3A_159 = arith.constant 9.99999974E-6 : f32
    %add3A_160 = vector.broadcast %add3A_159 : f32 to vector<2000x1xf32>
    %add3A_161 = arith.addf %select_n3A_156, %add3A_160 : vector<2000x1xf32>
    %rsqrt3A_162 = math.rsqrt %add3A_161 : vector<2000x1xf32>
    %div3A_163 = arith.divf %rsqrt3A_162, %add3A_161 : vector<2000x1xf32>
    %mul3A_164 = arith.constant -5.000000e-01 : f32
    %mul3A_165 = vector.broadcast %mul3A_164 : f32 to vector<2000x1xf32>
    %mul3A_166 = arith.mulf %mul3A_165, %div3A_163 : vector<2000x1xf32>
    %mul3A_167 = vector.broadcast %rsqrt3A_162 : vector<2000x1xf32> to vector<2000x64xf32>
    %mul3A_168 = arith.mulf %sub3A_158, %mul3A_167 : vector<2000x64xf32>
    %logistic3A_169 = arith.negf %mul3A_168 : vector<2000x64xf32>
    %logistic3A_170 = math.exp %logistic3A_169 : vector<2000x64xf32>
    %logistic3A_171 = arith.constant 1.000000e+00 : f32
    %logistic3A_172 = vector.broadcast %logistic3A_171 : f32 to vector<2000x64xf32>
    %logistic3A_173 = arith.addf %logistic3A_172, %logistic3A_170 : vector<2000x64xf32>
    %logistic3A_174 = arith.divf %logistic3A_172, %logistic3A_173 : vector<2000x64xf32>
    %sub3A_175 = arith.constant 1.000000e+00 : f32
    %sub3A_176 = vector.broadcast %sub3A_175 : f32 to vector<2000x64xf32>
    %sub3A_177 = arith.subf %sub3A_176, %logistic3A_174 : vector<2000x64xf32>
    %mul3A_178 = arith.mulf %logistic3A_174, %sub3A_177 : vector<2000x64xf32>
    %mul3A_179 = arith.mulf %mul3A_168, %logistic3A_174 : vector<2000x64xf32>
    %add3A_180 = arith.addf %mul3A_114, %mul3A_179 : vector<2000x64xf32>
    %get3A_181 = arith.constant 0 : index
    %get3A_182 = arith.constant 0 : index
    %get3A_183 = vector.load %arg8[%get3A_181, %get3A_182] : memref<64x1xf32, #tpu.memory_space<vmem>>, vector<64x1xf32>
    %dot_general3A_184 = arith.constant dense<0.000000e+00> : vector<2000x1xf32>
    %dot_general3A_185 = tpu.matmul %add3A_180, %get3A_183, %dot_general3A_184 {dimension_numbers = #tpu.dot_dimension_numbers<[1], [0], [0], [1], [0, 0, 1, 1], [], []>, transpose_lhs_hint = false} : vector<2000x64xf32>, vector<64x1xf32>, vector<2000x1xf32> -> vector<2000x1xf32>
    %get3A_186 = arith.constant 0 : index
    %get3A_187 = arith.constant 0 : index
    %get3A_188 = vector.load %arg9[%get3A_186, %get3A_187] : memref<1x1xf32, #tpu.memory_space<vmem>>, vector<1x1xf32>
    %add3A_189 = vector.broadcast %get3A_188 : vector<1x1xf32> to vector<2000x1xf32>
    %add3A_190 = arith.addf %dot_general3A_185, %add3A_189 : vector<2000x1xf32>
    %reduce_sum3A_191 = vector.shape_cast %add3A_190 : vector<2000x1xf32> to vector<1x2000x1xf32>
    %reduce_sum3A_192 = arith.constant dense<0.000000e+00> : vector<1xf32>
    %reduce_sum3A_193 = vector.multi_reduction <add>, %reduce_sum3A_191, %reduce_sum3A_192 [1, 2] : vector<1x2000x1xf32> to vector<1xf32>
    %reduce_sum3A_194 = vector.shape_cast %reduce_sum3A_193 : vector<1xf32> to vector<1x1x1xf32>
    %reduce_sum3A_195 = vector.extract %reduce_sum3A_194[0, 0, 0] : f32 from vector<1x1x1xf32>
    %broadcast_in_dim3A_196 = arith.constant 0.000000e+00 : f32
    "tpu.trace_stop"() : () -> ()
    %broadcast_in_dim3A_197 = vector.broadcast %broadcast_in_dim3A_196 : f32 to vector<2000x1xf32>
    %broadcast_in_dim3A_198 = arith.constant 1.000000e+00 : f32
    "tpu.trace_start"() <{level = 10 : i32, message = "transpose"}> : () -> ()
    "tpu.trace_start"() <{level = 10 : i32, message = "jvp"}> : () -> ()
    %broadcast_in_dim3A_199 = vector.broadcast %broadcast_in_dim3A_198 : f32 to vector<2000x1xf32>
    %add_any3A = arith.addf %broadcast_in_dim3A_197, %broadcast_in_dim3A_199 : vector<2000x1xf32>
    %dot_general3A_200 = arith.constant dense<0.000000e+00> : vector<2000x64xf32>
    %dot_general3A_201 = tpu.matmul %add_any3A, %get3A_183, %dot_general3A_200 {dimension_numbers = #tpu.dot_dimension_numbers<[1], [1], [0], [0], [0, 0, 1, 0], [], []>, transpose_lhs_hint = false} : vector<2000x1xf32>, vector<64x1xf32>, vector<2000x64xf32> -> vector<2000x64xf32>
    %mul3A_202 = arith.mulf %mul3A_168, %dot_general3A_201 : vector<2000x64xf32>
    %mul3A_203 = arith.mulf %dot_general3A_201, %logistic3A_174 : vector<2000x64xf32>
    %mul3A_204 = arith.mulf %mul3A_202, %mul3A_178 : vector<2000x64xf32>
    %add_any3A_205 = arith.addf %mul3A_203, %mul3A_204 : vector<2000x64xf32>
    %mul3A_206 = arith.mulf %sub3A_158, %add_any3A_205 : vector<2000x64xf32>
    %reduce_sum3A_207 = arith.constant dense<0.000000e+00> : vector<2000xf32>
    %reduce_sum3A_208 = vector.multi_reduction <add>, %mul3A_206, %reduce_sum3A_207 [1] : vector<2000x64xf32> to vector<2000xf32>
    %reshape3A = vector.shape_cast %reduce_sum3A_208 : vector<2000xf32> to vector<2000x1xf32>
    %mul3A_209 = vector.broadcast %rsqrt3A_162 : vector<2000x1xf32> to vector<2000x64xf32>
    %mul3A_210 = arith.mulf %add_any3A_205, %mul3A_209 : vector<2000x64xf32>
    %mul3A_211 = arith.mulf %reshape3A, %mul3A_166 : vector<2000x1xf32>
    %neg3A = arith.constant 0.000000e+00 : f32
    %neg3A_212 = vector.broadcast %neg3A : f32 to vector<2000x64xf32>
    %neg3A_213 = arith.subf %neg3A_212, %mul3A_210 : vector<2000x64xf32>
    %reduce_sum3A_214 = arith.constant dense<0.000000e+00> : vector<2000xf32>
    %reduce_sum3A_215 = vector.multi_reduction <add>, %neg3A_213, %reduce_sum3A_214 [1] : vector<2000x64xf32> to vector<2000xf32>
    %reshape3A_216 = vector.shape_cast %reduce_sum3A_215 : vector<2000xf32> to vector<2000x1xf32>
    %broadcast_in_dim3A_217 = arith.constant 0.000000e+00 : f32
    %broadcast_in_dim3A_218 = vector.broadcast %broadcast_in_dim3A_217 : f32 to vector<2000x1xf32>
    %select_n3A_219 = arith.select %gt3A_153, %mul3A_211, %broadcast_in_dim3A_218 : vector<2000x1xf32>
    %div3A_220 = vector.broadcast %sub3A_146 : f32 to vector<2000x1xf32>
    %div3A_221 = arith.divf %select_n3A_219, %div3A_220 : vector<2000x1xf32>
    %reduce_sum3A_222 = arith.constant dense<0.000000e+00> : vector<2000xf32>
    %reduce_sum3A_223 = vector.multi_reduction <add>, %div3A_221, %reduce_sum3A_222 [1] : vector<2000x1xf32> to vector<2000xf32>
    %broadcast_in_dim3A_224 = vector.shape_cast %reduce_sum3A_223 : vector<2000xf32> to vector<2000x1xf32>
    %broadcast_in_dim3A_225 = vector.broadcast %broadcast_in_dim3A_224 : vector<2000x1xf32> to vector<2000x64xf32>
    %mul3A_226 = arith.mulf %broadcast_in_dim3A_225, %mul3A_143 : vector<2000x64xf32>
    %neg3A_227 = arith.constant 0.000000e+00 : f32
    %neg3A_228 = vector.broadcast %neg3A_227 : f32 to vector<2000x64xf32>
    %neg3A_229 = arith.subf %neg3A_228, %mul3A_226 : vector<2000x64xf32>
    %reduce_sum3A_230 = arith.constant dense<0.000000e+00> : vector<2000xf32>
    %reduce_sum3A_231 = vector.multi_reduction <add>, %neg3A_229, %reduce_sum3A_230 [1] : vector<2000x64xf32> to vector<2000xf32>
    %reshape3A_232 = vector.shape_cast %reduce_sum3A_231 : vector<2000xf32> to vector<2000x1xf32>
    %div3A_233 = arith.constant 6.400000e+01 : f32
    %div3A_234 = vector.broadcast %div3A_233 : f32 to vector<2000x1xf32>
    %div3A_235 = arith.divf %reshape3A_232, %div3A_234 : vector<2000x1xf32>
    %reduce_sum3A_236 = arith.constant dense<0.000000e+00> : vector<2000xf32>
    %reduce_sum3A_237 = vector.multi_reduction <add>, %div3A_235, %reduce_sum3A_236 [1] : vector<2000x1xf32> to vector<2000xf32>
    %broadcast_in_dim3A_238 = vector.shape_cast %reduce_sum3A_237 : vector<2000xf32> to vector<2000x1xf32>
    %broadcast_in_dim3A_239 = vector.broadcast %broadcast_in_dim3A_238 : vector<2000x1xf32> to vector<2000x64xf32>
    %add_any3A_240 = arith.addf %mul3A_226, %broadcast_in_dim3A_239 : vector<2000x64xf32>
    %add_any3A_241 = arith.addf %mul3A_210, %add_any3A_240 : vector<2000x64xf32>
    %div3A_242 = arith.constant 6.400000e+01 : f32
    %div3A_243 = vector.broadcast %div3A_242 : f32 to vector<2000x1xf32>
    %div3A_244 = arith.divf %reshape3A_216, %div3A_243 : vector<2000x1xf32>
    %reduce_sum3A_245 = arith.constant dense<0.000000e+00> : vector<2000xf32>
    %reduce_sum3A_246 = vector.multi_reduction <add>, %div3A_244, %reduce_sum3A_245 [1] : vector<2000x1xf32> to vector<2000xf32>
    %broadcast_in_dim3A_247 = vector.shape_cast %reduce_sum3A_246 : vector<2000xf32> to vector<2000x1xf32>
    %broadcast_in_dim3A_248 = vector.broadcast %broadcast_in_dim3A_247 : vector<2000x1xf32> to vector<2000x64xf32>
    %add_any3A_249 = arith.addf %add_any3A_241, %broadcast_in_dim3A_248 : vector<2000x64xf32>
    %dot_general3A_250 = arith.constant dense<0.000000e+00> : vector<2000x64xf32>
    %dot_general3A_251 = tpu.matmul %add_any3A_249, %get3A_117, %dot_general3A_250 {dimension_numbers = #tpu.dot_dimension_numbers<[1], [1], [0], [0], [0, 0, 1, 0], [], []>, transpose_lhs_hint = false} : vector<2000x64xf32>, vector<64x64xf32>, vector<2000x64xf32> -> vector<2000x64xf32>
    %add_any3A_252 = arith.addf %dot_general3A_201, %dot_general3A_251 : vector<2000x64xf32>
    %mul3A_253 = arith.mulf %mul3A_104, %add_any3A_252 : vector<2000x64xf32>
    %mul3A_254 = arith.mulf %add_any3A_252, %logistic3A_109 : vector<2000x64xf32>
    %mul3A_255 = arith.mulf %mul3A_253, %mul3A_113 : vector<2000x64xf32>
    %add_any3A_256 = arith.addf %mul3A_254, %mul3A_255 : vector<2000x64xf32>
    %mul3A_257 = arith.mulf %sub3A_95, %add_any3A_256 : vector<2000x64xf32>
    %reduce_sum3A_258 = arith.constant dense<0.000000e+00> : vector<2000xf32>
    %reduce_sum3A_259 = vector.multi_reduction <add>, %mul3A_257, %reduce_sum3A_258 [1] : vector<2000x64xf32> to vector<2000xf32>
    %reshape3A_260 = vector.shape_cast %reduce_sum3A_259 : vector<2000xf32> to vector<2000x1xf32>
    %mul3A_261 = vector.broadcast %rsqrt3A : vector<2000x1xf32> to vector<2000x64xf32>
    %mul3A_262 = arith.mulf %add_any3A_256, %mul3A_261 : vector<2000x64xf32>
    %mul3A_263 = arith.mulf %reshape3A_260, %mul3A_102 : vector<2000x1xf32>
    %neg3A_264 = arith.constant 0.000000e+00 : f32
    %neg3A_265 = vector.broadcast %neg3A_264 : f32 to vector<2000x64xf32>
    %neg3A_266 = arith.subf %neg3A_265, %mul3A_262 : vector<2000x64xf32>
    %reduce_sum3A_267 = arith.constant dense<0.000000e+00> : vector<2000xf32>
    %reduce_sum3A_268 = vector.multi_reduction <add>, %neg3A_266, %reduce_sum3A_267 [1] : vector<2000x64xf32> to vector<2000xf32>
    %reshape3A_269 = vector.shape_cast %reduce_sum3A_268 : vector<2000xf32> to vector<2000x1xf32>
    %broadcast_in_dim3A_270 = arith.constant 0.000000e+00 : f32
    %broadcast_in_dim3A_271 = vector.broadcast %broadcast_in_dim3A_270 : f32 to vector<2000x1xf32>
    %select_n3A_272 = arith.select %gt3A_91, %mul3A_263, %broadcast_in_dim3A_271 : vector<2000x1xf32>
    %div3A_273 = vector.broadcast %sub3A_85 : f32 to vector<2000x1xf32>
    %div3A_274 = arith.divf %select_n3A_272, %div3A_273 : vector<2000x1xf32>
    %reduce_sum3A_275 = arith.constant dense<0.000000e+00> : vector<2000xf32>
    %reduce_sum3A_276 = vector.multi_reduction <add>, %div3A_274, %reduce_sum3A_275 [1] : vector<2000x1xf32> to vector<2000xf32>
    %broadcast_in_dim3A_277 = vector.shape_cast %reduce_sum3A_276 : vector<2000xf32> to vector<2000x1xf32>
    %broadcast_in_dim3A_278 = vector.broadcast %broadcast_in_dim3A_277 : vector<2000x1xf32> to vector<2000x64xf32>
    %mul3A_279 = arith.mulf %broadcast_in_dim3A_278, %mul3A_83 : vector<2000x64xf32>
    %neg3A_280 = arith.constant 0.000000e+00 : f32
    %neg3A_281 = vector.broadcast %neg3A_280 : f32 to vector<2000x64xf32>
    %neg3A_282 = arith.subf %neg3A_281, %mul3A_279 : vector<2000x64xf32>
    %reduce_sum3A_283 = arith.constant dense<0.000000e+00> : vector<2000xf32>
    %reduce_sum3A_284 = vector.multi_reduction <add>, %neg3A_282, %reduce_sum3A_283 [1] : vector<2000x64xf32> to vector<2000xf32>
    %reshape3A_285 = vector.shape_cast %reduce_sum3A_284 : vector<2000xf32> to vector<2000x1xf32>
    %div3A_286 = arith.constant 6.400000e+01 : f32
    %div3A_287 = vector.broadcast %div3A_286 : f32 to vector<2000x1xf32>
    %div3A_288 = arith.divf %reshape3A_285, %div3A_287 : vector<2000x1xf32>
    %reduce_sum3A_289 = arith.constant dense<0.000000e+00> : vector<2000xf32>
    %reduce_sum3A_290 = vector.multi_reduction <add>, %div3A_288, %reduce_sum3A_289 [1] : vector<2000x1xf32> to vector<2000xf32>
    %broadcast_in_dim3A_291 = vector.shape_cast %reduce_sum3A_290 : vector<2000xf32> to vector<2000x1xf32>
    %broadcast_in_dim3A_292 = vector.broadcast %broadcast_in_dim3A_291 : vector<2000x1xf32> to vector<2000x64xf32>
    %add_any3A_293 = arith.addf %mul3A_279, %broadcast_in_dim3A_292 : vector<2000x64xf32>
    %add_any3A_294 = arith.addf %mul3A_262, %add_any3A_293 : vector<2000x64xf32>
    %div3A_295 = arith.constant 6.400000e+01 : f32
    %div3A_296 = vector.broadcast %div3A_295 : f32 to vector<2000x1xf32>
    %div3A_297 = arith.divf %reshape3A_269, %div3A_296 : vector<2000x1xf32>
    %reduce_sum3A_298 = arith.constant dense<0.000000e+00> : vector<2000xf32>
    %reduce_sum3A_299 = vector.multi_reduction <add>, %div3A_297, %reduce_sum3A_298 [1] : vector<2000x1xf32> to vector<2000xf32>
    %broadcast_in_dim3A_300 = vector.shape_cast %reduce_sum3A_299 : vector<2000xf32> to vector<2000x1xf32>
    %broadcast_in_dim3A_301 = vector.broadcast %broadcast_in_dim3A_300 : vector<2000x1xf32> to vector<2000x64xf32>
    %add_any3A_302 = arith.addf %add_any3A_294, %broadcast_in_dim3A_301 : vector<2000x64xf32>
    %dot_general3A_303 = arith.constant dense<0.000000e+00> : vector<2000x64xf32>
    %dot_general3A_304 = tpu.matmul %add_any3A_302, %get3A_62, %dot_general3A_303 {dimension_numbers = #tpu.dot_dimension_numbers<[1], [1], [0], [0], [0, 0, 1, 0], [], []>, transpose_lhs_hint = false} : vector<2000x64xf32>, vector<64x64xf32>, vector<2000x64xf32> -> vector<2000x64xf32>
    %mul3A_305 = arith.mulf %dot_general3A_304, %get3A_1 : vector<2000x64xf32>
    %mul3A_306 = arith.mulf %dot_general3A_56, %mul3A_305 : vector<2000x64xf32>
    %mul3A_307 = arith.mulf %mul3A_305, %dot_general3A_56 : vector<2000x64xf32>
    %add_any3A_308 = arith.addf %mul3A_306, %mul3A_307 : vector<2000x64xf32>
    %dot_general3A_309 = arith.constant dense<0.000000e+00> : vector<2000x8xf32>
    %dot_general3A_310 = tpu.matmul %add_any3A_308, %slice3A_54, %dot_general3A_309 {dimension_numbers = #tpu.dot_dimension_numbers<[1], [1], [0], [0], [0, 0, 1, 0], [], []>, transpose_lhs_hint = false} : vector<2000x64xf32>, vector<8x64xf32>, vector<2000x8xf32> -> vector<2000x8xf32>
    %pad3A = arith.constant 0.000000e+00 : f32
    %pad3A_311 = vector.broadcast %pad3A : f32 to vector<2000x64xf32>
    %pad3A_312 = tpu.concatenate %pad3A_311, %dot_general3A_310 in 1 : vector<2000x64xf32>, vector<2000x8xf32> -> vector<2000x72xf32>
    %mul3A_313 = arith.mulf %dot_general3A_50, %mul3A_305 : vector<2000x64xf32>
    %mul3A_314 = arith.mulf %mul3A_305, %dot_general3A_50 : vector<2000x64xf32>
    %add_any3A_315 = arith.addf %mul3A_313, %mul3A_314 : vector<2000x64xf32>
    %dot_general3A_316 = arith.constant dense<0.000000e+00> : vector<2000x8xf32>
    %dot_general3A_317 = tpu.matmul %add_any3A_315, %slice3A_48, %dot_general3A_316 {dimension_numbers = #tpu.dot_dimension_numbers<[1], [1], [0], [0], [0, 0, 1, 0], [], []>, transpose_lhs_hint = false} : vector<2000x64xf32>, vector<8x64xf32>, vector<2000x8xf32> -> vector<2000x8xf32>
    %pad3A_318 = arith.constant 0.000000e+00 : f32
    %pad3A_319 = vector.broadcast %pad3A_318 : f32 to vector<2000x56xf32>
    %pad3A_320 = tpu.concatenate %pad3A_319, %dot_general3A_317 in 1 : vector<2000x56xf32>, vector<2000x8xf32> -> vector<2000x64xf32>
    %pad3A_321 = vector.broadcast %pad3A_318 : f32 to vector<2000x8xf32>
    %pad3A_322 = tpu.concatenate %pad3A_320, %pad3A_321 in 1 : vector<2000x64xf32>, vector<2000x8xf32> -> vector<2000x72xf32>
    %add_any3A_323 = arith.addf %pad3A_312, %pad3A_322 : vector<2000x72xf32>
    %mul3A_324 = arith.mulf %dot_general3A_44, %mul3A_305 : vector<2000x64xf32>
    %mul3A_325 = arith.mulf %mul3A_305, %dot_general3A_44 : vector<2000x64xf32>
    %add_any3A_326 = arith.addf %mul3A_324, %mul3A_325 : vector<2000x64xf32>
    %dot_general3A_327 = arith.constant dense<0.000000e+00> : vector<2000x8xf32>
    %dot_general3A_328 = tpu.matmul %add_any3A_326, %slice3A_42, %dot_general3A_327 {dimension_numbers = #tpu.dot_dimension_numbers<[1], [1], [0], [0], [0, 0, 1, 0], [], []>, transpose_lhs_hint = false} : vector<2000x64xf32>, vector<8x64xf32>, vector<2000x8xf32> -> vector<2000x8xf32>
    %pad3A_329 = arith.constant 0.000000e+00 : f32
    %pad3A_330 = vector.broadcast %pad3A_329 : f32 to vector<2000x48xf32>
    %pad3A_331 = tpu.concatenate %pad3A_330, %dot_general3A_328 in 1 : vector<2000x48xf32>, vector<2000x8xf32> -> vector<2000x56xf32>
    %pad3A_332 = vector.broadcast %pad3A_329 : f32 to vector<2000x16xf32>
    %pad3A_333 = tpu.concatenate %pad3A_331, %pad3A_332 in 1 : vector<2000x56xf32>, vector<2000x16xf32> -> vector<2000x72xf32>
    %add_any3A_334 = arith.addf %add_any3A_323, %pad3A_333 : vector<2000x72xf32>
    %mul3A_335 = arith.mulf %dot_general3A_38, %mul3A_305 : vector<2000x64xf32>
    %mul3A_336 = arith.mulf %mul3A_305, %dot_general3A_38 : vector<2000x64xf32>
    %add_any3A_337 = arith.addf %mul3A_335, %mul3A_336 : vector<2000x64xf32>
    %dot_general3A_338 = arith.constant dense<0.000000e+00> : vector<2000x8xf32>
    %dot_general3A_339 = tpu.matmul %add_any3A_337, %slice3A_36, %dot_general3A_338 {dimension_numbers = #tpu.dot_dimension_numbers<[1], [1], [0], [0], [0, 0, 1, 0], [], []>, transpose_lhs_hint = false} : vector<2000x64xf32>, vector<8x64xf32>, vector<2000x8xf32> -> vector<2000x8xf32>
    %pad3A_340 = arith.constant 0.000000e+00 : f32
    %pad3A_341 = vector.broadcast %pad3A_340 : f32 to vector<2000x40xf32>
    %pad3A_342 = tpu.concatenate %pad3A_341, %dot_general3A_339 in 1 : vector<2000x40xf32>, vector<2000x8xf32> -> vector<2000x48xf32>
    %pad3A_343 = vector.broadcast %pad3A_340 : f32 to vector<2000x24xf32>
    %pad3A_344 = tpu.concatenate %pad3A_342, %pad3A_343 in 1 : vector<2000x48xf32>, vector<2000x24xf32> -> vector<2000x72xf32>
    %add_any3A_345 = arith.addf %add_any3A_334, %pad3A_344 : vector<2000x72xf32>
    %mul3A_346 = arith.mulf %dot_general3A_32, %mul3A_305 : vector<2000x64xf32>
    %mul3A_347 = arith.mulf %mul3A_305, %dot_general3A_32 : vector<2000x64xf32>
    %add_any3A_348 = arith.addf %mul3A_346, %mul3A_347 : vector<2000x64xf32>
    %dot_general3A_349 = arith.constant dense<0.000000e+00> : vector<2000x8xf32>
    %dot_general3A_350 = tpu.matmul %add_any3A_348, %slice3A_30, %dot_general3A_349 {dimension_numbers = #tpu.dot_dimension_numbers<[1], [1], [0], [0], [0, 0, 1, 0], [], []>, transpose_lhs_hint = false} : vector<2000x64xf32>, vector<8x64xf32>, vector<2000x8xf32> -> vector<2000x8xf32>
    %pad3A_351 = arith.constant 0.000000e+00 : f32
    %pad3A_352 = vector.broadcast %pad3A_351 : f32 to vector<2000x32xf32>
    %pad3A_353 = tpu.concatenate %pad3A_352, %dot_general3A_350 in 1 : vector<2000x32xf32>, vector<2000x8xf32> -> vector<2000x40xf32>
    %pad3A_354 = vector.broadcast %pad3A_351 : f32 to vector<2000x32xf32>
    %pad3A_355 = tpu.concatenate %pad3A_353, %pad3A_354 in 1 : vector<2000x40xf32>, vector<2000x32xf32> -> vector<2000x72xf32>
    %add_any3A_356 = arith.addf %add_any3A_345, %pad3A_355 : vector<2000x72xf32>
    %mul3A_357 = arith.mulf %dot_general3A_26, %mul3A_305 : vector<2000x64xf32>
    %mul3A_358 = arith.mulf %mul3A_305, %dot_general3A_26 : vector<2000x64xf32>
    %add_any3A_359 = arith.addf %mul3A_357, %mul3A_358 : vector<2000x64xf32>
    %dot_general3A_360 = arith.constant dense<0.000000e+00> : vector<2000x8xf32>
    %dot_general3A_361 = tpu.matmul %add_any3A_359, %slice3A_24, %dot_general3A_360 {dimension_numbers = #tpu.dot_dimension_numbers<[1], [1], [0], [0], [0, 0, 1, 0], [], []>, transpose_lhs_hint = false} : vector<2000x64xf32>, vector<8x64xf32>, vector<2000x8xf32> -> vector<2000x8xf32>
    %pad3A_362 = arith.constant 0.000000e+00 : f32
    %pad3A_363 = vector.broadcast %pad3A_362 : f32 to vector<2000x24xf32>
    %pad3A_364 = tpu.concatenate %pad3A_363, %dot_general3A_361 in 1 : vector<2000x24xf32>, vector<2000x8xf32> -> vector<2000x32xf32>
    %pad3A_365 = vector.broadcast %pad3A_362 : f32 to vector<2000x40xf32>
    %pad3A_366 = tpu.concatenate %pad3A_364, %pad3A_365 in 1 : vector<2000x32xf32>, vector<2000x40xf32> -> vector<2000x72xf32>
    %add_any3A_367 = arith.addf %add_any3A_356, %pad3A_366 : vector<2000x72xf32>
    %mul3A_368 = arith.mulf %dot_general3A_20, %mul3A_305 : vector<2000x64xf32>
    %mul3A_369 = arith.mulf %mul3A_305, %dot_general3A_20 : vector<2000x64xf32>
    %add_any3A_370 = arith.addf %mul3A_368, %mul3A_369 : vector<2000x64xf32>
    %dot_general3A_371 = arith.constant dense<0.000000e+00> : vector<2000x8xf32>
    %dot_general3A_372 = tpu.matmul %add_any3A_370, %slice3A_18, %dot_general3A_371 {dimension_numbers = #tpu.dot_dimension_numbers<[1], [1], [0], [0], [0, 0, 1, 0], [], []>, transpose_lhs_hint = false} : vector<2000x64xf32>, vector<8x64xf32>, vector<2000x8xf32> -> vector<2000x8xf32>
    %pad3A_373 = arith.constant 0.000000e+00 : f32
    %pad3A_374 = vector.broadcast %pad3A_373 : f32 to vector<2000x16xf32>
    %pad3A_375 = tpu.concatenate %pad3A_374, %dot_general3A_372 in 1 : vector<2000x16xf32>, vector<2000x8xf32> -> vector<2000x24xf32>
    %pad3A_376 = vector.broadcast %pad3A_373 : f32 to vector<2000x48xf32>
    %pad3A_377 = tpu.concatenate %pad3A_375, %pad3A_376 in 1 : vector<2000x24xf32>, vector<2000x48xf32> -> vector<2000x72xf32>
    %add_any3A_378 = arith.addf %add_any3A_367, %pad3A_377 : vector<2000x72xf32>
    %mul3A_379 = arith.mulf %dot_general3A_14, %mul3A_305 : vector<2000x64xf32>
    %mul3A_380 = arith.mulf %mul3A_305, %dot_general3A_14 : vector<2000x64xf32>
    %add_any3A_381 = arith.addf %mul3A_379, %mul3A_380 : vector<2000x64xf32>
    %dot_general3A_382 = arith.constant dense<0.000000e+00> : vector<2000x8xf32>
    %dot_general3A_383 = tpu.matmul %add_any3A_381, %slice3A_12, %dot_general3A_382 {dimension_numbers = #tpu.dot_dimension_numbers<[1], [1], [0], [0], [0, 0, 1, 0], [], []>, transpose_lhs_hint = false} : vector<2000x64xf32>, vector<8x64xf32>, vector<2000x8xf32> -> vector<2000x8xf32>
    %pad3A_384 = arith.constant 0.000000e+00 : f32
    %pad3A_385 = vector.broadcast %pad3A_384 : f32 to vector<2000x8xf32>
    %pad3A_386 = tpu.concatenate %pad3A_385, %dot_general3A_383 in 1 : vector<2000x8xf32>, vector<2000x8xf32> -> vector<2000x16xf32>
    %pad3A_387 = vector.broadcast %pad3A_384 : f32 to vector<2000x56xf32>
    %pad3A_388 = tpu.concatenate %pad3A_386, %pad3A_387 in 1 : vector<2000x16xf32>, vector<2000x56xf32> -> vector<2000x72xf32>
    %add_any3A_389 = arith.addf %add_any3A_378, %pad3A_388 : vector<2000x72xf32>
    %mul3A_390 = arith.mulf %dot_general3A_10, %mul3A_305 : vector<2000x64xf32>
    %mul3A_391 = arith.mulf %mul3A_305, %dot_general3A_10 : vector<2000x64xf32>
    %add_any3A_392 = arith.addf %mul3A_390, %mul3A_391 : vector<2000x64xf32>
    %dot_general3A_393 = arith.constant dense<0.000000e+00> : vector<2000x8xf32>
    %dot_general3A_394 = tpu.matmul %add_any3A_392, %slice3A_9, %dot_general3A_393 {dimension_numbers = #tpu.dot_dimension_numbers<[1], [1], [0], [0], [0, 0, 1, 0], [], []>, transpose_lhs_hint = false} : vector<2000x64xf32>, vector<8x64xf32>, vector<2000x8xf32> -> vector<2000x8xf32>
    %pad3A_395 = arith.constant 0.000000e+00 : f32
    %pad3A_396 = vector.broadcast %pad3A_395 : f32 to vector<2000x64xf32>
    %pad3A_397 = tpu.concatenate %dot_general3A_394, %pad3A_396 in 1 : vector<2000x8xf32>, vector<2000x64xf32> -> vector<2000x72xf32>
    %add_any3A_398 = arith.addf %add_any3A_389, %pad3A_397 : vector<2000x72xf32>
    "tpu.trace_stop"() : () -> ()
    "tpu.trace_stop"() : () -> ()
    %swap3A = arith.constant 0 : index
    %swap3A_399 = arith.constant 0 : index
    %swap3A_400 = vector.load %arg10[%swap3A, %swap3A_399] : memref<2000x1xf32, #tpu.memory_space<vmem>>, vector<2000x1xf32>
    tpu.vector_store %arg10[%swap3A, %swap3A_399], %add3A_190 {strides = array<i32>} : memref<2000x1xf32, #tpu.memory_space<vmem>>, vector<2000x1xf32>,
    %swap3A_401 = arith.constant 0 : index
    %swap3A_402 = arith.constant 0 : index
    %swap3A_403 = vector.load %arg11[%swap3A_401, %swap3A_402] : memref<2000x72xf32, #tpu.memory_space<vmem>>, vector<2000x72xf32>
    tpu.vector_store %arg11[%swap3A_401, %swap3A_402], %add_any3A_398 {strides = array<i32>} : memref<2000x72xf32, #tpu.memory_space<vmem>>, vector<2000x72xf32>,
    %eq3A = arith.constant 0 : i32
    %eq3A_404 = arith.cmpi eq, %arg0, %eq3A : i32
    %convert_element_type3A_405 = arith.extui %eq3A_404 : i1 to i32
    %cond3A = arith.constant 0 : i32
    %cond3A_406 = arith.cmpi ne, %convert_element_type3A_405, %cond3A : i32
    scf.if %cond3A_406 {
      %broadcast_in_dim3A_415 = arith.constant 0.000000e+00 : f32
      %broadcast_in_dim3A_416 = vector.broadcast %broadcast_in_dim3A_415 : f32 to vector<1x1xf32>
      %swap3A_417 = arith.constant 0 : index
      %swap3A_418 = arith.constant 0 : index
      %swap3A_419 = vector.load %arg12[%swap3A_417, %swap3A_418] : memref<1x1xf32, #tpu.memory_space<vmem>>, vector<1x1xf32>
      tpu.vector_store %arg12[%swap3A_417, %swap3A_418], %broadcast_in_dim3A_416 {strides = array<i32>} : memref<1x1xf32, #tpu.memory_space<vmem>>, vector<1x1xf32>,
    } else {
    }
    %get3A_407 = arith.constant 0 : index
    %get3A_408 = arith.constant 0 : index
    %get3A_409 = vector.load %arg12[%get3A_407, %get3A_408] : memref<1x1xf32, #tpu.memory_space<vmem>>, vector<1x1xf32>
    %reshape3A_410 = vector.broadcast %reduce_sum3A_195 : f32 to vector<1x1xf32>
    %add3A_411 = arith.addf %get3A_409, %reshape3A_410 : vector<1x1xf32>
    %swap3A_412 = arith.constant 0 : index
    %swap3A_413 = arith.constant 0 : index
    %swap3A_414 = vector.load %arg12[%swap3A_412, %swap3A_413] : memref<1x1xf32, #tpu.memory_space<vmem>>, vector<1x1xf32>
    tpu.vector_store %arg12[%swap3A_412, %swap3A_413], %add3A_411 {strides = array<i32>} : memref<1x1xf32, #tpu.memory_space<vmem>>, vector<1x1xf32>,
    return
  }
  func.func @transform_0(%arg0: i32) -> (i32, i32) {
    %c0_i32 = arith.constant 0 : i32
    %c0_i32_0 = arith.constant 0 : i32
    return %arg0, %c0_i32 : i32, i32
  }
  func.func @transform_1(%arg0: i32) -> (i32, i32) {
    %c0_i32 = arith.constant 0 : i32
    %c0_i32_0 = arith.constant 0 : i32
    return %arg0, %c0_i32 : i32, i32
  }
  func.func @transform_2(%arg0: i32) -> (i32, i32) {
    %c0_i32 = arith.constant 0 : i32
    %c0_i32_0 = arith.constant 0 : i32
    %c0_i32_1 = arith.constant 0 : i32
    return %c0_i32, %c0_i32_0 : i32, i32
  }
  func.func @transform_3(%arg0: i32) -> (i32, i32) {
    %c0_i32 = arith.constant 0 : i32
    %c0_i32_0 = arith.constant 0 : i32
    %c0_i32_1 = arith.constant 0 : i32
    return %c0_i32, %c0_i32_0 : i32, i32
  }
  func.func @transform_4(%arg0: i32) -> (i32, i32) {
    %c0_i32 = arith.constant 0 : i32
    %c0_i32_0 = arith.constant 0 : i32
    %c0_i32_1 = arith.constant 0 : i32
    return %c0_i32, %c0_i32_0 : i32, i32
  }
  func.func @transform_5(%arg0: i32) -> (i32, i32) {
    %c0_i32 = arith.constant 0 : i32
    %c0_i32_0 = arith.constant 0 : i32
    %c0_i32_1 = arith.constant 0 : i32
    return %c0_i32, %c0_i32_0 : i32, i32
  }
  func.func @transform_6(%arg0: i32) -> (i32, i32) {
    %c0_i32 = arith.constant 0 : i32
    %c0_i32_0 = arith.constant 0 : i32
    %c0_i32_1 = arith.constant 0 : i32
    return %c0_i32, %c0_i32_0 : i32, i32
  }
  func.func @transform_7(%arg0: i32) -> (i32, i32) {
    %c0_i32 = arith.constant 0 : i32
    %c0_i32_0 = arith.constant 0 : i32
    %c0_i32_1 = arith.constant 0 : i32
    return %c0_i32, %c0_i32_0 : i32, i32
  }
  func.func @transform_8(%arg0: i32) -> (i32, i32) {
    %c0_i32 = arith.constant 0 : i32
    %c0_i32_0 = arith.constant 0 : i32
    %c0_i32_1 = arith.constant 0 : i32
    return %c0_i32, %c0_i32_0 : i32, i32
  }
  func.func @transform_9(%arg0: i32) -> (i32, i32) {
    %c0_i32 = arith.constant 0 : i32
    %c0_i32_0 = arith.constant 0 : i32
    return %arg0, %c0_i32 : i32, i32
  }
  func.func @transform_10(%arg0: i32) -> (i32, i32) {
    %c0_i32 = arith.constant 0 : i32
    %c0_i32_0 = arith.constant 0 : i32
    return %arg0, %c0_i32 : i32, i32
  }
  func.func @transform_11(%arg0: i32) -> (i32, i32) {
    %c0_i32 = arith.constant 0 : i32
    %c0_i32_0 = arith.constant 0 : i32
    %c0_i32_1 = arith.constant 0 : i32
    return %c0_i32, %c0_i32_0 : i32, i32
  }
}

module attributes {stable_mosaic.version = 14 : i64} {
  func.func @_edge_bwd_body(%arg0: i32, %arg1: memref<16x8192xf32, #tpu.memory_space<vmem>>, %arg2: memref<32x8192xf32, #tpu.memory_space<vmem>>, %arg3: memref<72x8192xf32, #tpu.memory_space<vmem>>, %arg4: memref<8192x16xf32, #tpu.memory_space<vmem>>, %arg5: memref<8192x16xf32, #tpu.memory_space<vmem>>) attributes {dimension_semantics = [#tpu.dimension_semantics<arbitrary>], iteration_bounds = array<i64: 98>, scalar_prefetch = 0 : i64, scratch_operands = 0 : i64, tpu.core_type = #tpu.core_type<tc>, window_params = [{transform_indices = @transform_0, window_bounds = array<i64: 16, 8192>}, {transform_indices = @transform_1, window_bounds = array<i64: 32, 8192>}, {transform_indices = @transform_2, window_bounds = array<i64: 72, 8192>}, {transform_indices = @transform_3, window_bounds = array<i64: 8192, 16>}, {transform_indices = @transform_4, window_bounds = array<i64: 8192, 16>}]} {
    %get3A = arith.constant 0 : index
    %get3A_0 = arith.constant 0 : index
    %get3A_1 = vector.load %arg2[%get3A, %get3A_0] : memref<32x8192xf32, #tpu.memory_space<vmem>>, vector<32x8192xf32>
    %get3A_2 = arith.constant 0 : index
    %get3A_3 = arith.constant 0 : index
    %get3A_4 = vector.load %arg1[%get3A_2, %get3A_3] : memref<16x8192xf32, #tpu.memory_space<vmem>>, vector<3x8192xf32>
    "tpu.trace_start"() <{level = 10 : i32, message = "jvp"}> : () -> ()
    %slice3A = vector.extract_strided_slice %get3A_4 {offsets = [0, 0], sizes = [1, 8192], strides = [1, 1]} : vector<3x8192xf32> to vector<1x8192xf32>
    %slice3A_5 = vector.extract_strided_slice %get3A_4 {offsets = [1, 0], sizes = [1, 8192], strides = [1, 1]} : vector<3x8192xf32> to vector<1x8192xf32>
    %slice3A_6 = vector.extract_strided_slice %get3A_4 {offsets = [2, 0], sizes = [1, 8192], strides = [1, 1]} : vector<3x8192xf32> to vector<1x8192xf32>
    %mul3A = arith.mulf %slice3A, %slice3A : vector<1x8192xf32>
    %mul3A_7 = arith.mulf %slice3A_5, %slice3A_5 : vector<1x8192xf32>
    %add3A = arith.addf %mul3A, %mul3A_7 : vector<1x8192xf32>
    %mul3A_8 = arith.mulf %slice3A_6, %slice3A_6 : vector<1x8192xf32>
    %add3A_9 = arith.addf %add3A, %mul3A_8 : vector<1x8192xf32>
    %sqrt3A = math.sqrt %add3A_9 : vector<1x8192xf32>
    %div3A = arith.constant 5.000000e-01 : f32
    %div3A_10 = vector.broadcast %div3A : f32 to vector<1x8192xf32>
    %div3A_11 = arith.divf %div3A_10, %sqrt3A : vector<1x8192xf32>
    %slice3A_12 = vector.extract_strided_slice %get3A_1 {offsets = [0, 0], sizes = [8, 8192], strides = [1, 1]} : vector<32x8192xf32> to vector<8x8192xf32>
    %slice3A_13 = vector.extract_strided_slice %get3A_1 {offsets = [8, 0], sizes = [8, 8192], strides = [1, 1]} : vector<32x8192xf32> to vector<8x8192xf32>
    %slice3A_14 = vector.extract_strided_slice %get3A_1 {offsets = [16, 0], sizes = [8, 8192], strides = [1, 1]} : vector<32x8192xf32> to vector<8x8192xf32>
    %mul3A_15 = arith.constant 0.785398185 : f32
    %mul3A_16 = vector.broadcast %mul3A_15 : f32 to vector<1x8192xf32>
    %mul3A_17 = arith.mulf %sqrt3A, %mul3A_16 : vector<1x8192xf32>
    %cos3A = math.cos %mul3A_17 : vector<1x8192xf32>
    %sin3A = math.sin %mul3A_17 : vector<1x8192xf32>
    %mul3A_18 = arith.constant 5.000000e-01 : f32
    %mul3A_19 = vector.broadcast %mul3A_18 : f32 to vector<1x8192xf32>
    %mul3A_20 = arith.mulf %mul3A_19, %cos3A : vector<1x8192xf32>
    %add3A_21 = arith.constant 5.000000e-01 : f32
    %add3A_22 = vector.broadcast %add3A_21 : f32 to vector<1x8192xf32>
    %add3A_23 = arith.addf %mul3A_20, %add3A_22 : vector<1x8192xf32>
    %square3A = arith.mulf %add3A_23, %add3A_23 : vector<1x8192xf32>
    %mul3A_24 = arith.constant 2.000000e+00 : f32
    %mul3A_25 = vector.broadcast %mul3A_24 : f32 to vector<1x8192xf32>
    %mul3A_26 = arith.mulf %mul3A_25, %add3A_23 : vector<1x8192xf32>
    %sub3A = vector.broadcast %sqrt3A : vector<1x8192xf32> to vector<8x8192xf32>
    %sub3A_27 = arith.subf %sub3A, %slice3A_14 : vector<8x8192xf32>
    %mul3A_28 = arith.mulf %slice3A_13, %sub3A_27 : vector<8x8192xf32>
    %square3A_29 = arith.mulf %mul3A_28, %mul3A_28 : vector<8x8192xf32>
    %mul3A_30 = arith.constant 2.000000e+00 : f32
    %mul3A_31 = vector.broadcast %mul3A_30 : f32 to vector<8x8192xf32>
    %mul3A_32 = arith.mulf %mul3A_31, %mul3A_28 : vector<8x8192xf32>
    %neg3A = arith.constant 0.000000e+00 : f32
    %neg3A_33 = vector.broadcast %neg3A : f32 to vector<8x8192xf32>
    %neg3A_34 = arith.subf %neg3A_33, %square3A_29 : vector<8x8192xf32>
    %exp3A = math.exp %neg3A_34 : vector<8x8192xf32>
    %mul3A_35 = vector.broadcast %square3A : vector<1x8192xf32> to vector<8x8192xf32>
    %mul3A_36 = arith.mulf %mul3A_35, %exp3A : vector<8x8192xf32>
    %mul3A_37 = arith.mulf %mul3A_36, %slice3A_12 : vector<8x8192xf32>
    %broadcast_in_dim3A = arith.constant 1.000000e+00 : f32
    %broadcast_in_dim3A_38 = vector.broadcast %broadcast_in_dim3A : f32 to vector<1x8192xf32>
    %mul3A_39 = arith.constant 0.282094806 : f32
    %mul3A_40 = vector.broadcast %mul3A_39 : f32 to vector<1x8192xf32>
    %mul3A_41 = arith.mulf %mul3A_40, %broadcast_in_dim3A_38 : vector<1x8192xf32>
    %mul3A_42 = arith.constant 0.488602519 : f32
    %mul3A_43 = vector.broadcast %mul3A_42 : f32 to vector<1x8192xf32>
    %mul3A_44 = arith.mulf %mul3A_43, %slice3A_5 : vector<1x8192xf32>
    %mul3A_45 = arith.constant 0.488602519 : f32
    %mul3A_46 = vector.broadcast %mul3A_45 : f32 to vector<1x8192xf32>
    %mul3A_47 = arith.mulf %mul3A_46, %slice3A_6 : vector<1x8192xf32>
    %mul3A_48 = arith.constant 0.488602519 : f32
    %mul3A_49 = vector.broadcast %mul3A_48 : f32 to vector<1x8192xf32>
    %mul3A_50 = arith.mulf %mul3A_49, %slice3A : vector<1x8192xf32>
    %mul3A_51 = arith.constant 1.09254849 : f32
    %mul3A_52 = vector.broadcast %mul3A_51 : f32 to vector<1x8192xf32>
    %mul3A_53 = arith.mulf %mul3A_52, %slice3A : vector<1x8192xf32>
    %mul3A_54 = arith.mulf %mul3A_53, %slice3A_5 : vector<1x8192xf32>
    %mul3A_55 = arith.constant 1.09254849 : f32
    %mul3A_56 = vector.broadcast %mul3A_55 : f32 to vector<1x8192xf32>
    %mul3A_57 = arith.mulf %mul3A_56, %slice3A_5 : vector<1x8192xf32>
    %mul3A_58 = arith.mulf %mul3A_57, %slice3A_6 : vector<1x8192xf32>
    %mul3A_59 = arith.constant 3.000000e+00 : f32
    %mul3A_60 = vector.broadcast %mul3A_59 : f32 to vector<1x8192xf32>
    %mul3A_61 = arith.mulf %mul3A_60, %slice3A_6 : vector<1x8192xf32>
    %mul3A_62 = arith.mulf %mul3A_61, %slice3A_6 : vector<1x8192xf32>
    %sub3A_63 = arith.subf %mul3A_62, %add3A_9 : vector<1x8192xf32>
    %mul3A_64 = arith.constant 0.31539157 : f32
    %mul3A_65 = vector.broadcast %mul3A_64 : f32 to vector<1x8192xf32>
    %mul3A_66 = arith.mulf %mul3A_65, %sub3A_63 : vector<1x8192xf32>
    %mul3A_67 = arith.constant 1.09254849 : f32
    %mul3A_68 = vector.broadcast %mul3A_67 : f32 to vector<1x8192xf32>
    %mul3A_69 = arith.mulf %mul3A_68, %slice3A : vector<1x8192xf32>
    %mul3A_70 = arith.mulf %mul3A_69, %slice3A_6 : vector<1x8192xf32>
    %mul3A_71 = arith.mulf %slice3A, %slice3A : vector<1x8192xf32>
    %mul3A_72 = arith.mulf %slice3A_5, %slice3A_5 : vector<1x8192xf32>
    %sub3A_73 = arith.subf %mul3A_71, %mul3A_72 : vector<1x8192xf32>
    %mul3A_74 = arith.constant 0.546274245 : f32
    %mul3A_75 = vector.broadcast %mul3A_74 : f32 to vector<1x8192xf32>
    %mul3A_76 = arith.mulf %mul3A_75, %sub3A_73 : vector<1x8192xf32>
    "tpu.trace_stop"() : () -> ()
    %get3A_77 = arith.constant 0 : index
    %get3A_78 = arith.constant 0 : index
    %get3A_79 = vector.load %arg3[%get3A_77, %get3A_78] : memref<72x8192xf32, #tpu.memory_space<vmem>>, vector<72x8192xf32>
    "tpu.trace_start"() <{level = 10 : i32, message = "transpose"}> : () -> ()
    "tpu.trace_start"() <{level = 10 : i32, message = "jvp"}> : () -> ()
    %split3A = vector.extract_strided_slice %get3A_79 {offsets = [0, 0], sizes = [8, 8192], strides = [1, 1]} : vector<72x8192xf32> to vector<8x8192xf32>
    %split3A_80 = vector.extract_strided_slice %get3A_79 {offsets = [8, 0], sizes = [8, 8192], strides = [1, 1]} : vector<72x8192xf32> to vector<8x8192xf32>
    %split3A_81 = vector.extract_strided_slice %get3A_79 {offsets = [16, 0], sizes = [8, 8192], strides = [1, 1]} : vector<72x8192xf32> to vector<8x8192xf32>
    %split3A_82 = vector.extract_strided_slice %get3A_79 {offsets = [24, 0], sizes = [8, 8192], strides = [1, 1]} : vector<72x8192xf32> to vector<8x8192xf32>
    %split3A_83 = vector.extract_strided_slice %get3A_79 {offsets = [32, 0], sizes = [8, 8192], strides = [1, 1]} : vector<72x8192xf32> to vector<8x8192xf32>
    %split3A_84 = vector.extract_strided_slice %get3A_79 {offsets = [40, 0], sizes = [8, 8192], strides = [1, 1]} : vector<72x8192xf32> to vector<8x8192xf32>
    %split3A_85 = vector.extract_strided_slice %get3A_79 {offsets = [48, 0], sizes = [8, 8192], strides = [1, 1]} : vector<72x8192xf32> to vector<8x8192xf32>
    %split3A_86 = vector.extract_strided_slice %get3A_79 {offsets = [56, 0], sizes = [8, 8192], strides = [1, 1]} : vector<72x8192xf32> to vector<8x8192xf32>
    %split3A_87 = vector.extract_strided_slice %get3A_79 {offsets = [64, 0], sizes = [8, 8192], strides = [1, 1]} : vector<72x8192xf32> to vector<8x8192xf32>
    %mul3A_88 = vector.broadcast %mul3A_76 : vector<1x8192xf32> to vector<8x8192xf32>
    %mul3A_89 = arith.mulf %mul3A_88, %split3A_87 : vector<8x8192xf32>
    %mul3A_90 = arith.mulf %split3A_87, %mul3A_37 : vector<8x8192xf32>
    %reduce_sum3A = arith.constant dense<0.000000e+00> : vector<8192xf32>
    %reduce_sum3A_91 = vector.multi_reduction <add>, %mul3A_90, %reduce_sum3A [0] : vector<8x8192xf32> to vector<8192xf32>
    %reshape3A = vector.shape_cast %reduce_sum3A_91 : vector<8192xf32> to vector<1x8192xf32>
    %mul3A_92 = vector.broadcast %mul3A_70 : vector<1x8192xf32> to vector<8x8192xf32>
    %mul3A_93 = arith.mulf %mul3A_92, %split3A_86 : vector<8x8192xf32>
    %add_any3A = arith.addf %mul3A_89, %mul3A_93 : vector<8x8192xf32>
    %mul3A_94 = arith.mulf %split3A_86, %mul3A_37 : vector<8x8192xf32>
    %reduce_sum3A_95 = arith.constant dense<0.000000e+00> : vector<8192xf32>
    %reduce_sum3A_96 = vector.multi_reduction <add>, %mul3A_94, %reduce_sum3A_95 [0] : vector<8x8192xf32> to vector<8192xf32>
    %reshape3A_97 = vector.shape_cast %reduce_sum3A_96 : vector<8192xf32> to vector<1x8192xf32>
    %mul3A_98 = vector.broadcast %mul3A_66 : vector<1x8192xf32> to vector<8x8192xf32>
    %mul3A_99 = arith.mulf %mul3A_98, %split3A_85 : vector<8x8192xf32>
    %add_any3A_100 = arith.addf %add_any3A, %mul3A_99 : vector<8x8192xf32>
    %mul3A_101 = arith.mulf %split3A_85, %mul3A_37 : vector<8x8192xf32>
    %reduce_sum3A_102 = arith.constant dense<0.000000e+00> : vector<8192xf32>
    %reduce_sum3A_103 = vector.multi_reduction <add>, %mul3A_101, %reduce_sum3A_102 [0] : vector<8x8192xf32> to vector<8192xf32>
    %reshape3A_104 = vector.shape_cast %reduce_sum3A_103 : vector<8192xf32> to vector<1x8192xf32>
    %mul3A_105 = vector.broadcast %mul3A_58 : vector<1x8192xf32> to vector<8x8192xf32>
    %mul3A_106 = arith.mulf %mul3A_105, %split3A_84 : vector<8x8192xf32>
    %add_any3A_107 = arith.addf %add_any3A_100, %mul3A_106 : vector<8x8192xf32>
    %mul3A_108 = arith.mulf %split3A_84, %mul3A_37 : vector<8x8192xf32>
    %reduce_sum3A_109 = arith.constant dense<0.000000e+00> : vector<8192xf32>
    %reduce_sum3A_110 = vector.multi_reduction <add>, %mul3A_108, %reduce_sum3A_109 [0] : vector<8x8192xf32> to vector<8192xf32>
    %reshape3A_111 = vector.shape_cast %reduce_sum3A_110 : vector<8192xf32> to vector<1x8192xf32>
    %mul3A_112 = vector.broadcast %mul3A_54 : vector<1x8192xf32> to vector<8x8192xf32>
    %mul3A_113 = arith.mulf %mul3A_112, %split3A_83 : vector<8x8192xf32>
    %add_any3A_114 = arith.addf %add_any3A_107, %mul3A_113 : vector<8x8192xf32>
    %mul3A_115 = arith.mulf %split3A_83, %mul3A_37 : vector<8x8192xf32>
    %reduce_sum3A_116 = arith.constant dense<0.000000e+00> : vector<8192xf32>
    %reduce_sum3A_117 = vector.multi_reduction <add>, %mul3A_115, %reduce_sum3A_116 [0] : vector<8x8192xf32> to vector<8192xf32>
    %reshape3A_118 = vector.shape_cast %reduce_sum3A_117 : vector<8192xf32> to vector<1x8192xf32>
    %mul3A_119 = vector.broadcast %mul3A_50 : vector<1x8192xf32> to vector<8x8192xf32>
    %mul3A_120 = arith.mulf %mul3A_119, %split3A_82 : vector<8x8192xf32>
    %add_any3A_121 = arith.addf %add_any3A_114, %mul3A_120 : vector<8x8192xf32>
    %mul3A_122 = arith.mulf %split3A_82, %mul3A_37 : vector<8x8192xf32>
    %reduce_sum3A_123 = arith.constant dense<0.000000e+00> : vector<8192xf32>
    %reduce_sum3A_124 = vector.multi_reduction <add>, %mul3A_122, %reduce_sum3A_123 [0] : vector<8x8192xf32> to vector<8192xf32>
    %reshape3A_125 = vector.shape_cast %reduce_sum3A_124 : vector<8192xf32> to vector<1x8192xf32>
    %mul3A_126 = vector.broadcast %mul3A_47 : vector<1x8192xf32> to vector<8x8192xf32>
    %mul3A_127 = arith.mulf %mul3A_126, %split3A_81 : vector<8x8192xf32>
    %add_any3A_128 = arith.addf %add_any3A_121, %mul3A_127 : vector<8x8192xf32>
    %mul3A_129 = arith.mulf %split3A_81, %mul3A_37 : vector<8x8192xf32>
    %reduce_sum3A_130 = arith.constant dense<0.000000e+00> : vector<8192xf32>
    %reduce_sum3A_131 = vector.multi_reduction <add>, %mul3A_129, %reduce_sum3A_130 [0] : vector<8x8192xf32> to vector<8192xf32>
    %reshape3A_132 = vector.shape_cast %reduce_sum3A_131 : vector<8192xf32> to vector<1x8192xf32>
    %mul3A_133 = vector.broadcast %mul3A_44 : vector<1x8192xf32> to vector<8x8192xf32>
    %mul3A_134 = arith.mulf %mul3A_133, %split3A_80 : vector<8x8192xf32>
    %add_any3A_135 = arith.addf %add_any3A_128, %mul3A_134 : vector<8x8192xf32>
    %mul3A_136 = arith.mulf %split3A_80, %mul3A_37 : vector<8x8192xf32>
    %reduce_sum3A_137 = arith.constant dense<0.000000e+00> : vector<8192xf32>
    %reduce_sum3A_138 = vector.multi_reduction <add>, %mul3A_136, %reduce_sum3A_137 [0] : vector<8x8192xf32> to vector<8192xf32>
    %reshape3A_139 = vector.shape_cast %reduce_sum3A_138 : vector<8192xf32> to vector<1x8192xf32>
    %mul3A_140 = vector.broadcast %mul3A_41 : vector<1x8192xf32> to vector<8x8192xf32>
    %mul3A_141 = arith.mulf %mul3A_140, %split3A : vector<8x8192xf32>
    %add_any3A_142 = arith.addf %add_any3A_135, %mul3A_141 : vector<8x8192xf32>
    %mul3A_143 = arith.constant 0.546274245 : f32
    %mul3A_144 = vector.broadcast %mul3A_143 : f32 to vector<1x8192xf32>
    %mul3A_145 = arith.mulf %mul3A_144, %reshape3A : vector<1x8192xf32>
    %neg3A_146 = arith.constant 0.000000e+00 : f32
    %neg3A_147 = vector.broadcast %neg3A_146 : f32 to vector<1x8192xf32>
    %neg3A_148 = arith.subf %neg3A_147, %mul3A_145 : vector<1x8192xf32>
    %mul3A_149 = arith.mulf %slice3A_5, %neg3A_148 : vector<1x8192xf32>
    %mul3A_150 = arith.mulf %neg3A_148, %slice3A_5 : vector<1x8192xf32>
    %add_any3A_151 = arith.addf %mul3A_149, %mul3A_150 : vector<1x8192xf32>
    %mul3A_152 = arith.mulf %slice3A, %mul3A_145 : vector<1x8192xf32>
    %mul3A_153 = arith.mulf %mul3A_145, %slice3A : vector<1x8192xf32>
    %add_any3A_154 = arith.addf %mul3A_152, %mul3A_153 : vector<1x8192xf32>
    %mul3A_155 = arith.mulf %mul3A_69, %reshape3A_97 : vector<1x8192xf32>
    %mul3A_156 = arith.mulf %reshape3A_97, %slice3A_6 : vector<1x8192xf32>
    %mul3A_157 = arith.constant 1.09254849 : f32
    %mul3A_158 = vector.broadcast %mul3A_157 : f32 to vector<1x8192xf32>
    %mul3A_159 = arith.mulf %mul3A_158, %mul3A_156 : vector<1x8192xf32>
    %add_any3A_160 = arith.addf %add_any3A_154, %mul3A_159 : vector<1x8192xf32>
    %mul3A_161 = arith.constant 0.31539157 : f32
    %mul3A_162 = vector.broadcast %mul3A_161 : f32 to vector<1x8192xf32>
    %mul3A_163 = arith.mulf %mul3A_162, %reshape3A_104 : vector<1x8192xf32>
    %neg3A_164 = arith.constant 0.000000e+00 : f32
    %neg3A_165 = vector.broadcast %neg3A_164 : f32 to vector<1x8192xf32>
    %neg3A_166 = arith.subf %neg3A_165, %mul3A_163 : vector<1x8192xf32>
    %mul3A_167 = arith.mulf %mul3A_61, %mul3A_163 : vector<1x8192xf32>
    %add_any3A_168 = arith.addf %mul3A_155, %mul3A_167 : vector<1x8192xf32>
    %mul3A_169 = arith.mulf %mul3A_163, %slice3A_6 : vector<1x8192xf32>
    %mul3A_170 = arith.constant 3.000000e+00 : f32
    %mul3A_171 = vector.broadcast %mul3A_170 : f32 to vector<1x8192xf32>
    %mul3A_172 = arith.mulf %mul3A_171, %mul3A_169 : vector<1x8192xf32>
    %add_any3A_173 = arith.addf %add_any3A_168, %mul3A_172 : vector<1x8192xf32>
    %mul3A_174 = arith.mulf %mul3A_57, %reshape3A_111 : vector<1x8192xf32>
    %add_any3A_175 = arith.addf %add_any3A_173, %mul3A_174 : vector<1x8192xf32>
    %mul3A_176 = arith.mulf %reshape3A_111, %slice3A_6 : vector<1x8192xf32>
    %mul3A_177 = arith.constant 1.09254849 : f32
    %mul3A_178 = vector.broadcast %mul3A_177 : f32 to vector<1x8192xf32>
    %mul3A_179 = arith.mulf %mul3A_178, %mul3A_176 : vector<1x8192xf32>
    %add_any3A_180 = arith.addf %add_any3A_151, %mul3A_179 : vector<1x8192xf32>
    %mul3A_181 = arith.mulf %mul3A_53, %reshape3A_118 : vector<1x8192xf32>
    %add_any3A_182 = arith.addf %add_any3A_180, %mul3A_181 : vector<1x8192xf32>
    %mul3A_183 = arith.mulf %reshape3A_118, %slice3A_5 : vector<1x8192xf32>
    %mul3A_184 = arith.constant 1.09254849 : f32
    %mul3A_185 = vector.broadcast %mul3A_184 : f32 to vector<1x8192xf32>
    %mul3A_186 = arith.mulf %mul3A_185, %mul3A_183 : vector<1x8192xf32>
    %add_any3A_187 = arith.addf %add_any3A_160, %mul3A_186 : vector<1x8192xf32>
    %mul3A_188 = arith.constant 0.488602519 : f32
    %mul3A_189 = vector.broadcast %mul3A_188 : f32 to vector<1x8192xf32>
    %mul3A_190 = arith.mulf %mul3A_189, %reshape3A_125 : vector<1x8192xf32>
    %add_any3A_191 = arith.addf %add_any3A_187, %mul3A_190 : vector<1x8192xf32>
    %mul3A_192 = arith.constant 0.488602519 : f32
    %mul3A_193 = vector.broadcast %mul3A_192 : f32 to vector<1x8192xf32>
    %mul3A_194 = arith.mulf %mul3A_193, %reshape3A_132 : vector<1x8192xf32>
    %add_any3A_195 = arith.addf %add_any3A_175, %mul3A_194 : vector<1x8192xf32>
    %mul3A_196 = arith.constant 0.488602519 : f32
    %mul3A_197 = vector.broadcast %mul3A_196 : f32 to vector<1x8192xf32>
    %mul3A_198 = arith.mulf %mul3A_197, %reshape3A_139 : vector<1x8192xf32>
    %add_any3A_199 = arith.addf %add_any3A_182, %mul3A_198 : vector<1x8192xf32>
    %mul3A_200 = arith.mulf %add_any3A_142, %slice3A_12 : vector<8x8192xf32>
    %mul3A_201 = vector.broadcast %square3A : vector<1x8192xf32> to vector<8x8192xf32>
    %mul3A_202 = arith.mulf %mul3A_201, %mul3A_200 : vector<8x8192xf32>
    %mul3A_203 = arith.mulf %mul3A_200, %exp3A : vector<8x8192xf32>
    %reduce_sum3A_204 = arith.constant dense<0.000000e+00> : vector<8192xf32>
    %reduce_sum3A_205 = vector.multi_reduction <add>, %mul3A_203, %reduce_sum3A_204 [0] : vector<8x8192xf32> to vector<8192xf32>
    %reshape3A_206 = vector.shape_cast %reduce_sum3A_205 : vector<8192xf32> to vector<1x8192xf32>
    %mul3A_207 = arith.mulf %mul3A_202, %exp3A : vector<8x8192xf32>
    %neg3A_208 = arith.constant 0.000000e+00 : f32
    %neg3A_209 = vector.broadcast %neg3A_208 : f32 to vector<8x8192xf32>
    %neg3A_210 = arith.subf %neg3A_209, %mul3A_207 : vector<8x8192xf32>
    %mul3A_211 = arith.mulf %neg3A_210, %mul3A_32 : vector<8x8192xf32>
    %mul3A_212 = arith.mulf %slice3A_13, %mul3A_211 : vector<8x8192xf32>
    %reduce_sum3A_213 = arith.constant dense<0.000000e+00> : vector<8192xf32>
    %reduce_sum3A_214 = vector.multi_reduction <add>, %mul3A_212, %reduce_sum3A_213 [0] : vector<8x8192xf32> to vector<8192xf32>
    %reshape3A_215 = vector.shape_cast %reduce_sum3A_214 : vector<8192xf32> to vector<1x8192xf32>
    %mul3A_216 = arith.mulf %reshape3A_206, %mul3A_26 : vector<1x8192xf32>
    %mul3A_217 = arith.constant 5.000000e-01 : f32
    %mul3A_218 = vector.broadcast %mul3A_217 : f32 to vector<1x8192xf32>
    %mul3A_219 = arith.mulf %mul3A_218, %mul3A_216 : vector<1x8192xf32>
    %neg3A_220 = arith.constant 0.000000e+00 : f32
    %neg3A_221 = vector.broadcast %neg3A_220 : f32 to vector<1x8192xf32>
    %neg3A_222 = arith.subf %neg3A_221, %mul3A_219 : vector<1x8192xf32>
    %mul3A_223 = arith.mulf %neg3A_222, %sin3A : vector<1x8192xf32>
    %mul3A_224 = arith.constant 0.785398185 : f32
    %mul3A_225 = vector.broadcast %mul3A_224 : f32 to vector<1x8192xf32>
    %mul3A_226 = arith.mulf %mul3A_223, %mul3A_225 : vector<1x8192xf32>
    %add_any3A_227 = arith.addf %reshape3A_215, %mul3A_226 : vector<1x8192xf32>
    %mul3A_228 = arith.mulf %add_any3A_227, %div3A_11 : vector<1x8192xf32>
    %add_any3A_229 = arith.addf %neg3A_166, %mul3A_228 : vector<1x8192xf32>
    %mul3A_230 = arith.mulf %slice3A_6, %add_any3A_229 : vector<1x8192xf32>
    %add_any3A_231 = arith.addf %add_any3A_195, %mul3A_230 : vector<1x8192xf32>
    %mul3A_232 = arith.mulf %add_any3A_229, %slice3A_6 : vector<1x8192xf32>
    %add_any3A_233 = arith.addf %add_any3A_231, %mul3A_232 : vector<1x8192xf32>
    %mul3A_234 = arith.mulf %slice3A_5, %add_any3A_229 : vector<1x8192xf32>
    %add_any3A_235 = arith.addf %add_any3A_199, %mul3A_234 : vector<1x8192xf32>
    %mul3A_236 = arith.mulf %add_any3A_229, %slice3A_5 : vector<1x8192xf32>
    %add_any3A_237 = arith.addf %add_any3A_235, %mul3A_236 : vector<1x8192xf32>
    %mul3A_238 = arith.mulf %slice3A, %add_any3A_229 : vector<1x8192xf32>
    %add_any3A_239 = arith.addf %add_any3A_191, %mul3A_238 : vector<1x8192xf32>
    %mul3A_240 = arith.mulf %add_any3A_229, %slice3A : vector<1x8192xf32>
    %add_any3A_241 = arith.addf %add_any3A_239, %mul3A_240 : vector<1x8192xf32>
    %pad3A = arith.constant 0.000000e+00 : f32
    %pad3A_242 = vector.broadcast %pad3A : f32 to vector<2x8192xf32>
    %pad3A_243 = tpu.concatenate %pad3A_242, %add_any3A_233 in 0 : vector<2x8192xf32>, vector<1x8192xf32> -> vector<3x8192xf32>
    %pad3A_244 = arith.constant 0.000000e+00 : f32
    %pad3A_245 = vector.broadcast %pad3A_244 : f32 to vector<1x8192xf32>
    %pad3A_246 = tpu.concatenate %pad3A_245, %add_any3A_237 in 0 : vector<1x8192xf32>, vector<1x8192xf32> -> vector<2x8192xf32>
    %pad3A_247 = vector.broadcast %pad3A_244 : f32 to vector<1x8192xf32>
    %pad3A_248 = tpu.concatenate %pad3A_246, %pad3A_247 in 0 : vector<2x8192xf32>, vector<1x8192xf32> -> vector<3x8192xf32>
    %add_any3A_249 = arith.addf %pad3A_243, %pad3A_248 : vector<3x8192xf32>
    %pad3A_250 = arith.constant 0.000000e+00 : f32
    %pad3A_251 = vector.broadcast %pad3A_250 : f32 to vector<2x8192xf32>
    %pad3A_252 = tpu.concatenate %add_any3A_241, %pad3A_251 in 0 : vector<1x8192xf32>, vector<2x8192xf32> -> vector<3x8192xf32>
    %add_any3A_253 = arith.addf %add_any3A_249, %pad3A_252 : vector<3x8192xf32>
    %broadcast_in_dim3A_254 = arith.constant 0.000000e+00 : f32
    "tpu.trace_stop"() : () -> ()
    "tpu.trace_stop"() : () -> ()
    %broadcast_in_dim3A_255 = vector.broadcast %broadcast_in_dim3A_254 : f32 to vector<13x8192xf32>
    %neg3A_256 = arith.constant 0.000000e+00 : f32
    %neg3A_257 = vector.broadcast %neg3A_256 : f32 to vector<3x8192xf32>
    %neg3A_258 = arith.subf %neg3A_257, %add_any3A_253 : vector<3x8192xf32>
    %concatenate3A = tpu.concatenate %neg3A_258, %broadcast_in_dim3A_255 in 0 : vector<3x8192xf32>, vector<13x8192xf32> -> vector<16x8192xf32>
    %transpose3A = tpu.transpose %concatenate3A, [1, 0] : vector<16x8192xf32> -> vector<8192x16xf32>
    %swap3A = arith.constant 0 : index
    %swap3A_259 = arith.constant 0 : index
    %swap3A_260 = vector.load %arg4[%swap3A, %swap3A_259] : memref<8192x16xf32, #tpu.memory_space<vmem>>, vector<8192x16xf32>
    tpu.vector_store %arg4[%swap3A, %swap3A_259], %transpose3A {strides = array<i32>} : memref<8192x16xf32, #tpu.memory_space<vmem>>, vector<8192x16xf32>,
    %concatenate3A_261 = tpu.concatenate %add_any3A_253, %broadcast_in_dim3A_255 in 0 : vector<3x8192xf32>, vector<13x8192xf32> -> vector<16x8192xf32>
    %transpose3A_262 = tpu.transpose %concatenate3A_261, [1, 0] : vector<16x8192xf32> -> vector<8192x16xf32>
    %swap3A_263 = arith.constant 0 : index
    %swap3A_264 = arith.constant 0 : index
    %swap3A_265 = vector.load %arg5[%swap3A_263, %swap3A_264] : memref<8192x16xf32, #tpu.memory_space<vmem>>, vector<8192x16xf32>
    tpu.vector_store %arg5[%swap3A_263, %swap3A_264], %transpose3A_262 {strides = array<i32>} : memref<8192x16xf32, #tpu.memory_space<vmem>>, vector<8192x16xf32>,
    return
  }
  func.func @transform_0(%arg0: i32) -> (i32, i32) {
    %c0_i32 = arith.constant 0 : i32
    %c0_i32_0 = arith.constant 0 : i32
    return %c0_i32, %arg0 : i32, i32
  }
  func.func @transform_1(%arg0: i32) -> (i32, i32) {
    %c0_i32 = arith.constant 0 : i32
    %c0_i32_0 = arith.constant 0 : i32
    return %c0_i32, %arg0 : i32, i32
  }
  func.func @transform_2(%arg0: i32) -> (i32, i32) {
    %c0_i32 = arith.constant 0 : i32
    %c0_i32_0 = arith.constant 0 : i32
    return %c0_i32, %arg0 : i32, i32
  }
  func.func @transform_3(%arg0: i32) -> (i32, i32) {
    %c0_i32 = arith.constant 0 : i32
    %c0_i32_0 = arith.constant 0 : i32
    return %arg0, %c0_i32 : i32, i32
  }
  func.func @transform_4(%arg0: i32) -> (i32, i32) {
    %c0_i32 = arith.constant 0 : i32
    %c0_i32_0 = arith.constant 0 : i32
    return %arg0, %c0_i32 : i32, i32
  }
}

</mosaic_0001>

<sc_bundles>
// kernel: kernel.10.cloned.1.call-start
scs
__scs_entry_jumppad:
0x0: {  	(pc) =	sbr.rel $0x88, $3  }
0x1: {  	(tag) =	ssettag $0x0;
	lr =	simm.s32 $0x1  }
0x2: {  	[smem:$0x3F89] =	sst lr;
	_ =	strace $0xD0000000  }
0x3: {  	_ = 	snop  }
0x4: {  	_ = 	snop  }
0x5: {  	_ = 	snop  }
0x6: {  	_ = 	snop  }
0x7: {  	_ = 	snop  }
__scs_overlays_trampoline_lowered:
0x8: {  	[smem:$0x3F98] =	sst s0  }
0x9: {  	[smem:$0x3F99] =	sst s1  }
0xa: {  	[smem:$0x3F9A] =	sst s2  }
0xb: {  	[smem:$0x3F9B] =	sst s3  }
0xc: {  	[smem:$0x3F9C] =	sst s4  }
0xd: {  	[smem:$0x3F9D] =	sst s5  }
0xe: {  	[smem:$0x3F9E] =	sst s6  }
0xf: {  	[smem:$0x3F9F] =	sst s7  }
0x10: {  	[smem:$0x3FA0] =	sst s8  }
0x11: {  	[smem:$0x3FA1] =	sst s9;
	s0 =	simm.s32 @!p0 $0x0  }
0x12: {  	s1 =	sld [smem:$0x3F87];
	s0 =	simm.s32 @p0 $0x1  }
0x13: {  	[smem:$0x3FA2] =	sst s0;
	s0 =	simm.s32 @!p1 $0x0  }
0x14: {  	s2 =	sld [smem:$0x3F86];
	s0 =	simm.s32 @p1 $0x1  }
0x15: {  	[smem:$0x3FA3] =	sst s0;
	s0 =	simm.s32 @!p2 $0x0  }
0x16: {  	s3 =	sld [smem:$0x3FDB];
	s0 =	simm.s32 @p2 $0x1  }
0x17: {  	s4 =	simm.s32 $0x1BF5;
	[smem:$0x3FA5] =	sst s0  }
0x18: {  	s0 =	sld [smem:$0x3F88];
	_ =	swait.ge [sflag:s4], $0x0  }
0x19: {  	s7 =	sld [smem:$0x3F89]  }
0x1a: {  	s8 =	sadd.s32 $0xFFFFE003, lr  }
0x1b: {  	s9 =	sadd.s32 $0xFFFFFEF7, lr;
	s5 =	simm.s32 $0xFFFFFFFF;
	p2 =	slt.u32 s8, $0xFFFFF086  }
0x1c: {  	p1 =	slt.u32 s9, $0xF7A;
	s5 =	simm.s32 @!p2 $0x0  }
0x1d: {  	s5 =	simm.s32 @p1 $0x1;
	p0 =	seq.s32 s7, s2  }
0x1e: {  	s7 =	smul.u32 @!p0 $0xF7A, s2;
	p2 =	seq.s32 @!p0 s5, $0x0  }
0x1f: {  	s9 =	smul.u32 $0xF7A, s1;
	s8 =	simm.s32 @!p0 $0x1BF5;
	p2 =	por !p2, p0  }
0x20: {  	[sflag:s8] =	ssyncset.s32 @!p0 $0xFFFFF086;
	s6 =	sadd.s32 @!p0 s3, s7;
	s7 =	simm.s32 @!p0 $0x108  }
0x21: {  	s3 =	sadd.s32 s3, s9;
	s6 =	sadd.s32 @!p0 $0x88, s6;
	s7 =	simm.s32 @p2 $0x1082  }
0x22: {  	[simem:s7], [sflag:s8] =	dma.local @!p0 [hbm:s6], $0xF7A  }
0x23: {  	s9 =	sor.u32 $0xD0000000, s2;
	s6 =	simm.s32 $0x108;
	_ =	swait.ge @!p0 [sflag:s8], $0x0  }
0x24: {  	s3 =	sadd.s32 $0x88, s3;
	s6 =	simm.s32 @!p1 $0x1082;
	[sflag:s4] =	ssyncset.s32 $0xFFFFF086  }
0x25: {  	[simem:s6], [sflag:s4] =	dma.local [hbm:s3], $0xF7A  }
0x26: {  	[smem:$0x3F89] =	sst s1;
	(tag) =	ssettag s2;
	_ =	strace s9  }
0x27: {  	s1 =	sld [smem:$0x3F99]  }
0x28: {  	s2 =	sld [smem:$0x3F9A]  }
0x29: {  	s4 =	sld [smem:$0x3F9C]  }
0x2a: {  	p0 =	seq.s32 s5, $0x0;
	s5 =	sld [smem:$0x3F9D]  }
0x2b: {  	s6 =	sld [smem:$0x3F9E]  }
0x2c: {  	s7 =	sld [smem:$0x3F9F]  }
0x2d: {  	s3 =	simm.s32 $0x108;
	s8 =	sld [smem:$0x3FA0]  }
0x2e: {  	s3 =	simm.s32 @!p0 $0x1082;
	s9 =	sld [smem:$0x3FA1]  }
0x2f: {  	lr =	sadd.s32 s0, s3;
	s0 =	sld [smem:$0x3F98]  }
0x30: {  	s3 =	sld [smem:$0x3F9B]  }
0x31: {  	[smem:$0x3FA4] =	sst s10  }
0x32: {  	s10 =	sld [smem:$0x3FA2];
	_ =	sdelay $0x3  }
0x33: {  	p0 =	seq.s32 s10, $0x1;
	s10 =	sld [smem:$0x3FA4];
	_ =	sdelay $0x3  }
0x34: {  	[smem:$0x3FA4] =	sst s10  }
0x35: {  	s10 =	sld [smem:$0x3FA3];
	_ =	sdelay $0x3  }
0x36: {  	p1 =	seq.s32 s10, $0x1;
	s10 =	sld [smem:$0x3FA4];
	_ =	sdelay $0x3  }
0x37: {  	[smem:$0x3FA4] =	sst s10  }
0x38: {  	s10 =	sld [smem:$0x3FA5]  }
0x39: {  	_ = 	snop;
	(pc) =	sbr.ind lr, $3  }
0x3a: {  	_ = 	snop  }
0x3b: {  	_ = 	snop  }
0x3c: {  	p2 =	seq.s32 s10, $0x1;
	s10 =	sld [smem:$0x3FA4]  }
0x3d: {  	_ =	shalt  }
0x3e: {  	_ =	shalt  }
0x3f: {  	_ =	shalt  }
0x40: {  	_ =	shalt  }
0x41: {  	_ =	shalt  }
0x42: {  	_ =	shalt  }
0x43: {  	_ =	shalt  }
0x44: {  	_ =	shalt  }
0x45: {  	_ =	shalt  }
0x46: {  	_ =	shalt  }
0x47: {  	_ =	shalt  }
0x48: {  	_ =	shalt  }
0x49: {  	_ =	shalt  }
0x4a: {  	_ =	shalt  }
0x4b: {  	_ =	shalt  }
0x4c: {  	_ =	shalt  }
0x4d: {  	_ =	shalt  }
0x4e: {  	_ =	shalt  }
0x4f: {  	_ =	shalt  }
0x50: {  	_ =	shalt  }
0x51: {  	_ =	shalt  }
0x52: {  	_ =	shalt  }
0x53: {  	_ =	shalt  }
0x54: {  	_ =	shalt  }
0x55: {  	_ =	shalt  }
0x56: {  	_ =	shalt  }
0x57: {  	_ =	shalt  }
0x58: {  	_ =	shalt  }
0x59: {  	_ =	shalt  }
0x5a: {  	_ =	shalt  }
0x5b: {  	_ =	shalt  }
0x5c: {  	_ =	shalt  }
0x5d: {  	_ =	shalt  }
0x5e: {  	_ =	shalt  }
0x5f: {  	_ =	shalt  }
0x60: {  	_ =	shalt  }
0x61: {  	_ =	shalt  }
0x62: {  	_ =	shalt  }
0x63: {  	_ =	shalt  }
0x64: {  	_ =	shalt  }
0x65: {  	_ =	shalt  }
0x66: {  	_ =	shalt  }
0x67: {  	_ =	shalt  }
0x68: {  	_ =	shalt  }
0x69: {  	_ =	shalt  }
0x6a: {  	_ =	shalt  }
0x6b: {  	_ =	shalt  }
0x6c: {  	_ =	shalt  }
0x6d: {  	_ =	shalt  }
0x6e: {  	_ =	shalt  }
0x6f: {  	_ =	shalt  }
0x70: {  	_ =	shalt  }
0x71: {  	_ =	shalt  }
0x72: {  	_ =	shalt  }
0x73: {  	_ =	shalt  }
0x74: {  	_ =	shalt  }
0x75: {  	_ =	shalt  }
0x76: {  	_ =	shalt  }
0x77: {  	_ =	shalt  }
0x78: {  	_ =	shalt  }
0x79: {  	_ =	shalt  }
0x7a: {  	_ =	shalt  }
0x7b: {  	_ =	shalt  }
0x7c: {  	_ =	shalt  }
0x7d: {  	_ =	shalt  }
0x7e: {  	_ =	shalt  }
0x7f: {  	_ =	shalt  }
0x80: {  	_ =	shalt  }
0x81: {  	_ =	shalt  }
0x82: {  	_ =	shalt  }
0x83: {  	_ =	shalt  }
0x84: {  	_ =	shalt  }
0x85: {  	_ =	shalt  }
0x86: {  	_ =	shalt  }
0x87: {  	_ =	shalt  }
.Lfunc_end0:
.L_simem_size_0:
called_computation.4_lowered:
.L_overlay_start_0:
0x88: {  	s2 =	sld [smem:$0x3FD9]  }
0x89: {  	s3 =	sld [smem:$0x3FFE];
	_ =	sdelay $0x1  }
0x8a: {  	s1 =	srdreg.scid  }
0x8b: {  	s0 =	sand.u32 $0x1, s1  }
0x8c: {  	s16 =	sshll.u32 s0, $0xA;
	s2 =	sadd.s32 s3, s2  }
0x8d: {  	s2 =	sadd.s32 s2, s16  }
0x8e: {  	[smem:$0x3FB0] =	sst s2  }
0x8f: {  	_ = 	snop  }
0x90: {  	(tm) =	ssettm $0x1  }
0x91: {  	s17 =	sld [smem:$0x3FFB];
	_ =	sdelay $0x3  }
0x92: {  	_ =	strace s17  }
0x93: {  	s2 =	sld [smem:$0x3FFC];
	_ =	sdelay $0x3  }
0x94: {  	_ =	strace s2  }
0x95: {  	s2 =	sld [smem:$0x3FFD];
	_ =	sdelay $0x3  }
0x96: {  	_ =	strace s2  }
0x97: {  	_ =	strace $0x8FFFFFFF  }
0x98: {  	s18 =	sld [smem:$0x3FDB];
	_ =	sdelay $0x1  }
0x99: {  	s19 =	simm.s32 $_scs_section_size  }
0x9a: {  	s4 =	simm.s32 $_size__tile_overlayer_lowered;
	s5 =	simm.s32 $_tile_overlayer_lowered  }
0x9b: {  	s22 =	simm.s32 $0x1BFF;
	s21 =	sshll.u32 s5, $0x1;
	s2 =	sadd.s32 s19, s18  }
0x9c: {  	s6 =	simm.s32 $0x0;
	s20 =	sshll.u32 s4, $0x1;
	s4 =	sadd.s32 s21, s2  }
0x9d: {  	[timem:s6], [sflag:s22] =	dma.local [hbm:s4], s20  }
0x9e: {  	_ =	swait.ge [sflag:s22], s20  }
0x9f: {  	s3 =	ssub.s32 $0x0, s20;
	[sflag:s22] =	ssyncset.done $0x0  }
0xa0: {  	[sflag:s22] =	ssyncadd.s32 s3;
	_ =	sdelay $0x1  }
0xa1: {  	s23 =	simm.s32 $0x1B8B  }
0xa2: {  	_ =	swait.ge [sflag:s23], $0x1  }
0xa3: {  	[sflag:s23] =	ssyncset.done $0x0  }
0xa4: {  	s25 =	simm.s32 $0x1B8E;
	s24 =	sld [smem:$0x3FFE];
	[sflag:s23] =	ssyncadd.s32 $0xFFFFFFFF  }
0xa5: {  	s26 =	simm.s32 $execute0_lowered;
	[smem:$0x3FD2] =	sst s25  }
0xa6: {  	s4 =	sshll.u32 s26, $0x1;
	_ =	strace $0x80000046;
	[dreg:$0x1] =	wrdreg $0xFFFFFFFF  }
0xa7: {  	s28 =	simm.s32 $_size_execute0_lowered;
	s2 =	sadd.s32 s2, s4;
	[dreg:$0x0] =	wrdreg $0x0  }
0xa8: {  	s4 =	sshll.u32 s28, $0x1;
	[dreg:$0x2] =	wrdreg s2  }
0xa9: {  	[dreg:$0x3] =	wrdreg s4  }
0xaa: {  	[dreg:$0x4] =	wrdreg $0xC0  }
0xab: {  	_ =	task [dreg:s6], $0x5FFFF  }
0xac: {  	[dreg:$0x1] =	wrdreg $0xFFFFFFFF  }
0xad: {  	[dreg:$0x0] =	wrdreg $0x60  }
0xae: {  	[dreg:$0x2] =	wrdreg s24  }
0xaf: {  	[dreg:$0x3] =	wrdreg $0x9  }
0xb0: {  	_ =	task.clear_ibuf [dreg:s6], $0x4FFFF;
	_ =	strace $0x90000046  }
0xb1: {  	s29 =	simm.s32 $0x9;
	_ =	strace $0x80000048  }
0xb2: {  	_ =	swait.ge [sflag:s29], $0x1  }
0xb3: {  	[sflag:s29] =	ssyncadd.s32 $0xFFFFFFFF  }
0xb4: {  	_ =	strace $0x90000048  }
0xb5: {  	_ =	sfence  }
0xb6: {  	s30 =	sld [smem:$0x0];
	_ =	sdelay $0x2  }
0xb7: {  	s31 =	sshll.u32 s1, $0xD;
	s1 =	sshrl.u32 s1, $0x2  }
0xb8: {  	s3 =	sand.u32 $0x4000, s31;
	s1 =	sadd.s32 s1, s30  }
0xb9: {  	s0 =	sor.u32 s3, s0;
	s1 =	sshll.u32 s1, $0x11  }
0xba: {  	s0 =	sor.u32 s1, s0  }
0xbb: {  	s0 =	sadd.s32 $0x8F2B, s0  }
0xbc: {  	[sflag:s0] =	ssyncadd.remote.s32 $0x1  }
0xbd: {  	_ =	sfence.sel $0xFFFF  }
0xbe: {  	[dreg:$0x0] =	wrdreg $0xFFFFFFFF;
	(pc) =	sbr.abs _section_cstart, $3  }
0xbf: {  	[dreg:$0x1] =	wrdreg $0xFFFFFFFF  }
0xc0: {  	_ =	task.clear_ibuf [dreg:s6], $0x2FFFF;
	_ =	strace $0x9FFFFFFF  }
0xc1: {  	(tm) =	ssettm $0x7FFFFFFF  }
tec
execute0_lowered:
.L_overlay_start_1:
0x0: {  	(tag) =	ssettag $0x1  }
0x1: {  	s6 =	rddreg [dreg:$0x0]  }
0x2: {  	s0 =	rddreg [dreg:$0x1]  }
0x3: {  	s1 =	simm.s32 $0x0;
	s7 =	srdreg.scid;
	s13 =	simm.s32 $0x80  }
0x4: {  	s14 =	simm.s32 $0x100;
	s15 =	simm.s32 $0x180;
	s16 =	simm.s32 $0x980  }
0x5: {  	s17 =	simm.s32 $0x1180;
	s18 =	simm.s32 $0x1;
	s19 =	simm.s32 $0x2  }
0x6: {  	s20 =	simm.s32 $0x3;
	s21 =	simm.s32 $0x0;
	[smem:$0x7FF] =	sst s1  }
0x7: {  	s2 =	sadd.s32 $0x12AE00, s6;
	s3 =	sadd.s32 $0x67800, s6;
	s4 =	sadd.s32 $0x4F000, s6  }
0x8: {  	s5 =	sadd.s32 $0x1E000, s6;
	s10 =	sand.u32 $0x1, s7;
	s7 =	sadd.s32 $0x5800, s6  }
0x9: {  	s8 =	sadd.s32 $0x2CA200, s6;
	s9 =	sadd.s32 $0x452200, s6;
	s11 =	ssub.s32 $0x2, s10  }
0xa: {  	s6 =	stileid.u32;
	_ =	strace $0x80000047;
	s12 =	sshrl.u32 s11, $0x1  }
0xb: {  	s31 =	sshll.u32 s6, $0x8;
	s10 =	sshll.u32 s10, $0x7;
	s11 =	ssub.s32 s11, s12  }
0xc: {  	s10 =	sor.u32 s10, s31;
	s12 =	simm.s32 $0x4;
	s11 =	smax.u32 s11, $0x1  }
.LBB2_1:
0xd: {  	s22 =	simm.s32 $0x0  }
.LBB2_2:
0xe: {  	s23 =	sshll.u32 s22, $0xC  }
0xf: {  	s23 =	sor.u32 s10, s23  }
0x10: {  	s24 =	sshrl.u32 s23, $0x3  }
0x11: {  	s26 =	simm.s32 $0x0;
	s25 =	sadd.s32 s4, s24  }
0x12: {  	[tilespmem:s26], [sflag:$0x4] =	stream.linear.gather [hbm4b:s25+s26], $0x80, $0x38;
	[tilespmem:$0x2180] =	vst v63  }
0x13: {  	_ =	swait.ge [sflag:s12], $0x80  }
0x14: {  	[sflag:s12] =	ssyncset.done $0x0  }
0x15: {  	s31 =	sadd.s32 s5, s24;
	[sflag:s12] =	ssyncadd.s32 $0xFFFFFF80  }
0x16: {  	[tilespmem:s13], [sflag:$0x4] =	stream.linear.gather [hbm4b:s31+s26], $0x80, $0x38;
	[tilespmem:$0x2180] =	vst v63  }
0x17: {  	_ =	swait.ge [sflag:s12], $0x80  }
0x18: {  	[sflag:s12] =	ssyncset.done $0x0  }
0x19: {  	s24 =	sadd.s32 s7, s24;
	[sflag:s12] =	ssyncadd.s32 $0xFFFFFF80  }
0x1a: {  	[tilespmem:s14], [sflag:$0x4] =	stream.linear.gather [hbm4b:s24+s26], $0x80, $0x38;
	[tilespmem:$0x2180] =	vst v63  }
0x1b: {  	_ =	swait.ge [sflag:s12], $0x80  }
0x1c: {  	[sflag:s12] =	ssyncset.done $0x0  }
0x1d: {  	[sflag:s12] =	ssyncadd.s32 $0xFFFFFF80  }
0x1e: {  	[tilespmem:s15], [sflag:$0x1] =	stream.indirect.gather [hbm4b:s2+s13], $0x10, s26, s13, $0xb8;
	[tilespmem:$0x2180] =	vst v63  }
0x1f: {  	_ = 	snop  }
0x20: {  	[tilespmem:s16], [sflag:$0x2] =	stream.indirect.gather [hbm4b:s2+s13], $0x10, s13, s13, $0xb8;
	[tilespmem:$0x2180] =	vst v63  }
0x21: {  	_ = 	snop  }
0x22: {  	[tilespmem:s17], [sflag:$0x3] =	stream.indirect.gather [hbm4b:s3+s13], $0x20, s14, s13, $0xb8;
	[tilespmem:$0x2180] =	vst v63  }
0x23: {  	_ =	swait.ge [sflag:s18], $0x800  }
0x24: {  	[sflag:s18] =	ssyncset.done $0x0  }
0x25: {  	[sflag:s18] =	ssyncadd.s32 $0xFFFFF800  }
0x26: {  	_ =	swait.ge [sflag:s19], $0x800  }
0x27: {  	[sflag:s19] =	ssyncset.done $0x0  }
0x28: {  	s24 =	simm.s32 $0x0;
	[sflag:s19] =	ssyncadd.s32 $0xFFFFF800  }
0x29: {  	s25 =	simm.s32 $0x40;
	v0 =	vld [tilespmem:s24+$0x180]  }
.LBB2_3:
0x2a: {  	p0 =	sne.s32 s25, $0x1FC0;
	v1 =	vld [tilespmem:s24+$0x980];
	_ =	sdelay $0x2  }
.Ltmp0:
0x2b: {  	(pc) =	sbr.rel @p0 .LBB2_3-.Ltmp0, $4  }
0x2c: {  	_ = 	snop  }
0x2d: {  	v1 =	vsub.f32 v1, v0  }
0x2e: {  	s26 =	sshra.s32 s25, $0x2  }
0x2f: {  	s25 =	sadd.s32 $0x40, s25;
	v0 =	vld [tilespmem:s26+$0x180];
	[tilespmem:s24+$0x980] =	vst v1;
	s24 =	smov.u32 s26  }
0x30: {  	v1 =	vld [tilespmem:s24+$0x980];
	_ =	sdelay $0x4  }
0x31: {  	v0 =	vsub.f32 v1, v0;
	_ =	sdelay $0x1  }
0x32: {  	[tilespmem:s24+$0x980] =	vst v0  }
0x33: {  	_ =	swait.ge [sflag:s20], $0x1000  }
0x34: {  	s30 =	sshll.u32 s23, $0x1;
	[sflag:s20] =	ssyncset.done $0x0  }
0x35: {  	s24 =	sadd.s32 s8, s30;
	[sflag:s20] =	ssyncadd.s32 $0xFFFFF000  }
0x36: {  	[hbm4b:s24+s1] =	stream.linear.scatter [tilespmem:s16], [sflag:$0x4], $0x800, $0x38;
	[tilespmem:$0x2180] =	vst v63  }
0x37: {  	s22 =	sadd.s32 $0x1, s22;
	_ =	swait.ge [sflag:s12], $0x800  }
0x38: {  	s31 =	sshll.u32 s23, $0x2;
	p0 =	sne.s32 s22, $0xC4;
	[sflag:s12] =	ssyncset.done $0x0  }
.Ltmp1:
0x39: {  	s23 =	sadd.s32 s9, s31;
	[sflag:s12] =	ssyncadd.s32 $0xFFFFF800;
	(pc) =	sbr.rel @p0 .LBB2_2-.Ltmp1, $4  }
0x3a: {  	[hbm4b:s23+s1] =	stream.linear.scatter [tilespmem:s17], [sflag:$0x4], $0x1000, $0x38;
	[tilespmem:$0x2180] =	vst v63  }
0x3b: {  	_ =	swait.ge [sflag:s12], $0x1000  }
0x3c: {  	[sflag:s12] =	ssyncset.done $0x0  }
0x3d: {  	[sflag:s12] =	ssyncadd.s32 $0xFFFFF000  }
0x3e: {  	s21 =	sadd.s32 $0x1, s21  }
0x3f: {  	p0 =	sne.s32 s21, s11  }
.Ltmp2:
0x40: {  	_ = 	snop;
	(pc) =	sbr.rel @p0 .LBB2_1-.Ltmp2, $1  }
0x41: {  	_ =	sdelay $0x3  }
0x42: {  	_ =	sfence.sel $0x180000  }
0x43: {  	[bflag:$0x0] =	sbarrier.arrive $0xFFFF  }
0x44: {  	p0 =	sne.s32 s6, $0x0;
	_ =	strace $0x90000047  }
0x45: {  	s0 =	sadd.s32 @!p0 $0x100000, s0;
	[bflag:$0x2] =	sbarrier.arrive $0xFFFF  }
0x46: {  	[sflag:s0] =	ssyncadd.tile.s32 @!p0 $0x1;
	_ =	shalt  }
.Lfunc_end2:
_tile_overlayer_lowered:
.L_overlay_start_2:
0x47: {  	(tag) =	ssettag $0x2  }
0x48: {  	s0 =	rddreg [dreg:$0x0];
	s2 =	stileid.u32  }
0x49: {  	s1 =	rddreg [dreg:$0x1];
	p0 =	sne.s32 s2, $0x0  }
0x4a: {  	s3 =	rddreg [dreg:$0x2];
	[bflag:$0x3] =	sbarrier.arrive $0xFFFF;
	s2 =	simm.s32 @!p0 $0x1C04  }
0x4b: {  	[timem:s3], [sflag:s2] =	dma.local @!p0 [hbm:s0], s1  }
0x4c: {  	s0 =	simm.s32 @!p0 $0x4  }
0x4d: {  	_ =	swait.ge @!p0 [sflag:s0], s1  }
0x4e: {  	s1 =	ssub.s32 @!p0 $0x0, s1;
	[sflag:s0] =	ssyncset.done @!p0 $0x0  }
0x4f: {  	[sflag:s0] =	ssyncadd.s32 @!p0 s1  }
0x50: {  	[bflag:$0x3] =	sbarrier.arrive $0xFFFF  }
0x51: {  	_ =	shalt  }

// kernel: kernel.13.cloned.1.call-start
scs
__scs_entry_jumppad:
0x0: {  	(pc) =	sbr.rel $0x88, $3  }
0x1: {  	(tag) =	ssettag $0x0;
	lr =	simm.s32 $0x1  }
0x2: {  	[smem:$0x3F89] =	sst lr;
	_ =	strace $0xD0000000  }
0x3: {  	_ = 	snop  }
0x4: {  	_ = 	snop  }
0x5: {  	_ = 	snop  }
0x6: {  	_ = 	snop  }
0x7: {  	_ = 	snop  }
__scs_overlays_trampoline_lowered:
0x8: {  	[smem:$0x3F98] =	sst s0  }
0x9: {  	[smem:$0x3F99] =	sst s1  }
0xa: {  	[smem:$0x3F9A] =	sst s2  }
0xb: {  	[smem:$0x3F9B] =	sst s3  }
0xc: {  	[smem:$0x3F9C] =	sst s4  }
0xd: {  	[smem:$0x3F9D] =	sst s5  }
0xe: {  	[smem:$0x3F9E] =	sst s6  }
0xf: {  	[smem:$0x3F9F] =	sst s7  }
0x10: {  	[smem:$0x3FA0] =	sst s8  }
0x11: {  	[smem:$0x3FA1] =	sst s9;
	s0 =	simm.s32 @!p0 $0x0  }
0x12: {  	s1 =	sld [smem:$0x3F87];
	s0 =	simm.s32 @p0 $0x1  }
0x13: {  	[smem:$0x3FA2] =	sst s0;
	s0 =	simm.s32 @!p1 $0x0  }
0x14: {  	s2 =	sld [smem:$0x3F86];
	s0 =	simm.s32 @p1 $0x1  }
0x15: {  	[smem:$0x3FA3] =	sst s0;
	s0 =	simm.s32 @!p2 $0x0  }
0x16: {  	s3 =	sld [smem:$0x3FDB];
	s0 =	simm.s32 @p2 $0x1  }
0x17: {  	s4 =	simm.s32 $0x1BF5;
	[smem:$0x3FA5] =	sst s0  }
0x18: {  	s0 =	sld [smem:$0x3F88];
	_ =	swait.ge [sflag:s4], $0x0  }
0x19: {  	s7 =	sld [smem:$0x3F89]  }
0x1a: {  	s8 =	sadd.s32 $0xFFFFE003, lr  }
0x1b: {  	s9 =	sadd.s32 $0xFFFFFEF7, lr;
	s5 =	simm.s32 $0xFFFFFFFF;
	p2 =	slt.u32 s8, $0xFFFFF086  }
0x1c: {  	p1 =	slt.u32 s9, $0xF7A;
	s5 =	simm.s32 @!p2 $0x0  }
0x1d: {  	s5 =	simm.s32 @p1 $0x1;
	p0 =	seq.s32 s7, s2  }
0x1e: {  	s7 =	smul.u32 @!p0 $0xF7A, s2;
	p2 =	seq.s32 @!p0 s5, $0x0  }
0x1f: {  	s9 =	smul.u32 $0xF7A, s1;
	s8 =	simm.s32 @!p0 $0x1BF5;
	p2 =	por !p2, p0  }
0x20: {  	[sflag:s8] =	ssyncset.s32 @!p0 $0xFFFFF086;
	s6 =	sadd.s32 @!p0 s3, s7;
	s7 =	simm.s32 @!p0 $0x108  }
0x21: {  	s3 =	sadd.s32 s3, s9;
	s6 =	sadd.s32 @!p0 $0x88, s6;
	s7 =	simm.s32 @p2 $0x1082  }
0x22: {  	[simem:s7], [sflag:s8] =	dma.local @!p0 [hbm:s6], $0xF7A  }
0x23: {  	s9 =	sor.u32 $0xD0000000, s2;
	s6 =	simm.s32 $0x108;
	_ =	swait.ge @!p0 [sflag:s8], $0x0  }
0x24: {  	s3 =	sadd.s32 $0x88, s3;
	s6 =	simm.s32 @!p1 $0x1082;
	[sflag:s4] =	ssyncset.s32 $0xFFFFF086  }
0x25: {  	[simem:s6], [sflag:s4] =	dma.local [hbm:s3], $0xF7A  }
0x26: {  	[smem:$0x3F89] =	sst s1;
	(tag) =	ssettag s2;
	_ =	strace s9  }
0x27: {  	s1 =	sld [smem:$0x3F99]  }
0x28: {  	s2 =	sld [smem:$0x3F9A]  }
0x29: {  	s4 =	sld [smem:$0x3F9C]  }
0x2a: {  	p0 =	seq.s32 s5, $0x0;
	s5 =	sld [smem:$0x3F9D]  }
0x2b: {  	s6 =	sld [smem:$0x3F9E]  }
0x2c: {  	s7 =	sld [smem:$0x3F9F]  }
0x2d: {  	s3 =	simm.s32 $0x108;
	s8 =	sld [smem:$0x3FA0]  }
0x2e: {  	s3 =	simm.s32 @!p0 $0x1082;
	s9 =	sld [smem:$0x3FA1]  }
0x2f: {  	lr =	sadd.s32 s0, s3;
	s0 =	sld [smem:$0x3F98]  }
0x30: {  	s3 =	sld [smem:$0x3F9B]  }
0x31: {  	[smem:$0x3FA4] =	sst s10  }
0x32: {  	s10 =	sld [smem:$0x3FA2];
	_ =	sdelay $0x3  }
0x33: {  	p0 =	seq.s32 s10, $0x1;
	s10 =	sld [smem:$0x3FA4];
	_ =	sdelay $0x3  }
0x34: {  	[smem:$0x3FA4] =	sst s10  }
0x35: {  	s10 =	sld [smem:$0x3FA3];
	_ =	sdelay $0x3  }
0x36: {  	p1 =	seq.s32 s10, $0x1;
	s10 =	sld [smem:$0x3FA4];
	_ =	sdelay $0x3  }
0x37: {  	[smem:$0x3FA4] =	sst s10  }
0x38: {  	s10 =	sld [smem:$0x3FA5]  }
0x39: {  	_ = 	snop;
	(pc) =	sbr.ind lr, $3  }
0x3a: {  	_ = 	snop  }
0x3b: {  	_ = 	snop  }
0x3c: {  	p2 =	seq.s32 s10, $0x1;
	s10 =	sld [smem:$0x3FA4]  }
0x3d: {  	_ =	shalt  }
0x3e: {  	_ =	shalt  }
0x3f: {  	_ =	shalt  }
0x40: {  	_ =	shalt  }
0x41: {  	_ =	shalt  }
0x42: {  	_ =	shalt  }
0x43: {  	_ =	shalt  }
0x44: {  	_ =	shalt  }
0x45: {  	_ =	shalt  }
0x46: {  	_ =	shalt  }
0x47: {  	_ =	shalt  }
0x48: {  	_ =	shalt  }
0x49: {  	_ =	shalt  }
0x4a: {  	_ =	shalt  }
0x4b: {  	_ =	shalt  }
0x4c: {  	_ =	shalt  }
0x4d: {  	_ =	shalt  }
0x4e: {  	_ =	shalt  }
0x4f: {  	_ =	shalt  }
0x50: {  	_ =	shalt  }
0x51: {  	_ =	shalt  }
0x52: {  	_ =	shalt  }
0x53: {  	_ =	shalt  }
0x54: {  	_ =	shalt  }
0x55: {  	_ =	shalt  }
0x56: {  	_ =	shalt  }
0x57: {  	_ =	shalt  }
0x58: {  	_ =	shalt  }
0x59: {  	_ =	shalt  }
0x5a: {  	_ =	shalt  }
0x5b: {  	_ =	shalt  }
0x5c: {  	_ =	shalt  }
0x5d: {  	_ =	shalt  }
0x5e: {  	_ =	shalt  }
0x5f: {  	_ =	shalt  }
0x60: {  	_ =	shalt  }
0x61: {  	_ =	shalt  }
0x62: {  	_ =	shalt  }
0x63: {  	_ =	shalt  }
0x64: {  	_ =	shalt  }
0x65: {  	_ =	shalt  }
0x66: {  	_ =	shalt  }
0x67: {  	_ =	shalt  }
0x68: {  	_ =	shalt  }
0x69: {  	_ =	shalt  }
0x6a: {  	_ =	shalt  }
0x6b: {  	_ =	shalt  }
0x6c: {  	_ =	shalt  }
0x6d: {  	_ =	shalt  }
0x6e: {  	_ =	shalt  }
0x6f: {  	_ =	shalt  }
0x70: {  	_ =	shalt  }
0x71: {  	_ =	shalt  }
0x72: {  	_ =	shalt  }
0x73: {  	_ =	shalt  }
0x74: {  	_ =	shalt  }
0x75: {  	_ =	shalt  }
0x76: {  	_ =	shalt  }
0x77: {  	_ =	shalt  }
0x78: {  	_ =	shalt  }
0x79: {  	_ =	shalt  }
0x7a: {  	_ =	shalt  }
0x7b: {  	_ =	shalt  }
0x7c: {  	_ =	shalt  }
0x7d: {  	_ =	shalt  }
0x7e: {  	_ =	shalt  }
0x7f: {  	_ =	shalt  }
0x80: {  	_ =	shalt  }
0x81: {  	_ =	shalt  }
0x82: {  	_ =	shalt  }
0x83: {  	_ =	shalt  }
0x84: {  	_ =	shalt  }
0x85: {  	_ =	shalt  }
0x86: {  	_ =	shalt  }
0x87: {  	_ =	shalt  }
.Lfunc_end0:
.L_simem_size_0:
called_computation.5_lowered:
.L_overlay_start_0:
0x88: {  	s2 =	sld [smem:$0x3FD9]  }
0x89: {  	s3 =	sld [smem:$0x3FFE];
	_ =	sdelay $0x1  }
0x8a: {  	s1 =	srdreg.scid  }
0x8b: {  	s0 =	sand.u32 $0x1, s1  }
0x8c: {  	s16 =	sshll.u32 s0, $0xA;
	s2 =	sadd.s32 s3, s2  }
0x8d: {  	s2 =	sadd.s32 s2, s16  }
0x8e: {  	[smem:$0x3FB0] =	sst s2  }
0x8f: {  	_ = 	snop  }
0x90: {  	(tm) =	ssettm $0x1  }
0x91: {  	s17 =	sld [smem:$0x3FFB];
	_ =	sdelay $0x3  }
0x92: {  	_ =	strace s17  }
0x93: {  	s2 =	sld [smem:$0x3FFC];
	_ =	sdelay $0x3  }
0x94: {  	_ =	strace s2  }
0x95: {  	s2 =	sld [smem:$0x3FFD];
	_ =	sdelay $0x3  }
0x96: {  	_ =	strace s2  }
0x97: {  	_ =	strace $0x8FFFFFFF  }
0x98: {  	s18 =	sld [smem:$0x3FDB];
	_ =	sdelay $0x1  }
0x99: {  	s19 =	simm.s32 $_scs_section_size  }
0x9a: {  	s4 =	simm.s32 $_size__tile_overlayer_lowered;
	s5 =	simm.s32 $_tile_overlayer_lowered  }
0x9b: {  	s22 =	simm.s32 $0x1BFF;
	s21 =	sshll.u32 s5, $0x1;
	s2 =	sadd.s32 s19, s18  }
0x9c: {  	s6 =	simm.s32 $0x0;
	s20 =	sshll.u32 s4, $0x1;
	s4 =	sadd.s32 s21, s2  }
0x9d: {  	[timem:s6], [sflag:s22] =	dma.local [hbm:s4], s20  }
0x9e: {  	_ =	swait.ge [sflag:s22], s20  }
0x9f: {  	s3 =	ssub.s32 $0x0, s20;
	[sflag:s22] =	ssyncset.done $0x0  }
0xa0: {  	[sflag:s22] =	ssyncadd.s32 s3;
	_ =	sdelay $0x1  }
0xa1: {  	s23 =	simm.s32 $0x1B8B  }
0xa2: {  	_ =	swait.ge [sflag:s23], $0x1  }
0xa3: {  	[sflag:s23] =	ssyncset.done $0x0  }
0xa4: {  	s25 =	simm.s32 $0x1B8E;
	s24 =	sld [smem:$0x3FFE];
	[sflag:s23] =	ssyncadd.s32 $0xFFFFFFFF  }
0xa5: {  	s26 =	simm.s32 $execute0_lowered;
	[smem:$0x3FD2] =	sst s25  }
0xa6: {  	s4 =	sshll.u32 s26, $0x1;
	_ =	strace $0x8000004F;
	[dreg:$0x1] =	wrdreg $0xFFFFFFFF  }
0xa7: {  	s28 =	simm.s32 $_size_execute0_lowered;
	s2 =	sadd.s32 s2, s4;
	[dreg:$0x0] =	wrdreg $0x0  }
0xa8: {  	s4 =	sshll.u32 s28, $0x1;
	[dreg:$0x2] =	wrdreg s2  }
0xa9: {  	[dreg:$0x3] =	wrdreg s4  }
0xaa: {  	[dreg:$0x4] =	wrdreg $0xC0  }
0xab: {  	_ =	task [dreg:s6], $0x5FFFF  }
0xac: {  	[dreg:$0x1] =	wrdreg $0xFFFFFFFF  }
0xad: {  	[dreg:$0x0] =	wrdreg $0x60  }
0xae: {  	[dreg:$0x2] =	wrdreg s24  }
0xaf: {  	[dreg:$0x3] =	wrdreg $0x0  }
0xb0: {  	[dreg:$0x4] =	wrdreg $0x9  }
0xb1: {  	_ =	task.clear_ibuf [dreg:s6], $0x5FFFF;
	_ =	strace $0x9000004F  }
0xb2: {  	s29 =	simm.s32 $0x9;
	_ =	strace $0x80000051  }
0xb3: {  	_ =	swait.ge [sflag:s29], $0x1  }
0xb4: {  	[sflag:s29] =	ssyncadd.s32 $0xFFFFFFFF  }
0xb5: {  	_ =	strace $0x90000051  }
0xb6: {  	_ =	sfence  }
0xb7: {  	s30 =	sld [smem:$0x0];
	_ =	sdelay $0x2  }
0xb8: {  	s31 =	sshll.u32 s1, $0xD;
	s1 =	sshrl.u32 s1, $0x2  }
0xb9: {  	s3 =	sand.u32 $0x4000, s31;
	s1 =	sadd.s32 s1, s30  }
0xba: {  	s0 =	sor.u32 s3, s0;
	s1 =	sshll.u32 s1, $0x11  }
0xbb: {  	s0 =	sor.u32 s1, s0  }
0xbc: {  	s0 =	sadd.s32 $0x8F2B, s0  }
0xbd: {  	[sflag:s0] =	ssyncadd.remote.s32 $0x1  }
0xbe: {  	_ =	sfence.sel $0xFFFF  }
0xbf: {  	[dreg:$0x0] =	wrdreg $0xFFFFFFFF;
	(pc) =	sbr.abs _section_cstart, $3  }
0xc0: {  	[dreg:$0x1] =	wrdreg $0xFFFFFFFF  }
0xc1: {  	_ =	task.clear_ibuf [dreg:s6], $0x2FFFF;
	_ =	strace $0x9FFFFFFF  }
0xc2: {  	(tm) =	ssettm $0x7FFFFFFF  }
0xc3: {  	_ =	shalt  }
tec
execute0_lowered:
.L_overlay_start_1:
0x0: {  	(tag) =	ssettag $0x1  }
0x1: {  	s4 =	rddreg [dreg:$0x0];
	s0 =	srdreg.scid  }
0x2: {  	s2 =	rddreg [dreg:$0x1];
	s1 =	stileid.u32  }
0x3: {  	s3 =	simm.s32 $0x0;
	s12 =	simm.s32 $0x1BA00;
	s13 =	simm.s32 $0x5  }
0x4: {  	s14 =	simm.s32 $0x1B900;
	s15 =	simm.s32 $0x1B940;
	s16 =	simm.s32 $0x1CC00  }
0x5: {  	s17 =	simm.s32 $0x1;
	s18 =	simm.s32 $0x3;
	s19 =	simm.s32 $0x40  }
0x6: {  	s20 =	simm.s32 $0x1B980;
	s21 =	simm.s32 $0x2;
	s7 =	smul.u32 $0x3840, s1  }
0x7: {  	s5 =	sand.u32 $0x1, s0;
	s0 =	rddreg [dreg:$0x2];
	s8 =	smul.u32 $0x240, s1  }
0x8: {  	s23 =	simm.s32 $0x1B9C0;
	[smem:$0x7FF] =	sst s3;
	s10 =	smul.u32 $0x4800, s1  }
0x9: {  	s28 =	ssub.s32 $0x197, s1;
	s29 =	ssub.s32 $0x8C, s1;
	s31 =	smul.u32 $0xE100, s1  }
0xa: {  	s24 =	sshll.u32 s1, $0x3;
	s6 =	smul.u32 $0x1B7740, s5;
	_ =	strace $0x80000050  }
0xb: {  	s9 =	sadd.s32 s24, s4;
	s25 =	ssub.s32 $0x2, s5;
	s22 =	smul.u32 $0x61A8, s5  }
0xc: {  	s5 =	sshrl.u32 s29, $0x4;
	s24 =	simm.s32 $0x0;
	s8 =	sadd.s32 s8, s4  }
0xd: {  	s26 =	sshrl.u32 s25, $0x1;
	s30 =	sshrl.u32 s10, $0x2;
	s9 =	sadd.s32 $0x36800, s9  }
0xe: {  	s10 =	sshrl.u32 s31, $0x2;
	s6 =	sadd.s32 s7, s6;
	s7 =	sadd.s32 s30, s2  }
0xf: {  	s8 =	sadd.s32 $0x13A2200, s8;
	s10 =	sadd.s32 s10, s2;
	s6 =	sshrl.u32 s6, $0x3  }
0x10: {  	v0 =	vmov s22;
	s22 =	simm.s32 $0x4;
	s11 =	sadd.s32 s6, s4;
	s6 =	ssub.s32 s25, s26  }
0x11: {  	v1 =	vimm.f32 $0.0e+00;
	s4 =	sshrl.u32 s28, $0x4;
	s6 =	smax.u32 s6, $0x1;
	s11 =	sadd.s32 $0x67800, s11  }
.LBB2_1:
0x12: {  	s26 =	simm.s32 $0x120;
	s25 =	simm.s32 $0x0  }
.LBB2_2:
0x13: {  	p0 =	sne.s32 s26, $0x46E0;
	[tilespmem:s25+$0x1BA30] =	vst v1;
	s28 =	smov.u32 s26;
	s26 =	sadd.s32 $0x120, s26  }
.Ltmp0:
0x14: {  	[tilespmem:s25+$0x1BA20] =	vst v1;
	(pc) =	sbr.rel @p0 .LBB2_2-.Ltmp0, $3  }
0x15: {  	[tilespmem:s25+$0x1BA00] =	vst v1  }
0x16: {  	[tilespmem:s25+$0x1BA10] =	vst v1;
	_ =	sdelay $0x1  }
0x17: {  	s25 =	sshra.s32 s28, $0x2  }
0x18: {  	[tilespmem:s25+$0x1BA30] =	vst v1  }
0x19: {  	[tilespmem:s25+$0x1BA20] =	vst v1;
	p0 =	sne.s32 s4, $0x1  }
.Ltmp1:
0x1a: {  	[tilespmem:s25+$0x1BA00] =	vst v1;
	(pc) =	sbr.rel @!p0 .LBB2_5-.Ltmp1, $4  }
0x1b: {  	[tilespmem:s25+$0x1BA10] =	vst v1  }
0x1c: {  	[spmem:s7] =	stream.linear.scatter [tilespmem:s12], [sflag:$0x5], $0x1200, $0x38;
	[tilespmem:$0x1DE00] =	vst v63  }
0x1d: {  	_ =	swait.ge [sflag:s13], $0x1200  }
0x1e: {  	s25 =	sadd.s32 $0xFFFFFFFF, s4;
	s26 =	smov.u32 s7;
	[sflag:s13] =	ssyncset.done $0x0  }
.LBB2_4:
0x1f: {  	p0 =	sne.s32 s25, $0x1;
	[sflag:s13] =	ssyncadd.s32 $0xFFFFEE00;
	s26 =	sadd.s32 $0x12000, s26  }
.Ltmp2:
0x20: {  	s25 =	sadd.s32 $0xFFFFFFFF, s25;
	(pc) =	sbr.rel @p0 .LBB2_4-.Ltmp2, $4  }
0x21: {  	_ = 	snop  }
0x22: {  	[spmem:s26] =	stream.linear.scatter [tilespmem:s12], [sflag:$0x5], $0x1200, $0x38;
	[tilespmem:$0x1DE00] =	vst v63  }
0x23: {  	_ =	swait.ge [sflag:s13], $0x1200  }
0x24: {  	[sflag:s13] =	ssyncset.done $0x0  }
.LBB2_5:
0x25: {  	[sflag:s13] =	ssyncadd.s32 $0xFFFFEE00  }
0x26: {  	s25 =	sadd.s32 $0x0, s9;
	[bflag:$0x0] =	sbarrier.arrive $0xFFFF  }
0x27: {  	[tilespmem:s14], [sflag:$0x1] =	stream.linear.gather [hbm4b:s25+s3], $0x40, $0x38;
	[tilespmem:$0x1DE00] =	vst v63  }
0x28: {  	_ = 	snop  }
0x29: {  	[tilespmem:s12], [sflag:$0x3] =	stream.linear.gather [hbm4b:s8+s3], $0x1200, $0x38;
	[tilespmem:$0x1DE00] =	vst v63  }
0x2a: {  	s25 =	sadd.s32 $0x80, s25  }
0x2b: {  	[tilespmem:s15], [sflag:$0x2] =	stream.linear.gather [hbm4b:s25+s3], $0x40, $0x38;
	[tilespmem:$0x1DE00] =	vst v63  }
0x2c: {  	s31 =	sadd.s32 $0x2400, s8  }
0x2d: {  	[tilespmem:s16], [sflag:$0x4] =	stream.linear.gather [hbm4b:s31+s3], $0x1200, $0x38;
	[tilespmem:$0x1DE00] =	vst v63  }
0x2e: {  	_ =	swait.ge [sflag:s17], $0x40  }
0x2f: {  	[sflag:s17] =	ssyncset.done $0x0  }
0x30: {  	[sflag:s17] =	ssyncadd.s32 $0xFFFFFFC0  }
0x31: {  	_ =	swait.ge [sflag:s18], $0x1200  }
0x32: {  	[sflag:s18] =	ssyncset.done $0x0  }
0x33: {  	[sflag:s18] =	ssyncadd.s32 $0xFFFFEE00  }
0x34: {  	v2 =	vld [tilespmem:$0x1B930]  }
0x35: {  	v3 =	vld [tilespmem:$0x1B920]  }
0x36: {  	v4 =	vld [tilespmem:$0x1B910]  }
0x37: {  	v5 =	vld [tilespmem:$0x1B900];
	_ =	sdelay $0x1  }
0x38: {  	v2 =	vsub.s32 v2, v0  }
0x39: {  	v3 =	vsub.s32 v3, v0;
	v2 =	vmin.u32 v2, $0x61A8  }
0x3a: {  	v4 =	vsub.s32 v4, v0;
	v3 =	vmin.u32 v3, $0x61A8;
	[tilespmem:$0x1B9B0] =	vst v2  }
0x3b: {  	v4 =	vmin.u32 v4, $0x61A8;
	v2 =	vsub.s32 v5, v0;
	[tilespmem:$0x1B9A0] =	vst v3  }
0x3c: {  	[tilespmem:$0x1B990] =	vst v4;
	v2 =	vmin.u32 v2, $0x61A8  }
0x3d: {  	[tilespmem:$0x1B980] =	vst v2  }
0x3e: {  	[spmem:s2] =	stream.indirect.scatter.add.f32 [tilespmem:s12], [sflag:$0x5], $0x48, s20, s19, $0xb8;
	[tilespmem:$0x1DE00] =	vst v63  }
0x3f: {  	_ =	swait.ge [sflag:s13], $0x1200  }
0x40: {  	[sflag:s13] =	ssyncset.done $0x0  }
0x41: {  	[sflag:s13] =	ssyncadd.s32 $0xFFFFEE00  }
0x42: {  	_ =	swait.ge [sflag:s21], $0x40  }
0x43: {  	[sflag:s21] =	ssyncset.done $0x0  }
0x44: {  	[sflag:s21] =	ssyncadd.s32 $0xFFFFFFC0  }
0x45: {  	_ =	swait.ge [sflag:s22], $0x1200  }
0x46: {  	[sflag:s22] =	ssyncset.done $0x0  }
0x47: {  	[sflag:s22] =	ssyncadd.s32 $0xFFFFEE00  }
0x48: {  	v5 =	vld [tilespmem:$0x1B940]  }
0x49: {  	v4 =	vld [tilespmem:$0x1B950]  }
0x4a: {  	v3 =	vld [tilespmem:$0x1B960]  }
0x4b: {  	s26 =	smov.u32 s8;
	s25 =	simm.s32 $0x100;
	v2 =	vld [tilespmem:$0x1B970]  }
.LBB2_6:
0x4c: {  	p0 =	sne.s32 s25, $0x18700  }
0x4d: {  	s26 =	sadd.s32 $0x4800, s26;
	s28 =	smov.u32 s25;
	s25 =	sadd.s32 $0x100, s25  }
0x4e: {  	v5 =	vsub.s32 v5, v0  }
0x4f: {  	v5 =	vmin.u32 v5, $0x61A8;
	v4 =	vsub.s32 v4, v0  }
0x50: {  	[tilespmem:$0x1B9C0] =	vst v5;
	v4 =	vmin.u32 v4, $0x61A8;
	v3 =	vsub.s32 v3, v0  }
0x51: {  	[tilespmem:$0x1B9D0] =	vst v4;
	v3 =	vmin.u32 v3, $0x61A8;
	v2 =	vsub.s32 v2, v0  }
0x52: {  	[tilespmem:$0x1B9E0] =	vst v3;
	v2 =	vmin.u32 v2, $0x61A8  }
0x53: {  	[tilespmem:$0x1B9F0] =	vst v2  }
0x54: {  	[spmem:s2] =	stream.indirect.scatter.add.f32 [tilespmem:s16], [sflag:$0x5], $0x48, s23, s19, $0xb8;
	[tilespmem:$0x1DE00] =	vst v63  }
0x55: {  	_ =	swait.ge [sflag:s13], $0x1200  }
0x56: {  	[sflag:s13] =	ssyncset.done $0x0  }
0x57: {  	s28 =	sadd.s32 s28, s9;
	[sflag:s13] =	ssyncadd.s32 $0xFFFFEE00  }
0x58: {  	[tilespmem:s14], [sflag:$0x1] =	stream.linear.gather [hbm4b:s28+s3], $0x40, $0x38;
	[tilespmem:$0x1DE00] =	vst v63  }
0x59: {  	_ = 	snop  }
0x5a: {  	[tilespmem:s12], [sflag:$0x3] =	stream.linear.gather [hbm4b:s26+s3], $0x1200, $0x38;
	[tilespmem:$0x1DE00] =	vst v63  }
0x5b: {  	s28 =	sadd.s32 $0x80, s28  }
0x5c: {  	[tilespmem:s15], [sflag:$0x2] =	stream.linear.gather [hbm4b:s28+s3], $0x40, $0x38;
	[tilespmem:$0x1DE00] =	vst v63  }
0x5d: {  	s28 =	sadd.s32 $0x2400, s26  }
0x5e: {  	[tilespmem:s16], [sflag:$0x4] =	stream.linear.gather [hbm4b:s28+s3], $0x1200, $0x38;
	[tilespmem:$0x1DE00] =	vst v63  }
0x5f: {  	_ =	swait.ge [sflag:s17], $0x40  }
0x60: {  	[sflag:s17] =	ssyncset.done $0x0  }
0x61: {  	[sflag:s17] =	ssyncadd.s32 $0xFFFFFFC0  }
0x62: {  	_ =	swait.ge [sflag:s18], $0x1200  }
0x63: {  	[sflag:s18] =	ssyncset.done $0x0  }
0x64: {  	[sflag:s18] =	ssyncadd.s32 $0xFFFFEE00  }
0x65: {  	v2 =	vld [tilespmem:$0x1B930]  }
0x66: {  	v3 =	vld [tilespmem:$0x1B920]  }
0x67: {  	v4 =	vld [tilespmem:$0x1B910]  }
0x68: {  	v5 =	vld [tilespmem:$0x1B900];
	_ =	sdelay $0x1  }
0x69: {  	v2 =	vsub.s32 v2, v0  }
0x6a: {  	v3 =	vsub.s32 v3, v0;
	v2 =	vmin.u32 v2, $0x61A8  }
0x6b: {  	v4 =	vsub.s32 v4, v0;
	v3 =	vmin.u32 v3, $0x61A8;
	[tilespmem:$0x1B9B0] =	vst v2  }
0x6c: {  	v2 =	vsub.s32 v5, v0;
	v4 =	vmin.u32 v4, $0x61A8;
	[tilespmem:$0x1B9A0] =	vst v3  }
0x6d: {  	v2 =	vmin.u32 v2, $0x61A8;
	[tilespmem:$0x1B990] =	vst v4  }
0x6e: {  	[tilespmem:$0x1B980] =	vst v2  }
0x6f: {  	[spmem:s2] =	stream.indirect.scatter.add.f32 [tilespmem:s12], [sflag:$0x5], $0x48, s20, s19, $0xb8;
	[tilespmem:$0x1DE00] =	vst v63  }
0x70: {  	_ =	swait.ge [sflag:s13], $0x1200  }
0x71: {  	[sflag:s13] =	ssyncset.done $0x0  }
0x72: {  	[sflag:s13] =	ssyncadd.s32 $0xFFFFEE00  }
0x73: {  	_ =	swait.ge [sflag:s21], $0x40  }
0x74: {  	[sflag:s21] =	ssyncset.done $0x0  }
0x75: {  	[sflag:s21] =	ssyncadd.s32 $0xFFFFFFC0  }
0x76: {  	_ =	swait.ge [sflag:s22], $0x1200  }
0x77: {  	[sflag:s22] =	ssyncset.done $0x0  }
.Ltmp3:
0x78: {  	[sflag:s22] =	ssyncadd.s32 $0xFFFFEE00;
	(pc) =	sbr.rel @p0 .LBB2_6-.Ltmp3, $4  }
0x79: {  	v5 =	vld [tilespmem:$0x1B940]  }
0x7a: {  	v4 =	vld [tilespmem:$0x1B950]  }
0x7b: {  	v3 =	vld [tilespmem:$0x1B960]  }
0x7c: {  	v2 =	vld [tilespmem:$0x1B970]  }
0x7d: {  	_ = 	snop  }
0x7e: {  	v5 =	vsub.s32 v5, v0  }
0x7f: {  	v5 =	vmin.u32 v5, $0x61A8;
	v4 =	vsub.s32 v4, v0  }
0x80: {  	[tilespmem:$0x1B9C0] =	vst v5;
	v4 =	vmin.u32 v4, $0x61A8;
	v3 =	vsub.s32 v3, v0  }
0x81: {  	[tilespmem:$0x1B9D0] =	vst v4;
	v3 =	vmin.u32 v3, $0x61A8;
	v2 =	vsub.s32 v2, v0  }
0x82: {  	[tilespmem:$0x1B9E0] =	vst v3;
	v2 =	vmin.u32 v2, $0x61A8  }
0x83: {  	[tilespmem:$0x1B9F0] =	vst v2  }
0x84: {  	[spmem:s2] =	stream.indirect.scatter.add.f32 [tilespmem:s16], [sflag:$0x5], $0x48, s23, s19, $0xb8;
	[tilespmem:$0x1DE00] =	vst v63  }
0x85: {  	p0 =	sne.s32 s5, $0x1;
	_ =	swait.ge [sflag:s13], $0x1200  }
.Ltmp4:
0x86: {  	[sflag:s13] =	ssyncset.done $0x0;
	(pc) =	sbr.rel @!p0 .LBB2_9-.Ltmp4, $4  }
0x87: {  	s25 =	sshll.u32 s1, $0x6;
	s26 =	sshrl.u32 s10, $0x3;
	[sflag:s13] =	ssyncadd.s32 $0xFFFFEE00  }
0x88: {  	s28 =	sadd.s32 $0x38400, s10;
	s25 =	sor.u32 $0x1C05, s25;
	[bflag:$0x0] =	sbarrier.arrive $0xFFFF  }
0x89: {  	[hbm:s11], [sflag:s25] =	dma.local [spmem:s26], $0x708  }
0x8a: {  	s29 =	smov.u32 s11;
	s26 =	sadd.s32 $0xFFFFFFFF, s5;
	_ =	swait.ge [sflag:s13], $0x708  }
.LBB2_8:
0x8b: {  	[sflag:s13] =	ssyncset.done $0x0;
	s29 =	sadd.s32 $0x7080, s29;
	p0 =	sne.s32 s26, $0x1  }
.Ltmp5:
0x8c: {  	s30 =	sshrl.u32 s28, $0x3;
	[sflag:s13] =	ssyncadd.s32 $0xFFFFF8F8;
	(pc) =	sbr.rel @p0 .LBB2_8-.Ltmp5, $3  }
0x8d: {  	[hbm:s29], [sflag:s25] =	dma.local [spmem:s30], $0x708  }
0x8e: {  	s26 =	sadd.s32 $0xFFFFFFFF, s26;
	_ =	sdelay $0x1  }
0x8f: {  	s28 =	sadd.s32 $0x38400, s28;
	_ =	swait.ge [sflag:s13], $0x708  }
.LBB2_9:
0x90: {  	s24 =	sadd.s32 $0x1, s24  }
0x91: {  	p0 =	sne.s32 s24, s6  }
.Ltmp6:
0x92: {  	_ = 	snop;
	(pc) =	sbr.rel @p0 .LBB2_1-.Ltmp6, $3  }
0x93: {  	_ =	sdelay $0x1  }
0x94: {  	[sflag:s13] =	ssyncset.done $0x0  }
0x95: {  	[sflag:s13] =	ssyncadd.s32 $0xFFFFF8F8  }
0x96: {  	_ =	sfence.sel $0x180000  }
0x97: {  	[bflag:$0x0] =	sbarrier.arrive $0xFFFF  }
0x98: {  	p0 =	sne.s32 s1, $0x0;
	_ =	strace $0x90000050  }
0x99: {  	s0 =	sadd.s32 @!p0 $0x100000, s0;
	[bflag:$0x2] =	sbarrier.arrive $0xFFFF  }
0x9a: {  	[sflag:s0] =	ssyncadd.tile.s32 @!p0 $0x1;
	_ =	shalt  }
.Lfunc_end2:
_tile_overlayer_lowered:
.L_overlay_start_2:
0x9b: {  	(tag) =	ssettag $0x2  }
0x9c: {  	s0 =	rddreg [dreg:$0x0];
	s2 =	stileid.u32  }
0x9d: {  	s1 =	rddreg [dreg:$0x1];
	p0 =	sne.s32 s2, $0x0  }
0x9e: {  	s3 =	rddreg [dreg:$0x2];
	[bflag:$0x3] =	sbarrier.arrive $0xFFFF;
	s2 =	simm.s32 @!p0 $0x1C05  }
0x9f: {  	[timem:s3], [sflag:s2] =	dma.local @!p0 [hbm:s0], s1  }
0xa0: {  	s0 =	simm.s32 @!p0 $0x5  }
0xa1: {  	_ =	swait.ge @!p0 [sflag:s0], s1  }
0xa2: {  	s1 =	ssub.s32 @!p0 $0x0, s1;
	[sflag:s0] =	ssyncset.done @!p0 $0x0  }
0xa3: {  	[sflag:s0] =	ssyncadd.s32 @!p0 s1  }
0xa4: {  	[bflag:$0x3] =	sbarrier.arrive $0xFFFF  }
0xa5: {  	_ =	shalt  }

// kernel: kernel.16.cloned.1.call-start
scs
__scs_entry_jumppad:
0x0: {  	(pc) =	sbr.rel $0x88, $3  }
0x1: {  	(tag) =	ssettag $0x0;
	lr =	simm.s32 $0x1  }
0x2: {  	[smem:$0x3F89] =	sst lr;
	_ =	strace $0xD0000000  }
0x3: {  	_ = 	snop  }
0x4: {  	_ = 	snop  }
0x5: {  	_ = 	snop  }
0x6: {  	_ = 	snop  }
0x7: {  	_ = 	snop  }
__scs_overlays_trampoline_lowered:
0x8: {  	[smem:$0x3F98] =	sst s0  }
0x9: {  	[smem:$0x3F99] =	sst s1  }
0xa: {  	[smem:$0x3F9A] =	sst s2  }
0xb: {  	[smem:$0x3F9B] =	sst s3  }
0xc: {  	[smem:$0x3F9C] =	sst s4  }
0xd: {  	[smem:$0x3F9D] =	sst s5  }
0xe: {  	[smem:$0x3F9E] =	sst s6  }
0xf: {  	[smem:$0x3F9F] =	sst s7  }
0x10: {  	[smem:$0x3FA0] =	sst s8  }
0x11: {  	[smem:$0x3FA1] =	sst s9;
	s0 =	simm.s32 @!p0 $0x0  }
0x12: {  	s1 =	sld [smem:$0x3F87];
	s0 =	simm.s32 @p0 $0x1  }
0x13: {  	[smem:$0x3FA2] =	sst s0;
	s0 =	simm.s32 @!p1 $0x0  }
0x14: {  	s2 =	sld [smem:$0x3F86];
	s0 =	simm.s32 @p1 $0x1  }
0x15: {  	[smem:$0x3FA3] =	sst s0;
	s0 =	simm.s32 @!p2 $0x0  }
0x16: {  	s3 =	sld [smem:$0x3FDB];
	s0 =	simm.s32 @p2 $0x1  }
0x17: {  	s4 =	simm.s32 $0x1BF5;
	[smem:$0x3FA5] =	sst s0  }
0x18: {  	s0 =	sld [smem:$0x3F88];
	_ =	swait.ge [sflag:s4], $0x0  }
0x19: {  	s7 =	sld [smem:$0x3F89]  }
0x1a: {  	s8 =	sadd.s32 $0xFFFFE003, lr  }
0x1b: {  	s9 =	sadd.s32 $0xFFFFFEF7, lr;
	s5 =	simm.s32 $0xFFFFFFFF;
	p2 =	slt.u32 s8, $0xFFFFF086  }
0x1c: {  	p1 =	slt.u32 s9, $0xF7A;
	s5 =	simm.s32 @!p2 $0x0  }
0x1d: {  	s5 =	simm.s32 @p1 $0x1;
	p0 =	seq.s32 s7, s2  }
0x1e: {  	s7 =	smul.u32 @!p0 $0xF7A, s2;
	p2 =	seq.s32 @!p0 s5, $0x0  }
0x1f: {  	s9 =	smul.u32 $0xF7A, s1;
	s8 =	simm.s32 @!p0 $0x1BF5;
	p2 =	por !p2, p0  }
0x20: {  	[sflag:s8] =	ssyncset.s32 @!p0 $0xFFFFF086;
	s6 =	sadd.s32 @!p0 s3, s7;
	s7 =	simm.s32 @!p0 $0x108  }
0x21: {  	s3 =	sadd.s32 s3, s9;
	s6 =	sadd.s32 @!p0 $0x88, s6;
	s7 =	simm.s32 @p2 $0x1082  }
0x22: {  	[simem:s7], [sflag:s8] =	dma.local @!p0 [hbm:s6], $0xF7A  }
0x23: {  	s9 =	sor.u32 $0xD0000000, s2;
	s6 =	simm.s32 $0x108;
	_ =	swait.ge @!p0 [sflag:s8], $0x0  }
0x24: {  	s3 =	sadd.s32 $0x88, s3;
	s6 =	simm.s32 @!p1 $0x1082;
	[sflag:s4] =	ssyncset.s32 $0xFFFFF086  }
0x25: {  	[simem:s6], [sflag:s4] =	dma.local [hbm:s3], $0xF7A  }
0x26: {  	[smem:$0x3F89] =	sst s1;
	(tag) =	ssettag s2;
	_ =	strace s9  }
0x27: {  	s1 =	sld [smem:$0x3F99]  }
0x28: {  	s2 =	sld [smem:$0x3F9A]  }
0x29: {  	s4 =	sld [smem:$0x3F9C]  }
0x2a: {  	p0 =	seq.s32 s5, $0x0;
	s5 =	sld [smem:$0x3F9D]  }
0x2b: {  	s6 =	sld [smem:$0x3F9E]  }
0x2c: {  	s7 =	sld [smem:$0x3F9F]  }
0x2d: {  	s3 =	simm.s32 $0x108;
	s8 =	sld [smem:$0x3FA0]  }
0x2e: {  	s3 =	simm.s32 @!p0 $0x1082;
	s9 =	sld [smem:$0x3FA1]  }
0x2f: {  	lr =	sadd.s32 s0, s3;
	s0 =	sld [smem:$0x3F98]  }
0x30: {  	s3 =	sld [smem:$0x3F9B]  }
0x31: {  	[smem:$0x3FA4] =	sst s10  }
0x32: {  	s10 =	sld [smem:$0x3FA2];
	_ =	sdelay $0x3  }
0x33: {  	p0 =	seq.s32 s10, $0x1;
	s10 =	sld [smem:$0x3FA4];
	_ =	sdelay $0x3  }
0x34: {  	[smem:$0x3FA4] =	sst s10  }
0x35: {  	s10 =	sld [smem:$0x3FA3];
	_ =	sdelay $0x3  }
0x36: {  	p1 =	seq.s32 s10, $0x1;
	s10 =	sld [smem:$0x3FA4];
	_ =	sdelay $0x3  }
0x37: {  	[smem:$0x3FA4] =	sst s10  }
0x38: {  	s10 =	sld [smem:$0x3FA5]  }
0x39: {  	_ = 	snop;
	(pc) =	sbr.ind lr, $3  }
0x3a: {  	_ = 	snop  }
0x3b: {  	_ = 	snop  }
0x3c: {  	p2 =	seq.s32 s10, $0x1;
	s10 =	sld [smem:$0x3FA4]  }
0x3d: {  	_ =	shalt  }
0x3e: {  	_ =	shalt  }
0x3f: {  	_ =	shalt  }
0x40: {  	_ =	shalt  }
0x41: {  	_ =	shalt  }
0x42: {  	_ =	shalt  }
0x43: {  	_ =	shalt  }
0x44: {  	_ =	shalt  }
0x45: {  	_ =	shalt  }
0x46: {  	_ =	shalt  }
0x47: {  	_ =	shalt  }
0x48: {  	_ =	shalt  }
0x49: {  	_ =	shalt  }
0x4a: {  	_ =	shalt  }
0x4b: {  	_ =	shalt  }
0x4c: {  	_ =	shalt  }
0x4d: {  	_ =	shalt  }
0x4e: {  	_ =	shalt  }
0x4f: {  	_ =	shalt  }
0x50: {  	_ =	shalt  }
0x51: {  	_ =	shalt  }
0x52: {  	_ =	shalt  }
0x53: {  	_ =	shalt  }
0x54: {  	_ =	shalt  }
0x55: {  	_ =	shalt  }
0x56: {  	_ =	shalt  }
0x57: {  	_ =	shalt  }
0x58: {  	_ =	shalt  }
0x59: {  	_ =	shalt  }
0x5a: {  	_ =	shalt  }
0x5b: {  	_ =	shalt  }
0x5c: {  	_ =	shalt  }
0x5d: {  	_ =	shalt  }
0x5e: {  	_ =	shalt  }
0x5f: {  	_ =	shalt  }
0x60: {  	_ =	shalt  }
0x61: {  	_ =	shalt  }
0x62: {  	_ =	shalt  }
0x63: {  	_ =	shalt  }
0x64: {  	_ =	shalt  }
0x65: {  	_ =	shalt  }
0x66: {  	_ =	shalt  }
0x67: {  	_ =	shalt  }
0x68: {  	_ =	shalt  }
0x69: {  	_ =	shalt  }
0x6a: {  	_ =	shalt  }
0x6b: {  	_ =	shalt  }
0x6c: {  	_ =	shalt  }
0x6d: {  	_ =	shalt  }
0x6e: {  	_ =	shalt  }
0x6f: {  	_ =	shalt  }
0x70: {  	_ =	shalt  }
0x71: {  	_ =	shalt  }
0x72: {  	_ =	shalt  }
0x73: {  	_ =	shalt  }
0x74: {  	_ =	shalt  }
0x75: {  	_ =	shalt  }
0x76: {  	_ =	shalt  }
0x77: {  	_ =	shalt  }
0x78: {  	_ =	shalt  }
0x79: {  	_ =	shalt  }
0x7a: {  	_ =	shalt  }
0x7b: {  	_ =	shalt  }
0x7c: {  	_ =	shalt  }
0x7d: {  	_ =	shalt  }
0x7e: {  	_ =	shalt  }
0x7f: {  	_ =	shalt  }
0x80: {  	_ =	shalt  }
0x81: {  	_ =	shalt  }
0x82: {  	_ =	shalt  }
0x83: {  	_ =	shalt  }
0x84: {  	_ =	shalt  }
0x85: {  	_ =	shalt  }
0x86: {  	_ =	shalt  }
0x87: {  	_ =	shalt  }
.Lfunc_end0:
.L_simem_size_0:
called_computation.6_lowered:
.L_overlay_start_0:
0x88: {  	s2 =	sld [smem:$0x3FD9]  }
0x89: {  	s3 =	sld [smem:$0x3FFE];
	_ =	sdelay $0x1  }
0x8a: {  	s1 =	srdreg.scid  }
0x8b: {  	s0 =	sand.u32 $0x1, s1  }
0x8c: {  	s16 =	sshll.u32 s0, $0xA;
	s2 =	sadd.s32 s3, s2  }
0x8d: {  	s2 =	sadd.s32 s2, s16  }
0x8e: {  	[smem:$0x3FB0] =	sst s2  }
0x8f: {  	_ = 	snop  }
0x90: {  	(tm) =	ssettm $0x1  }
0x91: {  	s17 =	sld [smem:$0x3FFB];
	_ =	sdelay $0x3  }
0x92: {  	_ =	strace s17  }
0x93: {  	s2 =	sld [smem:$0x3FFC];
	_ =	sdelay $0x3  }
0x94: {  	_ =	strace s2  }
0x95: {  	s2 =	sld [smem:$0x3FFD];
	_ =	sdelay $0x3  }
0x96: {  	_ =	strace s2  }
0x97: {  	_ =	strace $0x8FFFFFFF  }
0x98: {  	s18 =	sld [smem:$0x3FDB];
	_ =	sdelay $0x1  }
0x99: {  	s19 =	simm.s32 $_scs_section_size  }
0x9a: {  	s4 =	simm.s32 $_size__tile_overlayer_lowered;
	s5 =	simm.s32 $_tile_overlayer_lowered  }
0x9b: {  	s22 =	simm.s32 $0x1BFF;
	s21 =	sshll.u32 s5, $0x1;
	s2 =	sadd.s32 s19, s18  }
0x9c: {  	s6 =	simm.s32 $0x0;
	s20 =	sshll.u32 s4, $0x1;
	s4 =	sadd.s32 s21, s2  }
0x9d: {  	[timem:s6], [sflag:s22] =	dma.local [hbm:s4], s20  }
0x9e: {  	_ =	swait.ge [sflag:s22], s20  }
0x9f: {  	s3 =	ssub.s32 $0x0, s20;
	[sflag:s22] =	ssyncset.done $0x0  }
0xa0: {  	[sflag:s22] =	ssyncadd.s32 s3;
	_ =	sdelay $0x1  }
0xa1: {  	s23 =	simm.s32 $0x1B8B  }
0xa2: {  	_ =	swait.ge [sflag:s23], $0x1  }
0xa3: {  	[sflag:s23] =	ssyncset.done $0x0  }
0xa4: {  	s25 =	simm.s32 $0x1B8E;
	s24 =	sld [smem:$0x3FFE];
	[sflag:s23] =	ssyncadd.s32 $0xFFFFFFFF  }
0xa5: {  	s26 =	simm.s32 $execute0_lowered;
	[smem:$0x3FD2] =	sst s25  }
0xa6: {  	s4 =	sshll.u32 s26, $0x1;
	_ =	strace $0x80000052;
	[dreg:$0x1] =	wrdreg $0xFFFFFFFF  }
0xa7: {  	s28 =	simm.s32 $_size_execute0_lowered;
	s2 =	sadd.s32 s2, s4;
	[dreg:$0x0] =	wrdreg $0x0  }
0xa8: {  	s4 =	sshll.u32 s28, $0x1;
	[dreg:$0x2] =	wrdreg s2  }
0xa9: {  	[dreg:$0x3] =	wrdreg s4  }
0xaa: {  	[dreg:$0x4] =	wrdreg $0xC0  }
0xab: {  	_ =	task [dreg:s6], $0x5FFFF  }
0xac: {  	[dreg:$0x1] =	wrdreg $0xFFFFFFFF  }
0xad: {  	[dreg:$0x0] =	wrdreg $0x60  }
0xae: {  	[dreg:$0x2] =	wrdreg s24  }
0xaf: {  	[dreg:$0x3] =	wrdreg $0x9  }
0xb0: {  	_ =	task.clear_ibuf [dreg:s6], $0x4FFFF;
	_ =	strace $0x90000052  }
0xb1: {  	s29 =	simm.s32 $0x9;
	_ =	strace $0x80000054  }
0xb2: {  	_ =	swait.ge [sflag:s29], $0x1  }
0xb3: {  	[sflag:s29] =	ssyncadd.s32 $0xFFFFFFFF  }
0xb4: {  	_ =	strace $0x90000054  }
0xb5: {  	_ =	sfence  }
0xb6: {  	s30 =	sld [smem:$0x0];
	_ =	sdelay $0x2  }
0xb7: {  	s31 =	sshll.u32 s1, $0xD;
	s1 =	sshrl.u32 s1, $0x2  }
0xb8: {  	s3 =	sand.u32 $0x4000, s31;
	s1 =	sadd.s32 s1, s30  }
0xb9: {  	s0 =	sor.u32 s3, s0;
	s1 =	sshll.u32 s1, $0x11  }
0xba: {  	s0 =	sor.u32 s1, s0  }
0xbb: {  	s0 =	sadd.s32 $0x8F2B, s0  }
0xbc: {  	[sflag:s0] =	ssyncadd.remote.s32 $0x1  }
0xbd: {  	_ =	sfence.sel $0xFFFF  }
0xbe: {  	[dreg:$0x0] =	wrdreg $0xFFFFFFFF;
	(pc) =	sbr.abs _section_cstart, $3  }
0xbf: {  	[dreg:$0x1] =	wrdreg $0xFFFFFFFF  }
0xc0: {  	_ =	task.clear_ibuf [dreg:s6], $0x2FFFF;
	_ =	strace $0x9FFFFFFF  }
0xc1: {  	(tm) =	ssettm $0x7FFFFFFF  }
tec
execute0_lowered:
.L_overlay_start_1:
0x0: {  	(tag) =	ssettag $0x1  }
0x1: {  	s4 =	rddreg [dreg:$0x0]  }
0x2: {  	s0 =	rddreg [dreg:$0x1];
	s2 =	simm.s32 $0x0;
	s5 =	srdreg.scid  }
0x3: {  	s1 =	stileid.u32;
	s10 =	simm.s32 $0x0;
	[smem:$0x7FF] =	sst s2  }
0x4: {  	s3 =	sadd.s32 $0x67800, s4;
	s5 =	sand.u32 $0x1, s5;
	s6 =	sshll.u32 s1, $0x8  }
0x5: {  	s8 =	smul.u32 $0x900, s1;
	_ =	strace $0x80000053;
	s7 =	sshll.u32 s5, $0x7  }
0x6: {  	s9 =	ssub.s32 $0x2, s5;
	s5 =	smul.u32 $0x480, s5;
	s6 =	sor.u32 s7, s6  }
0x7: {  	s31 =	sshrl.u32 s9, $0x1;
	s8 =	sadd.s32 s8, s4;
	s6 =	sshrl.u32 s6, $0x3  }
0x8: {  	s7 =	ssub.s32 s9, s31;
	s5 =	sadd.s32 s5, s8;
	s8 =	simm.s32 $0x80  }
0x9: {  	s9 =	simm.s32 $0x1;
	s6 =	sadd.s32 s6, s4;
	s4 =	smax.u32 s7, $0x1  }
0xa: {  	s5 =	sadd.s32 $0x8E8E00, s5;
	s7 =	simm.s32 $0x2;
	s6 =	sadd.s32 $0x4F000, s6  }
.LBB2_1:
0xb: {  	s11 =	sadd.s32 $0x0, s6  }
0xc: {  	[tilespmem:s2], [sflag:$0x2] =	stream.linear.gather [hbm4b:s11+s2], $0x80, $0x38;
	[tilespmem:$0x2480] =	vst v63  }
0xd: {  	_ =	swait.ge [sflag:s7], $0x80  }
0xe: {  	[sflag:s7] =	ssyncset.done $0x0  }
0xf: {  	[sflag:s7] =	ssyncadd.s32 $0xFFFFFF80  }
0x10: {  	[tilespmem:s8], [sflag:$0x1] =	stream.indirect.gather [hbm4b:s3+s8], $0x48, s2, s8, $0xb8;
	[tilespmem:$0x2480] =	vst v63  }
0x11: {  	_ =	swait.ge [sflag:s9], $0x2400  }
0x12: {  	[sflag:s9] =	ssyncset.done $0x0  }
0x13: {  	[sflag:s9] =	ssyncadd.s32 $0xFFFFDC00  }
0x14: {  	[hbm4b:s5+s2] =	stream.linear.scatter [tilespmem:s8], [sflag:$0x2], $0x2400, $0x38;
	[tilespmem:$0x2480] =	vst v63  }
0x15: {  	s12 =	simm.s32 $0x200;
	_ =	swait.ge [sflag:s7], $0x2400  }
0x16: {  	s13 =	simm.s32 $0x400;
	s11 =	sadd.s32 $0x9000, s5;
	[sflag:s7] =	ssyncset.done $0x0  }
.LBB2_2:
0x17: {  	s14 =	sadd.s32 s12, s6  }
0x18: {  	[sflag:s7] =	ssyncadd.s32 $0xFFFFDC00;
	s12 =	smov.u32 s13;
	s15 =	sadd.s32 $0x200, s13  }
0x19: {  	[tilespmem:s2], [sflag:$0x2] =	stream.linear.gather [hbm4b:s14+s2], $0x80, $0x38;
	[tilespmem:$0x2480] =	vst v63  }
0x1a: {  	p0 =	sne.s32 s13, $0x18600;
	_ =	swait.ge [sflag:s7], $0x80  }
0x1b: {  	[sflag:s7] =	ssyncset.done $0x0  }
0x1c: {  	[sflag:s7] =	ssyncadd.s32 $0xFFFFFF80  }
0x1d: {  	[tilespmem:s8], [sflag:$0x1] =	stream.indirect.gather [hbm4b:s3+s8], $0x48, s2, s8, $0xb8;
	[tilespmem:$0x2480] =	vst v63  }
0x1e: {  	_ =	swait.ge [sflag:s9], $0x2400  }
.Ltmp0:
0x1f: {  	[sflag:s9] =	ssyncset.done $0x0;
	(pc) =	sbr.rel @p0 .LBB2_2-.Ltmp0, $4  }
0x20: {  	[sflag:s9] =	ssyncadd.s32 $0xFFFFDC00  }
0x21: {  	[hbm4b:s11+s2] =	stream.linear.scatter [tilespmem:s8], [sflag:$0x2], $0x2400, $0x38;
	[tilespmem:$0x2480] =	vst v63  }
0x22: {  	_ =	swait.ge [sflag:s7], $0x2400  }
0x23: {  	s13 =	smov.u32 s15;
	s11 =	sadd.s32 $0x9000, s11;
	[sflag:s7] =	ssyncset.done $0x0  }
0x24: {  	s12 =	sadd.s32 s12, s6;
	[sflag:s7] =	ssyncadd.s32 $0xFFFFDC00  }
0x25: {  	[tilespmem:s2], [sflag:$0x2] =	stream.linear.gather [hbm4b:s12+s2], $0x80, $0x38;
	[tilespmem:$0x2480] =	vst v63  }
0x26: {  	_ =	swait.ge [sflag:s7], $0x80  }
0x27: {  	[sflag:s7] =	ssyncset.done $0x0  }
0x28: {  	[sflag:s7] =	ssyncadd.s32 $0xFFFFFF80  }
0x29: {  	[tilespmem:s8], [sflag:$0x1] =	stream.indirect.gather [hbm4b:s3+s8], $0x48, s2, s8, $0xb8;
	[tilespmem:$0x2480] =	vst v63  }
0x2a: {  	s10 =	sadd.s32 $0x1, s10;
	_ =	swait.ge [sflag:s9], $0x2400  }
0x2b: {  	p0 =	sne.s32 s10, s4;
	[sflag:s9] =	ssyncset.done $0x0  }
.Ltmp1:
0x2c: {  	[sflag:s9] =	ssyncadd.s32 $0xFFFFDC00;
	(pc) =	sbr.rel @p0 .LBB2_1-.Ltmp1, $4  }
0x2d: {  	[hbm4b:s11+s2] =	stream.linear.scatter [tilespmem:s8], [sflag:$0x2], $0x2400, $0x38;
	[tilespmem:$0x2480] =	vst v63  }
0x2e: {  	_ =	swait.ge [sflag:s7], $0x2400  }
0x2f: {  	[sflag:s7] =	ssyncset.done $0x0  }
0x30: {  	[sflag:s7] =	ssyncadd.s32 $0xFFFFDC00  }
0x31: {  	_ =	sfence.sel $0x180000  }
0x32: {  	[bflag:$0x0] =	sbarrier.arrive $0xFFFF  }
0x33: {  	p0 =	sne.s32 s1, $0x0;
	_ =	strace $0x90000053  }
0x34: {  	s0 =	sadd.s32 @!p0 $0x100000, s0;
	[bflag:$0x2] =	sbarrier.arrive $0xFFFF  }
0x35: {  	[sflag:s0] =	ssyncadd.tile.s32 @!p0 $0x1;
	_ =	shalt  }
.Lfunc_end2:
_tile_overlayer_lowered:
.L_overlay_start_2:
0x36: {  	(tag) =	ssettag $0x2  }
0x37: {  	s0 =	rddreg [dreg:$0x0];
	s2 =	stileid.u32  }
0x38: {  	s1 =	rddreg [dreg:$0x1];
	p0 =	sne.s32 s2, $0x0  }
0x39: {  	s3 =	rddreg [dreg:$0x2];
	[bflag:$0x3] =	sbarrier.arrive $0xFFFF;
	s2 =	simm.s32 @!p0 $0x1C02  }
0x3a: {  	[timem:s3], [sflag:s2] =	dma.local @!p0 [hbm:s0], s1  }
0x3b: {  	s0 =	simm.s32 @!p0 $0x2  }
0x3c: {  	_ =	swait.ge @!p0 [sflag:s0], s1  }
0x3d: {  	s1 =	ssub.s32 @!p0 $0x0, s1;
	[sflag:s0] =	ssyncset.done @!p0 $0x0  }
0x3e: {  	[sflag:s0] =	ssyncadd.s32 @!p0 s1  }
0x3f: {  	[bflag:$0x3] =	sbarrier.arrive $0xFFFF  }
0x40: {  	_ =	shalt  }

// kernel: kernel.19.cloned.1.call-start
scs
__scs_entry_jumppad:
0x0: {  	(pc) =	sbr.rel $0x88, $3  }
0x1: {  	(tag) =	ssettag $0x0;
	lr =	simm.s32 $0x1  }
0x2: {  	[smem:$0x3F89] =	sst lr;
	_ =	strace $0xD0000000  }
0x3: {  	_ = 	snop  }
0x4: {  	_ = 	snop  }
0x5: {  	_ = 	snop  }
0x6: {  	_ = 	snop  }
0x7: {  	_ = 	snop  }
__scs_overlays_trampoline_lowered:
0x8: {  	[smem:$0x3F98] =	sst s0  }
0x9: {  	[smem:$0x3F99] =	sst s1  }
0xa: {  	[smem:$0x3F9A] =	sst s2  }
0xb: {  	[smem:$0x3F9B] =	sst s3  }
0xc: {  	[smem:$0x3F9C] =	sst s4  }
0xd: {  	[smem:$0x3F9D] =	sst s5  }
0xe: {  	[smem:$0x3F9E] =	sst s6  }
0xf: {  	[smem:$0x3F9F] =	sst s7  }
0x10: {  	[smem:$0x3FA0] =	sst s8  }
0x11: {  	[smem:$0x3FA1] =	sst s9;
	s0 =	simm.s32 @!p0 $0x0  }
0x12: {  	s1 =	sld [smem:$0x3F87];
	s0 =	simm.s32 @p0 $0x1  }
0x13: {  	[smem:$0x3FA2] =	sst s0;
	s0 =	simm.s32 @!p1 $0x0  }
0x14: {  	s2 =	sld [smem:$0x3F86];
	s0 =	simm.s32 @p1 $0x1  }
0x15: {  	[smem:$0x3FA3] =	sst s0;
	s0 =	simm.s32 @!p2 $0x0  }
0x16: {  	s3 =	sld [smem:$0x3FDB];
	s0 =	simm.s32 @p2 $0x1  }
0x17: {  	s4 =	simm.s32 $0x1BF5;
	[smem:$0x3FA5] =	sst s0  }
0x18: {  	s0 =	sld [smem:$0x3F88];
	_ =	swait.ge [sflag:s4], $0x0  }
0x19: {  	s7 =	sld [smem:$0x3F89]  }
0x1a: {  	s8 =	sadd.s32 $0xFFFFE003, lr  }
0x1b: {  	s9 =	sadd.s32 $0xFFFFFEF7, lr;
	s5 =	simm.s32 $0xFFFFFFFF;
	p2 =	slt.u32 s8, $0xFFFFF086  }
0x1c: {  	p1 =	slt.u32 s9, $0xF7A;
	s5 =	simm.s32 @!p2 $0x0  }
0x1d: {  	s5 =	simm.s32 @p1 $0x1;
	p0 =	seq.s32 s7, s2  }
0x1e: {  	s7 =	smul.u32 @!p0 $0xF7A, s2;
	p2 =	seq.s32 @!p0 s5, $0x0  }
0x1f: {  	s9 =	smul.u32 $0xF7A, s1;
	s8 =	simm.s32 @!p0 $0x1BF5;
	p2 =	por !p2, p0  }
0x20: {  	[sflag:s8] =	ssyncset.s32 @!p0 $0xFFFFF086;
	s6 =	sadd.s32 @!p0 s3, s7;
	s7 =	simm.s32 @!p0 $0x108  }
0x21: {  	s3 =	sadd.s32 s3, s9;
	s6 =	sadd.s32 @!p0 $0x88, s6;
	s7 =	simm.s32 @p2 $0x1082  }
0x22: {  	[simem:s7], [sflag:s8] =	dma.local @!p0 [hbm:s6], $0xF7A  }
0x23: {  	s9 =	sor.u32 $0xD0000000, s2;
	s6 =	simm.s32 $0x108;
	_ =	swait.ge @!p0 [sflag:s8], $0x0  }
0x24: {  	s3 =	sadd.s32 $0x88, s3;
	s6 =	simm.s32 @!p1 $0x1082;
	[sflag:s4] =	ssyncset.s32 $0xFFFFF086  }
0x25: {  	[simem:s6], [sflag:s4] =	dma.local [hbm:s3], $0xF7A  }
0x26: {  	[smem:$0x3F89] =	sst s1;
	(tag) =	ssettag s2;
	_ =	strace s9  }
0x27: {  	s1 =	sld [smem:$0x3F99]  }
0x28: {  	s2 =	sld [smem:$0x3F9A]  }
0x29: {  	s4 =	sld [smem:$0x3F9C]  }
0x2a: {  	p0 =	seq.s32 s5, $0x0;
	s5 =	sld [smem:$0x3F9D]  }
0x2b: {  	s6 =	sld [smem:$0x3F9E]  }
0x2c: {  	s7 =	sld [smem:$0x3F9F]  }
0x2d: {  	s3 =	simm.s32 $0x108;
	s8 =	sld [smem:$0x3FA0]  }
0x2e: {  	s3 =	simm.s32 @!p0 $0x1082;
	s9 =	sld [smem:$0x3FA1]  }
0x2f: {  	lr =	sadd.s32 s0, s3;
	s0 =	sld [smem:$0x3F98]  }
0x30: {  	s3 =	sld [smem:$0x3F9B]  }
0x31: {  	[smem:$0x3FA4] =	sst s10  }
0x32: {  	s10 =	sld [smem:$0x3FA2];
	_ =	sdelay $0x3  }
0x33: {  	p0 =	seq.s32 s10, $0x1;
	s10 =	sld [smem:$0x3FA4];
	_ =	sdelay $0x3  }
0x34: {  	[smem:$0x3FA4] =	sst s10  }
0x35: {  	s10 =	sld [smem:$0x3FA3];
	_ =	sdelay $0x3  }
0x36: {  	p1 =	seq.s32 s10, $0x1;
	s10 =	sld [smem:$0x3FA4];
	_ =	sdelay $0x3  }
0x37: {  	[smem:$0x3FA4] =	sst s10  }
0x38: {  	s10 =	sld [smem:$0x3FA5]  }
0x39: {  	_ = 	snop;
	(pc) =	sbr.ind lr, $3  }
0x3a: {  	_ = 	snop  }
0x3b: {  	_ = 	snop  }
0x3c: {  	p2 =	seq.s32 s10, $0x1;
	s10 =	sld [smem:$0x3FA4]  }
0x3d: {  	_ =	shalt  }
0x3e: {  	_ =	shalt  }
0x3f: {  	_ =	shalt  }
0x40: {  	_ =	shalt  }
0x41: {  	_ =	shalt  }
0x42: {  	_ =	shalt  }
0x43: {  	_ =	shalt  }
0x44: {  	_ =	shalt  }
0x45: {  	_ =	shalt  }
0x46: {  	_ =	shalt  }
0x47: {  	_ =	shalt  }
0x48: {  	_ =	shalt  }
0x49: {  	_ =	shalt  }
0x4a: {  	_ =	shalt  }
0x4b: {  	_ =	shalt  }
0x4c: {  	_ =	shalt  }
0x4d: {  	_ =	shalt  }
0x4e: {  	_ =	shalt  }
0x4f: {  	_ =	shalt  }
0x50: {  	_ =	shalt  }
0x51: {  	_ =	shalt  }
0x52: {  	_ =	shalt  }
0x53: {  	_ =	shalt  }
0x54: {  	_ =	shalt  }
0x55: {  	_ =	shalt  }
0x56: {  	_ =	shalt  }
0x57: {  	_ =	shalt  }
0x58: {  	_ =	shalt  }
0x59: {  	_ =	shalt  }
0x5a: {  	_ =	shalt  }
0x5b: {  	_ =	shalt  }
0x5c: {  	_ =	shalt  }
0x5d: {  	_ =	shalt  }
0x5e: {  	_ =	shalt  }
0x5f: {  	_ =	shalt  }
0x60: {  	_ =	shalt  }
0x61: {  	_ =	shalt  }
0x62: {  	_ =	shalt  }
0x63: {  	_ =	shalt  }
0x64: {  	_ =	shalt  }
0x65: {  	_ =	shalt  }
0x66: {  	_ =	shalt  }
0x67: {  	_ =	shalt  }
0x68: {  	_ =	shalt  }
0x69: {  	_ =	shalt  }
0x6a: {  	_ =	shalt  }
0x6b: {  	_ =	shalt  }
0x6c: {  	_ =	shalt  }
0x6d: {  	_ =	shalt  }
0x6e: {  	_ =	shalt  }
0x6f: {  	_ =	shalt  }
0x70: {  	_ =	shalt  }
0x71: {  	_ =	shalt  }
0x72: {  	_ =	shalt  }
0x73: {  	_ =	shalt  }
0x74: {  	_ =	shalt  }
0x75: {  	_ =	shalt  }
0x76: {  	_ =	shalt  }
0x77: {  	_ =	shalt  }
0x78: {  	_ =	shalt  }
0x79: {  	_ =	shalt  }
0x7a: {  	_ =	shalt  }
0x7b: {  	_ =	shalt  }
0x7c: {  	_ =	shalt  }
0x7d: {  	_ =	shalt  }
0x7e: {  	_ =	shalt  }
0x7f: {  	_ =	shalt  }
0x80: {  	_ =	shalt  }
0x81: {  	_ =	shalt  }
0x82: {  	_ =	shalt  }
0x83: {  	_ =	shalt  }
0x84: {  	_ =	shalt  }
0x85: {  	_ =	shalt  }
0x86: {  	_ =	shalt  }
0x87: {  	_ =	shalt  }
.Lfunc_end0:
.L_simem_size_0:
called_computation.7_lowered:
.L_overlay_start_0:
0x88: {  	s2 =	sld [smem:$0x3FD9]  }
0x89: {  	s3 =	sld [smem:$0x3FFE];
	_ =	sdelay $0x1  }
0x8a: {  	s1 =	srdreg.scid  }
0x8b: {  	s0 =	sand.u32 $0x1, s1  }
0x8c: {  	s16 =	sshll.u32 s0, $0xA;
	s2 =	sadd.s32 s3, s2  }
0x8d: {  	s2 =	sadd.s32 s2, s16  }
0x8e: {  	[smem:$0x3FB0] =	sst s2  }
0x8f: {  	_ = 	snop  }
0x90: {  	(tm) =	ssettm $0x1  }
0x91: {  	s17 =	sld [smem:$0x3FFB];
	_ =	sdelay $0x3  }
0x92: {  	_ =	strace s17  }
0x93: {  	s2 =	sld [smem:$0x3FFC];
	_ =	sdelay $0x3  }
0x94: {  	_ =	strace s2  }
0x95: {  	s2 =	sld [smem:$0x3FFD];
	_ =	sdelay $0x3  }
0x96: {  	_ =	strace s2  }
0x97: {  	_ =	strace $0x8FFFFFFF  }
0x98: {  	s18 =	sld [smem:$0x3FDB];
	_ =	sdelay $0x1  }
0x99: {  	s19 =	simm.s32 $_scs_section_size  }
0x9a: {  	s4 =	simm.s32 $_size__tile_overlayer_lowered;
	s5 =	simm.s32 $_tile_overlayer_lowered  }
0x9b: {  	s22 =	simm.s32 $0x1BFF;
	s21 =	sshll.u32 s5, $0x1;
	s2 =	sadd.s32 s19, s18  }
0x9c: {  	s6 =	simm.s32 $0x0;
	s20 =	sshll.u32 s4, $0x1;
	s4 =	sadd.s32 s21, s2  }
0x9d: {  	[timem:s6], [sflag:s22] =	dma.local [hbm:s4], s20  }
0x9e: {  	_ =	swait.ge [sflag:s22], s20  }
0x9f: {  	s3 =	ssub.s32 $0x0, s20;
	[sflag:s22] =	ssyncset.done $0x0  }
0xa0: {  	[sflag:s22] =	ssyncadd.s32 s3;
	_ =	sdelay $0x1  }
0xa1: {  	s23 =	simm.s32 $0x1B8B  }
0xa2: {  	_ =	swait.ge [sflag:s23], $0x1  }
0xa3: {  	[sflag:s23] =	ssyncset.done $0x0  }
0xa4: {  	s25 =	simm.s32 $0x1B8E;
	s24 =	sld [smem:$0x3FFE];
	[sflag:s23] =	ssyncadd.s32 $0xFFFFFFFF  }
0xa5: {  	s26 =	simm.s32 $execute0_lowered;
	[smem:$0x3FD2] =	sst s25  }
0xa6: {  	s4 =	sshll.u32 s26, $0x1;
	_ =	strace $0x8000005B;
	[dreg:$0x1] =	wrdreg $0xFFFFFFFF  }
0xa7: {  	s28 =	simm.s32 $_size_execute0_lowered;
	s2 =	sadd.s32 s2, s4;
	[dreg:$0x0] =	wrdreg $0x0  }
0xa8: {  	s4 =	sshll.u32 s28, $0x1;
	[dreg:$0x2] =	wrdreg s2  }
0xa9: {  	[dreg:$0x3] =	wrdreg s4  }
0xaa: {  	[dreg:$0x4] =	wrdreg $0xC0  }
0xab: {  	_ =	task [dreg:s6], $0x5FFFF  }
0xac: {  	[dreg:$0x1] =	wrdreg $0xFFFFFFFF  }
0xad: {  	[dreg:$0x0] =	wrdreg $0x60  }
0xae: {  	[dreg:$0x2] =	wrdreg s24  }
0xaf: {  	[dreg:$0x3] =	wrdreg $0x0  }
0xb0: {  	[dreg:$0x4] =	wrdreg $0x9  }
0xb1: {  	_ =	task.clear_ibuf [dreg:s6], $0x5FFFF;
	_ =	strace $0x9000005B  }
0xb2: {  	s29 =	simm.s32 $0x9;
	_ =	strace $0x8000005D  }
0xb3: {  	_ =	swait.ge [sflag:s29], $0x1  }
0xb4: {  	[sflag:s29] =	ssyncadd.s32 $0xFFFFFFFF  }
0xb5: {  	_ =	strace $0x9000005D  }
0xb6: {  	_ =	sfence  }
0xb7: {  	s30 =	sld [smem:$0x0];
	_ =	sdelay $0x2  }
0xb8: {  	s31 =	sshll.u32 s1, $0xD;
	s1 =	sshrl.u32 s1, $0x2  }
0xb9: {  	s3 =	sand.u32 $0x4000, s31;
	s1 =	sadd.s32 s1, s30  }
0xba: {  	s0 =	sor.u32 s3, s0;
	s1 =	sshll.u32 s1, $0x11  }
0xbb: {  	s0 =	sor.u32 s1, s0  }
0xbc: {  	s0 =	sadd.s32 $0x8F2B, s0  }
0xbd: {  	[sflag:s0] =	ssyncadd.remote.s32 $0x1  }
0xbe: {  	_ =	sfence.sel $0xFFFF  }
0xbf: {  	[dreg:$0x0] =	wrdreg $0xFFFFFFFF;
	(pc) =	sbr.abs _section_cstart, $3  }
0xc0: {  	[dreg:$0x1] =	wrdreg $0xFFFFFFFF  }
0xc1: {  	_ =	task.clear_ibuf [dreg:s6], $0x2FFFF;
	_ =	strace $0x9FFFFFFF  }
0xc2: {  	(tm) =	ssettm $0x7FFFFFFF  }
0xc3: {  	_ =	shalt  }
tec
execute0_lowered:
.L_overlay_start_1:
0x0: {  	(tag) =	ssettag $0x1  }
0x1: {  	s4 =	rddreg [dreg:$0x0]  }
0x2: {  	s1 =	rddreg [dreg:$0x1]  }
0x3: {  	s0 =	rddreg [dreg:$0x2];
	s3 =	simm.s32 $0x0;
	s5 =	srdreg.scid  }
0x4: {  	s2 =	stileid.u32;
	s14 =	simm.s32 $0x6200;
	s15 =	simm.s32 $0x6280  }
0x5: {  	s16 =	simm.s32 $0x6C00;
	s17 =	simm.s32 $0x1;
	s18 =	simm.s32 $0x3  }
0x6: {  	s19 =	simm.s32 $0x80;
	s20 =	simm.s32 $0x6300;
	s21 =	simm.s32 $0x2  }
0x7: {  	[smem:$0x7FF] =	sst s3;
	s5 =	sand.u32 $0x1, s5;
	s6 =	sshll.u32 s2, $0x8  }
0x8: {  	s23 =	sshll.u32 s2, $0x4;
	s26 =	ssub.s32 $0xD3, s2;
	s12 =	smul.u32 $0x190, s2  }
0x9: {  	s28 =	sshll.u32 s2, $0xB;
	s29 =	ssub.s32 $0x8C, s2;
	s13 =	smul.u32 $0x3200, s2  }
0xa: {  	_ =	strace $0x8000005C;
	s7 =	smul.u32 $0xC350, s5;
	s8 =	sadd.s32 s6, s4  }
0xb: {  	s9 =	ssub.s32 $0x2, s5;
	s10 =	sadd.s32 s23, s4;
	s22 =	smul.u32 $0x61A8, s5  }
0xc: {  	s5 =	sadd.s32 s28, s1;
	s6 =	sshrl.u32 s29, $0x4;
	s23 =	simm.s32 $0x6380  }
0xd: {  	s24 =	sshrl.u32 s9, $0x1;
	s8 =	sadd.s32 $0x36800, s8;
	s31 =	sshrl.u32 s13, $0x2  }
0xe: {  	s13 =	simm.s32 $0x5;
	s11 =	sadd.s32 s7, s4;
	s25 =	ssub.s32 s9, s24  }
0xf: {  	s4 =	sshrl.u32 s26, $0x4;
	s9 =	sadd.s32 $0x5800, s10;
	v0 =	vmov s22;
	s22 =	simm.s32 $0x4  }
0x10: {  	s24 =	simm.s32 $0x0;
	s7 =	smax.u32 s25, $0x1;
	s30 =	sadd.s32 s12, s11  }
0x11: {  	v1 =	vimm.f32 $0.0e+00;
	s11 =	sadd.s32 s31, s1;
	s12 =	simm.s32 $0x6400;
	s10 =	sadd.s32 $0x346800, s30  }
.LBB2_1:
0x12: {  	s25 =	simm.s32 $0x40;
	s26 =	simm.s32 $0x0  }
.LBB2_2:
0x13: {  	p0 =	sne.s32 s25, $0x1FC0;
	[tilespmem:s26+$0x6400] =	vst v1;
	s26 =	smov.u32 s25;
	s25 =	sadd.s32 $0x40, s25  }
.Ltmp0:
0x14: {  	(pc) =	sbr.rel @p0 .LBB2_2-.Ltmp0, $2  }
0x15: {  	_ =	sdelay $0x2  }
0x16: {  	s26 =	sshra.s32 s26, $0x2  }
0x17: {  	p0 =	sne.s32 s4, $0x1  }
.Ltmp1:
0x18: {  	_ = 	snop;
	(pc) =	sbr.rel @!p0 .LBB2_5-.Ltmp1, $4  }
0x19: {  	[tilespmem:s26+$0x6400] =	vst v1  }
0x1a: {  	[spmem:s5] =	stream.linear.scatter [tilespmem:s12], [sflag:$0x5], $0x800, $0x38;
	[tilespmem:$0x7400] =	vst v63  }
0x1b: {  	_ =	swait.ge [sflag:s13], $0x800  }
0x1c: {  	s25 =	sadd.s32 $0xFFFFFFFF, s4;
	s26 =	smov.u32 s5;
	[sflag:s13] =	ssyncset.done $0x0  }
.LBB2_4:
0x1d: {  	p0 =	sne.s32 s25, $0x1;
	[sflag:s13] =	ssyncadd.s32 $0xFFFFF800;
	s26 =	sadd.s32 $0x8000, s26  }
.Ltmp2:
0x1e: {  	s25 =	sadd.s32 $0xFFFFFFFF, s25;
	(pc) =	sbr.rel @p0 .LBB2_4-.Ltmp2, $4  }
0x1f: {  	_ = 	snop  }
0x20: {  	[spmem:s26] =	stream.linear.scatter [tilespmem:s12], [sflag:$0x5], $0x800, $0x38;
	[tilespmem:$0x7400] =	vst v63  }
0x21: {  	_ =	swait.ge [sflag:s13], $0x800  }
0x22: {  	[sflag:s13] =	ssyncset.done $0x0  }
.LBB2_5:
0x23: {  	[sflag:s13] =	ssyncadd.s32 $0xFFFFF800  }
0x24: {  	s25 =	sadd.s32 $0x0, s9;
	[bflag:$0x0] =	sbarrier.arrive $0xFFFF  }
0x25: {  	[tilespmem:s14], [sflag:$0x1] =	stream.linear.gather [hbm4b:s25+s3], $0x80, $0x38;
	[tilespmem:$0x7400] =	vst v63  }
0x26: {  	_ = 	snop  }
0x27: {  	[tilespmem:s12], [sflag:$0x3] =	stream.linear.gather [hbm4b:s8+s3], $0x800, $0x38;
	[tilespmem:$0x7400] =	vst v63  }
0x28: {  	s25 =	sadd.s32 $0x100, s25  }
0x29: {  	[tilespmem:s15], [sflag:$0x2] =	stream.linear.gather [hbm4b:s25+s3], $0x80, $0x38;
	[tilespmem:$0x7400] =	vst v63  }
0x2a: {  	s31 =	sadd.s32 $0x1000, s8  }
0x2b: {  	[tilespmem:s16], [sflag:$0x4] =	stream.linear.gather [hbm4b:s31+s3], $0x800, $0x38;
	[tilespmem:$0x7400] =	vst v63  }
0x2c: {  	_ =	swait.ge [sflag:s17], $0x80  }
0x2d: {  	[sflag:s17] =	ssyncset.done $0x0  }
0x2e: {  	[sflag:s17] =	ssyncadd.s32 $0xFFFFFF80  }
0x2f: {  	_ =	swait.ge [sflag:s18], $0x800  }
0x30: {  	[sflag:s18] =	ssyncset.done $0x0  }
0x31: {  	[sflag:s18] =	ssyncadd.s32 $0xFFFFF800  }
0x32: {  	v2 =	vld [tilespmem:$0x6270]  }
0x33: {  	v3 =	vld [tilespmem:$0x6220]  }
0x34: {  	v5 =	vld [tilespmem:$0x6230]  }
0x35: {  	v4 =	vld [tilespmem:$0x6210]  }
0x36: {  	v8 =	vld [tilespmem:$0x6200]  }
0x37: {  	v6 =	vld [tilespmem:$0x6250];
	v2 =	vsub.s32 v2, v0  }
0x38: {  	v7 =	vld [tilespmem:$0x6240];
	v3 =	vsub.s32 v3, v0;
	v2 =	vmin.u32 v2, $0x61A8  }
0x39: {  	v9 =	vld [tilespmem:$0x6260];
	v61 =	vsub.s32 v5, v0;
	v3 =	vmin.u32 v3, $0x61A8;
	[tilespmem:$0x6370] =	vst v2  }
0x3a: {  	v2 =	vsub.s32 v4, v0;
	[tilespmem:$0x6320] =	vst v3;
	v3 =	vmin.u32 v61, $0x61A8  }
0x3b: {  	v63 =	vsub.s32 v8, v0;
	v2 =	vmin.u32 v2, $0x61A8;
	[tilespmem:$0x6330] =	vst v3  }
0x3c: {  	v4 =	vmin.u32 v63, $0x61A8;
	[tilespmem:$0x6310] =	vst v2;
	v2 =	vsub.s32 v6, v0  }
0x3d: {  	v62 =	vsub.s32 v7, v0;
	[tilespmem:$0x6300] =	vst v4;
	v2 =	vmin.u32 v2, $0x61A8  }
0x3e: {  	v3 =	vmin.u32 v62, $0x61A8;
	[tilespmem:$0x6350] =	vst v2;
	v2 =	vsub.s32 v9, v0  }
0x3f: {  	[tilespmem:$0x6340] =	vst v3;
	v2 =	vmin.u32 v2, $0x61A8  }
0x40: {  	[tilespmem:$0x6360] =	vst v2  }
0x41: {  	[spmem:s1] =	stream.indirect.scatter.add.f32 [tilespmem:s12], [sflag:$0x5], $0x10, s20, s19, $0xb8;
	[tilespmem:$0x7400] =	vst v63  }
0x42: {  	_ =	swait.ge [sflag:s13], $0x800  }
0x43: {  	[sflag:s13] =	ssyncset.done $0x0  }
0x44: {  	[sflag:s13] =	ssyncadd.s32 $0xFFFFF800  }
0x45: {  	_ =	swait.ge [sflag:s21], $0x80  }
0x46: {  	[sflag:s21] =	ssyncset.done $0x0  }
0x47: {  	[sflag:s21] =	ssyncadd.s32 $0xFFFFFF80  }
0x48: {  	_ =	swait.ge [sflag:s22], $0x800  }
0x49: {  	[sflag:s22] =	ssyncset.done $0x0  }
0x4a: {  	s26 =	smov.u32 s8;
	s25 =	simm.s32 $0x200;
	[sflag:s22] =	ssyncadd.s32 $0xFFFFF800  }
.LBB2_6:
0x4b: {  	p0 =	sne.s32 s25, $0x30E00  }
0x4c: {  	v2 =	vld [tilespmem:$0x62F0];
	s26 =	sadd.s32 $0x2000, s26;
	s28 =	smov.u32 s25;
	s25 =	sadd.s32 $0x200, s25  }
0x4d: {  	v3 =	vld [tilespmem:$0x62E0]  }
0x4e: {  	v4 =	vld [tilespmem:$0x62D0]  }
0x4f: {  	v5 =	vld [tilespmem:$0x62C0]  }
0x50: {  	v6 =	vld [tilespmem:$0x62B0]  }
0x51: {  	v7 =	vld [tilespmem:$0x62A0];
	v2 =	vsub.s32 v2, v0  }
0x52: {  	v8 =	vld [tilespmem:$0x6290];
	v3 =	vsub.s32 v3, v0;
	v2 =	vmin.u32 v2, $0x61A8  }
0x53: {  	v9 =	vld [tilespmem:$0x6280];
	v4 =	vsub.s32 v4, v0;
	v3 =	vmin.u32 v3, $0x61A8;
	[tilespmem:$0x63F0] =	vst v2  }
0x54: {  	v2 =	vsub.s32 v5, v0;
	v4 =	vmin.u32 v4, $0x61A8;
	[tilespmem:$0x63E0] =	vst v3  }
0x55: {  	v3 =	vsub.s32 v6, v0;
	v2 =	vmin.u32 v2, $0x61A8;
	[tilespmem:$0x63D0] =	vst v4  }
0x56: {  	v4 =	vsub.s32 v7, v0;
	v3 =	vmin.u32 v3, $0x61A8;
	[tilespmem:$0x63C0] =	vst v2  }
0x57: {  	v2 =	vsub.s32 v8, v0;
	v4 =	vmin.u32 v4, $0x61A8;
	[tilespmem:$0x63B0] =	vst v3  }
0x58: {  	v3 =	vsub.s32 v9, v0;
	v2 =	vmin.u32 v2, $0x61A8;
	[tilespmem:$0x63A0] =	vst v4  }
0x59: {  	v3 =	vmin.u32 v3, $0x61A8;
	[tilespmem:$0x6390] =	vst v2  }
0x5a: {  	[tilespmem:$0x6380] =	vst v3  }
0x5b: {  	[spmem:s1] =	stream.indirect.scatter.add.f32 [tilespmem:s16], [sflag:$0x5], $0x10, s23, s19, $0xb8;
	[tilespmem:$0x7400] =	vst v63  }
0x5c: {  	_ =	swait.ge [sflag:s13], $0x800  }
0x5d: {  	[sflag:s13] =	ssyncset.done $0x0  }
0x5e: {  	s28 =	sadd.s32 s28, s9;
	[sflag:s13] =	ssyncadd.s32 $0xFFFFF800  }
0x5f: {  	[tilespmem:s14], [sflag:$0x1] =	stream.linear.gather [hbm4b:s28+s3], $0x80, $0x38;
	[tilespmem:$0x7400] =	vst v63  }
0x60: {  	_ = 	snop  }
0x61: {  	[tilespmem:s12], [sflag:$0x3] =	stream.linear.gather [hbm4b:s26+s3], $0x800, $0x38;
	[tilespmem:$0x7400] =	vst v63  }
0x62: {  	s28 =	sadd.s32 $0x100, s28  }
0x63: {  	[tilespmem:s15], [sflag:$0x2] =	stream.linear.gather [hbm4b:s28+s3], $0x80, $0x38;
	[tilespmem:$0x7400] =	vst v63  }
0x64: {  	s28 =	sadd.s32 $0x1000, s26  }
0x65: {  	[tilespmem:s16], [sflag:$0x4] =	stream.linear.gather [hbm4b:s28+s3], $0x800, $0x38;
	[tilespmem:$0x7400] =	vst v63  }
0x66: {  	_ =	swait.ge [sflag:s17], $0x80  }
0x67: {  	[sflag:s17] =	ssyncset.done $0x0  }
0x68: {  	[sflag:s17] =	ssyncadd.s32 $0xFFFFFF80  }
0x69: {  	_ =	swait.ge [sflag:s18], $0x800  }
0x6a: {  	[sflag:s18] =	ssyncset.done $0x0  }
0x6b: {  	[sflag:s18] =	ssyncadd.s32 $0xFFFFF800  }
0x6c: {  	v2 =	vld [tilespmem:$0x6270]  }
0x6d: {  	v3 =	vld [tilespmem:$0x6230]  }
0x6e: {  	v4 =	vld [tilespmem:$0x6220]  }
0x6f: {  	v5 =	vld [tilespmem:$0x6210]  }
0x70: {  	v6 =	vld [tilespmem:$0x6240]  }
0x71: {  	v7 =	vld [tilespmem:$0x6250];
	v2 =	vsub.s32 v2, v0  }
0x72: {  	v8 =	vld [tilespmem:$0x6260];
	v2 =	vmin.u32 v2, $0x61A8  }
0x73: {  	v9 =	vld [tilespmem:$0x6200];
	v4 =	vsub.s32 v4, v0;
	[tilespmem:$0x6370] =	vst v2  }
0x74: {  	v3 =	vsub.s32 v3, v0;
	v2 =	vsub.s32 v5, v0;
	v4 =	vmin.u32 v4, $0x61A8  }
0x75: {  	v3 =	vmin.u32 v3, $0x61A8;
	v2 =	vmin.u32 v2, $0x61A8;
	[tilespmem:$0x6320] =	vst v4;
	v4 =	vsub.s32 v6, v0  }
0x76: {  	[tilespmem:$0x6310] =	vst v2;
	v2 =	vmin.u32 v4, $0x61A8;
	v4 =	vsub.s32 v7, v0  }
0x77: {  	[tilespmem:$0x6330] =	vst v3;
	v3 =	vmin.u32 v4, $0x61A8;
	v4 =	vsub.s32 v8, v0  }
0x78: {  	v5 =	vsub.s32 v9, v0;
	[tilespmem:$0x6350] =	vst v3;
	v3 =	vmin.u32 v4, $0x61A8  }
0x79: {  	v4 =	vmin.u32 v5, $0x61A8;
	[tilespmem:$0x6340] =	vst v2  }
0x7a: {  	[tilespmem:$0x6300] =	vst v4  }
0x7b: {  	[tilespmem:$0x6360] =	vst v3  }
0x7c: {  	[spmem:s1] =	stream.indirect.scatter.add.f32 [tilespmem:s12], [sflag:$0x5], $0x10, s20, s19, $0xb8;
	[tilespmem:$0x7400] =	vst v63  }
0x7d: {  	_ =	swait.ge [sflag:s13], $0x800  }
0x7e: {  	[sflag:s13] =	ssyncset.done $0x0  }
0x7f: {  	[sflag:s13] =	ssyncadd.s32 $0xFFFFF800  }
0x80: {  	_ =	swait.ge [sflag:s21], $0x80  }
.Ltmp3:
0x81: {  	[sflag:s21] =	ssyncset.done $0x0;
	(pc) =	sbr.rel @p0 .LBB2_6-.Ltmp3, $4  }
0x82: {  	[sflag:s21] =	ssyncadd.s32 $0xFFFFFF80  }
0x83: {  	_ =	swait.ge [sflag:s22], $0x800  }
0x84: {  	[sflag:s22] =	ssyncset.done $0x0  }
0x85: {  	[sflag:s22] =	ssyncadd.s32 $0xFFFFF800  }
0x86: {  	v2 =	vld [tilespmem:$0x62F0]  }
0x87: {  	v3 =	vld [tilespmem:$0x62E0]  }
0x88: {  	v4 =	vld [tilespmem:$0x62D0]  }
0x89: {  	v7 =	vld [tilespmem:$0x62A0]  }
0x8a: {  	v5 =	vld [tilespmem:$0x62C0]  }
0x8b: {  	v6 =	vld [tilespmem:$0x62B0];
	v2 =	vsub.s32 v2, v0  }
0x8c: {  	v8 =	vld [tilespmem:$0x6290];
	v3 =	vsub.s32 v3, v0;
	v2 =	vmin.u32 v2, $0x61A8  }
0x8d: {  	v9 =	vld [tilespmem:$0x6280];
	v4 =	vsub.s32 v4, v0;
	v3 =	vmin.u32 v3, $0x61A8;
	[tilespmem:$0x63F0] =	vst v2  }
0x8e: {  	v63 =	vsub.s32 v7, v0;
	v4 =	vmin.u32 v4, $0x61A8;
	[tilespmem:$0x63E0] =	vst v3  }
0x8f: {  	v2 =	vsub.s32 v5, v0;
	[tilespmem:$0x63D0] =	vst v4;
	v4 =	vmin.u32 v63, $0x61A8  }
0x90: {  	v3 =	vsub.s32 v6, v0;
	v2 =	vmin.u32 v2, $0x61A8;
	[tilespmem:$0x63A0] =	vst v4  }
0x91: {  	v3 =	vmin.u32 v3, $0x61A8;
	[tilespmem:$0x63C0] =	vst v2;
	v2 =	vsub.s32 v8, v0  }
0x92: {  	[tilespmem:$0x63B0] =	vst v3;
	v3 =	vsub.s32 v9, v0;
	v2 =	vmin.u32 v2, $0x61A8  }
0x93: {  	v3 =	vmin.u32 v3, $0x61A8;
	[tilespmem:$0x6390] =	vst v2  }
0x94: {  	[tilespmem:$0x6380] =	vst v3  }
0x95: {  	[spmem:s1] =	stream.indirect.scatter.add.f32 [tilespmem:s16], [sflag:$0x5], $0x10, s23, s19, $0xb8;
	[tilespmem:$0x7400] =	vst v63  }
0x96: {  	p0 =	sne.s32 s6, $0x1;
	_ =	swait.ge [sflag:s13], $0x800  }
.Ltmp4:
0x97: {  	[sflag:s13] =	ssyncset.done $0x0;
	(pc) =	sbr.rel @!p0 .LBB2_9-.Ltmp4, $4  }
0x98: {  	s25 =	sshll.u32 s2, $0x6;
	s26 =	sshrl.u32 s11, $0x3;
	[sflag:s13] =	ssyncadd.s32 $0xFFFFF800  }
0x99: {  	s28 =	sadd.s32 $0x1900, s10;
	s25 =	sor.u32 $0x1C05, s25;
	[bflag:$0x0] =	sbarrier.arrive $0xFFFF  }
0x9a: {  	[hbm:s10], [sflag:s25] =	dma.local [spmem:s26], $0x190  }
0x9b: {  	s29 =	smov.u32 s11;
	s26 =	sadd.s32 $0xFFFFFFFF, s6;
	_ =	swait.ge [sflag:s13], $0x190  }
.LBB2_8:
0x9c: {  	[sflag:s13] =	ssyncset.done $0x0;
	s29 =	sadd.s32 $0xC800, s29;
	p0 =	sne.s32 s26, $0x1  }
.Ltmp5:
0x9d: {  	s30 =	sshrl.u32 s29, $0x3;
	[sflag:s13] =	ssyncadd.s32 $0xFFFFFE70;
	(pc) =	sbr.rel @p0 .LBB2_8-.Ltmp5, $3  }
0x9e: {  	[hbm:s28], [sflag:s25] =	dma.local [spmem:s30], $0x190  }
0x9f: {  	s26 =	sadd.s32 $0xFFFFFFFF, s26;
	_ =	sdelay $0x1  }
0xa0: {  	s28 =	sadd.s32 $0x1900, s28;
	_ =	swait.ge [sflag:s13], $0x190  }
.LBB2_9:
0xa1: {  	s24 =	sadd.s32 $0x1, s24  }
0xa2: {  	p0 =	sne.s32 s24, s7  }
.Ltmp6:
0xa3: {  	_ = 	snop;
	(pc) =	sbr.rel @p0 .LBB2_1-.Ltmp6, $3  }
0xa4: {  	_ =	sdelay $0x1  }
0xa5: {  	[sflag:s13] =	ssyncset.done $0x0  }
0xa6: {  	[sflag:s13] =	ssyncadd.s32 $0xFFFFFE70  }
0xa7: {  	_ =	sfence.sel $0x180000  }
0xa8: {  	[bflag:$0x0] =	sbarrier.arrive $0xFFFF  }
0xa9: {  	p0 =	sne.s32 s2, $0x0;
	_ =	strace $0x9000005C  }
0xaa: {  	s0 =	sadd.s32 @!p0 $0x100000, s0;
	[bflag:$0x2] =	sbarrier.arrive $0xFFFF  }
0xab: {  	[sflag:s0] =	ssyncadd.tile.s32 @!p0 $0x1;
	_ =	shalt  }
.Lfunc_end2:
_tile_overlayer_lowered:
.L_overlay_start_2:
0xac: {  	(tag) =	ssettag $0x2  }
0xad: {  	s0 =	rddreg [dreg:$0x0];
	s2 =	stileid.u32  }
0xae: {  	s1 =	rddreg [dreg:$0x1];
	p0 =	sne.s32 s2, $0x0  }
0xaf: {  	s3 =	rddreg [dreg:$0x2];
	[bflag:$0x3] =	sbarrier.arrive $0xFFFF;
	s2 =	simm.s32 @!p0 $0x1C05  }
0xb0: {  	[timem:s3], [sflag:s2] =	dma.local @!p0 [hbm:s0], s1  }
0xb1: {  	s0 =	simm.s32 @!p0 $0x5  }
0xb2: {  	_ =	swait.ge @!p0 [sflag:s0], s1  }
0xb3: {  	s1 =	ssub.s32 @!p0 $0x0, s1;
	[sflag:s0] =	ssyncset.done @!p0 $0x0  }
0xb4: {  	[sflag:s0] =	ssyncadd.s32 @!p0 s1  }
0xb5: {  	[bflag:$0x3] =	sbarrier.arrive $0xFFFF  }
0xb6: {  	_ =	shalt  }

// kernel: sparse-core-data-format-call.1.cloned.1.call-start
scs
called_computation.1_lowered:
.L_overlay_start_0:
0x0: {  	s1 =	sld [smem:$0x3FD9]  }
0x1: {  	s2 =	sld [smem:$0x3FFE];
	_ =	sdelay $0x1  }
0x2: {  	s3 =	srdreg.scid  }
0x3: {  	s0 =	sand.u32 $0x1, s3  }
0x4: {  	s17 =	sshll.u32 s0, $0xA;
	s1 =	sadd.s32 s2, s1  }
0x5: {  	s1 =	sadd.s32 s1, s17  }
0x6: {  	[smem:$0x3FB0] =	sst s1  }
0x7: {  	_ = 	snop  }
0x8: {  	(tm) =	ssettm $0x1  }
0x9: {  	s18 =	sld [smem:$0x3FFB];
	_ =	sdelay $0x3  }
0xa: {  	_ =	strace s18  }
0xb: {  	s1 =	sld [smem:$0x3FFC];
	_ =	sdelay $0x3  }
0xc: {  	_ =	strace s1  }
0xd: {  	s1 =	sld [smem:$0x3FFD];
	_ =	sdelay $0x3  }
0xe: {  	_ =	strace s1  }
0xf: {  	_ =	strace $0x8FFFFFFF  }
0x10: {  	s19 =	sld [smem:$0x3FDB];
	_ =	sdelay $0x1  }
0x11: {  	s20 =	simm.s32 $_scs_section_size  }
0x12: {  	s4 =	simm.s32 $_size__tile_overlayer_lowered;
	s5 =	simm.s32 $_tile_overlayer_lowered  }
0x13: {  	s23 =	simm.s32 $0x1BFF;
	s22 =	sshll.u32 s5, $0x1;
	s1 =	sadd.s32 s20, s19  }
0x14: {  	s6 =	simm.s32 $0x0;
	s21 =	sshll.u32 s4, $0x1;
	s4 =	sadd.s32 s22, s1  }
0x15: {  	[timem:s6], [sflag:s23] =	dma.local [hbm:s4], s21  }
0x16: {  	_ =	swait.ge [sflag:s23], s21  }
0x17: {  	s2 =	ssub.s32 $0x0, s21;
	[sflag:s23] =	ssyncset.done $0x0  }
0x18: {  	[sflag:s23] =	ssyncadd.s32 s2;
	_ =	sdelay $0x1  }
0x19: {  	s24 =	simm.s32 $0x1B8B  }
0x1a: {  	_ =	swait.ge [sflag:s24], $0x1  }
0x1b: {  	[sflag:s24] =	ssyncset.done $0x0  }
0x1c: {  	s26 =	simm.s32 $0x1B8E;
	s25 =	sld [smem:$0x3FFE];
	[sflag:s24] =	ssyncadd.s32 $0xFFFFFFFF  }
0x1d: {  	s27 =	simm.s32 $execute0_lowered;
	[smem:$0x3FD2] =	sst s26  }
0x1e: {  	s4 =	sshll.u32 s27, $0x1;
	_ =	strace $0x80000055;
	[dreg:$0x1] =	wrdreg $0xFFFFFFFF  }
0x1f: {  	s28 =	simm.s32 $_size_execute0_lowered;
	s1 =	sadd.s32 s1, s4;
	[dreg:$0x0] =	wrdreg $0x0  }
0x20: {  	s4 =	sshll.u32 s28, $0x1;
	[dreg:$0x2] =	wrdreg s1  }
0x21: {  	[dreg:$0x3] =	wrdreg s4  }
0x22: {  	[dreg:$0x4] =	wrdreg $0xC0  }
0x23: {  	_ =	task [dreg:s6], $0x5FFFF  }
0x24: {  	[dreg:$0x1] =	wrdreg $0xFFFFFFFF  }
0x25: {  	[dreg:$0x0] =	wrdreg $0x60  }
0x26: {  	[dreg:$0x2] =	wrdreg s25  }
0x27: {  	[dreg:$0x3] =	wrdreg $0x9  }
0x28: {  	_ =	task.clear_ibuf [dreg:s6], $0x4FFFF;
	_ =	strace $0x90000055  }
0x29: {  	s29 =	simm.s32 $0x9;
	_ =	strace $0x80000057  }
0x2a: {  	_ =	swait.ge [sflag:s29], $0x1  }
0x2b: {  	[sflag:s29] =	ssyncadd.s32 $0xFFFFFFFF  }
0x2c: {  	_ =	strace $0x90000057  }
0x2d: {  	_ =	sfence  }
0x2e: {  	s30 =	sld [smem:$0x0];
	_ =	sdelay $0x2  }
0x2f: {  	s31 =	sshll.u32 s3, $0xD;
	s3 =	sshrl.u32 s3, $0x2  }
0x30: {  	s2 =	sand.u32 $0x4000, s31;
	s1 =	sadd.s32 s3, s30  }
0x31: {  	s0 =	sor.u32 s2, s0;
	s1 =	sshll.u32 s1, $0x11  }
0x32: {  	s0 =	sor.u32 s1, s0  }
0x33: {  	s0 =	sadd.s32 $0x8F2B, s0  }
0x34: {  	[sflag:s0] =	ssyncadd.remote.s32 $0x1  }
0x35: {  	_ =	sfence.sel $0xFFFF  }
0x36: {  	[dreg:$0x0] =	wrdreg $0xFFFFFFFF;
	(pc) =	sbr.abs _section_cstart, $3  }
0x37: {  	[dreg:$0x1] =	wrdreg $0xFFFFFFFF  }
0x38: {  	_ =	task.clear_ibuf [dreg:s6], $0x2FFFF;
	_ =	strace $0x9FFFFFFF  }
0x39: {  	(tm) =	ssettm $0x7FFFFFFF  }
tec
execute0_lowered:
.L_overlay_start_1:
0x0: {  	(tag) =	ssettag $0x1  }
0x1: {  	s0 =	srdreg.scid  }
0x2: {  	s5 =	rddreg [dreg:$0x0];
	s1 =	sshll.u32 s0, $0x4  }
0x3: {  	s4 =	simm.s32 $0x1;
	s0 =	stileid.u32;
	s1 =	sand.u32 $0x10, s1  }
0x4: {  	s8 =	simm.s32 $0x2;
	s12 =	simm.s32 $0x0;
	s2 =	sor.u32 s0, s1  }
0x5: {  	s9 =	simm.s32 $0x0;
	s3 =	sadd.s32 $0xFCCE00, s5;
	s2 =	sshll.u32 s2, $0x7  }
0x6: {  	s11 =	simm.s32 $0x0;
	s5 =	sadd.s32 $0x8E8E00, s5;
	s6 =	ssub.s32 $0xC4000, s2  }
.Ltmp0:
0x7: {  	s1 =	rddreg [dreg:$0x1];
	s7 =	sand.u32 $0xF80, s6;
	(pc) =	sbr.rel .LBB1_1-.Ltmp0, $4  }
0x8: {  	_ =	strace $0x80000056;
	p0 =	sne.s32 s7, $0x0;
	s7 =	simm.s32 $0x1  }
0x9: {  	[sflag:s4] =	ssyncpa.u1 $0x0;
	s6 =	sshrl.u32 s6, $0xC;
	s7 =	simm.s32 @!p0 $0x0  }
0xa: {  	[sflag:s8] =	ssyncpa.u1 $0x0;
	s8 =	simm.s32 $0x620000;
	s6 =	sadd.s32 s7, s6  }
0xb: {  	s10 =	smov.u32 s2;
	p0 =	por $0x0, $0x0;
	s7 =	sadd.s32 $0x1, s6  }
.LBB1_4:
0xc: {  	s18 =	sshll.u32 s9, $0x3  }
0xd: {  	s19 =	sand.u32 $0x7F, s9;
	s20 =	sand.u32 $0xFFFFFC00, s18;
	s18 =	smulhi.u32 $0x5397829D, s18  }
0xe: {  	v5 =	vld [tilespmem:s14+$0xFFFFFFD0];
	[tilespmem:s16+$0x2040 ss:$0x81] =	vst.msk $0xffff, v3;
	s19 =	sor.u32 s19, s20  }
0xf: {  	v58 =	vld [tilespmem:s14+$0xFFFFFFE0];
	[tilespmem:s16+$0x2850 ss:$0x81] =	vst.msk $0xffff, v4;
	s20 =	smulhi.u32 $0x5397829D, s19;
	s18 =	sshrl.u32 s18, $0x12  }
0x10: {  	s17 =	sshra.s32 s17, $0x2;
	v59 =	vld [tilespmem:s14+$0xFFFFFFF0];
	[tilespmem:s16+$0x3060 ss:$0x81] =	vst.msk $0xffff, v2;
	p1 =	sgt.s32 s9, $0xC3F80;
	s21 =	smul.u32 $0xE39, s18  }
0x11: {  	v60 =	vld [tilespmem:s14+$0x0];
	[tilespmem:s16+$0x0 ss:$0x81] =	vst.msk $0xffff, v0;
	s26 =	sshra.s32 s9, $0x1F;
	s15 =	sadd.s32 s17, s15;
	s20 =	sshrl.u32 s20, $0x12  }
0x12: {  	v61 =	vld [tilespmem:s14+$0x10];
	[tilespmem:s15+$0x3870 ss:$0x81] =	vst.msk $0xffff, v1;
	s24 =	smul.u32 $0xC4000, s20;
	s25 =	sshrl.u32 s21, $0x12;
	s20 =	smov.u32 s9  }
0x13: {  	v62 =	vld [tilespmem:s14+$0x20];
	[tilespmem:s15+$0x810 ss:$0x81] =	vst.msk $0xffff, v5;
	s21 =	sand.u32 s26, s9;
	s17 =	smul.u32 $0x48, s25;
	s20 =	simm.s32 @!p1 $0xC3F80  }
0x14: {  	v63 =	vld [tilespmem:s14+$0xFFFFFFC0];
	[tilespmem:s15+$0x1020 ss:$0x81] =	vst.msk $0xffff, v58;
	s27 =	ssub.s32 s19, s24;
	s28 =	ssub.s32 s20, s21  }
0x15: {  	[tilespmem:s15+$0x1830 ss:$0x81] =	vst.msk $0xffff, v59;
	s17 =	ssub.s32 s18, s17;
	s29 =	sadd.s32 $0xFFF3C080, s28;
	s16 =	ssub.s32 $0xC4000, s28  }
0x16: {  	[tilespmem:s15+$0x2040 ss:$0x81] =	vst.msk $0xffff, v60;
	s30 =	sshrl.u32 s27, $0x3;
	s17 =	sand.u32 $0xFFFF, s17;
	s16 =	smul.u32 $0x120, s16  }
0x17: {  	[tilespmem:s15+$0x2850 ss:$0x81] =	vst.msk $0xffff, v61;
	s14 =	sand.u32 $0x7, s27;
	p1 =	sgt.s32 s29, $0x7F;
	s17 =	smul.u32 $0x18800, s17  }
0x18: {  	[tilespmem:s15+$0x3060 ss:$0x81] =	vst.msk $0xffff, v62;
	s18 =	sadd.s32 s5, s30;
	s14 =	sshll.u32 s14, $0x12;
	s16 =	sshrl.u32 s16, $0x2  }
0x19: {  	[tilespmem:s15+$0x0 ss:$0x81] =	vst.msk $0xffff, v63;
	s14 =	sor.u32 $0x400, s14;
	s16 =	simm.s32 @p1 $0x0;
	s31 =	sadd.s32 s17, s18  }
0x1a: {  	[hbm4b:s31+s14] =	stream.strided.scatter [tilespmem:s13], [sflag:$0x2], s16, s8, s14, $0x20;
	[tilespmem:$0x10100] =	vst v63  }
.LBB1_5:
0x1b: {  	p1 =	slt.u32 s11, $0x2  }
0x1c: {  	p2 =	sgt.s32 @!p1 s12, $0xC3F80  }
0x1d: {  	s13 =	smov.u32 s12;
	s14 =	sshra.s32 @!p1 s12, $0x1F;
	p2 =	por !p2, p1  }
0x1e: {  	s12 =	sand.u32 @!p1 s14, s12;
	s13 =	simm.s32 @p2 $0xC3F80  }
0x1f: {  	s12 =	ssub.s32 @!p1 s13, s12  }
0x20: {  	s13 =	ssub.s32 @!p1 $0xC4000, s12  }
0x21: {  	s12 =	sadd.s32 @!p1 $0xFFF3C080, s12;
	s13 =	smul.u32 @!p1 $0x120, s13  }
0x22: {  	p2 =	sgt.s32 @!p1 s12, $0x7F  }
0x23: {  	s14 =	sadd.s32 $0x1000, s10;
	p2 =	por !p2, p1;
	s12 =	sshrl.u32 @!p1 s13, $0x2  }
0x24: {  	s12 =	simm.s32 @!p2 $0x0;
	p2 =	sgt.s32 s14, $0xC3FFF  }
0x25: {  	s14 =	smov.u32 @p2 s2;
	p2 =	sne.s32 s11, s7  }
.Ltmp1:
0x26: {  	_ = 	snop;
	(pc) =	sbr.rel @!p2 .LBB1_6-.Ltmp1, $4  }
0x27: {  	s13 =	simm.s32 @!p1 $0x2  }
0x28: {  	p0 =	por !p0, !p0;
	_ =	swait.ge @!p1 [sflag:s13], s12;
	s15 =	ssub.s32 @!p1 $0x0, s12  }
0x29: {  	s12 =	smov.u32 s9;
	s11 =	sadd.s32 $0x1, s11;
	[sflag:s13] =	ssyncset.done @!p1 $0x0  }
0x2a: {  	s9 =	smov.u32 s10;
	s10 =	smov.u32 s14;
	[sflag:s13] =	ssyncadd.s32 @!p1 s15  }
.LBB1_1:
0x2b: {  	p1 =	sge.u32 s11, s6  }
0x2c: {  	s13 =	sand.u32 @!p1 $0x1FFFFFF, s10  }
0x2d: {  	s14 =	smulhi.u32 @!p1 $0x14E5E0B, s13;
	_ =	sdelay $0x1  }
0x2e: {  	s14 =	sshrl.u32 @!p1 s14, $0xC  }
0x2f: {  	s14 =	smul.u32 @!p1 $0xC4000, s14;
	_ =	sdelay $0x1  }
0x30: {  	s15 =	sxor.u32 @!p1 $0xFFFFFFFF, s11;
	s13 =	ssub.s32 @!p1 s13, s14  }
0x31: {  	s31 =	sadd.s32 $0xFFFFFFFF, s11;
	s14 =	sshll.u32 @!p1 s15, $0xE;
	s13 =	sshll.u32 @!p1 s13, $0x4  }
0x32: {  	s15 =	simm.s32 @!p1 $0x0;
	s14 =	sand.u32 @!p1 $0x4000, s14;
	s13 =	sadd.s32 @!p1 s3, s13  }
0x33: {  	[tilespmem:s14], [sflag:$0x1] =	stream.linear.gather @!p1 [hbm4b:s13+s15], $0x4000, $0x38;
	[tilespmem:$0x10100] =	vst v63  }
0x34: {  	p1 =	sge.u32 s31, s6  }
.Ltmp2:
0x35: {  	_ = 	snop;
	(pc) =	sbr.rel @p1 .LBB1_5-.Ltmp2, $1  }
0x36: {  	_ =	sdelay $0x3  }
0x37: {  	s13 =	simm.s32 $0x1  }
0x38: {  	_ =	swait.ge [sflag:s4], $0x4000;
	s13 =	simm.s32 @!p0 $0x0  }
0x39: {  	[sflag:s4] =	ssyncset.done $0x0;
	s14 =	sshll.u32 s13, $0xE  }
0x3a: {  	[sflag:s4] =	ssyncadd.s32 $0xFFFFC000;
	s14 =	sor.u32 $0x40, s14  }
0x3b: {  	s13 =	smul.u32 $0x10200, s13;
	v0 =	vld [tilespmem:s14+$0x30]  }
0x3c: {  	v1 =	vld [tilespmem:s14+$0xFFFFFFD0]  }
0x3d: {  	s13 =	sshrl.u32 s13, $0x2;
	v5 =	vld [tilespmem:s14+$0xFFFFFFE0]  }
0x3e: {  	v6 =	vld [tilespmem:s14+$0xFFFFFFF0];
	s15 =	sor.u32 $0x8000, s13  }
0x3f: {  	s31 =	sand.u32 $0x1, s11;
	v3 =	vld [tilespmem:s14+$0x0];
	s16 =	sadd.s32 $0x0, s15  }
0x40: {  	v4 =	vld [tilespmem:s14+$0x10];
	s13 =	smul.u32 $0x10200, s31;
	[tilespmem:s16+$0x3870 ss:$0x81] =	vst.msk $0xffff, v0  }
0x41: {  	v2 =	vld [tilespmem:s14+$0x20];
	[tilespmem:s16+$0x810 ss:$0x81] =	vst.msk $0xffff, v1  }
0x42: {  	s13 =	sshrl.u32 s13, $0x2;
	v0 =	vld [tilespmem:s14+$0xFFFFFFC0];
	[tilespmem:s16+$0x1020 ss:$0x81] =	vst.msk $0xffff, v5;
	s14 =	sadd.s32 $0x80, s14  }
0x43: {  	s17 =	simm.s32 $0x4;
	s18 =	simm.s32 $0x8;
	s13 =	sor.u32 $0x8000, s13;
	[tilespmem:s16+$0x1830 ss:$0x81] =	vst.msk $0xffff, v6;
	v1 =	vld [tilespmem:s14+$0x30]  }
.LBB1_3:
0x44: {  	p1 =	sne.s32 s18, $0x1FC;
	v5 =	vld [tilespmem:s14+$0xFFFFFFD0];
	[tilespmem:s16+$0x2040 ss:$0x81] =	vst.msk $0xffff, v3  }
0x45: {  	v6 =	vld [tilespmem:s14+$0xFFFFFFE0];
	[tilespmem:s16+$0x2850 ss:$0x81] =	vst.msk $0xffff, v4  }
0x46: {  	s19 =	sshra.s32 s17, $0x2;
	s17 =	smov.u32 s18;
	v7 =	vld [tilespmem:s14+$0xFFFFFFF0];
	[tilespmem:s16+$0x3060 ss:$0x81] =	vst.msk $0xffff, v2  }
.Ltmp3:
0x47: {  	v3 =	vld [tilespmem:s14+$0x0];
	[tilespmem:s16+$0x0 ss:$0x81] =	vst.msk $0xffff, v0;
	s16 =	sadd.s32 s19, s15;
	(pc) =	sbr.rel @p1 .LBB1_3-.Ltmp3, $4  }
0x48: {  	v4 =	vld [tilespmem:s14+$0x10];
	[tilespmem:s16+$0x3870 ss:$0x81] =	vst.msk $0xffff, v1  }
0x49: {  	[tilespmem:s16+$0x810 ss:$0x81] =	vst.msk $0xffff, v5;
	v2 =	vld [tilespmem:s14+$0x20]  }
0x4a: {  	v0 =	vld [tilespmem:s14+$0xFFFFFFC0];
	[tilespmem:s16+$0x1020 ss:$0x81] =	vst.msk $0xffff, v6;
	s14 =	sadd.s32 $0x80, s14  }
0x4b: {  	s18 =	sadd.s32 $0x4, s18;
	v1 =	vld [tilespmem:s14+$0x30];
	[tilespmem:s16+$0x1830 ss:$0x81] =	vst.msk $0xffff, v7  }
.Ltmp4:
0x4c: {  	_ = 	snop;
	(pc) =	sbr.rel .LBB1_4-.Ltmp4, $1  }
0x4d: {  	_ =	sdelay $0x3  }
.LBB1_6:
0x4e: {  	_ =	sfence.sel $0x180000  }
0x4f: {  	s2 =	simm.s32 $0x1;
	[bflag:$0x0] =	sbarrier.arrive $0xFFFF  }
0x50: {  	s31 =	simm.s32 $0x2;
	[sflag:s2] =	ssyncpa.u1 $0x1  }
0x51: {  	[sflag:s31] =	ssyncpa.u1 $0x1  }
0x52: {  	p0 =	sne.s32 s0, $0x0;
	_ =	strace $0x90000056  }
0x53: {  	s0 =	sadd.s32 @!p0 $0x100000, s1;
	[bflag:$0x2] =	sbarrier.arrive $0xFFFF  }
0x54: {  	[sflag:s0] =	ssyncadd.tile.s32 @!p0 $0x1;
	_ =	shalt  }
.Lfunc_end1:
_tile_overlayer_lowered:
.L_overlay_start_2:
0x55: {  	(tag) =	ssettag $0x2  }
0x56: {  	s0 =	rddreg [dreg:$0x0];
	s2 =	stileid.u32  }
0x57: {  	s1 =	rddreg [dreg:$0x1];
	p0 =	sne.s32 s2, $0x0  }
0x58: {  	s3 =	rddreg [dreg:$0x2];
	[bflag:$0x3] =	sbarrier.arrive $0xFFFF;
	s2 =	simm.s32 @!p0 $0x1C01  }
0x59: {  	[timem:s3], [sflag:s2] =	dma.local @!p0 [hbm:s0], s1  }
0x5a: {  	s0 =	simm.s32 @!p0 $0x1  }
0x5b: {  	_ =	swait.ge @!p0 [sflag:s0], s1  }
0x5c: {  	s1 =	ssub.s32 @!p0 $0x0, s1;
	[sflag:s0] =	ssyncset.done @!p0 $0x0  }
0x5d: {  	[sflag:s0] =	ssyncadd.s32 @!p0 s1  }
0x5e: {  	[bflag:$0x3] =	sbarrier.arrive $0xFFFF  }
0x5f: {  	_ =	shalt  }

// kernel: sparse-core-data-format-call.2.cloned.1.call-start
scs
called_computation.2_lowered:
.L_overlay_start_0:
0x0: {  	s2 =	sld [smem:$0x3FD9]  }
0x1: {  	s3 =	sld [smem:$0x3FFE];
	_ =	sdelay $0x1  }
0x2: {  	s1 =	srdreg.scid  }
0x3: {  	s0 =	sand.u32 $0x1, s1  }
0x4: {  	s18 =	sshll.u32 s0, $0xA;
	s2 =	sadd.s32 s3, s2  }
0x5: {  	s2 =	sadd.s32 s2, s18  }
0x6: {  	[smem:$0x3FB0] =	sst s2  }
0x7: {  	_ = 	snop  }
0x8: {  	(tm) =	ssettm $0x1  }
0x9: {  	s19 =	sld [smem:$0x3FFB];
	_ =	sdelay $0x3  }
0xa: {  	_ =	strace s19  }
0xb: {  	s2 =	sld [smem:$0x3FFC];
	_ =	sdelay $0x3  }
0xc: {  	_ =	strace s2  }
0xd: {  	s2 =	sld [smem:$0x3FFD];
	_ =	sdelay $0x3  }
0xe: {  	_ =	strace s2  }
0xf: {  	_ =	strace $0x8FFFFFFF  }
0x10: {  	s20 =	sld [smem:$0x3FDB];
	_ =	sdelay $0x1  }
0x11: {  	s21 =	simm.s32 $_scs_section_size  }
0x12: {  	s4 =	simm.s32 $_size__tile_overlayer_lowered;
	s5 =	simm.s32 $_tile_overlayer_lowered  }
0x13: {  	s6 =	simm.s32 $0x1BFF;
	s22 =	sshll.u32 s5, $0x1;
	s3 =	sadd.s32 s21, s20  }
0x14: {  	s23 =	simm.s32 $0x0;
	s4 =	sshll.u32 s4, $0x1;
	s5 =	sadd.s32 s22, s3  }
0x15: {  	[timem:s23], [sflag:s6] =	dma.local [hbm:s5], s4  }
0x16: {  	_ =	swait.ge [sflag:s6], s4  }
0x17: {  	s4 =	ssub.s32 $0x0, s4;
	[sflag:s6] =	ssyncset.done $0x0  }
0x18: {  	[sflag:s6] =	ssyncadd.s32 s4;
	_ =	sdelay $0x1  }
0x19: {  	s24 =	simm.s32 $0x1B8B  }
0x1a: {  	_ =	swait.ge [sflag:s24], $0x1  }
0x1b: {  	[sflag:s24] =	ssyncset.done $0x0  }
0x1c: {  	[sflag:s24] =	ssyncadd.s32 $0xFFFFFFFF  }
0x1d: {  	s4 =	sld [smem:$0x0]  }
0x1e: {  	s5 =	sand.u32 $0xFFFFFFFE, s1  }
0x1f: {  	p0 =	sne.s32 s1, s5  }
0x20: {  	s5 =	sshll.u32 @p0 s5, $0xE  }
0x21: {  	s5 =	sadd.s32 @p0 $0x11B8D, s5;
	s6 =	sshll.u32 @p0 s4, $0x11  }
0x22: {  	s5 =	sor.u32 @p0 s6, s5  }
0x23: {  	[sflag:s5] =	ssyncadd.remote.s32 @p0 $0x1;
	_ =	sdelay $0x1  }
0x24: {  	s5 =	simm.s32 @p0 $0x1B8D  }
0x25: {  	_ =	swait.eq @p0 [sflag:s5], $0x1  }
0x26: {  	[sflag:s5] =	ssyncadd.s32 @p0 $0xFFFFFFFF  }
0x27: {  	s6 =	sshll.u32 @!p0 s1, $0xE  }
0x28: {  	s6 =	sor.u32 @!p0 $0x4000, s6;
	s5 =	simm.s32 @!p0 $0x1B8D  }
0x29: {  	s4 =	sshll.u32 @!p0 s4, $0x11;
	s6 =	sadd.s32 @!p0 $0x11B8D, s6;
	_ =	swait.eq @!p0 [sflag:s5], $0x1  }
0x2a: {  	s4 =	sor.u32 @!p0 s4, s6;
	[sflag:s5] =	ssyncadd.s32 @!p0 $0xFFFFFFFF  }
0x2b: {  	s26 =	simm.s32 $0x1B8E;
	s25 =	sld [smem:$0x3FFE];
	[sflag:s4] =	ssyncadd.remote.s32 @!p0 $0x1  }
0x2c: {  	s27 =	simm.s32 $execute0_lowered;
	[smem:$0x3FD2] =	sst s26  }
0x2d: {  	s5 =	sshll.u32 s27, $0x1;
	_ =	strace $0x8000004C;
	[dreg:$0x1] =	wrdreg $0xFFFFFFFF  }
0x2e: {  	s28 =	simm.s32 $_size_execute0_lowered;
	s3 =	sadd.s32 s3, s5;
	[dreg:$0x0] =	wrdreg $0x0  }
0x2f: {  	s5 =	sshll.u32 s28, $0x1;
	[dreg:$0x2] =	wrdreg s3  }
0x30: {  	[dreg:$0x3] =	wrdreg s5  }
0x31: {  	[dreg:$0x4] =	wrdreg $0xC0  }
0x32: {  	_ =	task [dreg:s23], $0x5FFFF  }
0x33: {  	[dreg:$0x1] =	wrdreg $0xFFFFFFFF  }
0x34: {  	[dreg:$0x0] =	wrdreg $0x60  }
0x35: {  	[dreg:$0x2] =	wrdreg s25  }
0x36: {  	[dreg:$0x3] =	wrdreg $0x9  }
0x37: {  	_ =	task.clear_ibuf [dreg:s23], $0x4FFFF;
	_ =	strace $0x9000004C  }
0x38: {  	s29 =	simm.s32 $0x9;
	_ =	strace $0x8000004E  }
0x39: {  	_ =	swait.ge [sflag:s29], $0x1  }
0x3a: {  	[sflag:s29] =	ssyncadd.s32 $0xFFFFFFFF  }
0x3b: {  	_ =	strace $0x9000004E  }
0x3c: {  	_ =	sfence  }
0x3d: {  	s30 =	sld [smem:$0x0];
	_ =	sdelay $0x2  }
0x3e: {  	s31 =	sshll.u32 s1, $0xD;
	s1 =	sshrl.u32 s1, $0x2  }
0x3f: {  	s4 =	sand.u32 $0x4000, s31;
	s1 =	sadd.s32 s1, s30  }
0x40: {  	s0 =	sor.u32 s4, s0;
	s1 =	sshll.u32 s1, $0x11  }
0x41: {  	s0 =	sor.u32 s1, s0  }
0x42: {  	s0 =	sadd.s32 $0x8F2B, s0  }
0x43: {  	[sflag:s0] =	ssyncadd.remote.s32 $0x1  }
0x44: {  	_ =	sfence.sel $0xFFFF  }
0x45: {  	[dreg:$0x0] =	wrdreg $0xFFFFFFFF;
	(pc) =	sbr.abs _section_cstart, $3  }
0x46: {  	[dreg:$0x1] =	wrdreg $0xFFFFFFFF  }
0x47: {  	_ =	task.clear_ibuf [dreg:s23], $0x2FFFF;
	_ =	strace $0x9FFFFFFF  }
0x48: {  	(tm) =	ssettm $0x7FFFFFFF  }
0x49: {  	_ =	shalt  }
tec
execute0_lowered:
.L_overlay_start_1:
0x0: {  	(tag) =	ssettag $0x1  }
0x1: {  	s0 =	srdreg.scid  }
0x2: {  	s1 =	sshll.u32 s0, $0x4  }
0x3: {  	s4 =	rddreg [dreg:$0x0];
	s0 =	stileid.u32;
	s1 =	sand.u32 $0x10, s1  }
0x4: {  	s7 =	simm.s32 $0x1;
	s8 =	simm.s32 $0x2;
	s2 =	sor.u32 s0, s1  }
0x5: {  	s11 =	simm.s32 $0x0;
	s3 =	sadd.s32 $0x13A2200, s4;
	s2 =	sshll.u32 s2, $0x7  }
0x6: {  	s10 =	simm.s32 $0x0;
	s4 =	sadd.s32 $0x452200, s4;
	s6 =	ssub.s32 $0xC4000, s2  }
.Ltmp0:
0x7: {  	s1 =	rddreg [dreg:$0x1];
	s5 =	sand.u32 $0xF80, s6;
	(pc) =	sbr.rel .LBB1_1-.Ltmp0, $4  }
0x8: {  	_ =	strace $0x8000004D;
	s9 =	smov.u32 s2;
	p0 =	sne.s32 s5, $0x0  }
0x9: {  	s6 =	sshrl.u32 s6, $0xC;
	s5 =	simm.s32 $0x1;
	s7 =	simm.s32 @!p0 $0x0  }
0xa: {  	[sflag:s5] =	ssyncpa.u1 $0x0;
	p0 =	por $0x0, $0x0;
	s6 =	sadd.s32 s7, s6  }
0xb: {  	[sflag:s8] =	ssyncpa.u1 $0x0;
	s8 =	simm.s32 $0x620000;
	s7 =	sadd.s32 $0x1, s6  }
.LBB1_4:
0xc: {  	s14 =	sshll.u32 s11, $0x3  }
0xd: {  	s30 =	sand.u32 $0x7F, s11;
	s15 =	sand.u32 $0xFFFFFC00, s14  }
0xe: {  	s11 =	sor.u32 s30, s15  }
0xf: {  	s15 =	smulhi.u32 $0x5397829D, s11  }
0x10: {  	s14 =	smulhi.u32 $0x5397829D, s14  }
0x11: {  	s15 =	sshrl.u32 s15, $0x12  }
0x12: {  	s14 =	sshrl.u32 s14, $0x12;
	s15 =	smul.u32 $0xC4000, s15  }
0x13: {  	s14 =	sand.u32 $0x1F, s14  }
0x14: {  	s14 =	smul.u32 $0x18800, s14;
	s11 =	ssub.s32 s11, s15  }
0x15: {  	s15 =	sand.u32 $0x7, s11  }
0x16: {  	s14 =	sadd.s32 s4, s14;
	s11 =	sshrl.u32 s11, $0x3;
	s15 =	sshll.u32 s15, $0x12  }
0x17: {  	[tilespmem:s13+$0x0 ss:$0x81] =	vst.msk $0xffff, v0;
	s11 =	sadd.s32 s11, s14;
	s31 =	sor.u32 $0x400, s15  }
0x18: {  	[hbm4b:s11+s31] =	stream.strided.scatter [tilespmem:s12], [sflag:$0x2], $0x1000, s8, s31, $0x20;
	[tilespmem:$0x4040] =	vst v63  }
.LBB1_5:
0x19: {  	s13 =	sadd.s32 $0x1000, s9  }
0x1a: {  	p2 =	sgt.s32 s13, $0xC3FFF  }
0x1b: {  	s13 =	smov.u32 @p2 s2;
	p2 =	sne.s32 s10, s7  }
.Ltmp1:
0x1c: {  	p1 =	slt.u32 s10, $0x2;
	(pc) =	sbr.rel @!p2 .LBB1_6-.Ltmp1, $4  }
0x1d: {  	s12 =	simm.s32 @!p1 $0x2  }
0x1e: {  	s14 =	sadd.s32 $0x1, s10;
	_ =	swait.ge @!p1 [sflag:s12], $0x1000  }
0x1f: {  	s11 =	smov.u32 s9;
	p0 =	por !p0, !p0;
	[sflag:s12] =	ssyncset.done @!p1 $0x0  }
0x20: {  	s10 =	smov.u32 s14;
	s9 =	smov.u32 s13;
	[sflag:s12] =	ssyncadd.s32 @!p1 $0xFFFFF000  }
.LBB1_1:
0x21: {  	p1 =	sge.u32 s10, s6  }
0x22: {  	s12 =	sand.u32 @!p1 $0x1FFFFFF, s9  }
0x23: {  	s13 =	smulhi.u32 @!p1 $0x14E5E0B, s12;
	_ =	sdelay $0x1  }
0x24: {  	s13 =	sshrl.u32 @!p1 s13, $0xC  }
0x25: {  	s13 =	smul.u32 @!p1 $0xC4000, s13;
	_ =	sdelay $0x1  }
0x26: {  	s31 =	sadd.s32 $0xFFFFFFFF, s10;
	s14 =	sxor.u32 @!p1 $0xFFFFFFFF, s10;
	s12 =	ssub.s32 @!p1 s12, s13  }
0x27: {  	s15 =	simm.s32 @!p1 $0x80;
	s14 =	sshll.u32 @!p1 s14, $0xC;
	s12 =	sshll.u32 @!p1 s12, $0x4  }
0x28: {  	s13 =	sand.u32 @!p1 $0x1000, s14;
	s14 =	simm.s32 @!p1 $0x20;
	s12 =	sadd.s32 @!p1 s3, s12  }
0x29: {  	[tilespmem:s13], [sflag:$0x1] =	stream.strided.gather @!p1 [hbm4b:s12+s14], $0x1000, s15, s14, $0x38;
	[tilespmem:$0x4040] =	vst v63  }
0x2a: {  	p1 =	sge.u32 s31, s6  }
.Ltmp2:
0x2b: {  	_ = 	snop;
	(pc) =	sbr.rel @p1 .LBB1_5-.Ltmp2, $1  }
0x2c: {  	_ =	sdelay $0x3  }
0x2d: {  	s12 =	simm.s32 $0x1  }
0x2e: {  	_ =	swait.ge [sflag:s5], $0x1000;
	s12 =	simm.s32 @!p0 $0x0  }
0x2f: {  	[sflag:s5] =	ssyncset.done $0x0;
	s13 =	sshll.u32 s12, $0xC  }
0x30: {  	[sflag:s5] =	ssyncadd.s32 $0xFFFFF000;
	s16 =	sor.u32 $0x10, s13  }
0x31: {  	s12 =	smul.u32 $0x4080, s12;
	v1 =	vld [tilespmem:s16+$0x0]  }
0x32: {  	s30 =	sand.u32 $0x1, s10;
	v0 =	vld [tilespmem:s16+$0xFFFFFFF0]  }
0x33: {  	s13 =	smul.u32 $0x4080, s30;
	s12 =	sshrl.u32 s12, $0x2  }
0x34: {  	s14 =	sor.u32 $0x2000, s12  }
0x35: {  	s31 =	sshrl.u32 s13, $0x2;
	s13 =	sadd.s32 $0x0, s14  }
0x36: {  	s15 =	simm.s32 $0x4;
	s16 =	sadd.s32 $0x20, s16;
	s12 =	sor.u32 $0x2000, s31;
	[tilespmem:s13+$0x810 ss:$0x81] =	vst.msk $0xffff, v1  }
.LBB1_3:
0x37: {  	v1 =	vld [tilespmem:s16+$0x0];
	p1 =	sne.s32 s15, $0x1FC;
	[tilespmem:s13+$0x0 ss:$0x81] =	vst.msk $0xffff, v0;
	s13 =	smov.u32 s15;
	s15 =	sadd.s32 $0x4, s15  }
.Ltmp3:
0x38: {  	v0 =	vld [tilespmem:s16+$0xFFFFFFF0];
	(pc) =	sbr.rel @p1 .LBB1_3-.Ltmp3, $4  }
0x39: {  	_ = 	snop  }
0x3a: {  	s13 =	sshra.s32 s13, $0x2  }
0x3b: {  	s13 =	sadd.s32 s13, s14  }
0x3c: {  	s16 =	sadd.s32 $0x20, s16;
	[tilespmem:s13+$0x810 ss:$0x81] =	vst.msk $0xffff, v1  }
.Ltmp4:
0x3d: {  	_ = 	snop;
	(pc) =	sbr.rel .LBB1_4-.Ltmp4, $1  }
0x3e: {  	_ =	sdelay $0x3  }
.LBB1_6:
0x3f: {  	_ =	sfence.sel $0x180000  }
0x40: {  	s2 =	simm.s32 $0x1;
	[bflag:$0x0] =	sbarrier.arrive $0xFFFF  }
0x41: {  	s31 =	simm.s32 $0x2;
	[sflag:s2] =	ssyncpa.u1 $0x1  }
0x42: {  	[sflag:s31] =	ssyncpa.u1 $0x1  }
0x43: {  	p0 =	sne.s32 s0, $0x0;
	_ =	strace $0x9000004D  }
0x44: {  	s0 =	sadd.s32 @!p0 $0x100000, s1;
	[bflag:$0x2] =	sbarrier.arrive $0xFFFF  }
0x45: {  	[sflag:s0] =	ssyncadd.tile.s32 @!p0 $0x1;
	_ =	shalt  }
.Lfunc_end1:
_tile_overlayer_lowered:
.L_overlay_start_2:
0x46: {  	(tag) =	ssettag $0x2  }
0x47: {  	s0 =	rddreg [dreg:$0x0];
	s2 =	stileid.u32  }
0x48: {  	s1 =	rddreg [dreg:$0x1];
	p0 =	sne.s32 s2, $0x0  }
0x49: {  	s3 =	rddreg [dreg:$0x2];
	[bflag:$0x3] =	sbarrier.arrive $0xFFFF;
	s2 =	simm.s32 @!p0 $0x1C01  }
0x4a: {  	[timem:s3], [sflag:s2] =	dma.local @!p0 [hbm:s0], s1  }
0x4b: {  	s0 =	simm.s32 @!p0 $0x1  }
0x4c: {  	_ =	swait.ge @!p0 [sflag:s0], s1  }
0x4d: {  	s1 =	ssub.s32 @!p0 $0x0, s1;
	[sflag:s0] =	ssyncset.done @!p0 $0x0  }
0x4e: {  	[sflag:s0] =	ssyncadd.s32 @!p0 s1  }
0x4f: {  	[bflag:$0x3] =	sbarrier.arrive $0xFFFF  }
0x50: {  	_ =	shalt  }

// kernel: sparse-core-data-format-call.3.cloned.1.call-start
scs
called_computation.3_lowered:
.L_overlay_start_0:
0x0: {  	s1 =	sld [smem:$0x3FD9]  }
0x1: {  	s2 =	sld [smem:$0x3FFE];
	_ =	sdelay $0x1  }
0x2: {  	s3 =	srdreg.scid  }
0x3: {  	s0 =	sand.u32 $0x1, s3  }
0x4: {  	s17 =	sshll.u32 s0, $0xA;
	s1 =	sadd.s32 s2, s1  }
0x5: {  	s1 =	sadd.s32 s1, s17  }
0x6: {  	[smem:$0x3FB0] =	sst s1  }
0x7: {  	_ = 	snop  }
0x8: {  	(tm) =	ssettm $0x1  }
0x9: {  	s18 =	sld [smem:$0x3FFB];
	_ =	sdelay $0x3  }
0xa: {  	_ =	strace s18  }
0xb: {  	s1 =	sld [smem:$0x3FFC];
	_ =	sdelay $0x3  }
0xc: {  	_ =	strace s1  }
0xd: {  	s1 =	sld [smem:$0x3FFD];
	_ =	sdelay $0x3  }
0xe: {  	_ =	strace s1  }
0xf: {  	_ =	strace $0x8FFFFFFF  }
0x10: {  	s19 =	sld [smem:$0x3FDB];
	_ =	sdelay $0x1  }
0x11: {  	s20 =	simm.s32 $_scs_section_size  }
0x12: {  	s4 =	simm.s32 $_size__tile_overlayer_lowered;
	s5 =	simm.s32 $_tile_overlayer_lowered  }
0x13: {  	s23 =	simm.s32 $0x1BFF;
	s22 =	sshll.u32 s5, $0x1;
	s1 =	sadd.s32 s20, s19  }
0x14: {  	s6 =	simm.s32 $0x0;
	s21 =	sshll.u32 s4, $0x1;
	s4 =	sadd.s32 s22, s1  }
0x15: {  	[timem:s6], [sflag:s23] =	dma.local [hbm:s4], s21  }
0x16: {  	_ =	swait.ge [sflag:s23], s21  }
0x17: {  	s2 =	ssub.s32 $0x0, s21;
	[sflag:s23] =	ssyncset.done $0x0  }
0x18: {  	[sflag:s23] =	ssyncadd.s32 s2;
	_ =	sdelay $0x1  }
0x19: {  	s24 =	simm.s32 $0x1B8B  }
0x1a: {  	_ =	swait.ge [sflag:s24], $0x1  }
0x1b: {  	[sflag:s24] =	ssyncset.done $0x0  }
0x1c: {  	s26 =	simm.s32 $0x1B8E;
	s25 =	sld [smem:$0x3FFE];
	[sflag:s24] =	ssyncadd.s32 $0xFFFFFFFF  }
0x1d: {  	s27 =	simm.s32 $execute0_lowered;
	[smem:$0x3FD2] =	sst s26  }
0x1e: {  	s4 =	sshll.u32 s27, $0x1;
	_ =	strace $0x80000049;
	[dreg:$0x1] =	wrdreg $0xFFFFFFFF  }
0x1f: {  	s28 =	simm.s32 $_size_execute0_lowered;
	s1 =	sadd.s32 s1, s4;
	[dreg:$0x0] =	wrdreg $0x0  }
0x20: {  	s4 =	sshll.u32 s28, $0x1;
	[dreg:$0x2] =	wrdreg s1  }
0x21: {  	[dreg:$0x3] =	wrdreg s4  }
0x22: {  	[dreg:$0x4] =	wrdreg $0xC0  }
0x23: {  	_ =	task [dreg:s6], $0x5FFFF  }
0x24: {  	[dreg:$0x1] =	wrdreg $0xFFFFFFFF  }
0x25: {  	[dreg:$0x0] =	wrdreg $0x60  }
0x26: {  	[dreg:$0x2] =	wrdreg s25  }
0x27: {  	[dreg:$0x3] =	wrdreg $0xA  }
0x28: {  	_ =	task.clear_ibuf [dreg:s6], $0x4FFFF;
	_ =	strace $0x90000049  }
0x29: {  	s29 =	simm.s32 $0xA;
	_ =	strace $0x8000004B  }
0x2a: {  	_ =	swait.ge [sflag:s29], $0x1  }
0x2b: {  	[sflag:s29] =	ssyncadd.s32 $0xFFFFFFFF  }
0x2c: {  	_ =	strace $0x9000004B  }
0x2d: {  	_ =	sfence  }
0x2e: {  	s30 =	sld [smem:$0x0];
	_ =	sdelay $0x2  }
0x2f: {  	s31 =	sshll.u32 s3, $0xD;
	s3 =	sshrl.u32 s3, $0x2  }
0x30: {  	s2 =	sand.u32 $0x4000, s31;
	s1 =	sadd.s32 s3, s30  }
0x31: {  	s0 =	sor.u32 s2, s0;
	s1 =	sshll.u32 s1, $0x11  }
0x32: {  	s0 =	sor.u32 s1, s0  }
0x33: {  	s0 =	sadd.s32 $0x8F2B, s0  }
0x34: {  	[sflag:s0] =	ssyncadd.remote.s32 $0x1  }
0x35: {  	_ =	sfence.sel $0xFFFF  }
0x36: {  	[dreg:$0x0] =	wrdreg $0xFFFFFFFF;
	(pc) =	sbr.abs _section_cstart, $3  }
0x37: {  	[dreg:$0x1] =	wrdreg $0xFFFFFFFF  }
0x38: {  	_ =	task.clear_ibuf [dreg:s6], $0x2FFFF;
	_ =	strace $0x9FFFFFFF  }
0x39: {  	(tm) =	ssettm $0x7FFFFFFF  }
tec
execute0_lowered:
.L_overlay_start_1:
0x0: {  	(tag) =	ssettag $0x1  }
0x1: {  	s0 =	srdreg.scid  }
0x2: {  	s1 =	sshll.u32 s0, $0x4  }
0x3: {  	s4 =	rddreg [dreg:$0x0];
	s0 =	stileid.u32;
	s1 =	sand.u32 $0x10, s1  }
0x4: {  	s7 =	simm.s32 $0x1;
	s8 =	simm.s32 $0x2;
	s2 =	sor.u32 s0, s1  }
0x5: {  	s11 =	simm.s32 $0x0;
	s3 =	sadd.s32 $0x762200, s4;
	s2 =	sshll.u32 s2, $0x7  }
0x6: {  	s10 =	simm.s32 $0x0;
	s4 =	sadd.s32 $0x2CA200, s4;
	s6 =	ssub.s32 $0xC4000, s2  }
.Ltmp0:
0x7: {  	s1 =	rddreg [dreg:$0x1];
	s5 =	sand.u32 $0xF80, s6;
	(pc) =	sbr.rel .LBB1_1-.Ltmp0, $4  }
0x8: {  	_ =	strace $0x8000004A;
	s9 =	smov.u32 s2;
	p0 =	sne.s32 s5, $0x0  }
0x9: {  	s6 =	sshrl.u32 s6, $0xC;
	s5 =	simm.s32 $0x1;
	s7 =	simm.s32 @!p0 $0x0  }
0xa: {  	[sflag:s5] =	ssyncpa.u1 $0x0;
	p0 =	por $0x0, $0x0;
	s6 =	sadd.s32 s7, s6  }
0xb: {  	[sflag:s8] =	ssyncpa.u1 $0x0;
	s8 =	simm.s32 $0x620000;
	s7 =	sadd.s32 $0x1, s6  }
.LBB1_4:
0xc: {  	s14 =	sshll.u32 s11, $0x3  }
0xd: {  	s30 =	sand.u32 $0x7F, s11;
	s15 =	sand.u32 $0xFFFFFC00, s14  }
0xe: {  	s11 =	sor.u32 s30, s15  }
0xf: {  	s15 =	smulhi.u32 $0x5397829D, s11  }
0x10: {  	s14 =	smulhi.u32 $0x5397829D, s14  }
0x11: {  	s15 =	sshrl.u32 s15, $0x12  }
0x12: {  	s14 =	sshrl.u32 s14, $0x12;
	s15 =	smul.u32 $0xC4000, s15  }
0x13: {  	[tilespmem:s12+$0xFFFFFFFC ss:$0x81] =	vst.msk $0xffff, v1;
	s14 =	sand.u32 $0xF, s14  }
0x14: {  	[tilespmem:s12+$0xFFFFFFFD ss:$0x81] =	vst.msk $0xffff, v2;
	s14 =	smul.u32 $0x18800, s14;
	s11 =	ssub.s32 s11, s15  }
0x15: {  	[tilespmem:s12+$0xFFFFFFFE ss:$0x81] =	vst.msk $0xffff, v0;
	s15 =	sand.u32 $0x7, s11  }
0x16: {  	[tilespmem:s12+$0xFFFFFFFF ss:$0x81] =	vst.msk $0xffff, v4;
	s14 =	sadd.s32 s4, s14;
	s11 =	sshrl.u32 s11, $0x3;
	s15 =	sshll.u32 s15, $0x12  }
0x17: {  	[tilespmem:s12+$0xFFFFFFF9 ss:$0x81] =	vst.msk $0xffff, v3;
	s11 =	sadd.s32 s11, s14;
	s31 =	sor.u32 $0x400, s15  }
0x18: {  	[hbm4b:s11+s31] =	stream.strided.scatter [tilespmem:s13], [sflag:$0x2], $0x800, s8, s31, $0x20;
	[tilespmem:$0x2020] =	vst v63  }
.LBB1_5:
0x19: {  	s13 =	sadd.s32 $0x1000, s9  }
0x1a: {  	p2 =	sgt.s32 s13, $0xC3FFF  }
0x1b: {  	s13 =	smov.u32 @p2 s2;
	p2 =	sne.s32 s10, s7  }
.Ltmp1:
0x1c: {  	p1 =	slt.u32 s10, $0x2;
	(pc) =	sbr.rel @!p2 .LBB1_6-.Ltmp1, $4  }
0x1d: {  	s12 =	simm.s32 @!p1 $0x2  }
0x1e: {  	s14 =	sadd.s32 $0x1, s10;
	_ =	swait.ge @!p1 [sflag:s12], $0x800  }
0x1f: {  	s11 =	smov.u32 s9;
	p0 =	por !p0, !p0;
	[sflag:s12] =	ssyncset.done @!p1 $0x0  }
0x20: {  	s10 =	smov.u32 s14;
	s9 =	smov.u32 s13;
	[sflag:s12] =	ssyncadd.s32 @!p1 $0xFFFFF800  }
.LBB1_1:
0x21: {  	p1 =	sge.u32 s10, s6  }
0x22: {  	s12 =	sand.u32 @!p1 $0x1FFFFFF, s9  }
0x23: {  	s13 =	smulhi.u32 @!p1 $0x14E5E0B, s12;
	_ =	sdelay $0x1  }
0x24: {  	s13 =	sshrl.u32 @!p1 s13, $0xC  }
0x25: {  	s13 =	smul.u32 @!p1 $0xC4000, s13;
	_ =	sdelay $0x1  }
0x26: {  	s31 =	sadd.s32 $0xFFFFFFFF, s10;
	s14 =	sxor.u32 @!p1 $0xFFFFFFFF, s10;
	s12 =	ssub.s32 @!p1 s12, s13  }
0x27: {  	s15 =	simm.s32 @!p1 $0x80;
	s14 =	sshll.u32 @!p1 s14, $0xB;
	s12 =	sshll.u32 @!p1 s12, $0x4  }
0x28: {  	s13 =	sand.u32 @!p1 $0x800, s14;
	s14 =	simm.s32 @!p1 $0x10;
	s12 =	sadd.s32 @!p1 s3, s12  }
0x29: {  	[tilespmem:s13], [sflag:$0x1] =	stream.strided.gather @!p1 [hbm4b:s12+s14], $0x800, s15, s14, $0x38;
	[tilespmem:$0x2020] =	vst v63  }
0x2a: {  	p1 =	sge.u32 s31, s6  }
.Ltmp2:
0x2b: {  	_ = 	snop;
	(pc) =	sbr.rel @p1 .LBB1_5-.Ltmp2, $1  }
0x2c: {  	_ =	sdelay $0x3  }
0x2d: {  	s12 =	simm.s32 $0x1  }
0x2e: {  	_ =	swait.ge [sflag:s5], $0x800;
	s12 =	simm.s32 @!p0 $0x0  }
0x2f: {  	[sflag:s5] =	ssyncset.done $0x0;
	s13 =	sshll.u32 s12, $0xB  }
0x30: {  	[sflag:s5] =	ssyncadd.s32 $0xFFFFF800;
	s15 =	sor.u32 $0x40, s13  }
0x31: {  	v3 =	vld [tilespmem:s15+$0x30]  }
0x32: {  	s12 =	smul.u32 $0x2040, s12;
	v4 =	vld [tilespmem:s15+$0xFFFFFFD0]  }
0x33: {  	v5 =	vld [tilespmem:s15+$0xFFFFFFE0]  }
0x34: {  	s31 =	sand.u32 $0x1, s10;
	s12 =	sshrl.u32 s12, $0x2;
	v1 =	vld [tilespmem:s15+$0xFFFFFFF0]  }
0x35: {  	s13 =	smul.u32 $0x2040, s31;
	v2 =	vld [tilespmem:s15+$0x0];
	s12 =	sor.u32 $0x1007, s12  }
0x36: {  	v0 =	vld [tilespmem:s15+$0x10];
	[tilespmem:s12+$0x0 ss:$0x81] =	vst.msk $0xffff, v3  }
0x37: {  	s13 =	sshrl.u32 s13, $0x2;
	[tilespmem:s12+$0xFFFFFFFA ss:$0x81] =	vst.msk $0xffff, v4;
	v4 =	vld [tilespmem:s15+$0x20]  }
0x38: {  	s14 =	simm.s32 $0x0;
	s13 =	sor.u32 $0x1000, s13;
	v3 =	vld [tilespmem:s15+$0xFFFFFFC0];
	[tilespmem:s12+$0xFFFFFFFB ss:$0x81] =	vst.msk $0xffff, v5;
	s15 =	sadd.s32 $0x80, s15  }
.LBB1_3:
0x39: {  	v5 =	vld [tilespmem:s15+$0x30];
	s14 =	sadd.s32 $0x8, s14;
	[tilespmem:s12+$0xFFFFFFFC ss:$0x81] =	vst.msk $0xffff, v1  }
0x3a: {  	v6 =	vld [tilespmem:s15+$0xFFFFFFD0];
	p1 =	slt.u32 s14, $0x78;
	[tilespmem:s12+$0xFFFFFFFD ss:$0x81] =	vst.msk $0xffff, v2  }
0x3b: {  	v7 =	vld [tilespmem:s15+$0xFFFFFFE0];
	[tilespmem:s12+$0xFFFFFFFE ss:$0x81] =	vst.msk $0xffff, v0  }
.Ltmp3:
0x3c: {  	v1 =	vld [tilespmem:s15+$0xFFFFFFF0];
	[tilespmem:s12+$0xFFFFFFFF ss:$0x81] =	vst.msk $0xffff, v4;
	(pc) =	sbr.rel @p1 .LBB1_3-.Ltmp3, $4  }
0x3d: {  	v2 =	vld [tilespmem:s15+$0x0];
	[tilespmem:s12+$0xFFFFFFF9 ss:$0x81] =	vst.msk $0xffff, v3;
	s12 =	sadd.s32 $0x8, s12  }
0x3e: {  	v0 =	vld [tilespmem:s15+$0x10];
	[tilespmem:s12+$0x0 ss:$0x81] =	vst.msk $0xffff, v5  }
0x3f: {  	[tilespmem:s12+$0xFFFFFFFA ss:$0x81] =	vst.msk $0xffff, v6;
	v4 =	vld [tilespmem:s15+$0x20]  }
0x40: {  	v3 =	vld [tilespmem:s15+$0xFFFFFFC0];
	[tilespmem:s12+$0xFFFFFFFB ss:$0x81] =	vst.msk $0xffff, v7;
	s15 =	sadd.s32 $0x80, s15  }
.Ltmp4:
0x41: {  	_ = 	snop;
	(pc) =	sbr.rel .LBB1_4-.Ltmp4, $1  }
0x42: {  	_ =	sdelay $0x3  }
.LBB1_6:
0x43: {  	_ =	sfence.sel $0x180000  }
0x44: {  	s2 =	simm.s32 $0x1;
	[bflag:$0x0] =	sbarrier.arrive $0xFFFF  }
0x45: {  	s31 =	simm.s32 $0x2;
	[sflag:s2] =	ssyncpa.u1 $0x1  }
0x46: {  	[sflag:s31] =	ssyncpa.u1 $0x1  }
0x47: {  	p0 =	sne.s32 s0, $0x0;
	_ =	strace $0x9000004A  }
0x48: {  	s0 =	sadd.s32 @!p0 $0x100000, s1;
	[bflag:$0x2] =	sbarrier.arrive $0xFFFF  }
0x49: {  	[sflag:s0] =	ssyncadd.tile.s32 @!p0 $0x1;
	_ =	shalt  }
.Lfunc_end1:
_tile_overlayer_lowered:
.L_overlay_start_2:
0x4a: {  	(tag) =	ssettag $0x2  }
0x4b: {  	s0 =	rddreg [dreg:$0x0];
	s2 =	stileid.u32  }
0x4c: {  	s1 =	rddreg [dreg:$0x1];
	p0 =	sne.s32 s2, $0x0  }
0x4d: {  	s3 =	rddreg [dreg:$0x2];
	[bflag:$0x3] =	sbarrier.arrive $0xFFFF;
	s2 =	simm.s32 @!p0 $0x1C01  }
0x4e: {  	[timem:s3], [sflag:s2] =	dma.local @!p0 [hbm:s0], s1  }
0x4f: {  	s0 =	simm.s32 @!p0 $0x1  }
0x50: {  	_ =	swait.ge @!p0 [sflag:s0], s1  }
0x51: {  	s1 =	ssub.s32 @!p0 $0x0, s1;
	[sflag:s0] =	ssyncset.done @!p0 $0x0  }
0x52: {  	[sflag:s0] =	ssyncadd.s32 @!p0 s1  }
0x53: {  	[bflag:$0x3] =	sbarrier.arrive $0xFFFF  }
0x54: {  	_ =	shalt  }

// kernel: sparse-core-data-format-call.cloned.1.call-start
scs
called_computation_lowered:
.L_overlay_start_0:
0x0: {  	s1 =	sld [smem:$0x3FD9]  }
0x1: {  	s2 =	sld [smem:$0x3FFE];
	_ =	sdelay $0x1  }
0x2: {  	s3 =	srdreg.scid  }
0x3: {  	s0 =	sand.u32 $0x1, s3  }
0x4: {  	s17 =	sshll.u32 s0, $0xA;
	s1 =	sadd.s32 s2, s1  }
0x5: {  	s1 =	sadd.s32 s1, s17  }
0x6: {  	[smem:$0x3FB0] =	sst s1  }
0x7: {  	_ = 	snop  }
0x8: {  	(tm) =	ssettm $0x1  }
0x9: {  	s18 =	sld [smem:$0x3FFB];
	_ =	sdelay $0x3  }
0xa: {  	_ =	strace s18  }
0xb: {  	s1 =	sld [smem:$0x3FFC];
	_ =	sdelay $0x3  }
0xc: {  	_ =	strace s1  }
0xd: {  	s1 =	sld [smem:$0x3FFD];
	_ =	sdelay $0x3  }
0xe: {  	_ =	strace s1  }
0xf: {  	_ =	strace $0x8FFFFFFF  }
0x10: {  	s19 =	sld [smem:$0x3FDB];
	_ =	sdelay $0x1  }
0x11: {  	s20 =	simm.s32 $_scs_section_size  }
0x12: {  	s4 =	simm.s32 $_size__tile_overlayer_lowered;
	s5 =	simm.s32 $_tile_overlayer_lowered  }
0x13: {  	s23 =	simm.s32 $0x1BFF;
	s22 =	sshll.u32 s5, $0x1;
	s1 =	sadd.s32 s20, s19  }
0x14: {  	s6 =	simm.s32 $0x0;
	s21 =	sshll.u32 s4, $0x1;
	s4 =	sadd.s32 s22, s1  }
0x15: {  	[timem:s6], [sflag:s23] =	dma.local [hbm:s4], s21  }
0x16: {  	_ =	swait.ge [sflag:s23], s21  }
0x17: {  	s2 =	ssub.s32 $0x0, s21;
	[sflag:s23] =	ssyncset.done $0x0  }
0x18: {  	[sflag:s23] =	ssyncadd.s32 s2;
	_ =	sdelay $0x1  }
0x19: {  	s24 =	simm.s32 $0x1B8B  }
0x1a: {  	_ =	swait.ge [sflag:s24], $0x1  }
0x1b: {  	[sflag:s24] =	ssyncset.done $0x0  }
0x1c: {  	s26 =	simm.s32 $0x1B8E;
	s25 =	sld [smem:$0x3FFE];
	[sflag:s24] =	ssyncadd.s32 $0xFFFFFFFF  }
0x1d: {  	s27 =	simm.s32 $execute0_lowered;
	[smem:$0x3FD2] =	sst s26  }
0x1e: {  	s4 =	sshll.u32 s27, $0x1;
	_ =	strace $0x80000058;
	[dreg:$0x1] =	wrdreg $0xFFFFFFFF  }
0x1f: {  	s28 =	simm.s32 $_size_execute0_lowered;
	s1 =	sadd.s32 s1, s4;
	[dreg:$0x0] =	wrdreg $0x0  }
0x20: {  	s4 =	sshll.u32 s28, $0x1;
	[dreg:$0x2] =	wrdreg s1  }
0x21: {  	[dreg:$0x3] =	wrdreg s4  }
0x22: {  	[dreg:$0x4] =	wrdreg $0xC0  }
0x23: {  	_ =	task [dreg:s6], $0x5FFFF  }
0x24: {  	[dreg:$0x1] =	wrdreg $0xFFFFFFFF  }
0x25: {  	[dreg:$0x0] =	wrdreg $0x60  }
0x26: {  	[dreg:$0x2] =	wrdreg s25  }
0x27: {  	[dreg:$0x3] =	wrdreg $0x9  }
0x28: {  	_ =	task.clear_ibuf [dreg:s6], $0x4FFFF;
	_ =	strace $0x90000058  }
0x29: {  	s29 =	simm.s32 $0x9;
	_ =	strace $0x8000005A  }
0x2a: {  	_ =	swait.ge [sflag:s29], $0x1  }
0x2b: {  	[sflag:s29] =	ssyncadd.s32 $0xFFFFFFFF  }
0x2c: {  	_ =	strace $0x9000005A  }
0x2d: {  	_ =	sfence  }
0x2e: {  	s30 =	sld [smem:$0x0];
	_ =	sdelay $0x2  }
0x2f: {  	s31 =	sshll.u32 s3, $0xD;
	s3 =	sshrl.u32 s3, $0x2  }
0x30: {  	s2 =	sand.u32 $0x4000, s31;
	s1 =	sadd.s32 s3, s30  }
0x31: {  	s0 =	sor.u32 s2, s0;
	s1 =	sshll.u32 s1, $0x11  }
0x32: {  	s0 =	sor.u32 s1, s0  }
0x33: {  	s0 =	sadd.s32 $0x8F2B, s0  }
0x34: {  	[sflag:s0] =	ssyncadd.remote.s32 $0x1  }
0x35: {  	_ =	sfence.sel $0xFFFF  }
0x36: {  	[dreg:$0x0] =	wrdreg $0xFFFFFFFF;
	(pc) =	sbr.abs _section_cstart, $3  }
0x37: {  	[dreg:$0x1] =	wrdreg $0xFFFFFFFF  }
0x38: {  	_ =	task.clear_ibuf [dreg:s6], $0x2FFFF;
	_ =	strace $0x9FFFFFFF  }
0x39: {  	(tm) =	ssettm $0x7FFFFFFF  }
tec
execute0_lowered:
.L_overlay_start_1:
0x0: {  	(tag) =	ssettag $0x1  }
0x1: {  	s0 =	srdreg.scid  }
0x2: {  	s2 =	stileid.u32;
	s0 =	sshll.u32 s0, $0x4  }
0x3: {  	s1 =	rddreg [dreg:$0x0];
	_ =	strace $0x80000059;
	s0 =	sand.u32 $0x10, s0  }
0x4: {  	s31 =	simm.s32 $0x1;
	s5 =	simm.s32 $0x2;
	s0 =	sor.u32 s2, s0  }
0x5: {  	s13 =	simm.s32 $0x0;
	s7 =	sadd.s32 $0x18D800, s1;
	s6 =	sshll.u32 s0, $0xA  }
0x6: {  	s10 =	simm.s32 $0x0;
	s1 =	sadd.s32 $0x8E8E00, s1;
	s0 =	ssub.s32 $0x188000, s6  }
0x7: {  	s11 =	simm.s32 $0x0;
	[dreg:$0x4] =	wrdreg s1;
	s4 =	sand.u32 $0x7C00, s0  }
.Ltmp0:
0x8: {  	p0 =	sne.s32 s4, $0x0;
	s4 =	simm.s32 $0x1;
	(pc) =	sbr.rel .LBB1_1-.Ltmp0, $4  }
0x9: {  	[dreg:$0x3] =	wrdreg s7;
	s0 =	sshrl.u32 s0, $0xF;
	s4 =	simm.s32 @!p0 $0x0  }
0xa: {  	[sflag:s31] =	ssyncpa.u1 $0x0;
	[dreg:$0x2] =	wrdreg s6;
	s8 =	sadd.s32 s4, s0  }
0xb: {  	[sflag:s5] =	ssyncpa.u1 $0x0;
	s9 =	sadd.s32 $0x1, s8;
	[dreg:$0x5] =	wrdreg s8  }
0xc: {  	s2 =	simm.s32 $0x0;
	s12 =	smov.u32 s6;
	[dreg:$0x6] =	wrdreg s9  }
.LBB1_7:
0xd: {  	s0 =	sadd.s32 $0x8000, s12  }
0xe: {  	s2 =	sadd.s32 $0x10, s10;
	s3 =	smov.u32 s10;
	p1 =	sgt.s32 s0, $0x187FFF  }
0xf: {  	s3 =	smov.u32 @p1 s2  }
0x10: {  	s0 =	smov.u32 @p1 s6;
	p1 =	sgt.s32 s3, $0xF  }
0x11: {  	s3 =	simm.s32 @p1 $0x0;
	p1 =	sne.s32 s11, s9  }
.Ltmp1:
0x12: {  	p0 =	slt.u32 s11, $0x2;
	(pc) =	sbr.rel @!p1 .LBB1_8-.Ltmp1, $4  }
0x13: {  	s1 =	simm.s32 @!p0 $0x2  }
0x14: {  	s13 =	smov.u32 s12;
	_ =	swait.ge @!p0 [sflag:s1], $0x4000  }
0x15: {  	s2 =	smov.u32 s10;
	[sflag:s1] =	ssyncset.done @!p0 $0x0;
	s12 =	smov.u32 s0  }
0x16: {  	s11 =	sadd.s32 $0x1, s11;
	[sflag:s1] =	ssyncadd.s32 @!p0 $0xFFFFC000;
	s10 =	smov.u32 s3  }
.LBB1_1:
0x17: {  	p0 =	sge.u32 s11, s8  }
0x18: {  	s0 =	sshrl.u32 @!p0 s10, $0x3  }
0x19: {  	s1 =	sshll.u32 @!p0 s12, $0x3;
	s4 =	sshll.u32 @!p0 s10, $0x7;
	s0 =	smul.u32 @!p0 $0xC40000, s0  }
0x1a: {  	s5 =	sand.u32 @!p0 $0x7F, s12;
	s1 =	sand.u32 @!p0 $0xFFFFFC00, s1;
	s4 =	sand.u32 @!p0 $0x380, s4  }
0x1b: {  	s0 =	sadd.s32 @!p0 s0, s1;
	s1 =	sor.u32 @!p0 s5, s4  }
0x1c: {  	s1 =	sor.u32 @!p0 s0, s1  }
0x1d: {  	s4 =	smulhi.u32 @!p0 $0x5397829D, s1;
	_ =	sdelay $0x1  }
0x1e: {  	s0 =	smulhi.u32 @!p0 $0x5397829D, s0;
	s4 =	sshrl.u32 @!p0 s4, $0x13  }
0x1f: {  	s4 =	smul.u32 @!p0 $0x188000, s4  }
0x20: {  	s31 =	sadd.s32 $0xFFFFFFFF, s11;
	s5 =	sxor.u32 @!p0 $0xFFFFFFFF, s11;
	s0 =	sshrl.u32 @!p0 s0, $0x13  }
0x21: {  	s5 =	sshll.u32 @!p0 s5, $0xE;
	s0 =	sand.u32 @!p0 $0xF, s0;
	s1 =	ssub.s32 @!p0 s1, s4  }
0x22: {  	s0 =	smul.u32 @!p0 $0x31000, s0;
	s4 =	sshrl.u32 @!p0 s1, $0x3;
	s1 =	sand.u32 @!p0 $0x7, s1  }
0x23: {  	s5 =	sand.u32 @!p0 $0x4000, s5;
	s4 =	sadd.s32 @!p0 s7, s4;
	s1 =	sshll.u32 @!p0 s1, $0x12  }
0x24: {  	s0 =	sadd.s32 @!p0 s0, s4;
	s1 =	sor.u32 @!p0 $0x2000, s1;
	s4 =	simm.s32 @!p0 $0xC40000  }
0x25: {  	[tilespmem:s5], [sflag:$0x1] =	stream.strided.gather @!p0 [hbm4b:s0+s1], $0x4000, s4, s1, $0x38;
	[tilespmem:$0x10800] =	vst v63  }
0x26: {  	p0 =	sge.u32 s31, s8  }
.Ltmp2:
0x27: {  	_ = 	snop;
	(pc) =	sbr.rel @p0 .LBB1_7-.Ltmp2, $1  }
0x28: {  	_ =	sdelay $0x3  }
0x29: {  	[dreg:$0x9] =	wrdreg s13  }
0x2a: {  	[dreg:$0x8] =	wrdreg s2;
	s0 =	sand.u32 $0x1, s11  }
0x2b: {  	[dreg:$0x7] =	wrdreg s12;
	s31 =	simm.s32 $0x1;
	s1 =	smul.u32 $0x11000, s0  }
0x2c: {  	_ =	swait.ge [sflag:s31], $0x4000  }
0x2d: {  	s16 =	simm.s32 $0x0;
	[sflag:s31] =	ssyncset.done $0x0;
	s1 =	sshrl.u32 s1, $0x2  }
0x2e: {  	s15 =	sshll.u32 s0, $0xE;
	[sflag:s31] =	ssyncadd.s32 $0xFFFFC000;
	s14 =	sor.u32 $0x8000, s1  }
.LBB1_3:
0x2f: {  	s0 =	sshll.u32 s16, $0xA  }
0x30: {  	s1 =	sshll.u32 s16, $0x7;
	s0 =	sand.u32 $0x2000, s0  }
0x31: {  	s1 =	sand.u32 $0x380, s1;
	s0 =	sadd.s32 s0, s15  }
0x32: {  	s0 =	sadd.s32 s1, s0  }
0x33: {  	s17 =	sadd.s32 s16, s14;
	p0 =	por $0x1, $0x1;
	s18 =	simm.s32 $0x0;
	v0 =	vmov s0  }
.LBB1_4:
0x34: {  	s0 =	smul.u32 $0x44, s18;
	s1 =	sshll.u32 s18, $0x3;
	s4 =	sor.u32 $0x80, s18  }
0x35: {  	s9 =	sor.u32 $0x90, s18;
	s22 =	sor.u32 $0xA0, s18;
	s25 =	sor.u32 $0xB0, s18  }
0x36: {  	s2 =	sor.u32 $0xC0, s18;
	s3 =	sor.u32 $0xD0, s18;
	s7 =	smul.u32 $0x44, s4  }
0x37: {  	p1 =	por p0, p0;
	s29 =	sand.u32 $0x3FFFFFF8, s1;
	s13 =	smul.u32 $0x44, s9  }
0x38: {  	s8 =	sshll.u32 s4, $0x3;
	s21 =	sshll.u32 s9, $0x3;
	s5 =	smul.u32 $0x44, s22  }
0x39: {  	s24 =	sshll.u32 s22, $0x3;
	s27 =	smul.u32 $0x44, s25;
	s28 =	sshll.u32 s25, $0x3  }
0x3a: {  	s4 =	sshll.u32 s2, $0x3;
	s25 =	smul.u32 $0x44, s3;
	s0 =	sshra.s32 s0, $0x2  }
0x3b: {  	s30 =	sand.u32 $0x3FFFFFF8, s8;
	s31 =	sand.u32 $0x1400, s21;
	s1 =	sand.u32 $0x1400, s24  }
0x3c: {  	s24 =	smul.u32 $0x44, s2;
	s8 =	sand.u32 $0x1400, s4;
	s0 =	sadd.s32 s0, s14  }
0x3d: {  	s12 =	sshra.s32 s7, $0x2;
	s23 =	sshra.s32 s13, $0x2;
	s26 =	sshra.s32 s5, $0x2  }
0x3e: {  	s5 =	sshra.s32 s27, $0x2;
	s7 =	sshll.u32 s3, $0x3;
	s9 =	sshra.s32 s25, $0x2  }
0x3f: {  	s3 =	sor.u32 $0x100, s18;
	v55 =	vld.idx.msk [tilespmem:v0+s31+$0x10 ss:$0x1], $0xffff;
	s31 =	sor.u32 $0x140, s18;
	s19 =	sadd.s32 s16, s0  }
0x40: {  	s20 =	sadd.s32 s12, s17;
	s21 =	sadd.s32 s23, s17;
	s22 =	sadd.s32 s26, s17  }
0x41: {  	s0 =	sand.u32 $0x1400, s28;
	s23 =	sadd.s32 s5, s17;
	s6 =	sshra.s32 s24, $0x2  }
0x42: {  	v1 =	vld.idx.msk [tilespmem:v0+s29+$0x0 ss:$0x1], $0xffff;
	s26 =	sor.u32 $0xE0, s18;
	s5 =	sand.u32 $0x1400, s7;
	s25 =	sadd.s32 s9, s17  }
0x43: {  	v2 =	vld.idx.msk [tilespmem:v0+s29+$0x10 ss:$0x1], $0xffff;
	s28 =	sor.u32 $0xF0, s18;
	s24 =	sadd.s32 s6, s17;
	s27 =	smul.u32 $0x44, s26  }
0x44: {  	v3 =	vld.idx.msk [tilespmem:v0+s29+$0x20 ss:$0x1], $0xffff;
	s12 =	sshll.u32 s26, $0x3;
	s2 =	smul.u32 $0x44, s28;
	s28 =	sshll.u32 s28, $0x3  }
0x45: {  	s6 =	smul.u32 $0x44, s3;
	s3 =	sshll.u32 s3, $0x3;
	s4 =	sand.u32 $0x1400, s12  }
0x46: {  	v4 =	vld.idx.msk [tilespmem:v0+s29+$0x30 ss:$0x1], $0xffff;
	s7 =	sand.u32 $0x1400, s28;
	s3 =	sand.u32 $0x3FFFFFF8, s3;
	s13 =	sshra.s32 s27, $0x2  }
0x47: {  	v5 =	vld.idx.msk [tilespmem:v0+s29+$0x40 ss:$0x1], $0xffff;
	s27 =	sshra.s32 s2, $0x2;
	s2 =	sor.u32 $0x110, s18;
	s28 =	sshra.s32 s6, $0x2;
	[tilespmem:s19+$0x0 ss:$0x11] =	vst.msk $0xffff, v1  }
0x48: {  	v1 =	vld.idx.msk [tilespmem:v0+s29+$0x50 ss:$0x1], $0xffff;
	[tilespmem:s19+$0x110 ss:$0x11] =	vst.msk $0xffff, v2;
	s26 =	sadd.s32 s13, s17;
	s27 =	sadd.s32 s27, s17;
	s6 =	smul.u32 $0x44, s2  }
0x49: {  	v2 =	vld.idx.msk [tilespmem:v0+s29+$0x60 ss:$0x1], $0xffff;
	[tilespmem:s19+$0x220 ss:$0x11] =	vst.msk $0xffff, v3;
	s28 =	sadd.s32 s28, s17;
	s2 =	sshll.u32 s2, $0x3;
	s13 =	sor.u32 $0x120, s18  }
0x4a: {  	v3 =	vld.idx.msk [tilespmem:v0+s29+$0x70 ss:$0x1], $0xffff;
	[tilespmem:s21+$0x0 ss:$0x11] =	vst.msk $0xffff, v55;
	s21 =	sor.u32 $0x170, s18;
	s2 =	sand.u32 $0x1800, s2;
	s12 =	smul.u32 $0x44, s13  }
0x4b: {  	v54 =	vld.idx.msk [tilespmem:v0+s30+$0x0 ss:$0x1], $0xffff;
	[tilespmem:s19+$0x330 ss:$0x11] =	vst.msk $0xffff, v4;
	s9 =	sshll.u32 s13, $0x3;
	s13 =	sor.u32 $0x130, s18;
	s6 =	sshra.s32 s6, $0x2  }
0x4c: {  	[tilespmem:s19+$0x440 ss:$0x11] =	vst.msk $0xffff, v5;
	s29 =	sadd.s32 s6, s17;
	s6 =	sand.u32 $0x1800, s9;
	s12 =	sshra.s32 s12, $0x2  }
0x4d: {  	s9 =	smul.u32 $0x44, s13;
	s13 =	sshll.u32 s13, $0x3;
	s30 =	sadd.s32 s12, s17;
	[tilespmem:s19+$0x550 ss:$0x11] =	vst.msk $0xffff, v1;
	v1 =	vld.idx.msk [tilespmem:v0+s1+$0x20 ss:$0x1], $0xffff  }
0x4e: {  	s1 =	sand.u32 $0x1800, s13;
	s12 =	smul.u32 $0x44, s31;
	[tilespmem:s19+$0x660 ss:$0x11] =	vst.msk $0xffff, v2;
	v2 =	vld.idx.msk [tilespmem:v0+s0+$0x30 ss:$0x1], $0xffff;
	s13 =	sshll.u32 s31, $0x3  }
0x4f: {  	s31 =	sor.u32 $0x150, s18;
	[tilespmem:s19+$0x770 ss:$0x11] =	vst.msk $0xffff, v3;
	v3 =	vld.idx.msk [tilespmem:v0+s8+$0x40 ss:$0x1], $0xffff;
	s9 =	sshra.s32 s9, $0x2;
	s8 =	sand.u32 $0x1800, s13  }
0x50: {  	v56 =	vld.idx.msk [tilespmem:v0+s5+$0x50 ss:$0x1], $0xffff;
	[tilespmem:s20+$0x0 ss:$0x11] =	vst.msk $0xffff, v54;
	s19 =	smul.u32 $0x44, s31;
	s20 =	sshll.u32 s31, $0x3;
	s31 =	sor.u32 $0x160, s18  }
0x51: {  	v57 =	vld.idx.msk [tilespmem:v0+s4+$0x60 ss:$0x1], $0xffff;
	s0 =	sadd.s32 s9, s17;
	s12 =	sshra.s32 s12, $0x2;
	s4 =	sand.u32 $0x1800, s20  }
0x52: {  	s5 =	sadd.s32 s12, s17;
	s12 =	sshra.s32 s19, $0x2;
	s19 =	smul.u32 $0x44, s31  }
0x53: {  	s20 =	sshll.u32 s31, $0x3;
	s31 =	sor.u32 $0x180, s18;
	[tilespmem:s22+$0x0 ss:$0x11] =	vst.msk $0xffff, v1;
	v1 =	vld.idx.msk [tilespmem:v0+s7+$0x70 ss:$0x1], $0xffff;
	s7 =	sadd.s32 s12, s17  }
0x54: {  	[tilespmem:s23+$0x0 ss:$0x11] =	vst.msk $0xffff, v2;
	v2 =	vld.idx.msk [tilespmem:v0+s3+$0x0 ss:$0x1], $0xffff;
	s3 =	sand.u32 $0x1800, s20;
	s22 =	sshra.s32 s19, $0x2;
	s23 =	smul.u32 $0x44, s21  }
0x55: {  	[tilespmem:s24+$0x0 ss:$0x11] =	vst.msk $0xffff, v3;
	v3 =	vld.idx.msk [tilespmem:v0+s2+$0x10 ss:$0x1], $0xffff;
	s24 =	sshll.u32 s21, $0x3;
	s20 =	smul.u32 $0x44, s31;
	s21 =	sshll.u32 s31, $0x3  }
0x56: {  	[tilespmem:s25+$0x0 ss:$0x11] =	vst.msk $0xffff, v56;
	v58 =	vld.idx.msk [tilespmem:v0+s6+$0x20 ss:$0x1], $0xffff;
	s2 =	sadd.s32 s22, s17;
	s6 =	sand.u32 $0x1800, s24;
	s22 =	sor.u32 $0x190, s18  }
0x57: {  	[tilespmem:s26+$0x0 ss:$0x11] =	vst.msk $0xffff, v57;
	v59 =	vld.idx.msk [tilespmem:v0+s1+$0x30 ss:$0x1], $0xffff;
	s19 =	sshra.s32 s23, $0x2;
	s23 =	sand.u32 $0x3FFFFFF8, s21;
	s24 =	sshra.s32 s20, $0x2  }
0x58: {  	s25 =	smul.u32 $0x44, s22;
	s1 =	sadd.s32 s19, s17;
	s19 =	sor.u32 $0x1B0, s18;
	[tilespmem:s27+$0x0 ss:$0x11] =	vst.msk $0xffff, v1;
	v1 =	vld.idx.msk [tilespmem:v0+s8+$0x40 ss:$0x1], $0xffff  }
0x59: {  	s26 =	sshll.u32 s22, $0x3;
	s22 =	sshll.u32 s19, $0x3;
	[tilespmem:s28+$0x0 ss:$0x11] =	vst.msk $0xffff, v2;
	v2 =	vld.idx.msk [tilespmem:v0+s4+$0x50 ss:$0x1], $0xffff;
	s4 =	sadd.s32 s24, s17  }
0x5a: {  	s27 =	sor.u32 $0x1A0, s18;
	[tilespmem:s29+$0x0 ss:$0x11] =	vst.msk $0xffff, v3;
	v3 =	vld.idx.msk [tilespmem:v0+s3+$0x60 ss:$0x1], $0xffff;
	s28 =	sand.u32 $0x1C00, s26;
	s29 =	sshra.s32 s25, $0x2  }
0x5b: {  	[tilespmem:s30+$0x0 ss:$0x11] =	vst.msk $0xffff, v58;
	v60 =	vld.idx.msk [tilespmem:v0+s6+$0x70 ss:$0x1], $0xffff;
	s24 =	sand.u32 $0x1C00, s22;
	s25 =	sor.u32 $0x1C0, s18;
	s26 =	smul.u32 $0x44, s19  }
0x5c: {  	[tilespmem:s0+$0x0 ss:$0x11] =	vst.msk $0xffff, v59;
	v61 =	vld.idx.msk [tilespmem:v0+s23+$0x0 ss:$0x1], $0xffff;
	s31 =	smul.u32 $0x44, s27;
	s6 =	sadd.s32 s29, s17;
	s13 =	sshll.u32 s27, $0x3  }
0x5d: {  	s27 =	sshll.u32 s25, $0x3;
	s19 =	smul.u32 $0x44, s25;
	s20 =	sand.u32 $0x1C00, s13;
	[tilespmem:s5+$0x0 ss:$0x11] =	vst.msk $0xffff, v1;
	v1 =	vld.idx.msk [tilespmem:v0+s28+$0x10 ss:$0x1], $0xffff  }
0x5e: {  	s29 =	sand.u32 $0x1C00, s27;
	s21 =	sshra.s32 s31, $0x2;
	[tilespmem:s7+$0x0 ss:$0x11] =	vst.msk $0xffff, v2;
	v2 =	vld.idx.msk [tilespmem:v0+s20+$0x20 ss:$0x1], $0xffff;
	s28 =	sor.u32 $0x1D0, s18  }
0x5f: {  	s31 =	sor.u32 $0x1E0, s18;
	s23 =	sadd.s32 s21, s17;
	[tilespmem:s2+$0x0 ss:$0x11] =	vst.msk $0xffff, v3;
	v3 =	vld.idx.msk [tilespmem:v0+s24+$0x30 ss:$0x1], $0xffff;
	s30 =	sshll.u32 s28, $0x3  }
0x60: {  	[tilespmem:s1+$0x0 ss:$0x11] =	vst.msk $0xffff, v60;
	v62 =	vld.idx.msk [tilespmem:v0+s29+$0x40 ss:$0x1], $0xffff;
	s13 =	sshll.u32 s31, $0x3;
	s18 =	sor.u32 $0x1F0, s18;
	s12 =	sand.u32 $0x1C00, s30  }
0x61: {  	[tilespmem:s4+$0x0 ss:$0x11] =	vst.msk $0xffff, v61;
	s20 =	sand.u32 $0x1C00, s13;
	s24 =	smul.u32 $0x44, s31;
	s21 =	sshll.u32 s18, $0x3;
	v63 =	vld.idx.msk [tilespmem:v0+s12+$0x50 ss:$0x1], $0xffff  }
0x62: {  	s0 =	sshra.s32 s26, $0x2;
	s22 =	smul.u32 $0x44, s28;
	s2 =	sand.u32 $0x1C00, s21;
	[tilespmem:s6+$0x0 ss:$0x11] =	vst.msk $0xffff, v1;
	v1 =	vld.idx.msk [tilespmem:v0+s20+$0x60 ss:$0x1], $0xffff  }
0x63: {  	s0 =	sadd.s32 s0, s17;
	s26 =	smul.u32 $0x44, s18;
	[tilespmem:s23+$0x0 ss:$0x11] =	vst.msk $0xffff, v2;
	v2 =	vld.idx.msk [tilespmem:v0+s2+$0x70 ss:$0x1], $0xffff;
	s23 =	sshra.s32 s19, $0x2  }
.Ltmp3:
0x64: {  	s1 =	sshra.s32 s22, $0x2;
	[tilespmem:s0+$0x0 ss:$0x11] =	vst.msk $0xffff, v3;
	s25 =	sadd.s32 s23, s17;
	(pc) =	sbr.rel @p1 .LBB1_4-.Ltmp3, $4  }
0x65: {  	s28 =	sshra.s32 s24, $0x2;
	s27 =	sadd.s32 s1, s17;
	[tilespmem:s25+$0x0 ss:$0x11] =	vst.msk $0xffff, v62  }
0x66: {  	s29 =	sadd.s32 s28, s17;
	s30 =	sshra.s32 s26, $0x2;
	[tilespmem:s27+$0x0 ss:$0x11] =	vst.msk $0xffff, v63  }
0x67: {  	s31 =	sadd.s32 s30, s17;
	[tilespmem:s29+$0x0 ss:$0x11] =	vst.msk $0xffff, v1  }
0x68: {  	p0 =	por $0x0, $0x0;
	s18 =	simm.s32 $0x200;
	[tilespmem:s31+$0x0 ss:$0x11] =	vst.msk $0xffff, v2  }
0x69: {  	s16 =	sadd.s32 $0x1, s16  }
0x6a: {  	p0 =	sne.s32 s16, $0x10  }
.Ltmp4:
0x6b: {  	_ = 	snop;
	(pc) =	sbr.rel @p0 .LBB1_3-.Ltmp4, $1  }
0x6c: {  	_ =	sdelay $0x3  }
0x6d: {  	s0 =	rddreg [dreg:$0x9]  }
0x6e: {  	s3 =	rddreg [dreg:$0x8]  }
0x6f: {  	s0 =	sshll.u32 s0, $0x7;
	s1 =	sshll.u32 s3, $0x3  }
0x70: {  	s2 =	sand.u32 $0xFFFFFC00, s0;
	s1 =	sand.u32 $0xFFFFFC00, s1  }
0x71: {  	s0 =	sand.u32 $0x380, s0;
	s1 =	sadd.s32 s1, s2  }
0x72: {  	s0 =	sor.u32 s0, s1  }
0x73: {  	s0 =	sshrl.u32 s0, $0x7  }
0x74: {  	s29 =	rddreg [dreg:$0x4];
	s25 =	smulhi.u32 $0x14E5E0B, s0  }
0x75: {  	s6 =	rddreg [dreg:$0x2]  }
0x76: {  	s7 =	rddreg [dreg:$0x3];
	s1 =	sshrl.u32 s25, $0xD  }
0x77: {  	s31 =	simm.s32 $0x80;
	s8 =	rddreg [dreg:$0x5];
	s1 =	smul.u32 $0x188000, s1  }
.Ltmp5:
0x78: {  	s9 =	rddreg [dreg:$0x6];
	s26 =	sshrl.u32 s3, $0x3;
	(pc) =	sbr.rel .LBB1_7-.Ltmp5, $4  }
0x79: {  	s28 =	sand.u32 $0x7, s3;
	s27 =	sand.u32 $0xF, s26;
	s0 =	ssub.s32 s0, s1  }
0x7a: {  	s2 =	sshll.u32 s28, $0x12;
	s1 =	sadd.s32 s29, s27;
	s0 =	sshll.u32 s0, $0x4  }
0x7b: {  	s12 =	rddreg [dreg:$0x7];
	s30 =	sor.u32 $0x10, s2;
	s0 =	sadd.s32 s0, s1  }
0x7c: {  	[hbm4b:s0+s30] =	stream.strided.scatter [tilespmem:s14], [sflag:$0x2], $0x4000, s31, s30, $0x8;
	[tilespmem:$0x10800] =	vst v63  }
.LBB1_8:
0x7d: {  	_ =	sfence.sel $0x180000  }
0x7e: {  	s0 =	simm.s32 $0x1;
	[bflag:$0x0] =	sbarrier.arrive $0xFFFF  }
0x7f: {  	s30 =	simm.s32 $0x2;
	[sflag:s0] =	ssyncpa.u1 $0x1  }
0x80: {  	[sflag:s30] =	ssyncpa.u1 $0x1  }
0x81: {  	_ =	strace $0x90000059  }
0x82: {  	s31 =	stileid.u32;
	[bflag:$0x2] =	sbarrier.arrive $0xFFFF  }
0x83: {  	p0 =	sne.s32 s31, $0x0;
	s0 =	rddreg [dreg:$0x1]  }
0x84: {  	s0 =	sadd.s32 @!p0 $0x100000, s0  }
0x85: {  	[sflag:s0] =	ssyncadd.tile.s32 @!p0 $0x1;
	_ =	shalt  }
.Lfunc_end1:
_tile_overlayer_lowered:
.L_overlay_start_2:
0x86: {  	(tag) =	ssettag $0x2  }
0x87: {  	s0 =	rddreg [dreg:$0x0];
	s2 =	stileid.u32  }
0x88: {  	s1 =	rddreg [dreg:$0x1];
	p0 =	sne.s32 s2, $0x0  }
0x89: {  	s3 =	rddreg [dreg:$0x2];
	[bflag:$0x3] =	sbarrier.arrive $0xFFFF;
	s2 =	simm.s32 @!p0 $0x1C01  }
0x8a: {  	[timem:s3], [sflag:s2] =	dma.local @!p0 [hbm:s0], s1  }
0x8b: {  	s0 =	simm.s32 @!p0 $0x1  }
0x8c: {  	_ =	swait.ge @!p0 [sflag:s0], s1  }
0x8d: {  	s1 =	ssub.s32 @!p0 $0x0, s1;
	[sflag:s0] =	ssyncset.done @!p0 $0x0  }
0x8e: {  	[sflag:s0] =	ssyncadd.s32 @!p0 s1  }
0x8f: {  	[bflag:$0x3] =	sbarrier.arrive $0xFFFF  }
0x90: {  	_ =	shalt  }

</sc_bundles>
